<compile_context>
chip_gen: v7x
topology: tpu7x:2x2x1
jax: 0.10.2.dev20260603
libtpu: 0.0.44.dev20260713+nightly
codegen_flags: <defaults>
</compile_context>

<pallas_src>
import functools

import jax
import jax.numpy as jnp
from jax import lax
from jax.experimental import pallas as pl
from jax.experimental.pallas import tpu as pltpu
from jax.experimental.pallas import tpu_sc as plsc

_NC = 2
_NS = 16
_NW = _NC * _NS
_C = 8


def kernel(inputs, P):
    B, S, D = inputs.shape
    rows_w = S // _NW
    chunks = rows_w // _C
    p2 = P[:S]

    mesh = plsc.VectorSubcoreMesh(core_axis_name="c", subcore_axis_name="s")

    @functools.partial(
        pl.kernel,
        mesh=mesh,
        out_type=jax.ShapeDtypeStruct((B, S, D), jnp.float32),
        compiler_params=pltpu.CompilerParams(use_tc_tiling_on_sc=True),
        scratch_types=[
            pltpu.VMEM((2, _C, D), jnp.float32),
            pltpu.VMEM((2, B, _C, D), jnp.float32),
            pltpu.SemaphoreType.DMA((2,)),
            pltpu.SemaphoreType.DMA((2, B)),
            pltpu.SemaphoreType.DMA((2, B)),
        ],
    )
    def sc_add(x_hbm, p_hbm, o_hbm, pbuf, acc, psem, xsem, osem):
        wid = lax.axis_index("s") * _NC + lax.axis_index("c")
        base = wid * rows_w

        def start_p(c, par):
            pltpu.async_copy(p_hbm.at[pl.ds(base + c * _C, _C)],
                             pbuf.at[par], psem.at[par])

        def start_x(c, par, b):
            pltpu.async_copy(x_hbm.at[b, pl.ds(base + c * _C, _C)],
                             acc.at[par, b], xsem.at[par, b])

        def start_out(c, par, b):
            pltpu.async_copy(acc.at[par, b],
                             o_hbm.at[b, pl.ds(base + c * _C, _C)],
                             osem.at[par, b])

        def wait_out(par, b):
            pltpu.make_async_copy(acc.at[par, b],
                                  o_hbm.at[b, pl.ds(base, _C)],
                                  osem.at[par, b]).wait()

        def wait_x(par, b):
            pltpu.make_async_copy(x_hbm.at[b, pl.ds(base, _C)],
                                  acc.at[par, b], xsem.at[par, b]).wait()

        def wait_p(par):
            pltpu.make_async_copy(p_hbm.at[pl.ds(base, _C)],
                                  pbuf.at[par], psem.at[par]).wait()

        start_p(0, 0)
        for b in range(B):
            start_x(0, 0, b)

        @pl.loop(0, chunks, step=2)
        def _pair(c0):
            for par in (0, 1):
                cc = c0 + par
                nxt = 1 - par

                @pl.when(cc + 1 < chunks)
                def _prefetch():
                    start_p(cc + 1, nxt)
                    for b in range(B):
                        @pl.when(cc > 0)
                        def _reuse():
                            wait_out(nxt, b)
                        start_x(cc + 1, nxt, b)

                wait_p(par)
                for b in range(B):
                    wait_x(par, b)

                    for r in range(_C):
                        @plsc.parallel_loop(0, D, 16, unroll=8)
                        def _add(j):
                            plsc.addupdate(
                                acc.at[par, b, r, pl.ds(j, 16)],
                                pbuf[par, r, pl.ds(j, 16)],
                            )

                    start_out(cc, par, b)

        for par in (0, 1):
            for b in range(B):
                wait_out(par, b)

    return sc_add(inputs, p2)

# --- scband reference (transcript-rebuilt; emitter-appended) ---
"""Pipeline reference for scband-sinusoidal-pe-50216757625267 (READ-ONLY COPY).

The authoritative reference and input builder live on the scoring server;
editing this copy changes nothing except your own understanding.
"""

import jax, jax.numpy as jnp
import numpy as np

MAXLEN = 8192
EMBED_DIM = 1024

def get_position_encoding(seq_len, d, n=10000):
    k = np.arange(seq_len)[:, None].astype(np.float64)
    i = np.arange(d // 2)[None, :].astype(np.float64)
    denom = np.power(float(n), 2.0 * i / d)
    P = np.zeros((seq_len, d), dtype=np.float64)
    P[:, 0::2] = np.sin(k / denom)
    P[:, 1::2] = np.cos(k / denom)
    return P.astype(np.float32)

def setup_inputs(seed: int = 0) -> dict:
    key = jax.random.key(seed)
    inputs = jax.random.normal(key, (4, 8192, 1024), dtype=jnp.float32)
    P = jnp.asarray(get_position_encoding(MAXLEN, EMBED_DIM))
    return {"inputs": inputs, "P": P}

def reference(inputs, P):
    seq_len = inputs.shape[-2]
    position_indices = jnp.arange(seq_len)
    embedded_indices = jnp.take(P, position_indices, axis=0)
    return inputs + embedded_indices

if __name__ == "__main__":
    import jax
    _d = setup_inputs()
    print(jax.jit(kernel)(*tuple(_d.values())))

</pallas_src>

<mosaic_0001>
#map = affine_map<(d0, d1) -> (0, 0, 0)>
#map1 = affine_map<(d0, d1) -> (0, 0)>
module attributes {stable_mosaic.version = 14 : i64} {
  func.func @sc_add(%arg0: i32, %arg1: i32, %arg2: memref<4x8192x1024xf32, #tpu.memory_space<hbm>>, %arg3: memref<8192x1024xf32, #tpu.memory_space<hbm>>, %arg4: memref<4x8192x1024xf32, #tpu.memory_space<hbm>>, %arg5: memref<2x8x1024xf32, #tpu.memory_space<vmem>>, %arg6: memref<2x4x8x1024xf32, #tpu.memory_space<vmem>>, %arg7: memref<2x!tpu.dma_semaphore, #tpu.memory_space<semaphore_mem>>, %arg8: memref<2x4x!tpu.dma_semaphore, #tpu.memory_space<semaphore_mem>>, %arg9: memref<2x4x!tpu.dma_semaphore, #tpu.memory_space<semaphore_mem>>) attributes {dimension_semantics = [#tpu.dimension_semantics<core_parallel>, #tpu.dimension_semantics<subcore_parallel>], iteration_bounds = array<i64: 2, 16>, scalar_prefetch = 0 : i64, scratch_operands = 5 : i64, tpu.core_type = #tpu.core_type<sc_vector_subcore>, window_params = [{transform_indices = #map}, {transform_indices = #map1}, {transform_indices = #map}]} {
    %mul3A = arith.constant 2 : i32
    %mul3A_0 = arith.muli %arg1, %mul3A : i32
    %add3A = arith.addi %mul3A_0, %arg0 : i32
    %mul3A_1 = arith.constant 256 : i32
    %mul3A_2 = arith.muli %add3A, %mul3A_1 : i32
    %add3A_3 = arith.constant 0 : i32
    %add3A_4 = arith.addi %mul3A_2, %add3A_3 : i32
    %dma_start3A = arith.constant 0 : i32
    %dma_start3A_5 = arith.constant 0 : i32
    %dma_start3A_6 = arith.constant 0 : i32
    %dma_start3A_7 = arith.constant 0 : i32
    %dma_start3A_8 = tpu.memref_slice %arg5[%dma_start3A, %dma_start3A_6, %dma_start3A_7] : memref<2x8x1024xf32, #tpu.memory_space<vmem>> -> memref<1x8x1024xf32, #tpu.memory_space<vmem>>
    %dma_start3A_9 = tpu.memref_squeeze %dma_start3A_8 : memref<1x8x1024xf32, #tpu.memory_space<vmem>> -> memref<8x1024xf32, #tpu.memory_space<vmem>>
    %dma_start3A_10 = arith.constant 0 : i32
    %dma_start3A_11 = tpu.memref_slice %arg3[%add3A_4, %dma_start3A_10] : memref<8192x1024xf32, #tpu.memory_space<hbm>> -> memref<8x1024xf32, #tpu.memory_space<hbm>>
    %dma_start3A_12 = tpu.memref_slice %arg7[%dma_start3A_5] : memref<2x!tpu.dma_semaphore, #tpu.memory_space<semaphore_mem>> -> memref<1x!tpu.dma_semaphore, #tpu.memory_space<semaphore_mem>>
    %dma_start3A_13 = tpu.memref_squeeze %dma_start3A_12 : memref<1x!tpu.dma_semaphore, #tpu.memory_space<semaphore_mem>> -> memref<!tpu.dma_semaphore, #tpu.memory_space<semaphore_mem>>
    %dma_start3A_14 = arith.constant 0 : i32
    %dma_start3A_15 = arith.constant 0 : i32
    %dma_start3A_16 = tpu.memref_slice %arg5[%dma_start3A, %dma_start3A_14, %dma_start3A_15] : memref<2x8x1024xf32, #tpu.memory_space<vmem>> -> memref<1x8x1024xf32, #tpu.memory_space<vmem>>
    %dma_start3A_17 = tpu.memref_squeeze %dma_start3A_16 : memref<1x8x1024xf32, #tpu.memory_space<vmem>> -> memref<8x1024xf32, #tpu.memory_space<vmem>>
    %dma_start3A_18 = arith.constant 0 : i32
    %dma_start3A_19 = tpu.memref_slice %arg3[%add3A_4, %dma_start3A_18] : memref<8192x1024xf32, #tpu.memory_space<hbm>> -> memref<8x1024xf32, #tpu.memory_space<hbm>>
    tpu.enqueue_dma source(%dma_start3A_19 : memref<8x1024xf32, #tpu.memory_space<hbm>>) target(%dma_start3A_17 : memref<8x1024xf32, #tpu.memory_space<vmem>>) target_semaphore(%dma_start3A_13 : memref<!tpu.dma_semaphore, #tpu.memory_space<semaphore_mem>>)
    %add3A_20 = arith.constant 0 : i32
    %add3A_21 = arith.addi %mul3A_2, %add3A_20 : i32
    %dma_start3A_22 = arith.constant 0 : i32
    %dma_start3A_23 = arith.constant 0 : i32
    %dma_start3A_24 = arith.constant 0 : i32
    %dma_start3A_25 = arith.constant 0 : i32
    %dma_start3A_26 = arith.constant 0 : i32
    %dma_start3A_27 = arith.constant 0 : i32
    %dma_start3A_28 = arith.constant 0 : i32
    %dma_start3A_29 = tpu.memref_slice %arg6[%dma_start3A_23, %dma_start3A_24, %dma_start3A_27, %dma_start3A_28] : memref<2x4x8x1024xf32, #tpu.memory_space<vmem>> -> memref<1x1x8x1024xf32, #tpu.memory_space<vmem>>
    %dma_start3A_30 = tpu.memref_squeeze %dma_start3A_29 : memref<1x1x8x1024xf32, #tpu.memory_space<vmem>> -> memref<8x1024xf32, #tpu.memory_space<vmem>>
    %dma_start3A_31 = arith.constant 0 : i32
    %dma_start3A_32 = tpu.memref_slice %arg2[%dma_start3A_22, %add3A_21, %dma_start3A_31] : memref<4x8192x1024xf32, #tpu.memory_space<hbm>> -> memref<1x8x1024xf32, #tpu.memory_space<hbm>>
    %dma_start3A_33 = tpu.memref_squeeze %dma_start3A_32 : memref<1x8x1024xf32, #tpu.memory_space<hbm>> -> memref<8x1024xf32, #tpu.memory_space<hbm>>
    %dma_start3A_34 = tpu.memref_slice %arg8[%dma_start3A_25, %dma_start3A_26] : memref<2x4x!tpu.dma_semaphore, #tpu.memory_space<semaphore_mem>> -> memref<1x1x!tpu.dma_semaphore, #tpu.memory_space<semaphore_mem>>
    %dma_start3A_35 = tpu.memref_squeeze %dma_start3A_34 : memref<1x1x!tpu.dma_semaphore, #tpu.memory_space<semaphore_mem>> -> memref<!tpu.dma_semaphore, #tpu.memory_space<semaphore_mem>>
    %dma_start3A_36 = arith.constant 0 : i32
    %dma_start3A_37 = arith.constant 0 : i32
    %dma_start3A_38 = tpu.memref_slice %arg6[%dma_start3A_23, %dma_start3A_24, %dma_start3A_36, %dma_start3A_37] : memref<2x4x8x1024xf32, #tpu.memory_space<vmem>> -> memref<1x1x8x1024xf32, #tpu.memory_space<vmem>>
    %dma_start3A_39 = tpu.memref_squeeze %dma_start3A_38 : memref<1x1x8x1024xf32, #tpu.memory_space<vmem>> -> memref<8x1024xf32, #tpu.memory_space<vmem>>
    %dma_start3A_40 = arith.constant 0 : i32
    %dma_start3A_41 = tpu.memref_slice %arg2[%dma_start3A_22, %add3A_21, %dma_start3A_40] : memref<4x8192x1024xf32, #tpu.memory_space<hbm>> -> memref<1x8x1024xf32, #tpu.memory_space<hbm>>
    %dma_start3A_42 = tpu.memref_squeeze %dma_start3A_41 : memref<1x8x1024xf32, #tpu.memory_space<hbm>> -> memref<8x1024xf32, #tpu.memory_space<hbm>>
    tpu.enqueue_dma source(%dma_start3A_42 : memref<8x1024xf32, #tpu.memory_space<hbm>>) target(%dma_start3A_39 : memref<8x1024xf32, #tpu.memory_space<vmem>>) target_semaphore(%dma_start3A_35 : memref<!tpu.dma_semaphore, #tpu.memory_space<semaphore_mem>>)
    %add3A_43 = arith.constant 0 : i32
    %add3A_44 = arith.addi %mul3A_2, %add3A_43 : i32
    %dma_start3A_45 = arith.constant 1 : i32
    %dma_start3A_46 = arith.constant 0 : i32
    %dma_start3A_47 = arith.constant 1 : i32
    %dma_start3A_48 = arith.constant 0 : i32
    %dma_start3A_49 = arith.constant 1 : i32
    %dma_start3A_50 = arith.constant 0 : i32
    %dma_start3A_51 = arith.constant 0 : i32
    %dma_start3A_52 = tpu.memref_slice %arg6[%dma_start3A_46, %dma_start3A_47, %dma_start3A_50, %dma_start3A_51] : memref<2x4x8x1024xf32, #tpu.memory_space<vmem>> -> memref<1x1x8x1024xf32, #tpu.memory_space<vmem>>
    %dma_start3A_53 = tpu.memref_squeeze %dma_start3A_52 : memref<1x1x8x1024xf32, #tpu.memory_space<vmem>> -> memref<8x1024xf32, #tpu.memory_space<vmem>>
    %dma_start3A_54 = arith.constant 0 : i32
    %dma_start3A_55 = tpu.memref_slice %arg2[%dma_start3A_45, %add3A_44, %dma_start3A_54] : memref<4x8192x1024xf32, #tpu.memory_space<hbm>> -> memref<1x8x1024xf32, #tpu.memory_space<hbm>>
    %dma_start3A_56 = tpu.memref_squeeze %dma_start3A_55 : memref<1x8x1024xf32, #tpu.memory_space<hbm>> -> memref<8x1024xf32, #tpu.memory_space<hbm>>
    %dma_start3A_57 = tpu.memref_slice %arg8[%dma_start3A_48, %dma_start3A_49] : memref<2x4x!tpu.dma_semaphore, #tpu.memory_space<semaphore_mem>> -> memref<1x1x!tpu.dma_semaphore, #tpu.memory_space<semaphore_mem>>
    %dma_start3A_58 = tpu.memref_squeeze %dma_start3A_57 : memref<1x1x!tpu.dma_semaphore, #tpu.memory_space<semaphore_mem>> -> memref<!tpu.dma_semaphore, #tpu.memory_space<semaphore_mem>>
    %dma_start3A_59 = arith.constant 0 : i32
    %dma_start3A_60 = arith.constant 0 : i32
    %dma_start3A_61 = tpu.memref_slice %arg6[%dma_start3A_46, %dma_start3A_47, %dma_start3A_59, %dma_start3A_60] : memref<2x4x8x1024xf32, #tpu.memory_space<vmem>> -> memref<1x1x8x1024xf32, #tpu.memory_space<vmem>>
    %dma_start3A_62 = tpu.memref_squeeze %dma_start3A_61 : memref<1x1x8x1024xf32, #tpu.memory_space<vmem>> -> memref<8x1024xf32, #tpu.memory_space<vmem>>
    %dma_start3A_63 = arith.constant 0 : i32
    %dma_start3A_64 = tpu.memref_slice %arg2[%dma_start3A_45, %add3A_44, %dma_start3A_63] : memref<4x8192x1024xf32, #tpu.memory_space<hbm>> -> memref<1x8x1024xf32, #tpu.memory_space<hbm>>
    %dma_start3A_65 = tpu.memref_squeeze %dma_start3A_64 : memref<1x8x1024xf32, #tpu.memory_space<hbm>> -> memref<8x1024xf32, #tpu.memory_space<hbm>>
    tpu.enqueue_dma source(%dma_start3A_65 : memref<8x1024xf32, #tpu.memory_space<hbm>>) target(%dma_start3A_62 : memref<8x1024xf32, #tpu.memory_space<vmem>>) target_semaphore(%dma_start3A_58 : memref<!tpu.dma_semaphore, #tpu.memory_space<semaphore_mem>>)
    %add3A_66 = arith.constant 0 : i32
    %add3A_67 = arith.addi %mul3A_2, %add3A_66 : i32
    %dma_start3A_68 = arith.constant 2 : i32
    %dma_start3A_69 = arith.constant 0 : i32
    %dma_start3A_70 = arith.constant 2 : i32
    %dma_start3A_71 = arith.constant 0 : i32
    %dma_start3A_72 = arith.constant 2 : i32
    %dma_start3A_73 = arith.constant 0 : i32
    %dma_start3A_74 = arith.constant 0 : i32
    %dma_start3A_75 = tpu.memref_slice %arg6[%dma_start3A_69, %dma_start3A_70, %dma_start3A_73, %dma_start3A_74] : memref<2x4x8x1024xf32, #tpu.memory_space<vmem>> -> memref<1x1x8x1024xf32, #tpu.memory_space<vmem>>
    %dma_start3A_76 = tpu.memref_squeeze %dma_start3A_75 : memref<1x1x8x1024xf32, #tpu.memory_space<vmem>> -> memref<8x1024xf32, #tpu.memory_space<vmem>>
    %dma_start3A_77 = arith.constant 0 : i32
    %dma_start3A_78 = tpu.memref_slice %arg2[%dma_start3A_68, %add3A_67, %dma_start3A_77] : memref<4x8192x1024xf32, #tpu.memory_space<hbm>> -> memref<1x8x1024xf32, #tpu.memory_space<hbm>>
    %dma_start3A_79 = tpu.memref_squeeze %dma_start3A_78 : memref<1x8x1024xf32, #tpu.memory_space<hbm>> -> memref<8x1024xf32, #tpu.memory_space<hbm>>
    %dma_start3A_80 = tpu.memref_slice %arg8[%dma_start3A_71, %dma_start3A_72] : memref<2x4x!tpu.dma_semaphore, #tpu.memory_space<semaphore_mem>> -> memref<1x1x!tpu.dma_semaphore, #tpu.memory_space<semaphore_mem>>
    %dma_start3A_81 = tpu.memref_squeeze %dma_start3A_80 : memref<1x1x!tpu.dma_semaphore, #tpu.memory_space<semaphore_mem>> -> memref<!tpu.dma_semaphore, #tpu.memory_space<semaphore_mem>>
    %dma_start3A_82 = arith.constant 0 : i32
    %dma_start3A_83 = arith.constant 0 : i32
    %dma_start3A_84 = tpu.memref_slice %arg6[%dma_start3A_69, %dma_start3A_70, %dma_start3A_82, %dma_start3A_83] : memref<2x4x8x1024xf32, #tpu.memory_space<vmem>> -> memref<1x1x8x1024xf32, #tpu.memory_space<vmem>>
    %dma_start3A_85 = tpu.memref_squeeze %dma_start3A_84 : memref<1x1x8x1024xf32, #tpu.memory_space<vmem>> -> memref<8x1024xf32, #tpu.memory_space<vmem>>
    %dma_start3A_86 = arith.constant 0 : i32
    %dma_start3A_87 = tpu.memref_slice %arg2[%dma_start3A_68, %add3A_67, %dma_start3A_86] : memref<4x8192x1024xf32, #tpu.memory_space<hbm>> -> memref<1x8x1024xf32, #tpu.memory_space<hbm>>
    %dma_start3A_88 = tpu.memref_squeeze %dma_start3A_87 : memref<1x8x1024xf32, #tpu.memory_space<hbm>> -> memref<8x1024xf32, #tpu.memory_space<hbm>>
    tpu.enqueue_dma source(%dma_start3A_88 : memref<8x1024xf32, #tpu.memory_space<hbm>>) target(%dma_start3A_85 : memref<8x1024xf32, #tpu.memory_space<vmem>>) target_semaphore(%dma_start3A_81 : memref<!tpu.dma_semaphore, #tpu.memory_space<semaphore_mem>>)
    %add3A_89 = arith.constant 0 : i32
    %add3A_90 = arith.addi %mul3A_2, %add3A_89 : i32
    %dma_start3A_91 = arith.constant 3 : i32
    %dma_start3A_92 = arith.constant 0 : i32
    %dma_start3A_93 = arith.constant 3 : i32
    %dma_start3A_94 = arith.constant 0 : i32
    %dma_start3A_95 = arith.constant 3 : i32
    %dma_start3A_96 = arith.constant 0 : i32
    %dma_start3A_97 = arith.constant 0 : i32
    %dma_start3A_98 = tpu.memref_slice %arg6[%dma_start3A_92, %dma_start3A_93, %dma_start3A_96, %dma_start3A_97] : memref<2x4x8x1024xf32, #tpu.memory_space<vmem>> -> memref<1x1x8x1024xf32, #tpu.memory_space<vmem>>
    %dma_start3A_99 = tpu.memref_squeeze %dma_start3A_98 : memref<1x1x8x1024xf32, #tpu.memory_space<vmem>> -> memref<8x1024xf32, #tpu.memory_space<vmem>>
    %dma_start3A_100 = arith.constant 0 : i32
    %dma_start3A_101 = tpu.memref_slice %arg2[%dma_start3A_91, %add3A_90, %dma_start3A_100] : memref<4x8192x1024xf32, #tpu.memory_space<hbm>> -> memref<1x8x1024xf32, #tpu.memory_space<hbm>>
    %dma_start3A_102 = tpu.memref_squeeze %dma_start3A_101 : memref<1x8x1024xf32, #tpu.memory_space<hbm>> -> memref<8x1024xf32, #tpu.memory_space<hbm>>
    %dma_start3A_103 = tpu.memref_slice %arg8[%dma_start3A_94, %dma_start3A_95] : memref<2x4x!tpu.dma_semaphore, #tpu.memory_space<semaphore_mem>> -> memref<1x1x!tpu.dma_semaphore, #tpu.memory_space<semaphore_mem>>
    %dma_start3A_104 = tpu.memref_squeeze %dma_start3A_103 : memref<1x1x!tpu.dma_semaphore, #tpu.memory_space<semaphore_mem>> -> memref<!tpu.dma_semaphore, #tpu.memory_space<semaphore_mem>>
    %dma_start3A_105 = arith.constant 0 : i32
    %dma_start3A_106 = arith.constant 0 : i32
    %dma_start3A_107 = tpu.memref_slice %arg6[%dma_start3A_92, %dma_start3A_93, %dma_start3A_105, %dma_start3A_106] : memref<2x4x8x1024xf32, #tpu.memory_space<vmem>> -> memref<1x1x8x1024xf32, #tpu.memory_space<vmem>>
    %dma_start3A_108 = tpu.memref_squeeze %dma_start3A_107 : memref<1x1x8x1024xf32, #tpu.memory_space<vmem>> -> memref<8x1024xf32, #tpu.memory_space<vmem>>
    %dma_start3A_109 = arith.constant 0 : i32
    %dma_start3A_110 = tpu.memref_slice %arg2[%dma_start3A_91, %add3A_90, %dma_start3A_109] : memref<4x8192x1024xf32, #tpu.memory_space<hbm>> -> memref<1x8x1024xf32, #tpu.memory_space<hbm>>
    %dma_start3A_111 = tpu.memref_squeeze %dma_start3A_110 : memref<1x8x1024xf32, #tpu.memory_space<hbm>> -> memref<8x1024xf32, #tpu.memory_space<hbm>>
    tpu.enqueue_dma source(%dma_start3A_111 : memref<8x1024xf32, #tpu.memory_space<hbm>>) target(%dma_start3A_108 : memref<8x1024xf32, #tpu.memory_space<vmem>>) target_semaphore(%dma_start3A_104 : memref<!tpu.dma_semaphore, #tpu.memory_space<semaphore_mem>>)
    %scan3A = arith.constant 0 : i32
    %scan3A_112 = arith.constant 16 : i32
    %scan3A_113 = arith.addi %scan3A, %scan3A_112 : i32
    %scan3A_114 = arith.constant 1 : i32
    scf.for %scan3A_283 = %scan3A to %scan3A_113 step %scan3A_114  : i32 {
      %mul3A_284 = arith.constant 2 : i32
      %mul3A_285 = arith.muli %scan3A_283, %mul3A_284 : i32
      %add3A_286 = arith.constant 0 : i32
      %add3A_287 = arith.addi %add3A_286, %mul3A_285 : i32
      %add3A_288 = arith.constant 0 : i32
      %add3A_289 = arith.addi %add3A_287, %add3A_288 : i32
      %add3A_290 = arith.constant 1 : i32
      %add3A_291 = arith.addi %add3A_289, %add3A_290 : i32
      %lt3A = arith.constant 32 : i32
      %lt3A_292 = arith.cmpi slt, %add3A_291, %lt3A : i32
      %convert_element_type3A = arith.extui %lt3A_292 : i1 to i32
      %cond3A = arith.constant 0 : i32
      %cond3A_293 = arith.cmpi ne, %convert_element_type3A, %cond3A : i32
      scf.if %cond3A_293 {
        %add3A_886 = arith.constant 1 : i32
        %add3A_887 = arith.addi %add3A_289, %add3A_886 : i32
        %mul3A_888 = arith.constant 8 : i32
        %mul3A_889 = arith.muli %add3A_887, %mul3A_888 : i32
        %add3A_890 = arith.addi %mul3A_2, %mul3A_889 : i32
        %dma_start3A_891 = arith.constant 1 : i32
        %dma_start3A_892 = arith.constant 1 : i32
        %dma_start3A_893 = arith.constant 0 : i32
        %dma_start3A_894 = arith.constant 0 : i32
        %dma_start3A_895 = tpu.memref_slice %arg5[%dma_start3A_891, %dma_start3A_893, %dma_start3A_894] : memref<2x8x1024xf32, #tpu.memory_space<vmem>> -> memref<1x8x1024xf32, #tpu.memory_space<vmem>>
        %dma_start3A_896 = tpu.memref_squeeze %dma_start3A_895 : memref<1x8x1024xf32, #tpu.memory_space<vmem>> -> memref<8x1024xf32, #tpu.memory_space<vmem>>
        %dma_start3A_897 = arith.constant 0 : i32
        %dma_start3A_898 = tpu.memref_slice %arg3[%add3A_890, %dma_start3A_897] : memref<8192x1024xf32, #tpu.memory_space<hbm>> -> memref<8x1024xf32, #tpu.memory_space<hbm>>
        %dma_start3A_899 = tpu.memref_slice %arg7[%dma_start3A_892] : memref<2x!tpu.dma_semaphore, #tpu.memory_space<semaphore_mem>> -> memref<1x!tpu.dma_semaphore, #tpu.memory_space<semaphore_mem>>
        %dma_start3A_900 = tpu.memref_squeeze %dma_start3A_899 : memref<1x!tpu.dma_semaphore, #tpu.memory_space<semaphore_mem>> -> memref<!tpu.dma_semaphore, #tpu.memory_space<semaphore_mem>>
        %dma_start3A_901 = arith.constant 0 : i32
        %dma_start3A_902 = arith.constant 0 : i32
        %dma_start3A_903 = tpu.memref_slice %arg5[%dma_start3A_891, %dma_start3A_901, %dma_start3A_902] : memref<2x8x1024xf32, #tpu.memory_space<vmem>> -> memref<1x8x1024xf32, #tpu.memory_space<vmem>>
        %dma_start3A_904 = tpu.memref_squeeze %dma_start3A_903 : memref<1x8x1024xf32, #tpu.memory_space<vmem>> -> memref<8x1024xf32, #tpu.memory_space<vmem>>
        %dma_start3A_905 = arith.constant 0 : i32
        %dma_start3A_906 = tpu.memref_slice %arg3[%add3A_890, %dma_start3A_905] : memref<8192x1024xf32, #tpu.memory_space<hbm>> -> memref<8x1024xf32, #tpu.memory_space<hbm>>
        tpu.enqueue_dma source(%dma_start3A_906 : memref<8x1024xf32, #tpu.memory_space<hbm>>) target(%dma_start3A_904 : memref<8x1024xf32, #tpu.memory_space<vmem>>) target_semaphore(%dma_start3A_900 : memref<!tpu.dma_semaphore, #tpu.memory_space<semaphore_mem>>)
        %gt3A = arith.constant 0 : i32
        %gt3A_907 = arith.cmpi sgt, %add3A_289, %gt3A : i32
        %convert_element_type3A_908 = arith.extui %gt3A_907 : i1 to i32
        %cond3A_909 = arith.constant 0 : i32
        %cond3A_910 = arith.cmpi ne, %convert_element_type3A_908, %cond3A_909 : i32
        scf.if %cond3A_910 {
          %dma_wait3A_1030 = arith.constant 1 : i32
          %dma_wait3A_1031 = arith.constant 0 : i32
          %dma_wait3A_1032 = arith.constant 0 : i32
          %dma_wait3A_1033 = arith.constant 1 : i32
          %dma_wait3A_1034 = arith.constant 0 : i32
          %dma_wait3A_1035 = arith.constant 0 : i32
          %dma_wait3A_1036 = arith.constant 0 : i32
          %dma_wait3A_1037 = tpu.memref_slice %arg6[%dma_wait3A_1030, %dma_wait3A_1031, %dma_wait3A_1035, %dma_wait3A_1036] : memref<2x4x8x1024xf32, #tpu.memory_space<vmem>> -> memref<1x1x8x1024xf32, #tpu.memory_space<vmem>>
          %dma_wait3A_1038 = tpu.memref_squeeze %dma_wait3A_1037 : memref<1x1x8x1024xf32, #tpu.memory_space<vmem>> -> memref<8x1024xf32, #tpu.memory_space<vmem>>
          %dma_wait3A_1039 = arith.constant 0 : i32
          %dma_wait3A_1040 = tpu.memref_slice %arg4[%dma_wait3A_1032, %mul3A_2, %dma_wait3A_1039] : memref<4x8192x1024xf32, #tpu.memory_space<hbm>> -> memref<1x8x1024xf32, #tpu.memory_space<hbm>>
          %dma_wait3A_1041 = tpu.memref_squeeze %dma_wait3A_1040 : memref<1x8x1024xf32, #tpu.memory_space<hbm>> -> memref<8x1024xf32, #tpu.memory_space<hbm>>
          %dma_wait3A_1042 = tpu.memref_slice %arg9[%dma_wait3A_1033, %dma_wait3A_1034] : memref<2x4x!tpu.dma_semaphore, #tpu.memory_space<semaphore_mem>> -> memref<1x1x!tpu.dma_semaphore, #tpu.memory_space<semaphore_mem>>
          %dma_wait3A_1043 = tpu.memref_squeeze %dma_wait3A_1042 : memref<1x1x!tpu.dma_semaphore, #tpu.memory_space<semaphore_mem>> -> memref<!tpu.dma_semaphore, #tpu.memory_space<semaphore_mem>>
          %dma_wait3A_1044 = arith.constant 0 : i32
          %dma_wait3A_1045 = tpu.memref_slice %arg4[%dma_wait3A_1032, %mul3A_2, %dma_wait3A_1044] : memref<4x8192x1024xf32, #tpu.memory_space<hbm>> -> memref<1x8x1024xf32, #tpu.memory_space<hbm>>
          %dma_wait3A_1046 = tpu.memref_squeeze %dma_wait3A_1045 : memref<1x8x1024xf32, #tpu.memory_space<hbm>> -> memref<8x1024xf32, #tpu.memory_space<hbm>>
          %dma_wait3A_1047 = arith.constant 0 : i32
          %dma_wait3A_1048 = arith.constant 0 : i32
          %dma_wait3A_1049 = tpu.memref_slice %arg6[%dma_wait3A_1030, %dma_wait3A_1031, %dma_wait3A_1047, %dma_wait3A_1048] : memref<2x4x8x1024xf32, #tpu.memory_space<vmem>> -> memref<1x1x8x1024xf32, #tpu.memory_space<vmem>>
          %dma_wait3A_1050 = tpu.memref_squeeze %dma_wait3A_1049 : memref<1x1x8x1024xf32, #tpu.memory_space<vmem>> -> memref<8x1024xf32, #tpu.memory_space<vmem>>
          tpu.wait_dma2 semaphore(%dma_wait3A_1043 : memref<!tpu.dma_semaphore, #tpu.memory_space<semaphore_mem>>) src(%dma_wait3A_1050 : memref<8x1024xf32, #tpu.memory_space<vmem>>) dst(%dma_wait3A_1046 : memref<8x1024xf32, #tpu.memory_space<hbm>>)
        } else {
        }
        %add3A_911 = arith.constant 1 : i32
        %add3A_912 = arith.addi %add3A_289, %add3A_911 : i32
        %mul3A_913 = arith.constant 8 : i32
        %mul3A_914 = arith.muli %add3A_912, %mul3A_913 : i32
        %add3A_915 = arith.addi %mul3A_2, %mul3A_914 : i32
        %dma_start3A_916 = arith.constant 0 : i32
        %dma_start3A_917 = arith.constant 1 : i32
        %dma_start3A_918 = arith.constant 0 : i32
        %dma_start3A_919 = arith.constant 1 : i32
        %dma_start3A_920 = arith.constant 0 : i32
        %dma_start3A_921 = arith.constant 0 : i32
        %dma_start3A_922 = arith.constant 0 : i32
        %dma_start3A_923 = tpu.memref_slice %arg6[%dma_start3A_917, %dma_start3A_918, %dma_start3A_921, %dma_start3A_922] : memref<2x4x8x1024xf32, #tpu.memory_space<vmem>> -> memref<1x1x8x1024xf32, #tpu.memory_space<vmem>>
        %dma_start3A_924 = tpu.memref_squeeze %dma_start3A_923 : memref<1x1x8x1024xf32, #tpu.memory_space<vmem>> -> memref<8x1024xf32, #tpu.memory_space<vmem>>
        %dma_start3A_925 = arith.constant 0 : i32
        %dma_start3A_926 = tpu.memref_slice %arg2[%dma_start3A_916, %add3A_915, %dma_start3A_925] : memref<4x8192x1024xf32, #tpu.memory_space<hbm>> -> memref<1x8x1024xf32, #tpu.memory_space<hbm>>
        %dma_start3A_927 = tpu.memref_squeeze %dma_start3A_926 : memref<1x8x1024xf32, #tpu.memory_space<hbm>> -> memref<8x1024xf32, #tpu.memory_space<hbm>>
        %dma_start3A_928 = tpu.memref_slice %arg8[%dma_start3A_919, %dma_start3A_920] : memref<2x4x!tpu.dma_semaphore, #tpu.memory_space<semaphore_mem>> -> memref<1x1x!tpu.dma_semaphore, #tpu.memory_space<semaphore_mem>>
        %dma_start3A_929 = tpu.memref_squeeze %dma_start3A_928 : memref<1x1x!tpu.dma_semaphore, #tpu.memory_space<semaphore_mem>> -> memref<!tpu.dma_semaphore, #tpu.memory_space<semaphore_mem>>
        %dma_start3A_930 = arith.constant 0 : i32
        %dma_start3A_931 = arith.constant 0 : i32
        %dma_start3A_932 = tpu.memref_slice %arg6[%dma_start3A_917, %dma_start3A_918, %dma_start3A_930, %dma_start3A_931] : memref<2x4x8x1024xf32, #tpu.memory_space<vmem>> -> memref<1x1x8x1024xf32, #tpu.memory_space<vmem>>
        %dma_start3A_933 = tpu.memref_squeeze %dma_start3A_932 : memref<1x1x8x1024xf32, #tpu.memory_space<vmem>> -> memref<8x1024xf32, #tpu.memory_space<vmem>>
        %dma_start3A_934 = arith.constant 0 : i32
        %dma_start3A_935 = tpu.memref_slice %arg2[%dma_start3A_916, %add3A_915, %dma_start3A_934] : memref<4x8192x1024xf32, #tpu.memory_space<hbm>> -> memref<1x8x1024xf32, #tpu.memory_space<hbm>>
        %dma_start3A_936 = tpu.memref_squeeze %dma_start3A_935 : memref<1x8x1024xf32, #tpu.memory_space<hbm>> -> memref<8x1024xf32, #tpu.memory_space<hbm>>
        tpu.enqueue_dma source(%dma_start3A_936 : memref<8x1024xf32, #tpu.memory_space<hbm>>) target(%dma_start3A_933 : memref<8x1024xf32, #tpu.memory_space<vmem>>) target_semaphore(%dma_start3A_929 : memref<!tpu.dma_semaphore, #tpu.memory_space<semaphore_mem>>)
        %gt3A_937 = arith.constant 0 : i32
        %gt3A_938 = arith.cmpi sgt, %add3A_289, %gt3A_937 : i32
        %convert_element_type3A_939 = arith.extui %gt3A_938 : i1 to i32
        %cond3A_940 = arith.constant 0 : i32
        %cond3A_941 = arith.cmpi ne, %convert_element_type3A_939, %cond3A_940 : i32
        scf.if %cond3A_941 {
          %dma_wait3A_1030 = arith.constant 1 : i32
          %dma_wait3A_1031 = arith.constant 1 : i32
          %dma_wait3A_1032 = arith.constant 1 : i32
          %dma_wait3A_1033 = arith.constant 1 : i32
          %dma_wait3A_1034 = arith.constant 1 : i32
          %dma_wait3A_1035 = arith.constant 0 : i32
          %dma_wait3A_1036 = arith.constant 0 : i32
          %dma_wait3A_1037 = tpu.memref_slice %arg6[%dma_wait3A_1030, %dma_wait3A_1031, %dma_wait3A_1035, %dma_wait3A_1036] : memref<2x4x8x1024xf32, #tpu.memory_space<vmem>> -> memref<1x1x8x1024xf32, #tpu.memory_space<vmem>>
          %dma_wait3A_1038 = tpu.memref_squeeze %dma_wait3A_1037 : memref<1x1x8x1024xf32, #tpu.memory_space<vmem>> -> memref<8x1024xf32, #tpu.memory_space<vmem>>
          %dma_wait3A_1039 = arith.constant 0 : i32
          %dma_wait3A_1040 = tpu.memref_slice %arg4[%dma_wait3A_1032, %mul3A_2, %dma_wait3A_1039] : memref<4x8192x1024xf32, #tpu.memory_space<hbm>> -> memref<1x8x1024xf32, #tpu.memory_space<hbm>>
          %dma_wait3A_1041 = tpu.memref_squeeze %dma_wait3A_1040 : memref<1x8x1024xf32, #tpu.memory_space<hbm>> -> memref<8x1024xf32, #tpu.memory_space<hbm>>
          %dma_wait3A_1042 = tpu.memref_slice %arg9[%dma_wait3A_1033, %dma_wait3A_1034] : memref<2x4x!tpu.dma_semaphore, #tpu.memory_space<semaphore_mem>> -> memref<1x1x!tpu.dma_semaphore, #tpu.memory_space<semaphore_mem>>
          %dma_wait3A_1043 = tpu.memref_squeeze %dma_wait3A_1042 : memref<1x1x!tpu.dma_semaphore, #tpu.memory_space<semaphore_mem>> -> memref<!tpu.dma_semaphore, #tpu.memory_space<semaphore_mem>>
          %dma_wait3A_1044 = arith.constant 0 : i32
          %dma_wait3A_1045 = tpu.memref_slice %arg4[%dma_wait3A_1032, %mul3A_2, %dma_wait3A_1044] : memref<4x8192x1024xf32, #tpu.memory_space<hbm>> -> memref<1x8x1024xf32, #tpu.memory_space<hbm>>
          %dma_wait3A_1046 = tpu.memref_squeeze %dma_wait3A_1045 : memref<1x8x1024xf32, #tpu.memory_space<hbm>> -> memref<8x1024xf32, #tpu.memory_space<hbm>>
          %dma_wait3A_1047 = arith.constant 0 : i32
          %dma_wait3A_1048 = arith.constant 0 : i32
          %dma_wait3A_1049 = tpu.memref_slice %arg6[%dma_wait3A_1030, %dma_wait3A_1031, %dma_wait3A_1047, %dma_wait3A_1048] : memref<2x4x8x1024xf32, #tpu.memory_space<vmem>> -> memref<1x1x8x1024xf32, #tpu.memory_space<vmem>>
          %dma_wait3A_1050 = tpu.memref_squeeze %dma_wait3A_1049 : memref<1x1x8x1024xf32, #tpu.memory_space<vmem>> -> memref<8x1024xf32, #tpu.memory_space<vmem>>
          tpu.wait_dma2 semaphore(%dma_wait3A_1043 : memref<!tpu.dma_semaphore, #tpu.memory_space<semaphore_mem>>) src(%dma_wait3A_1050 : memref<8x1024xf32, #tpu.memory_space<vmem>>) dst(%dma_wait3A_1046 : memref<8x1024xf32, #tpu.memory_space<hbm>>)
        } else {
        }
        %add3A_942 = arith.constant 1 : i32
        %add3A_943 = arith.addi %add3A_289, %add3A_942 : i32
        %mul3A_944 = arith.constant 8 : i32
        %mul3A_945 = arith.muli %add3A_943, %mul3A_944 : i32
        %add3A_946 = arith.addi %mul3A_2, %mul3A_945 : i32
        %dma_start3A_947 = arith.constant 1 : i32
        %dma_start3A_948 = arith.constant 1 : i32
        %dma_start3A_949 = arith.constant 1 : i32
        %dma_start3A_950 = arith.constant 1 : i32
        %dma_start3A_951 = arith.constant 1 : i32
        %dma_start3A_952 = arith.constant 0 : i32
        %dma_start3A_953 = arith.constant 0 : i32
        %dma_start3A_954 = tpu.memref_slice %arg6[%dma_start3A_948, %dma_start3A_949, %dma_start3A_952, %dma_start3A_953] : memref<2x4x8x1024xf32, #tpu.memory_space<vmem>> -> memref<1x1x8x1024xf32, #tpu.memory_space<vmem>>
        %dma_start3A_955 = tpu.memref_squeeze %dma_start3A_954 : memref<1x1x8x1024xf32, #tpu.memory_space<vmem>> -> memref<8x1024xf32, #tpu.memory_space<vmem>>
        %dma_start3A_956 = arith.constant 0 : i32
        %dma_start3A_957 = tpu.memref_slice %arg2[%dma_start3A_947, %add3A_946, %dma_start3A_956] : memref<4x8192x1024xf32, #tpu.memory_space<hbm>> -> memref<1x8x1024xf32, #tpu.memory_space<hbm>>
        %dma_start3A_958 = tpu.memref_squeeze %dma_start3A_957 : memref<1x8x1024xf32, #tpu.memory_space<hbm>> -> memref<8x1024xf32, #tpu.memory_space<hbm>>
        %dma_start3A_959 = tpu.memref_slice %arg8[%dma_start3A_950, %dma_start3A_951] : memref<2x4x!tpu.dma_semaphore, #tpu.memory_space<semaphore_mem>> -> memref<1x1x!tpu.dma_semaphore, #tpu.memory_space<semaphore_mem>>
        %dma_start3A_960 = tpu.memref_squeeze %dma_start3A_959 : memref<1x1x!tpu.dma_semaphore, #tpu.memory_space<semaphore_mem>> -> memref<!tpu.dma_semaphore, #tpu.memory_space<semaphore_mem>>
        %dma_start3A_961 = arith.constant 0 : i32
        %dma_start3A_962 = arith.constant 0 : i32
        %dma_start3A_963 = tpu.memref_slice %arg6[%dma_start3A_948, %dma_start3A_949, %dma_start3A_961, %dma_start3A_962] : memref<2x4x8x1024xf32, #tpu.memory_space<vmem>> -> memref<1x1x8x1024xf32, #tpu.memory_space<vmem>>
        %dma_start3A_964 = tpu.memref_squeeze %dma_start3A_963 : memref<1x1x8x1024xf32, #tpu.memory_space<vmem>> -> memref<8x1024xf32, #tpu.memory_space<vmem>>
        %dma_start3A_965 = arith.constant 0 : i32
        %dma_start3A_966 = tpu.memref_slice %arg2[%dma_start3A_947, %add3A_946, %dma_start3A_965] : memref<4x8192x1024xf32, #tpu.memory_space<hbm>> -> memref<1x8x1024xf32, #tpu.memory_space<hbm>>
        %dma_start3A_967 = tpu.memref_squeeze %dma_start3A_966 : memref<1x8x1024xf32, #tpu.memory_space<hbm>> -> memref<8x1024xf32, #tpu.memory_space<hbm>>
        tpu.enqueue_dma source(%dma_start3A_967 : memref<8x1024xf32, #tpu.memory_space<hbm>>) target(%dma_start3A_964 : memref<8x1024xf32, #tpu.memory_space<vmem>>) target_semaphore(%dma_start3A_960 : memref<!tpu.dma_semaphore, #tpu.memory_space<semaphore_mem>>)
        %gt3A_968 = arith.constant 0 : i32
        %gt3A_969 = arith.cmpi sgt, %add3A_289, %gt3A_968 : i32
        %convert_element_type3A_970 = arith.extui %gt3A_969 : i1 to i32
        %cond3A_971 = arith.constant 0 : i32
        %cond3A_972 = arith.cmpi ne, %convert_element_type3A_970, %cond3A_971 : i32
        scf.if %cond3A_972 {
          %dma_wait3A_1030 = arith.constant 1 : i32
          %dma_wait3A_1031 = arith.constant 2 : i32
          %dma_wait3A_1032 = arith.constant 2 : i32
          %dma_wait3A_1033 = arith.constant 1 : i32
          %dma_wait3A_1034 = arith.constant 2 : i32
          %dma_wait3A_1035 = arith.constant 0 : i32
          %dma_wait3A_1036 = arith.constant 0 : i32
          %dma_wait3A_1037 = tpu.memref_slice %arg6[%dma_wait3A_1030, %dma_wait3A_1031, %dma_wait3A_1035, %dma_wait3A_1036] : memref<2x4x8x1024xf32, #tpu.memory_space<vmem>> -> memref<1x1x8x1024xf32, #tpu.memory_space<vmem>>
          %dma_wait3A_1038 = tpu.memref_squeeze %dma_wait3A_1037 : memref<1x1x8x1024xf32, #tpu.memory_space<vmem>> -> memref<8x1024xf32, #tpu.memory_space<vmem>>
          %dma_wait3A_1039 = arith.constant 0 : i32
          %dma_wait3A_1040 = tpu.memref_slice %arg4[%dma_wait3A_1032, %mul3A_2, %dma_wait3A_1039] : memref<4x8192x1024xf32, #tpu.memory_space<hbm>> -> memref<1x8x1024xf32, #tpu.memory_space<hbm>>
          %dma_wait3A_1041 = tpu.memref_squeeze %dma_wait3A_1040 : memref<1x8x1024xf32, #tpu.memory_space<hbm>> -> memref<8x1024xf32, #tpu.memory_space<hbm>>
          %dma_wait3A_1042 = tpu.memref_slice %arg9[%dma_wait3A_1033, %dma_wait3A_1034] : memref<2x4x!tpu.dma_semaphore, #tpu.memory_space<semaphore_mem>> -> memref<1x1x!tpu.dma_semaphore, #tpu.memory_space<semaphore_mem>>
          %dma_wait3A_1043 = tpu.memref_squeeze %dma_wait3A_1042 : memref<1x1x!tpu.dma_semaphore, #tpu.memory_space<semaphore_mem>> -> memref<!tpu.dma_semaphore, #tpu.memory_space<semaphore_mem>>
          %dma_wait3A_1044 = arith.constant 0 : i32
          %dma_wait3A_1045 = tpu.memref_slice %arg4[%dma_wait3A_1032, %mul3A_2, %dma_wait3A_1044] : memref<4x8192x1024xf32, #tpu.memory_space<hbm>> -> memref<1x8x1024xf32, #tpu.memory_space<hbm>>
          %dma_wait3A_1046 = tpu.memref_squeeze %dma_wait3A_1045 : memref<1x8x1024xf32, #tpu.memory_space<hbm>> -> memref<8x1024xf32, #tpu.memory_space<hbm>>
          %dma_wait3A_1047 = arith.constant 0 : i32
          %dma_wait3A_1048 = arith.constant 0 : i32
          %dma_wait3A_1049 = tpu.memref_slice %arg6[%dma_wait3A_1030, %dma_wait3A_1031, %dma_wait3A_1047, %dma_wait3A_1048] : memref<2x4x8x1024xf32, #tpu.memory_space<vmem>> -> memref<1x1x8x1024xf32, #tpu.memory_space<vmem>>
          %dma_wait3A_1050 = tpu.memref_squeeze %dma_wait3A_1049 : memref<1x1x8x1024xf32, #tpu.memory_space<vmem>> -> memref<8x1024xf32, #tpu.memory_space<vmem>>
          tpu.wait_dma2 semaphore(%dma_wait3A_1043 : memref<!tpu.dma_semaphore, #tpu.memory_space<semaphore_mem>>) src(%dma_wait3A_1050 : memref<8x1024xf32, #tpu.memory_space<vmem>>) dst(%dma_wait3A_1046 : memref<8x1024xf32, #tpu.memory_space<hbm>>)
        } else {
        }
        %add3A_973 = arith.constant 1 : i32
        %add3A_974 = arith.addi %add3A_289, %add3A_973 : i32
        %mul3A_975 = arith.constant 8 : i32
        %mul3A_976 = arith.muli %add3A_974, %mul3A_975 : i32
        %add3A_977 = arith.addi %mul3A_2, %mul3A_976 : i32
        %dma_start3A_978 = arith.constant 2 : i32
        %dma_start3A_979 = arith.constant 1 : i32
        %dma_start3A_980 = arith.constant 2 : i32
        %dma_start3A_981 = arith.constant 1 : i32
        %dma_start3A_982 = arith.constant 2 : i32
        %dma_start3A_983 = arith.constant 0 : i32
        %dma_start3A_984 = arith.constant 0 : i32
        %dma_start3A_985 = tpu.memref_slice %arg6[%dma_start3A_979, %dma_start3A_980, %dma_start3A_983, %dma_start3A_984] : memref<2x4x8x1024xf32, #tpu.memory_space<vmem>> -> memref<1x1x8x1024xf32, #tpu.memory_space<vmem>>
        %dma_start3A_986 = tpu.memref_squeeze %dma_start3A_985 : memref<1x1x8x1024xf32, #tpu.memory_space<vmem>> -> memref<8x1024xf32, #tpu.memory_space<vmem>>
        %dma_start3A_987 = arith.constant 0 : i32
        %dma_start3A_988 = tpu.memref_slice %arg2[%dma_start3A_978, %add3A_977, %dma_start3A_987] : memref<4x8192x1024xf32, #tpu.memory_space<hbm>> -> memref<1x8x1024xf32, #tpu.memory_space<hbm>>
        %dma_start3A_989 = tpu.memref_squeeze %dma_start3A_988 : memref<1x8x1024xf32, #tpu.memory_space<hbm>> -> memref<8x1024xf32, #tpu.memory_space<hbm>>
        %dma_start3A_990 = tpu.memref_slice %arg8[%dma_start3A_981, %dma_start3A_982] : memref<2x4x!tpu.dma_semaphore, #tpu.memory_space<semaphore_mem>> -> memref<1x1x!tpu.dma_semaphore, #tpu.memory_space<semaphore_mem>>
        %dma_start3A_991 = tpu.memref_squeeze %dma_start3A_990 : memref<1x1x!tpu.dma_semaphore, #tpu.memory_space<semaphore_mem>> -> memref<!tpu.dma_semaphore, #tpu.memory_space<semaphore_mem>>
        %dma_start3A_992 = arith.constant 0 : i32
        %dma_start3A_993 = arith.constant 0 : i32
        %dma_start3A_994 = tpu.memref_slice %arg6[%dma_start3A_979, %dma_start3A_980, %dma_start3A_992, %dma_start3A_993] : memref<2x4x8x1024xf32, #tpu.memory_space<vmem>> -> memref<1x1x8x1024xf32, #tpu.memory_space<vmem>>
        %dma_start3A_995 = tpu.memref_squeeze %dma_start3A_994 : memref<1x1x8x1024xf32, #tpu.memory_space<vmem>> -> memref<8x1024xf32, #tpu.memory_space<vmem>>
        %dma_start3A_996 = arith.constant 0 : i32
        %dma_start3A_997 = tpu.memref_slice %arg2[%dma_start3A_978, %add3A_977, %dma_start3A_996] : memref<4x8192x1024xf32, #tpu.memory_space<hbm>> -> memref<1x8x1024xf32, #tpu.memory_space<hbm>>
        %dma_start3A_998 = tpu.memref_squeeze %dma_start3A_997 : memref<1x8x1024xf32, #tpu.memory_space<hbm>> -> memref<8x1024xf32, #tpu.memory_space<hbm>>
        tpu.enqueue_dma source(%dma_start3A_998 : memref<8x1024xf32, #tpu.memory_space<hbm>>) target(%dma_start3A_995 : memref<8x1024xf32, #tpu.memory_space<vmem>>) target_semaphore(%dma_start3A_991 : memref<!tpu.dma_semaphore, #tpu.memory_space<semaphore_mem>>)
        %gt3A_999 = arith.constant 0 : i32
        %gt3A_1000 = arith.cmpi sgt, %add3A_289, %gt3A_999 : i32
        %convert_element_type3A_1001 = arith.extui %gt3A_1000 : i1 to i32
        %cond3A_1002 = arith.constant 0 : i32
        %cond3A_1003 = arith.cmpi ne, %convert_element_type3A_1001, %cond3A_1002 : i32
        scf.if %cond3A_1003 {
          %dma_wait3A_1030 = arith.constant 1 : i32
          %dma_wait3A_1031 = arith.constant 3 : i32
          %dma_wait3A_1032 = arith.constant 3 : i32
          %dma_wait3A_1033 = arith.constant 1 : i32
          %dma_wait3A_1034 = arith.constant 3 : i32
          %dma_wait3A_1035 = arith.constant 0 : i32
          %dma_wait3A_1036 = arith.constant 0 : i32
          %dma_wait3A_1037 = tpu.memref_slice %arg6[%dma_wait3A_1030, %dma_wait3A_1031, %dma_wait3A_1035, %dma_wait3A_1036] : memref<2x4x8x1024xf32, #tpu.memory_space<vmem>> -> memref<1x1x8x1024xf32, #tpu.memory_space<vmem>>
          %dma_wait3A_1038 = tpu.memref_squeeze %dma_wait3A_1037 : memref<1x1x8x1024xf32, #tpu.memory_space<vmem>> -> memref<8x1024xf32, #tpu.memory_space<vmem>>
          %dma_wait3A_1039 = arith.constant 0 : i32
          %dma_wait3A_1040 = tpu.memref_slice %arg4[%dma_wait3A_1032, %mul3A_2, %dma_wait3A_1039] : memref<4x8192x1024xf32, #tpu.memory_space<hbm>> -> memref<1x8x1024xf32, #tpu.memory_space<hbm>>
          %dma_wait3A_1041 = tpu.memref_squeeze %dma_wait3A_1040 : memref<1x8x1024xf32, #tpu.memory_space<hbm>> -> memref<8x1024xf32, #tpu.memory_space<hbm>>
          %dma_wait3A_1042 = tpu.memref_slice %arg9[%dma_wait3A_1033, %dma_wait3A_1034] : memref<2x4x!tpu.dma_semaphore, #tpu.memory_space<semaphore_mem>> -> memref<1x1x!tpu.dma_semaphore, #tpu.memory_space<semaphore_mem>>
          %dma_wait3A_1043 = tpu.memref_squeeze %dma_wait3A_1042 : memref<1x1x!tpu.dma_semaphore, #tpu.memory_space<semaphore_mem>> -> memref<!tpu.dma_semaphore, #tpu.memory_space<semaphore_mem>>
          %dma_wait3A_1044 = arith.constant 0 : i32
          %dma_wait3A_1045 = tpu.memref_slice %arg4[%dma_wait3A_1032, %mul3A_2, %dma_wait3A_1044] : memref<4x8192x1024xf32, #tpu.memory_space<hbm>> -> memref<1x8x1024xf32, #tpu.memory_space<hbm>>
          %dma_wait3A_1046 = tpu.memref_squeeze %dma_wait3A_1045 : memref<1x8x1024xf32, #tpu.memory_space<hbm>> -> memref<8x1024xf32, #tpu.memory_space<hbm>>
          %dma_wait3A_1047 = arith.constant 0 : i32
          %dma_wait3A_1048 = arith.constant 0 : i32
          %dma_wait3A_1049 = tpu.memref_slice %arg6[%dma_wait3A_1030, %dma_wait3A_1031, %dma_wait3A_1047, %dma_wait3A_1048] : memref<2x4x8x1024xf32, #tpu.memory_space<vmem>> -> memref<1x1x8x1024xf32, #tpu.memory_space<vmem>>
          %dma_wait3A_1050 = tpu.memref_squeeze %dma_wait3A_1049 : memref<1x1x8x1024xf32, #tpu.memory_space<vmem>> -> memref<8x1024xf32, #tpu.memory_space<vmem>>
          tpu.wait_dma2 semaphore(%dma_wait3A_1043 : memref<!tpu.dma_semaphore, #tpu.memory_space<semaphore_mem>>) src(%dma_wait3A_1050 : memref<8x1024xf32, #tpu.memory_space<vmem>>) dst(%dma_wait3A_1046 : memref<8x1024xf32, #tpu.memory_space<hbm>>)
        } else {
        }
        %add3A_1004 = arith.constant 1 : i32
        %add3A_1005 = arith.addi %add3A_289, %add3A_1004 : i32
        %mul3A_1006 = arith.constant 8 : i32
        %mul3A_1007 = arith.muli %add3A_1005, %mul3A_1006 : i32
        %add3A_1008 = arith.addi %mul3A_2, %mul3A_1007 : i32
        %dma_start3A_1009 = arith.constant 3 : i32
        %dma_start3A_1010 = arith.constant 1 : i32
        %dma_start3A_1011 = arith.constant 3 : i32
        %dma_start3A_1012 = arith.constant 1 : i32
        %dma_start3A_1013 = arith.constant 3 : i32
        %dma_start3A_1014 = arith.constant 0 : i32
        %dma_start3A_1015 = arith.constant 0 : i32
        %dma_start3A_1016 = tpu.memref_slice %arg6[%dma_start3A_1010, %dma_start3A_1011, %dma_start3A_1014, %dma_start3A_1015] : memref<2x4x8x1024xf32, #tpu.memory_space<vmem>> -> memref<1x1x8x1024xf32, #tpu.memory_space<vmem>>
        %dma_start3A_1017 = tpu.memref_squeeze %dma_start3A_1016 : memref<1x1x8x1024xf32, #tpu.memory_space<vmem>> -> memref<8x1024xf32, #tpu.memory_space<vmem>>
        %dma_start3A_1018 = arith.constant 0 : i32
        %dma_start3A_1019 = tpu.memref_slice %arg2[%dma_start3A_1009, %add3A_1008, %dma_start3A_1018] : memref<4x8192x1024xf32, #tpu.memory_space<hbm>> -> memref<1x8x1024xf32, #tpu.memory_space<hbm>>
        %dma_start3A_1020 = tpu.memref_squeeze %dma_start3A_1019 : memref<1x8x1024xf32, #tpu.memory_space<hbm>> -> memref<8x1024xf32, #tpu.memory_space<hbm>>
        %dma_start3A_1021 = tpu.memref_slice %arg8[%dma_start3A_1012, %dma_start3A_1013] : memref<2x4x!tpu.dma_semaphore, #tpu.memory_space<semaphore_mem>> -> memref<1x1x!tpu.dma_semaphore, #tpu.memory_space<semaphore_mem>>
        %dma_start3A_1022 = tpu.memref_squeeze %dma_start3A_1021 : memref<1x1x!tpu.dma_semaphore, #tpu.memory_space<semaphore_mem>> -> memref<!tpu.dma_semaphore, #tpu.memory_space<semaphore_mem>>
        %dma_start3A_1023 = arith.constant 0 : i32
        %dma_start3A_1024 = arith.constant 0 : i32
        %dma_start3A_1025 = tpu.memref_slice %arg6[%dma_start3A_1010, %dma_start3A_1011, %dma_start3A_1023, %dma_start3A_1024] : memref<2x4x8x1024xf32, #tpu.memory_space<vmem>> -> memref<1x1x8x1024xf32, #tpu.memory_space<vmem>>
        %dma_start3A_1026 = tpu.memref_squeeze %dma_start3A_1025 : memref<1x1x8x1024xf32, #tpu.memory_space<vmem>> -> memref<8x1024xf32, #tpu.memory_space<vmem>>
        %dma_start3A_1027 = arith.constant 0 : i32
        %dma_start3A_1028 = tpu.memref_slice %arg2[%dma_start3A_1009, %add3A_1008, %dma_start3A_1027] : memref<4x8192x1024xf32, #tpu.memory_space<hbm>> -> memref<1x8x1024xf32, #tpu.memory_space<hbm>>
        %dma_start3A_1029 = tpu.memref_squeeze %dma_start3A_1028 : memref<1x8x1024xf32, #tpu.memory_space<hbm>> -> memref<8x1024xf32, #tpu.memory_space<hbm>>
        tpu.enqueue_dma source(%dma_start3A_1029 : memref<8x1024xf32, #tpu.memory_space<hbm>>) target(%dma_start3A_1026 : memref<8x1024xf32, #tpu.memory_space<vmem>>) target_semaphore(%dma_start3A_1022 : memref<!tpu.dma_semaphore, #tpu.memory_space<semaphore_mem>>)
      } else {
      }
      %dma_wait3A_294 = arith.constant 0 : i32
      %dma_wait3A_295 = arith.constant 0 : i32
      %dma_wait3A_296 = arith.constant 0 : i32
      %dma_wait3A_297 = arith.constant 0 : i32
      %dma_wait3A_298 = tpu.memref_slice %arg5[%dma_wait3A_294, %dma_wait3A_296, %dma_wait3A_297] : memref<2x8x1024xf32, #tpu.memory_space<vmem>> -> memref<1x8x1024xf32, #tpu.memory_space<vmem>>
      %dma_wait3A_299 = tpu.memref_squeeze %dma_wait3A_298 : memref<1x8x1024xf32, #tpu.memory_space<vmem>> -> memref<8x1024xf32, #tpu.memory_space<vmem>>
      %dma_wait3A_300 = arith.constant 0 : i32
      %dma_wait3A_301 = tpu.memref_slice %arg3[%mul3A_2, %dma_wait3A_300] : memref<8192x1024xf32, #tpu.memory_space<hbm>> -> memref<8x1024xf32, #tpu.memory_space<hbm>>
      %dma_wait3A_302 = tpu.memref_slice %arg7[%dma_wait3A_295] : memref<2x!tpu.dma_semaphore, #tpu.memory_space<semaphore_mem>> -> memref<1x!tpu.dma_semaphore, #tpu.memory_space<semaphore_mem>>
      %dma_wait3A_303 = tpu.memref_squeeze %dma_wait3A_302 : memref<1x!tpu.dma_semaphore, #tpu.memory_space<semaphore_mem>> -> memref<!tpu.dma_semaphore, #tpu.memory_space<semaphore_mem>>
      %dma_wait3A_304 = arith.constant 0 : i32
      %dma_wait3A_305 = arith.constant 0 : i32
      %dma_wait3A_306 = tpu.memref_slice %arg5[%dma_wait3A_294, %dma_wait3A_304, %dma_wait3A_305] : memref<2x8x1024xf32, #tpu.memory_space<vmem>> -> memref<1x8x1024xf32, #tpu.memory_space<vmem>>
      %dma_wait3A_307 = tpu.memref_squeeze %dma_wait3A_306 : memref<1x8x1024xf32, #tpu.memory_space<vmem>> -> memref<8x1024xf32, #tpu.memory_space<vmem>>
      %dma_wait3A_308 = arith.constant 0 : i32
      %dma_wait3A_309 = tpu.memref_slice %arg3[%mul3A_2, %dma_wait3A_308] : memref<8192x1024xf32, #tpu.memory_space<hbm>> -> memref<8x1024xf32, #tpu.memory_space<hbm>>
      tpu.wait_dma2 semaphore(%dma_wait3A_303 : memref<!tpu.dma_semaphore, #tpu.memory_space<semaphore_mem>>) src(%dma_wait3A_309 : memref<8x1024xf32, #tpu.memory_space<hbm>>) dst(%dma_wait3A_307 : memref<8x1024xf32, #tpu.memory_space<vmem>>)
      %dma_wait3A_310 = arith.constant 0 : i32
      %dma_wait3A_311 = arith.constant 0 : i32
      %dma_wait3A_312 = arith.constant 0 : i32
      %dma_wait3A_313 = arith.constant 0 : i32
      %dma_wait3A_314 = arith.constant 0 : i32
      %dma_wait3A_315 = arith.constant 0 : i32
      %dma_wait3A_316 = arith.constant 0 : i32
      %dma_wait3A_317 = tpu.memref_slice %arg6[%dma_wait3A_311, %dma_wait3A_312, %dma_wait3A_315, %dma_wait3A_316] : memref<2x4x8x1024xf32, #tpu.memory_space<vmem>> -> memref<1x1x8x1024xf32, #tpu.memory_space<vmem>>
      %dma_wait3A_318 = tpu.memref_squeeze %dma_wait3A_317 : memref<1x1x8x1024xf32, #tpu.memory_space<vmem>> -> memref<8x1024xf32, #tpu.memory_space<vmem>>
      %dma_wait3A_319 = arith.constant 0 : i32
      %dma_wait3A_320 = tpu.memref_slice %arg2[%dma_wait3A_310, %mul3A_2, %dma_wait3A_319] : memref<4x8192x1024xf32, #tpu.memory_space<hbm>> -> memref<1x8x1024xf32, #tpu.memory_space<hbm>>
      %dma_wait3A_321 = tpu.memref_squeeze %dma_wait3A_320 : memref<1x8x1024xf32, #tpu.memory_space<hbm>> -> memref<8x1024xf32, #tpu.memory_space<hbm>>
      %dma_wait3A_322 = tpu.memref_slice %arg8[%dma_wait3A_313, %dma_wait3A_314] : memref<2x4x!tpu.dma_semaphore, #tpu.memory_space<semaphore_mem>> -> memref<1x1x!tpu.dma_semaphore, #tpu.memory_space<semaphore_mem>>
      %dma_wait3A_323 = tpu.memref_squeeze %dma_wait3A_322 : memref<1x1x!tpu.dma_semaphore, #tpu.memory_space<semaphore_mem>> -> memref<!tpu.dma_semaphore, #tpu.memory_space<semaphore_mem>>
      %dma_wait3A_324 = arith.constant 0 : i32
      %dma_wait3A_325 = arith.constant 0 : i32
      %dma_wait3A_326 = tpu.memref_slice %arg6[%dma_wait3A_311, %dma_wait3A_312, %dma_wait3A_324, %dma_wait3A_325] : memref<2x4x8x1024xf32, #tpu.memory_space<vmem>> -> memref<1x1x8x1024xf32, #tpu.memory_space<vmem>>
      %dma_wait3A_327 = tpu.memref_squeeze %dma_wait3A_326 : memref<1x1x8x1024xf32, #tpu.memory_space<vmem>> -> memref<8x1024xf32, #tpu.memory_space<vmem>>
      %dma_wait3A_328 = arith.constant 0 : i32
      %dma_wait3A_329 = tpu.memref_slice %arg2[%dma_wait3A_310, %mul3A_2, %dma_wait3A_328] : memref<4x8192x1024xf32, #tpu.memory_space<hbm>> -> memref<1x8x1024xf32, #tpu.memory_space<hbm>>
      %dma_wait3A_330 = tpu.memref_squeeze %dma_wait3A_329 : memref<1x8x1024xf32, #tpu.memory_space<hbm>> -> memref<8x1024xf32, #tpu.memory_space<hbm>>
      tpu.wait_dma2 semaphore(%dma_wait3A_323 : memref<!tpu.dma_semaphore, #tpu.memory_space<semaphore_mem>>) src(%dma_wait3A_330 : memref<8x1024xf32, #tpu.memory_space<hbm>>) dst(%dma_wait3A_327 : memref<8x1024xf32, #tpu.memory_space<vmem>>)
      %parallel_loop3A = arith.constant 0 : i32
      %parallel_loop3A_331 = arith.constant 1024 : i32
      %parallel_loop3A_332 = arith.constant 16 : i32
      scf.for %parallel_loop3A_886 = %parallel_loop3A to %parallel_loop3A_331 step %parallel_loop3A_332  : i32 {
        %parallel_loop3A_887 = arith.constant 0 : i32
        %parallel_loop3A_888 = arith.constant 0 : i32
        %parallel_loop3A_889 = arith.index_cast %parallel_loop3A_887 : i32 to index
        %parallel_loop3A_890 = arith.index_cast %parallel_loop3A_888 : i32 to index
        %parallel_loop3A_891 = arith.index_cast %parallel_loop3A_886 : i32 to index
        %parallel_loop3A_892 = tpu.vector_load %arg5[%parallel_loop3A_889, %parallel_loop3A_890, %parallel_loop3A_891] {strides = array<i32>} : memref<2x8x1024xf32, #tpu.memory_space<vmem>>, vector<1x1x16xf32>,
        %parallel_loop3A_893 = vector.shape_cast %parallel_loop3A_892 : vector<1x1x16xf32> to vector<16xf32>
        %parallel_loop3A_894 = arith.constant 0 : i32
        %parallel_loop3A_895 = arith.constant 0 : i32
        %parallel_loop3A_896 = arith.constant 0 : i32
        %parallel_loop3A_897 = arith.index_cast %parallel_loop3A_894 : i32 to index
        %parallel_loop3A_898 = arith.index_cast %parallel_loop3A_895 : i32 to index
        %parallel_loop3A_899 = arith.index_cast %parallel_loop3A_896 : i32 to index
        %parallel_loop3A_900 = arith.index_cast %parallel_loop3A_886 : i32 to index
        %parallel_loop3A_901 = tpu.vector_load %arg6[%parallel_loop3A_897, %parallel_loop3A_898, %parallel_loop3A_899, %parallel_loop3A_900] {strides = array<i32>} : memref<2x4x8x1024xf32, #tpu.memory_space<vmem>>, vector<1x1x1x16xf32>,
        %parallel_loop3A_902 = vector.shape_cast %parallel_loop3A_901 : vector<1x1x1x16xf32> to vector<16xf32>
        %parallel_loop3A_903 = vector.shape_cast %parallel_loop3A_893 : vector<16xf32> to vector<1x1x1x16xf32>
        tpu.vector_store %arg6[%parallel_loop3A_897, %parallel_loop3A_898, %parallel_loop3A_899, %parallel_loop3A_900], %parallel_loop3A_903 {add = true, strides = array<i32>} : memref<2x4x8x1024xf32, #tpu.memory_space<vmem>>, vector<1x1x1x16xf32>,
      } {sc.loop_unroll_factor = 8 : i64, sc.parallel_access}
      %parallel_loop3A_333 = arith.constant 0 : i32
      %parallel_loop3A_334 = arith.constant 1024 : i32
      %parallel_loop3A_335 = arith.constant 16 : i32
      scf.for %parallel_loop3A_886 = %parallel_loop3A_333 to %parallel_loop3A_334 step %parallel_loop3A_335  : i32 {
        %parallel_loop3A_887 = arith.constant 0 : i32
        %parallel_loop3A_888 = arith.constant 1 : i32
        %parallel_loop3A_889 = arith.index_cast %parallel_loop3A_887 : i32 to index
        %parallel_loop3A_890 = arith.index_cast %parallel_loop3A_888 : i32 to index
        %parallel_loop3A_891 = arith.index_cast %parallel_loop3A_886 : i32 to index
        %parallel_loop3A_892 = tpu.vector_load %arg5[%parallel_loop3A_889, %parallel_loop3A_890, %parallel_loop3A_891] {strides = array<i32>} : memref<2x8x1024xf32, #tpu.memory_space<vmem>>, vector<1x1x16xf32>,
        %parallel_loop3A_893 = vector.shape_cast %parallel_loop3A_892 : vector<1x1x16xf32> to vector<16xf32>
        %parallel_loop3A_894 = arith.constant 0 : i32
        %parallel_loop3A_895 = arith.constant 0 : i32
        %parallel_loop3A_896 = arith.constant 1 : i32
        %parallel_loop3A_897 = arith.index_cast %parallel_loop3A_894 : i32 to index
        %parallel_loop3A_898 = arith.index_cast %parallel_loop3A_895 : i32 to index
        %parallel_loop3A_899 = arith.index_cast %parallel_loop3A_896 : i32 to index
        %parallel_loop3A_900 = arith.index_cast %parallel_loop3A_886 : i32 to index
        %parallel_loop3A_901 = tpu.vector_load %arg6[%parallel_loop3A_897, %parallel_loop3A_898, %parallel_loop3A_899, %parallel_loop3A_900] {strides = array<i32>} : memref<2x4x8x1024xf32, #tpu.memory_space<vmem>>, vector<1x1x1x16xf32>,
        %parallel_loop3A_902 = vector.shape_cast %parallel_loop3A_901 : vector<1x1x1x16xf32> to vector<16xf32>
        %parallel_loop3A_903 = vector.shape_cast %parallel_loop3A_893 : vector<16xf32> to vector<1x1x1x16xf32>
        tpu.vector_store %arg6[%parallel_loop3A_897, %parallel_loop3A_898, %parallel_loop3A_899, %parallel_loop3A_900], %parallel_loop3A_903 {add = true, strides = array<i32>} : memref<2x4x8x1024xf32, #tpu.memory_space<vmem>>, vector<1x1x1x16xf32>,
      } {sc.loop_unroll_factor = 8 : i64, sc.parallel_access}
      %parallel_loop3A_336 = arith.constant 0 : i32
      %parallel_loop3A_337 = arith.constant 1024 : i32
      %parallel_loop3A_338 = arith.constant 16 : i32
      scf.for %parallel_loop3A_886 = %parallel_loop3A_336 to %parallel_loop3A_337 step %parallel_loop3A_338  : i32 {
        %parallel_loop3A_887 = arith.constant 0 : i32
        %parallel_loop3A_888 = arith.constant 2 : i32
        %parallel_loop3A_889 = arith.index_cast %parallel_loop3A_887 : i32 to index
        %parallel_loop3A_890 = arith.index_cast %parallel_loop3A_888 : i32 to index
        %parallel_loop3A_891 = arith.index_cast %parallel_loop3A_886 : i32 to index
        %parallel_loop3A_892 = tpu.vector_load %arg5[%parallel_loop3A_889, %parallel_loop3A_890, %parallel_loop3A_891] {strides = array<i32>} : memref<2x8x1024xf32, #tpu.memory_space<vmem>>, vector<1x1x16xf32>,
        %parallel_loop3A_893 = vector.shape_cast %parallel_loop3A_892 : vector<1x1x16xf32> to vector<16xf32>
        %parallel_loop3A_894 = arith.constant 0 : i32
        %parallel_loop3A_895 = arith.constant 0 : i32
        %parallel_loop3A_896 = arith.constant 2 : i32
        %parallel_loop3A_897 = arith.index_cast %parallel_loop3A_894 : i32 to index
        %parallel_loop3A_898 = arith.index_cast %parallel_loop3A_895 : i32 to index
        %parallel_loop3A_899 = arith.index_cast %parallel_loop3A_896 : i32 to index
        %parallel_loop3A_900 = arith.index_cast %parallel_loop3A_886 : i32 to index
        %parallel_loop3A_901 = tpu.vector_load %arg6[%parallel_loop3A_897, %parallel_loop3A_898, %parallel_loop3A_899, %parallel_loop3A_900] {strides = array<i32>} : memref<2x4x8x1024xf32, #tpu.memory_space<vmem>>, vector<1x1x1x16xf32>,
        %parallel_loop3A_902 = vector.shape_cast %parallel_loop3A_901 : vector<1x1x1x16xf32> to vector<16xf32>
        %parallel_loop3A_903 = vector.shape_cast %parallel_loop3A_893 : vector<16xf32> to vector<1x1x1x16xf32>
        tpu.vector_store %arg6[%parallel_loop3A_897, %parallel_loop3A_898, %parallel_loop3A_899, %parallel_loop3A_900], %parallel_loop3A_903 {add = true, strides = array<i32>} : memref<2x4x8x1024xf32, #tpu.memory_space<vmem>>, vector<1x1x1x16xf32>,
      } {sc.loop_unroll_factor = 8 : i64, sc.parallel_access}
      %parallel_loop3A_339 = arith.constant 0 : i32
      %parallel_loop3A_340 = arith.constant 1024 : i32
      %parallel_loop3A_341 = arith.constant 16 : i32
      scf.for %parallel_loop3A_886 = %parallel_loop3A_339 to %parallel_loop3A_340 step %parallel_loop3A_341  : i32 {
        %parallel_loop3A_887 = arith.constant 0 : i32
        %parallel_loop3A_888 = arith.constant 3 : i32
        %parallel_loop3A_889 = arith.index_cast %parallel_loop3A_887 : i32 to index
        %parallel_loop3A_890 = arith.index_cast %parallel_loop3A_888 : i32 to index
        %parallel_loop3A_891 = arith.index_cast %parallel_loop3A_886 : i32 to index
        %parallel_loop3A_892 = tpu.vector_load %arg5[%parallel_loop3A_889, %parallel_loop3A_890, %parallel_loop3A_891] {strides = array<i32>} : memref<2x8x1024xf32, #tpu.memory_space<vmem>>, vector<1x1x16xf32>,
        %parallel_loop3A_893 = vector.shape_cast %parallel_loop3A_892 : vector<1x1x16xf32> to vector<16xf32>
        %parallel_loop3A_894 = arith.constant 0 : i32
        %parallel_loop3A_895 = arith.constant 0 : i32
        %parallel_loop3A_896 = arith.constant 3 : i32
        %parallel_loop3A_897 = arith.index_cast %parallel_loop3A_894 : i32 to index
        %parallel_loop3A_898 = arith.index_cast %parallel_loop3A_895 : i32 to index
        %parallel_loop3A_899 = arith.index_cast %parallel_loop3A_896 : i32 to index
        %parallel_loop3A_900 = arith.index_cast %parallel_loop3A_886 : i32 to index
        %parallel_loop3A_901 = tpu.vector_load %arg6[%parallel_loop3A_897, %parallel_loop3A_898, %parallel_loop3A_899, %parallel_loop3A_900] {strides = array<i32>} : memref<2x4x8x1024xf32, #tpu.memory_space<vmem>>, vector<1x1x1x16xf32>,
        %parallel_loop3A_902 = vector.shape_cast %parallel_loop3A_901 : vector<1x1x1x16xf32> to vector<16xf32>
        %parallel_loop3A_903 = vector.shape_cast %parallel_loop3A_893 : vector<16xf32> to vector<1x1x1x16xf32>
        tpu.vector_store %arg6[%parallel_loop3A_897, %parallel_loop3A_898, %parallel_loop3A_899, %parallel_loop3A_900], %parallel_loop3A_903 {add = true, strides = array<i32>} : memref<2x4x8x1024xf32, #tpu.memory_space<vmem>>, vector<1x1x1x16xf32>,
      } {sc.loop_unroll_factor = 8 : i64, sc.parallel_access}
      %parallel_loop3A_342 = arith.constant 0 : i32
      %parallel_loop3A_343 = arith.constant 1024 : i32
      %parallel_loop3A_344 = arith.constant 16 : i32
      scf.for %parallel_loop3A_886 = %parallel_loop3A_342 to %parallel_loop3A_343 step %parallel_loop3A_344  : i32 {
        %parallel_loop3A_887 = arith.constant 0 : i32
        %parallel_loop3A_888 = arith.constant 4 : i32
        %parallel_loop3A_889 = arith.index_cast %parallel_loop3A_887 : i32 to index
        %parallel_loop3A_890 = arith.index_cast %parallel_loop3A_888 : i32 to index
        %parallel_loop3A_891 = arith.index_cast %parallel_loop3A_886 : i32 to index
        %parallel_loop3A_892 = tpu.vector_load %arg5[%parallel_loop3A_889, %parallel_loop3A_890, %parallel_loop3A_891] {strides = array<i32>} : memref<2x8x1024xf32, #tpu.memory_space<vmem>>, vector<1x1x16xf32>,
        %parallel_loop3A_893 = vector.shape_cast %parallel_loop3A_892 : vector<1x1x16xf32> to vector<16xf32>
        %parallel_loop3A_894 = arith.constant 0 : i32
        %parallel_loop3A_895 = arith.constant 0 : i32
        %parallel_loop3A_896 = arith.constant 4 : i32
        %parallel_loop3A_897 = arith.index_cast %parallel_loop3A_894 : i32 to index
        %parallel_loop3A_898 = arith.index_cast %parallel_loop3A_895 : i32 to index
        %parallel_loop3A_899 = arith.index_cast %parallel_loop3A_896 : i32 to index
        %parallel_loop3A_900 = arith.index_cast %parallel_loop3A_886 : i32 to index
        %parallel_loop3A_901 = tpu.vector_load %arg6[%parallel_loop3A_897, %parallel_loop3A_898, %parallel_loop3A_899, %parallel_loop3A_900] {strides = array<i32>} : memref<2x4x8x1024xf32, #tpu.memory_space<vmem>>, vector<1x1x1x16xf32>,
        %parallel_loop3A_902 = vector.shape_cast %parallel_loop3A_901 : vector<1x1x1x16xf32> to vector<16xf32>
        %parallel_loop3A_903 = vector.shape_cast %parallel_loop3A_893 : vector<16xf32> to vector<1x1x1x16xf32>
        tpu.vector_store %arg6[%parallel_loop3A_897, %parallel_loop3A_898, %parallel_loop3A_899, %parallel_loop3A_900], %parallel_loop3A_903 {add = true, strides = array<i32>} : memref<2x4x8x1024xf32, #tpu.memory_space<vmem>>, vector<1x1x1x16xf32>,
      } {sc.loop_unroll_factor = 8 : i64, sc.parallel_access}
      %parallel_loop3A_345 = arith.constant 0 : i32
      %parallel_loop3A_346 = arith.constant 1024 : i32
      %parallel_loop3A_347 = arith.constant 16 : i32
      scf.for %parallel_loop3A_886 = %parallel_loop3A_345 to %parallel_loop3A_346 step %parallel_loop3A_347  : i32 {
        %parallel_loop3A_887 = arith.constant 0 : i32
        %parallel_loop3A_888 = arith.constant 5 : i32
        %parallel_loop3A_889 = arith.index_cast %parallel_loop3A_887 : i32 to index
        %parallel_loop3A_890 = arith.index_cast %parallel_loop3A_888 : i32 to index
        %parallel_loop3A_891 = arith.index_cast %parallel_loop3A_886 : i32 to index
        %parallel_loop3A_892 = tpu.vector_load %arg5[%parallel_loop3A_889, %parallel_loop3A_890, %parallel_loop3A_891] {strides = array<i32>} : memref<2x8x1024xf32, #tpu.memory_space<vmem>>, vector<1x1x16xf32>,
        %parallel_loop3A_893 = vector.shape_cast %parallel_loop3A_892 : vector<1x1x16xf32> to vector<16xf32>
        %parallel_loop3A_894 = arith.constant 0 : i32
        %parallel_loop3A_895 = arith.constant 0 : i32
        %parallel_loop3A_896 = arith.constant 5 : i32
        %parallel_loop3A_897 = arith.index_cast %parallel_loop3A_894 : i32 to index
        %parallel_loop3A_898 = arith.index_cast %parallel_loop3A_895 : i32 to index
        %parallel_loop3A_899 = arith.index_cast %parallel_loop3A_896 : i32 to index
        %parallel_loop3A_900 = arith.index_cast %parallel_loop3A_886 : i32 to index
        %parallel_loop3A_901 = tpu.vector_load %arg6[%parallel_loop3A_897, %parallel_loop3A_898, %parallel_loop3A_899, %parallel_loop3A_900] {strides = array<i32>} : memref<2x4x8x1024xf32, #tpu.memory_space<vmem>>, vector<1x1x1x16xf32>,
        %parallel_loop3A_902 = vector.shape_cast %parallel_loop3A_901 : vector<1x1x1x16xf32> to vector<16xf32>
        %parallel_loop3A_903 = vector.shape_cast %parallel_loop3A_893 : vector<16xf32> to vector<1x1x1x16xf32>
        tpu.vector_store %arg6[%parallel_loop3A_897, %parallel_loop3A_898, %parallel_loop3A_899, %parallel_loop3A_900], %parallel_loop3A_903 {add = true, strides = array<i32>} : memref<2x4x8x1024xf32, #tpu.memory_space<vmem>>, vector<1x1x1x16xf32>,
      } {sc.loop_unroll_factor = 8 : i64, sc.parallel_access}
      %parallel_loop3A_348 = arith.constant 0 : i32
      %parallel_loop3A_349 = arith.constant 1024 : i32
      %parallel_loop3A_350 = arith.constant 16 : i32
      scf.for %parallel_loop3A_886 = %parallel_loop3A_348 to %parallel_loop3A_349 step %parallel_loop3A_350  : i32 {
        %parallel_loop3A_887 = arith.constant 0 : i32
        %parallel_loop3A_888 = arith.constant 6 : i32
        %parallel_loop3A_889 = arith.index_cast %parallel_loop3A_887 : i32 to index
        %parallel_loop3A_890 = arith.index_cast %parallel_loop3A_888 : i32 to index
        %parallel_loop3A_891 = arith.index_cast %parallel_loop3A_886 : i32 to index
        %parallel_loop3A_892 = tpu.vector_load %arg5[%parallel_loop3A_889, %parallel_loop3A_890, %parallel_loop3A_891] {strides = array<i32>} : memref<2x8x1024xf32, #tpu.memory_space<vmem>>, vector<1x1x16xf32>,
        %parallel_loop3A_893 = vector.shape_cast %parallel_loop3A_892 : vector<1x1x16xf32> to vector<16xf32>
        %parallel_loop3A_894 = arith.constant 0 : i32
        %parallel_loop3A_895 = arith.constant 0 : i32
        %parallel_loop3A_896 = arith.constant 6 : i32
        %parallel_loop3A_897 = arith.index_cast %parallel_loop3A_894 : i32 to index
        %parallel_loop3A_898 = arith.index_cast %parallel_loop3A_895 : i32 to index
        %parallel_loop3A_899 = arith.index_cast %parallel_loop3A_896 : i32 to index
        %parallel_loop3A_900 = arith.index_cast %parallel_loop3A_886 : i32 to index
        %parallel_loop3A_901 = tpu.vector_load %arg6[%parallel_loop3A_897, %parallel_loop3A_898, %parallel_loop3A_899, %parallel_loop3A_900] {strides = array<i32>} : memref<2x4x8x1024xf32, #tpu.memory_space<vmem>>, vector<1x1x1x16xf32>,
        %parallel_loop3A_902 = vector.shape_cast %parallel_loop3A_901 : vector<1x1x1x16xf32> to vector<16xf32>
        %parallel_loop3A_903 = vector.shape_cast %parallel_loop3A_893 : vector<16xf32> to vector<1x1x1x16xf32>
        tpu.vector_store %arg6[%parallel_loop3A_897, %parallel_loop3A_898, %parallel_loop3A_899, %parallel_loop3A_900], %parallel_loop3A_903 {add = true, strides = array<i32>} : memref<2x4x8x1024xf32, #tpu.memory_space<vmem>>, vector<1x1x1x16xf32>,
      } {sc.loop_unroll_factor = 8 : i64, sc.parallel_access}
      %parallel_loop3A_351 = arith.constant 0 : i32
      %parallel_loop3A_352 = arith.constant 1024 : i32
      %parallel_loop3A_353 = arith.constant 16 : i32
      scf.for %parallel_loop3A_886 = %parallel_loop3A_351 to %parallel_loop3A_352 step %parallel_loop3A_353  : i32 {
        %parallel_loop3A_887 = arith.constant 0 : i32
        %parallel_loop3A_888 = arith.constant 7 : i32
        %parallel_loop3A_889 = arith.index_cast %parallel_loop3A_887 : i32 to index
        %parallel_loop3A_890 = arith.index_cast %parallel_loop3A_888 : i32 to index
        %parallel_loop3A_891 = arith.index_cast %parallel_loop3A_886 : i32 to index
        %parallel_loop3A_892 = tpu.vector_load %arg5[%parallel_loop3A_889, %parallel_loop3A_890, %parallel_loop3A_891] {strides = array<i32>} : memref<2x8x1024xf32, #tpu.memory_space<vmem>>, vector<1x1x16xf32>,
        %parallel_loop3A_893 = vector.shape_cast %parallel_loop3A_892 : vector<1x1x16xf32> to vector<16xf32>
        %parallel_loop3A_894 = arith.constant 0 : i32
        %parallel_loop3A_895 = arith.constant 0 : i32
        %parallel_loop3A_896 = arith.constant 7 : i32
        %parallel_loop3A_897 = arith.index_cast %parallel_loop3A_894 : i32 to index
        %parallel_loop3A_898 = arith.index_cast %parallel_loop3A_895 : i32 to index
        %parallel_loop3A_899 = arith.index_cast %parallel_loop3A_896 : i32 to index
        %parallel_loop3A_900 = arith.index_cast %parallel_loop3A_886 : i32 to index
        %parallel_loop3A_901 = tpu.vector_load %arg6[%parallel_loop3A_897, %parallel_loop3A_898, %parallel_loop3A_899, %parallel_loop3A_900] {strides = array<i32>} : memref<2x4x8x1024xf32, #tpu.memory_space<vmem>>, vector<1x1x1x16xf32>,
        %parallel_loop3A_902 = vector.shape_cast %parallel_loop3A_901 : vector<1x1x1x16xf32> to vector<16xf32>
        %parallel_loop3A_903 = vector.shape_cast %parallel_loop3A_893 : vector<16xf32> to vector<1x1x1x16xf32>
        tpu.vector_store %arg6[%parallel_loop3A_897, %parallel_loop3A_898, %parallel_loop3A_899, %parallel_loop3A_900], %parallel_loop3A_903 {add = true, strides = array<i32>} : memref<2x4x8x1024xf32, #tpu.memory_space<vmem>>, vector<1x1x1x16xf32>,
      } {sc.loop_unroll_factor = 8 : i64, sc.parallel_access}
      %mul3A_354 = arith.constant 8 : i32
      %mul3A_355 = arith.muli %add3A_289, %mul3A_354 : i32
      %add3A_356 = arith.addi %mul3A_2, %mul3A_355 : i32
      %dma_start3A_357 = arith.constant 0 : i32
      %dma_start3A_358 = arith.constant 0 : i32
      %dma_start3A_359 = arith.constant 0 : i32
      %dma_start3A_360 = arith.constant 0 : i32
      %dma_start3A_361 = arith.constant 0 : i32
      %dma_start3A_362 = arith.constant 0 : i32
      %dma_start3A_363 = arith.constant 0 : i32
      %dma_start3A_364 = tpu.memref_slice %arg6[%dma_start3A_357, %dma_start3A_358, %dma_start3A_362, %dma_start3A_363] : memref<2x4x8x1024xf32, #tpu.memory_space<vmem>> -> memref<1x1x8x1024xf32, #tpu.memory_space<vmem>>
      %dma_start3A_365 = tpu.memref_squeeze %dma_start3A_364 : memref<1x1x8x1024xf32, #tpu.memory_space<vmem>> -> memref<8x1024xf32, #tpu.memory_space<vmem>>
      %dma_start3A_366 = arith.constant 0 : i32
      %dma_start3A_367 = tpu.memref_slice %arg4[%dma_start3A_359, %add3A_356, %dma_start3A_366] : memref<4x8192x1024xf32, #tpu.memory_space<hbm>> -> memref<1x8x1024xf32, #tpu.memory_space<hbm>>
      %dma_start3A_368 = tpu.memref_squeeze %dma_start3A_367 : memref<1x8x1024xf32, #tpu.memory_space<hbm>> -> memref<8x1024xf32, #tpu.memory_space<hbm>>
      %dma_start3A_369 = tpu.memref_slice %arg9[%dma_start3A_360, %dma_start3A_361] : memref<2x4x!tpu.dma_semaphore, #tpu.memory_space<semaphore_mem>> -> memref<1x1x!tpu.dma_semaphore, #tpu.memory_space<semaphore_mem>>
      %dma_start3A_370 = tpu.memref_squeeze %dma_start3A_369 : memref<1x1x!tpu.dma_semaphore, #tpu.memory_space<semaphore_mem>> -> memref<!tpu.dma_semaphore, #tpu.memory_space<semaphore_mem>>
      %dma_start3A_371 = arith.constant 0 : i32
      %dma_start3A_372 = tpu.memref_slice %arg4[%dma_start3A_359, %add3A_356, %dma_start3A_371] : memref<4x8192x1024xf32, #tpu.memory_space<hbm>> -> memref<1x8x1024xf32, #tpu.memory_space<hbm>>
      %dma_start3A_373 = tpu.memref_squeeze %dma_start3A_372 : memref<1x8x1024xf32, #tpu.memory_space<hbm>> -> memref<8x1024xf32, #tpu.memory_space<hbm>>
      %dma_start3A_374 = arith.constant 0 : i32
      %dma_start3A_375 = arith.constant 0 : i32
      %dma_start3A_376 = tpu.memref_slice %arg6[%dma_start3A_357, %dma_start3A_358, %dma_start3A_374, %dma_start3A_375] : memref<2x4x8x1024xf32, #tpu.memory_space<vmem>> -> memref<1x1x8x1024xf32, #tpu.memory_space<vmem>>
      %dma_start3A_377 = tpu.memref_squeeze %dma_start3A_376 : memref<1x1x8x1024xf32, #tpu.memory_space<vmem>> -> memref<8x1024xf32, #tpu.memory_space<vmem>>
      tpu.enqueue_dma source(%dma_start3A_377 : memref<8x1024xf32, #tpu.memory_space<vmem>>) target(%dma_start3A_373 : memref<8x1024xf32, #tpu.memory_space<hbm>>) target_semaphore(%dma_start3A_370 : memref<!tpu.dma_semaphore, #tpu.memory_space<semaphore_mem>>)
      %dma_wait3A_378 = arith.constant 1 : i32
      %dma_wait3A_379 = arith.constant 0 : i32
      %dma_wait3A_380 = arith.constant 1 : i32
      %dma_wait3A_381 = arith.constant 0 : i32
      %dma_wait3A_382 = arith.constant 1 : i32
      %dma_wait3A_383 = arith.constant 0 : i32
      %dma_wait3A_384 = arith.constant 0 : i32
      %dma_wait3A_385 = tpu.memref_slice %arg6[%dma_wait3A_379, %dma_wait3A_380, %dma_wait3A_383, %dma_wait3A_384] : memref<2x4x8x1024xf32, #tpu.memory_space<vmem>> -> memref<1x1x8x1024xf32, #tpu.memory_space<vmem>>
      %dma_wait3A_386 = tpu.memref_squeeze %dma_wait3A_385 : memref<1x1x8x1024xf32, #tpu.memory_space<vmem>> -> memref<8x1024xf32, #tpu.memory_space<vmem>>
      %dma_wait3A_387 = arith.constant 0 : i32
      %dma_wait3A_388 = tpu.memref_slice %arg2[%dma_wait3A_378, %mul3A_2, %dma_wait3A_387] : memref<4x8192x1024xf32, #tpu.memory_space<hbm>> -> memref<1x8x1024xf32, #tpu.memory_space<hbm>>
      %dma_wait3A_389 = tpu.memref_squeeze %dma_wait3A_388 : memref<1x8x1024xf32, #tpu.memory_space<hbm>> -> memref<8x1024xf32, #tpu.memory_space<hbm>>
      %dma_wait3A_390 = tpu.memref_slice %arg8[%dma_wait3A_381, %dma_wait3A_382] : memref<2x4x!tpu.dma_semaphore, #tpu.memory_space<semaphore_mem>> -> memref<1x1x!tpu.dma_semaphore, #tpu.memory_space<semaphore_mem>>
      %dma_wait3A_391 = tpu.memref_squeeze %dma_wait3A_390 : memref<1x1x!tpu.dma_semaphore, #tpu.memory_space<semaphore_mem>> -> memref<!tpu.dma_semaphore, #tpu.memory_space<semaphore_mem>>
      %dma_wait3A_392 = arith.constant 0 : i32
      %dma_wait3A_393 = arith.constant 0 : i32
      %dma_wait3A_394 = tpu.memref_slice %arg6[%dma_wait3A_379, %dma_wait3A_380, %dma_wait3A_392, %dma_wait3A_393] : memref<2x4x8x1024xf32, #tpu.memory_space<vmem>> -> memref<1x1x8x1024xf32, #tpu.memory_space<vmem>>
      %dma_wait3A_395 = tpu.memref_squeeze %dma_wait3A_394 : memref<1x1x8x1024xf32, #tpu.memory_space<vmem>> -> memref<8x1024xf32, #tpu.memory_space<vmem>>
      %dma_wait3A_396 = arith.constant 0 : i32
      %dma_wait3A_397 = tpu.memref_slice %arg2[%dma_wait3A_378, %mul3A_2, %dma_wait3A_396] : memref<4x8192x1024xf32, #tpu.memory_space<hbm>> -> memref<1x8x1024xf32, #tpu.memory_space<hbm>>
      %dma_wait3A_398 = tpu.memref_squeeze %dma_wait3A_397 : memref<1x8x1024xf32, #tpu.memory_space<hbm>> -> memref<8x1024xf32, #tpu.memory_space<hbm>>
      tpu.wait_dma2 semaphore(%dma_wait3A_391 : memref<!tpu.dma_semaphore, #tpu.memory_space<semaphore_mem>>) src(%dma_wait3A_398 : memref<8x1024xf32, #tpu.memory_space<hbm>>) dst(%dma_wait3A_395 : memref<8x1024xf32, #tpu.memory_space<vmem>>)
      %parallel_loop3A_399 = arith.constant 0 : i32
      %parallel_loop3A_400 = arith.constant 1024 : i32
      %parallel_loop3A_401 = arith.constant 16 : i32
      scf.for %parallel_loop3A_886 = %parallel_loop3A_399 to %parallel_loop3A_400 step %parallel_loop3A_401  : i32 {
        %parallel_loop3A_887 = arith.constant 0 : i32
        %parallel_loop3A_888 = arith.constant 0 : i32
        %parallel_loop3A_889 = arith.index_cast %parallel_loop3A_887 : i32 to index
        %parallel_loop3A_890 = arith.index_cast %parallel_loop3A_888 : i32 to index
        %parallel_loop3A_891 = arith.index_cast %parallel_loop3A_886 : i32 to index
        %parallel_loop3A_892 = tpu.vector_load %arg5[%parallel_loop3A_889, %parallel_loop3A_890, %parallel_loop3A_891] {strides = array<i32>} : memref<2x8x1024xf32, #tpu.memory_space<vmem>>, vector<1x1x16xf32>,
        %parallel_loop3A_893 = vector.shape_cast %parallel_loop3A_892 : vector<1x1x16xf32> to vector<16xf32>
        %parallel_loop3A_894 = arith.constant 0 : i32
        %parallel_loop3A_895 = arith.constant 1 : i32
        %parallel_loop3A_896 = arith.constant 0 : i32
        %parallel_loop3A_897 = arith.index_cast %parallel_loop3A_894 : i32 to index
        %parallel_loop3A_898 = arith.index_cast %parallel_loop3A_895 : i32 to index
        %parallel_loop3A_899 = arith.index_cast %parallel_loop3A_896 : i32 to index
        %parallel_loop3A_900 = arith.index_cast %parallel_loop3A_886 : i32 to index
        %parallel_loop3A_901 = tpu.vector_load %arg6[%parallel_loop3A_897, %parallel_loop3A_898, %parallel_loop3A_899, %parallel_loop3A_900] {strides = array<i32>} : memref<2x4x8x1024xf32, #tpu.memory_space<vmem>>, vector<1x1x1x16xf32>,
        %parallel_loop3A_902 = vector.shape_cast %parallel_loop3A_901 : vector<1x1x1x16xf32> to vector<16xf32>
        %parallel_loop3A_903 = vector.shape_cast %parallel_loop3A_893 : vector<16xf32> to vector<1x1x1x16xf32>
        tpu.vector_store %arg6[%parallel_loop3A_897, %parallel_loop3A_898, %parallel_loop3A_899, %parallel_loop3A_900], %parallel_loop3A_903 {add = true, strides = array<i32>} : memref<2x4x8x1024xf32, #tpu.memory_space<vmem>>, vector<1x1x1x16xf32>,
      } {sc.loop_unroll_factor = 8 : i64, sc.parallel_access}
      %parallel_loop3A_402 = arith.constant 0 : i32
      %parallel_loop3A_403 = arith.constant 1024 : i32
      %parallel_loop3A_404 = arith.constant 16 : i32
      scf.for %parallel_loop3A_886 = %parallel_loop3A_402 to %parallel_loop3A_403 step %parallel_loop3A_404  : i32 {
        %parallel_loop3A_887 = arith.constant 0 : i32
        %parallel_loop3A_888 = arith.constant 1 : i32
        %parallel_loop3A_889 = arith.index_cast %parallel_loop3A_887 : i32 to index
        %parallel_loop3A_890 = arith.index_cast %parallel_loop3A_888 : i32 to index
        %parallel_loop3A_891 = arith.index_cast %parallel_loop3A_886 : i32 to index
        %parallel_loop3A_892 = tpu.vector_load %arg5[%parallel_loop3A_889, %parallel_loop3A_890, %parallel_loop3A_891] {strides = array<i32>} : memref<2x8x1024xf32, #tpu.memory_space<vmem>>, vector<1x1x16xf32>,
        %parallel_loop3A_893 = vector.shape_cast %parallel_loop3A_892 : vector<1x1x16xf32> to vector<16xf32>
        %parallel_loop3A_894 = arith.constant 0 : i32
        %parallel_loop3A_895 = arith.constant 1 : i32
        %parallel_loop3A_896 = arith.constant 1 : i32
        %parallel_loop3A_897 = arith.index_cast %parallel_loop3A_894 : i32 to index
        %parallel_loop3A_898 = arith.index_cast %parallel_loop3A_895 : i32 to index
        %parallel_loop3A_899 = arith.index_cast %parallel_loop3A_896 : i32 to index
        %parallel_loop3A_900 = arith.index_cast %parallel_loop3A_886 : i32 to index
        %parallel_loop3A_901 = tpu.vector_load %arg6[%parallel_loop3A_897, %parallel_loop3A_898, %parallel_loop3A_899, %parallel_loop3A_900] {strides = array<i32>} : memref<2x4x8x1024xf32, #tpu.memory_space<vmem>>, vector<1x1x1x16xf32>,
        %parallel_loop3A_902 = vector.shape_cast %parallel_loop3A_901 : vector<1x1x1x16xf32> to vector<16xf32>
        %parallel_loop3A_903 = vector.shape_cast %parallel_loop3A_893 : vector<16xf32> to vector<1x1x1x16xf32>
        tpu.vector_store %arg6[%parallel_loop3A_897, %parallel_loop3A_898, %parallel_loop3A_899, %parallel_loop3A_900], %parallel_loop3A_903 {add = true, strides = array<i32>} : memref<2x4x8x1024xf32, #tpu.memory_space<vmem>>, vector<1x1x1x16xf32>,
      } {sc.loop_unroll_factor = 8 : i64, sc.parallel_access}
      %parallel_loop3A_405 = arith.constant 0 : i32
      %parallel_loop3A_406 = arith.constant 1024 : i32
      %parallel_loop3A_407 = arith.constant 16 : i32
      scf.for %parallel_loop3A_886 = %parallel_loop3A_405 to %parallel_loop3A_406 step %parallel_loop3A_407  : i32 {
        %parallel_loop3A_887 = arith.constant 0 : i32
        %parallel_loop3A_888 = arith.constant 2 : i32
        %parallel_loop3A_889 = arith.index_cast %parallel_loop3A_887 : i32 to index
        %parallel_loop3A_890 = arith.index_cast %parallel_loop3A_888 : i32 to index
        %parallel_loop3A_891 = arith.index_cast %parallel_loop3A_886 : i32 to index
        %parallel_loop3A_892 = tpu.vector_load %arg5[%parallel_loop3A_889, %parallel_loop3A_890, %parallel_loop3A_891] {strides = array<i32>} : memref<2x8x1024xf32, #tpu.memory_space<vmem>>, vector<1x1x16xf32>,
        %parallel_loop3A_893 = vector.shape_cast %parallel_loop3A_892 : vector<1x1x16xf32> to vector<16xf32>
        %parallel_loop3A_894 = arith.constant 0 : i32
        %parallel_loop3A_895 = arith.constant 1 : i32
        %parallel_loop3A_896 = arith.constant 2 : i32
        %parallel_loop3A_897 = arith.index_cast %parallel_loop3A_894 : i32 to index
        %parallel_loop3A_898 = arith.index_cast %parallel_loop3A_895 : i32 to index
        %parallel_loop3A_899 = arith.index_cast %parallel_loop3A_896 : i32 to index
        %parallel_loop3A_900 = arith.index_cast %parallel_loop3A_886 : i32 to index
        %parallel_loop3A_901 = tpu.vector_load %arg6[%parallel_loop3A_897, %parallel_loop3A_898, %parallel_loop3A_899, %parallel_loop3A_900] {strides = array<i32>} : memref<2x4x8x1024xf32, #tpu.memory_space<vmem>>, vector<1x1x1x16xf32>,
        %parallel_loop3A_902 = vector.shape_cast %parallel_loop3A_901 : vector<1x1x1x16xf32> to vector<16xf32>
        %parallel_loop3A_903 = vector.shape_cast %parallel_loop3A_893 : vector<16xf32> to vector<1x1x1x16xf32>
        tpu.vector_store %arg6[%parallel_loop3A_897, %parallel_loop3A_898, %parallel_loop3A_899, %parallel_loop3A_900], %parallel_loop3A_903 {add = true, strides = array<i32>} : memref<2x4x8x1024xf32, #tpu.memory_space<vmem>>, vector<1x1x1x16xf32>,
      } {sc.loop_unroll_factor = 8 : i64, sc.parallel_access}
      %parallel_loop3A_408 = arith.constant 0 : i32
      %parallel_loop3A_409 = arith.constant 1024 : i32
      %parallel_loop3A_410 = arith.constant 16 : i32
      scf.for %parallel_loop3A_886 = %parallel_loop3A_408 to %parallel_loop3A_409 step %parallel_loop3A_410  : i32 {
        %parallel_loop3A_887 = arith.constant 0 : i32
        %parallel_loop3A_888 = arith.constant 3 : i32
        %parallel_loop3A_889 = arith.index_cast %parallel_loop3A_887 : i32 to index
        %parallel_loop3A_890 = arith.index_cast %parallel_loop3A_888 : i32 to index
        %parallel_loop3A_891 = arith.index_cast %parallel_loop3A_886 : i32 to index
        %parallel_loop3A_892 = tpu.vector_load %arg5[%parallel_loop3A_889, %parallel_loop3A_890, %parallel_loop3A_891] {strides = array<i32>} : memref<2x8x1024xf32, #tpu.memory_space<vmem>>, vector<1x1x16xf32>,
        %parallel_loop3A_893 = vector.shape_cast %parallel_loop3A_892 : vector<1x1x16xf32> to vector<16xf32>
        %parallel_loop3A_894 = arith.constant 0 : i32
        %parallel_loop3A_895 = arith.constant 1 : i32
        %parallel_loop3A_896 = arith.constant 3 : i32
        %parallel_loop3A_897 = arith.index_cast %parallel_loop3A_894 : i32 to index
        %parallel_loop3A_898 = arith.index_cast %parallel_loop3A_895 : i32 to index
        %parallel_loop3A_899 = arith.index_cast %parallel_loop3A_896 : i32 to index
        %parallel_loop3A_900 = arith.index_cast %parallel_loop3A_886 : i32 to index
        %parallel_loop3A_901 = tpu.vector_load %arg6[%parallel_loop3A_897, %parallel_loop3A_898, %parallel_loop3A_899, %parallel_loop3A_900] {strides = array<i32>} : memref<2x4x8x1024xf32, #tpu.memory_space<vmem>>, vector<1x1x1x16xf32>,
        %parallel_loop3A_902 = vector.shape_cast %parallel_loop3A_901 : vector<1x1x1x16xf32> to vector<16xf32>
        %parallel_loop3A_903 = vector.shape_cast %parallel_loop3A_893 : vector<16xf32> to vector<1x1x1x16xf32>
        tpu.vector_store %arg6[%parallel_loop3A_897, %parallel_loop3A_898, %parallel_loop3A_899, %parallel_loop3A_900], %parallel_loop3A_903 {add = true, strides = array<i32>} : memref<2x4x8x1024xf32, #tpu.memory_space<vmem>>, vector<1x1x1x16xf32>,
      } {sc.loop_unroll_factor = 8 : i64, sc.parallel_access}
      %parallel_loop3A_411 = arith.constant 0 : i32
      %parallel_loop3A_412 = arith.constant 1024 : i32
      %parallel_loop3A_413 = arith.constant 16 : i32
      scf.for %parallel_loop3A_886 = %parallel_loop3A_411 to %parallel_loop3A_412 step %parallel_loop3A_413  : i32 {
        %parallel_loop3A_887 = arith.constant 0 : i32
        %parallel_loop3A_888 = arith.constant 4 : i32
        %parallel_loop3A_889 = arith.index_cast %parallel_loop3A_887 : i32 to index
        %parallel_loop3A_890 = arith.index_cast %parallel_loop3A_888 : i32 to index
        %parallel_loop3A_891 = arith.index_cast %parallel_loop3A_886 : i32 to index
        %parallel_loop3A_892 = tpu.vector_load %arg5[%parallel_loop3A_889, %parallel_loop3A_890, %parallel_loop3A_891] {strides = array<i32>} : memref<2x8x1024xf32, #tpu.memory_space<vmem>>, vector<1x1x16xf32>,
        %parallel_loop3A_893 = vector.shape_cast %parallel_loop3A_892 : vector<1x1x16xf32> to vector<16xf32>
        %parallel_loop3A_894 = arith.constant 0 : i32
        %parallel_loop3A_895 = arith.constant 1 : i32
        %parallel_loop3A_896 = arith.constant 4 : i32
        %parallel_loop3A_897 = arith.index_cast %parallel_loop3A_894 : i32 to index
        %parallel_loop3A_898 = arith.index_cast %parallel_loop3A_895 : i32 to index
        %parallel_loop3A_899 = arith.index_cast %parallel_loop3A_896 : i32 to index
        %parallel_loop3A_900 = arith.index_cast %parallel_loop3A_886 : i32 to index
        %parallel_loop3A_901 = tpu.vector_load %arg6[%parallel_loop3A_897, %parallel_loop3A_898, %parallel_loop3A_899, %parallel_loop3A_900] {strides = array<i32>} : memref<2x4x8x1024xf32, #tpu.memory_space<vmem>>, vector<1x1x1x16xf32>,
        %parallel_loop3A_902 = vector.shape_cast %parallel_loop3A_901 : vector<1x1x1x16xf32> to vector<16xf32>
        %parallel_loop3A_903 = vector.shape_cast %parallel_loop3A_893 : vector<16xf32> to vector<1x1x1x16xf32>
        tpu.vector_store %arg6[%parallel_loop3A_897, %parallel_loop3A_898, %parallel_loop3A_899, %parallel_loop3A_900], %parallel_loop3A_903 {add = true, strides = array<i32>} : memref<2x4x8x1024xf32, #tpu.memory_space<vmem>>, vector<1x1x1x16xf32>,
      } {sc.loop_unroll_factor = 8 : i64, sc.parallel_access}
      %parallel_loop3A_414 = arith.constant 0 : i32
      %parallel_loop3A_415 = arith.constant 1024 : i32
      %parallel_loop3A_416 = arith.constant 16 : i32
      scf.for %parallel_loop3A_886 = %parallel_loop3A_414 to %parallel_loop3A_415 step %parallel_loop3A_416  : i32 {
        %parallel_loop3A_887 = arith.constant 0 : i32
        %parallel_loop3A_888 = arith.constant 5 : i32
        %parallel_loop3A_889 = arith.index_cast %parallel_loop3A_887 : i32 to index
        %parallel_loop3A_890 = arith.index_cast %parallel_loop3A_888 : i32 to index
        %parallel_loop3A_891 = arith.index_cast %parallel_loop3A_886 : i32 to index
        %parallel_loop3A_892 = tpu.vector_load %arg5[%parallel_loop3A_889, %parallel_loop3A_890, %parallel_loop3A_891] {strides = array<i32>} : memref<2x8x1024xf32, #tpu.memory_space<vmem>>, vector<1x1x16xf32>,
        %parallel_loop3A_893 = vector.shape_cast %parallel_loop3A_892 : vector<1x1x16xf32> to vector<16xf32>
        %parallel_loop3A_894 = arith.constant 0 : i32
        %parallel_loop3A_895 = arith.constant 1 : i32
        %parallel_loop3A_896 = arith.constant 5 : i32
        %parallel_loop3A_897 = arith.index_cast %parallel_loop3A_894 : i32 to index
        %parallel_loop3A_898 = arith.index_cast %parallel_loop3A_895 : i32 to index
        %parallel_loop3A_899 = arith.index_cast %parallel_loop3A_896 : i32 to index
        %parallel_loop3A_900 = arith.index_cast %parallel_loop3A_886 : i32 to index
        %parallel_loop3A_901 = tpu.vector_load %arg6[%parallel_loop3A_897, %parallel_loop3A_898, %parallel_loop3A_899, %parallel_loop3A_900] {strides = array<i32>} : memref<2x4x8x1024xf32, #tpu.memory_space<vmem>>, vector<1x1x1x16xf32>,
        %parallel_loop3A_902 = vector.shape_cast %parallel_loop3A_901 : vector<1x1x1x16xf32> to vector<16xf32>
        %parallel_loop3A_903 = vector.shape_cast %parallel_loop3A_893 : vector<16xf32> to vector<1x1x1x16xf32>
        tpu.vector_store %arg6[%parallel_loop3A_897, %parallel_loop3A_898, %parallel_loop3A_899, %parallel_loop3A_900], %parallel_loop3A_903 {add = true, strides = array<i32>} : memref<2x4x8x1024xf32, #tpu.memory_space<vmem>>, vector<1x1x1x16xf32>,
      } {sc.loop_unroll_factor = 8 : i64, sc.parallel_access}
      %parallel_loop3A_417 = arith.constant 0 : i32
      %parallel_loop3A_418 = arith.constant 1024 : i32
      %parallel_loop3A_419 = arith.constant 16 : i32
      scf.for %parallel_loop3A_886 = %parallel_loop3A_417 to %parallel_loop3A_418 step %parallel_loop3A_419  : i32 {
        %parallel_loop3A_887 = arith.constant 0 : i32
        %parallel_loop3A_888 = arith.constant 6 : i32
        %parallel_loop3A_889 = arith.index_cast %parallel_loop3A_887 : i32 to index
        %parallel_loop3A_890 = arith.index_cast %parallel_loop3A_888 : i32 to index
        %parallel_loop3A_891 = arith.index_cast %parallel_loop3A_886 : i32 to index
        %parallel_loop3A_892 = tpu.vector_load %arg5[%parallel_loop3A_889, %parallel_loop3A_890, %parallel_loop3A_891] {strides = array<i32>} : memref<2x8x1024xf32, #tpu.memory_space<vmem>>, vector<1x1x16xf32>,
        %parallel_loop3A_893 = vector.shape_cast %parallel_loop3A_892 : vector<1x1x16xf32> to vector<16xf32>
        %parallel_loop3A_894 = arith.constant 0 : i32
        %parallel_loop3A_895 = arith.constant 1 : i32
        %parallel_loop3A_896 = arith.constant 6 : i32
        %parallel_loop3A_897 = arith.index_cast %parallel_loop3A_894 : i32 to index
        %parallel_loop3A_898 = arith.index_cast %parallel_loop3A_895 : i32 to index
        %parallel_loop3A_899 = arith.index_cast %parallel_loop3A_896 : i32 to index
        %parallel_loop3A_900 = arith.index_cast %parallel_loop3A_886 : i32 to index
        %parallel_loop3A_901 = tpu.vector_load %arg6[%parallel_loop3A_897, %parallel_loop3A_898, %parallel_loop3A_899, %parallel_loop3A_900] {strides = array<i32>} : memref<2x4x8x1024xf32, #tpu.memory_space<vmem>>, vector<1x1x1x16xf32>,
        %parallel_loop3A_902 = vector.shape_cast %parallel_loop3A_901 : vector<1x1x1x16xf32> to vector<16xf32>
        %parallel_loop3A_903 = vector.shape_cast %parallel_loop3A_893 : vector<16xf32> to vector<1x1x1x16xf32>
        tpu.vector_store %arg6[%parallel_loop3A_897, %parallel_loop3A_898, %parallel_loop3A_899, %parallel_loop3A_900], %parallel_loop3A_903 {add = true, strides = array<i32>} : memref<2x4x8x1024xf32, #tpu.memory_space<vmem>>, vector<1x1x1x16xf32>,
      } {sc.loop_unroll_factor = 8 : i64, sc.parallel_access}
      %parallel_loop3A_420 = arith.constant 0 : i32
      %parallel_loop3A_421 = arith.constant 1024 : i32
      %parallel_loop3A_422 = arith.constant 16 : i32
      scf.for %parallel_loop3A_886 = %parallel_loop3A_420 to %parallel_loop3A_421 step %parallel_loop3A_422  : i32 {
        %parallel_loop3A_887 = arith.constant 0 : i32
        %parallel_loop3A_888 = arith.constant 7 : i32
        %parallel_loop3A_889 = arith.index_cast %parallel_loop3A_887 : i32 to index
        %parallel_loop3A_890 = arith.index_cast %parallel_loop3A_888 : i32 to index
        %parallel_loop3A_891 = arith.index_cast %parallel_loop3A_886 : i32 to index
        %parallel_loop3A_892 = tpu.vector_load %arg5[%parallel_loop3A_889, %parallel_loop3A_890, %parallel_loop3A_891] {strides = array<i32>} : memref<2x8x1024xf32, #tpu.memory_space<vmem>>, vector<1x1x16xf32>,
        %parallel_loop3A_893 = vector.shape_cast %parallel_loop3A_892 : vector<1x1x16xf32> to vector<16xf32>
        %parallel_loop3A_894 = arith.constant 0 : i32
        %parallel_loop3A_895 = arith.constant 1 : i32
        %parallel_loop3A_896 = arith.constant 7 : i32
        %parallel_loop3A_897 = arith.index_cast %parallel_loop3A_894 : i32 to index
        %parallel_loop3A_898 = arith.index_cast %parallel_loop3A_895 : i32 to index
        %parallel_loop3A_899 = arith.index_cast %parallel_loop3A_896 : i32 to index
        %parallel_loop3A_900 = arith.index_cast %parallel_loop3A_886 : i32 to index
        %parallel_loop3A_901 = tpu.vector_load %arg6[%parallel_loop3A_897, %parallel_loop3A_898, %parallel_loop3A_899, %parallel_loop3A_900] {strides = array<i32>} : memref<2x4x8x1024xf32, #tpu.memory_space<vmem>>, vector<1x1x1x16xf32>,
        %parallel_loop3A_902 = vector.shape_cast %parallel_loop3A_901 : vector<1x1x1x16xf32> to vector<16xf32>
        %parallel_loop3A_903 = vector.shape_cast %parallel_loop3A_893 : vector<16xf32> to vector<1x1x1x16xf32>
        tpu.vector_store %arg6[%parallel_loop3A_897, %parallel_loop3A_898, %parallel_loop3A_899, %parallel_loop3A_900], %parallel_loop3A_903 {add = true, strides = array<i32>} : memref<2x4x8x1024xf32, #tpu.memory_space<vmem>>, vector<1x1x1x16xf32>,
      } {sc.loop_unroll_factor = 8 : i64, sc.parallel_access}
      %mul3A_423 = arith.constant 8 : i32
      %mul3A_424 = arith.muli %add3A_289, %mul3A_423 : i32
      %add3A_425 = arith.addi %mul3A_2, %mul3A_424 : i32
      %dma_start3A_426 = arith.constant 0 : i32
      %dma_start3A_427 = arith.constant 1 : i32
      %dma_start3A_428 = arith.constant 1 : i32
      %dma_start3A_429 = arith.constant 0 : i32
      %dma_start3A_430 = arith.constant 1 : i32
      %dma_start3A_431 = arith.constant 0 : i32
      %dma_start3A_432 = arith.constant 0 : i32
      %dma_start3A_433 = tpu.memref_slice %arg6[%dma_start3A_426, %dma_start3A_427, %dma_start3A_431, %dma_start3A_432] : memref<2x4x8x1024xf32, #tpu.memory_space<vmem>> -> memref<1x1x8x1024xf32, #tpu.memory_space<vmem>>
      %dma_start3A_434 = tpu.memref_squeeze %dma_start3A_433 : memref<1x1x8x1024xf32, #tpu.memory_space<vmem>> -> memref<8x1024xf32, #tpu.memory_space<vmem>>
      %dma_start3A_435 = arith.constant 0 : i32
      %dma_start3A_436 = tpu.memref_slice %arg4[%dma_start3A_428, %add3A_425, %dma_start3A_435] : memref<4x8192x1024xf32, #tpu.memory_space<hbm>> -> memref<1x8x1024xf32, #tpu.memory_space<hbm>>
      %dma_start3A_437 = tpu.memref_squeeze %dma_start3A_436 : memref<1x8x1024xf32, #tpu.memory_space<hbm>> -> memref<8x1024xf32, #tpu.memory_space<hbm>>
      %dma_start3A_438 = tpu.memref_slice %arg9[%dma_start3A_429, %dma_start3A_430] : memref<2x4x!tpu.dma_semaphore, #tpu.memory_space<semaphore_mem>> -> memref<1x1x!tpu.dma_semaphore, #tpu.memory_space<semaphore_mem>>
      %dma_start3A_439 = tpu.memref_squeeze %dma_start3A_438 : memref<1x1x!tpu.dma_semaphore, #tpu.memory_space<semaphore_mem>> -> memref<!tpu.dma_semaphore, #tpu.memory_space<semaphore_mem>>
      %dma_start3A_440 = arith.constant 0 : i32
      %dma_start3A_441 = tpu.memref_slice %arg4[%dma_start3A_428, %add3A_425, %dma_start3A_440] : memref<4x8192x1024xf32, #tpu.memory_space<hbm>> -> memref<1x8x1024xf32, #tpu.memory_space<hbm>>
      %dma_start3A_442 = tpu.memref_squeeze %dma_start3A_441 : memref<1x8x1024xf32, #tpu.memory_space<hbm>> -> memref<8x1024xf32, #tpu.memory_space<hbm>>
      %dma_start3A_443 = arith.constant 0 : i32
      %dma_start3A_444 = arith.constant 0 : i32
      %dma_start3A_445 = tpu.memref_slice %arg6[%dma_start3A_426, %dma_start3A_427, %dma_start3A_443, %dma_start3A_444] : memref<2x4x8x1024xf32, #tpu.memory_space<vmem>> -> memref<1x1x8x1024xf32, #tpu.memory_space<vmem>>
      %dma_start3A_446 = tpu.memref_squeeze %dma_start3A_445 : memref<1x1x8x1024xf32, #tpu.memory_space<vmem>> -> memref<8x1024xf32, #tpu.memory_space<vmem>>
      tpu.enqueue_dma source(%dma_start3A_446 : memref<8x1024xf32, #tpu.memory_space<vmem>>) target(%dma_start3A_442 : memref<8x1024xf32, #tpu.memory_space<hbm>>) target_semaphore(%dma_start3A_439 : memref<!tpu.dma_semaphore, #tpu.memory_space<semaphore_mem>>)
      %dma_wait3A_447 = arith.constant 2 : i32
      %dma_wait3A_448 = arith.constant 0 : i32
      %dma_wait3A_449 = arith.constant 2 : i32
      %dma_wait3A_450 = arith.constant 0 : i32
      %dma_wait3A_451 = arith.constant 2 : i32
      %dma_wait3A_452 = arith.constant 0 : i32
      %dma_wait3A_453 = arith.constant 0 : i32
      %dma_wait3A_454 = tpu.memref_slice %arg6[%dma_wait3A_448, %dma_wait3A_449, %dma_wait3A_452, %dma_wait3A_453] : memref<2x4x8x1024xf32, #tpu.memory_space<vmem>> -> memref<1x1x8x1024xf32, #tpu.memory_space<vmem>>
      %dma_wait3A_455 = tpu.memref_squeeze %dma_wait3A_454 : memref<1x1x8x1024xf32, #tpu.memory_space<vmem>> -> memref<8x1024xf32, #tpu.memory_space<vmem>>
      %dma_wait3A_456 = arith.constant 0 : i32
      %dma_wait3A_457 = tpu.memref_slice %arg2[%dma_wait3A_447, %mul3A_2, %dma_wait3A_456] : memref<4x8192x1024xf32, #tpu.memory_space<hbm>> -> memref<1x8x1024xf32, #tpu.memory_space<hbm>>
      %dma_wait3A_458 = tpu.memref_squeeze %dma_wait3A_457 : memref<1x8x1024xf32, #tpu.memory_space<hbm>> -> memref<8x1024xf32, #tpu.memory_space<hbm>>
      %dma_wait3A_459 = tpu.memref_slice %arg8[%dma_wait3A_450, %dma_wait3A_451] : memref<2x4x!tpu.dma_semaphore, #tpu.memory_space<semaphore_mem>> -> memref<1x1x!tpu.dma_semaphore, #tpu.memory_space<semaphore_mem>>
      %dma_wait3A_460 = tpu.memref_squeeze %dma_wait3A_459 : memref<1x1x!tpu.dma_semaphore, #tpu.memory_space<semaphore_mem>> -> memref<!tpu.dma_semaphore, #tpu.memory_space<semaphore_mem>>
      %dma_wait3A_461 = arith.constant 0 : i32
      %dma_wait3A_462 = arith.constant 0 : i32
      %dma_wait3A_463 = tpu.memref_slice %arg6[%dma_wait3A_448, %dma_wait3A_449, %dma_wait3A_461, %dma_wait3A_462] : memref<2x4x8x1024xf32, #tpu.memory_space<vmem>> -> memref<1x1x8x1024xf32, #tpu.memory_space<vmem>>
      %dma_wait3A_464 = tpu.memref_squeeze %dma_wait3A_463 : memref<1x1x8x1024xf32, #tpu.memory_space<vmem>> -> memref<8x1024xf32, #tpu.memory_space<vmem>>
      %dma_wait3A_465 = arith.constant 0 : i32
      %dma_wait3A_466 = tpu.memref_slice %arg2[%dma_wait3A_447, %mul3A_2, %dma_wait3A_465] : memref<4x8192x1024xf32, #tpu.memory_space<hbm>> -> memref<1x8x1024xf32, #tpu.memory_space<hbm>>
      %dma_wait3A_467 = tpu.memref_squeeze %dma_wait3A_466 : memref<1x8x1024xf32, #tpu.memory_space<hbm>> -> memref<8x1024xf32, #tpu.memory_space<hbm>>
      tpu.wait_dma2 semaphore(%dma_wait3A_460 : memref<!tpu.dma_semaphore, #tpu.memory_space<semaphore_mem>>) src(%dma_wait3A_467 : memref<8x1024xf32, #tpu.memory_space<hbm>>) dst(%dma_wait3A_464 : memref<8x1024xf32, #tpu.memory_space<vmem>>)
      %parallel_loop3A_468 = arith.constant 0 : i32
      %parallel_loop3A_469 = arith.constant 1024 : i32
      %parallel_loop3A_470 = arith.constant 16 : i32
      scf.for %parallel_loop3A_886 = %parallel_loop3A_468 to %parallel_loop3A_469 step %parallel_loop3A_470  : i32 {
        %parallel_loop3A_887 = arith.constant 0 : i32
        %parallel_loop3A_888 = arith.constant 0 : i32
        %parallel_loop3A_889 = arith.index_cast %parallel_loop3A_887 : i32 to index
        %parallel_loop3A_890 = arith.index_cast %parallel_loop3A_888 : i32 to index
        %parallel_loop3A_891 = arith.index_cast %parallel_loop3A_886 : i32 to index
        %parallel_loop3A_892 = tpu.vector_load %arg5[%parallel_loop3A_889, %parallel_loop3A_890, %parallel_loop3A_891] {strides = array<i32>} : memref<2x8x1024xf32, #tpu.memory_space<vmem>>, vector<1x1x16xf32>,
        %parallel_loop3A_893 = vector.shape_cast %parallel_loop3A_892 : vector<1x1x16xf32> to vector<16xf32>
        %parallel_loop3A_894 = arith.constant 0 : i32
        %parallel_loop3A_895 = arith.constant 2 : i32
        %parallel_loop3A_896 = arith.constant 0 : i32
        %parallel_loop3A_897 = arith.index_cast %parallel_loop3A_894 : i32 to index
        %parallel_loop3A_898 = arith.index_cast %parallel_loop3A_895 : i32 to index
        %parallel_loop3A_899 = arith.index_cast %parallel_loop3A_896 : i32 to index
        %parallel_loop3A_900 = arith.index_cast %parallel_loop3A_886 : i32 to index
        %parallel_loop3A_901 = tpu.vector_load %arg6[%parallel_loop3A_897, %parallel_loop3A_898, %parallel_loop3A_899, %parallel_loop3A_900] {strides = array<i32>} : memref<2x4x8x1024xf32, #tpu.memory_space<vmem>>, vector<1x1x1x16xf32>,
        %parallel_loop3A_902 = vector.shape_cast %parallel_loop3A_901 : vector<1x1x1x16xf32> to vector<16xf32>
        %parallel_loop3A_903 = vector.shape_cast %parallel_loop3A_893 : vector<16xf32> to vector<1x1x1x16xf32>
        tpu.vector_store %arg6[%parallel_loop3A_897, %parallel_loop3A_898, %parallel_loop3A_899, %parallel_loop3A_900], %parallel_loop3A_903 {add = true, strides = array<i32>} : memref<2x4x8x1024xf32, #tpu.memory_space<vmem>>, vector<1x1x1x16xf32>,
      } {sc.loop_unroll_factor = 8 : i64, sc.parallel_access}
      %parallel_loop3A_471 = arith.constant 0 : i32
      %parallel_loop3A_472 = arith.constant 1024 : i32
      %parallel_loop3A_473 = arith.constant 16 : i32
      scf.for %parallel_loop3A_886 = %parallel_loop3A_471 to %parallel_loop3A_472 step %parallel_loop3A_473  : i32 {
        %parallel_loop3A_887 = arith.constant 0 : i32
        %parallel_loop3A_888 = arith.constant 1 : i32
        %parallel_loop3A_889 = arith.index_cast %parallel_loop3A_887 : i32 to index
        %parallel_loop3A_890 = arith.index_cast %parallel_loop3A_888 : i32 to index
        %parallel_loop3A_891 = arith.index_cast %parallel_loop3A_886 : i32 to index
        %parallel_loop3A_892 = tpu.vector_load %arg5[%parallel_loop3A_889, %parallel_loop3A_890, %parallel_loop3A_891] {strides = array<i32>} : memref<2x8x1024xf32, #tpu.memory_space<vmem>>, vector<1x1x16xf32>,
        %parallel_loop3A_893 = vector.shape_cast %parallel_loop3A_892 : vector<1x1x16xf32> to vector<16xf32>
        %parallel_loop3A_894 = arith.constant 0 : i32
        %parallel_loop3A_895 = arith.constant 2 : i32
        %parallel_loop3A_896 = arith.constant 1 : i32
        %parallel_loop3A_897 = arith.index_cast %parallel_loop3A_894 : i32 to index
        %parallel_loop3A_898 = arith.index_cast %parallel_loop3A_895 : i32 to index
        %parallel_loop3A_899 = arith.index_cast %parallel_loop3A_896 : i32 to index
        %parallel_loop3A_900 = arith.index_cast %parallel_loop3A_886 : i32 to index
        %parallel_loop3A_901 = tpu.vector_load %arg6[%parallel_loop3A_897, %parallel_loop3A_898, %parallel_loop3A_899, %parallel_loop3A_900] {strides = array<i32>} : memref<2x4x8x1024xf32, #tpu.memory_space<vmem>>, vector<1x1x1x16xf32>,
        %parallel_loop3A_902 = vector.shape_cast %parallel_loop3A_901 : vector<1x1x1x16xf32> to vector<16xf32>
        %parallel_loop3A_903 = vector.shape_cast %parallel_loop3A_893 : vector<16xf32> to vector<1x1x1x16xf32>
        tpu.vector_store %arg6[%parallel_loop3A_897, %parallel_loop3A_898, %parallel_loop3A_899, %parallel_loop3A_900], %parallel_loop3A_903 {add = true, strides = array<i32>} : memref<2x4x8x1024xf32, #tpu.memory_space<vmem>>, vector<1x1x1x16xf32>,
      } {sc.loop_unroll_factor = 8 : i64, sc.parallel_access}
      %parallel_loop3A_474 = arith.constant 0 : i32
      %parallel_loop3A_475 = arith.constant 1024 : i32
      %parallel_loop3A_476 = arith.constant 16 : i32
      scf.for %parallel_loop3A_886 = %parallel_loop3A_474 to %parallel_loop3A_475 step %parallel_loop3A_476  : i32 {
        %parallel_loop3A_887 = arith.constant 0 : i32
        %parallel_loop3A_888 = arith.constant 2 : i32
        %parallel_loop3A_889 = arith.index_cast %parallel_loop3A_887 : i32 to index
        %parallel_loop3A_890 = arith.index_cast %parallel_loop3A_888 : i32 to index
        %parallel_loop3A_891 = arith.index_cast %parallel_loop3A_886 : i32 to index
        %parallel_loop3A_892 = tpu.vector_load %arg5[%parallel_loop3A_889, %parallel_loop3A_890, %parallel_loop3A_891] {strides = array<i32>} : memref<2x8x1024xf32, #tpu.memory_space<vmem>>, vector<1x1x16xf32>,
        %parallel_loop3A_893 = vector.shape_cast %parallel_loop3A_892 : vector<1x1x16xf32> to vector<16xf32>
        %parallel_loop3A_894 = arith.constant 0 : i32
        %parallel_loop3A_895 = arith.constant 2 : i32
        %parallel_loop3A_896 = arith.constant 2 : i32
        %parallel_loop3A_897 = arith.index_cast %parallel_loop3A_894 : i32 to index
        %parallel_loop3A_898 = arith.index_cast %parallel_loop3A_895 : i32 to index
        %parallel_loop3A_899 = arith.index_cast %parallel_loop3A_896 : i32 to index
        %parallel_loop3A_900 = arith.index_cast %parallel_loop3A_886 : i32 to index
        %parallel_loop3A_901 = tpu.vector_load %arg6[%parallel_loop3A_897, %parallel_loop3A_898, %parallel_loop3A_899, %parallel_loop3A_900] {strides = array<i32>} : memref<2x4x8x1024xf32, #tpu.memory_space<vmem>>, vector<1x1x1x16xf32>,
        %parallel_loop3A_902 = vector.shape_cast %parallel_loop3A_901 : vector<1x1x1x16xf32> to vector<16xf32>
        %parallel_loop3A_903 = vector.shape_cast %parallel_loop3A_893 : vector<16xf32> to vector<1x1x1x16xf32>
        tpu.vector_store %arg6[%parallel_loop3A_897, %parallel_loop3A_898, %parallel_loop3A_899, %parallel_loop3A_900], %parallel_loop3A_903 {add = true, strides = array<i32>} : memref<2x4x8x1024xf32, #tpu.memory_space<vmem>>, vector<1x1x1x16xf32>,
      } {sc.loop_unroll_factor = 8 : i64, sc.parallel_access}
      %parallel_loop3A_477 = arith.constant 0 : i32
      %parallel_loop3A_478 = arith.constant 1024 : i32
      %parallel_loop3A_479 = arith.constant 16 : i32
      scf.for %parallel_loop3A_886 = %parallel_loop3A_477 to %parallel_loop3A_478 step %parallel_loop3A_479  : i32 {
        %parallel_loop3A_887 = arith.constant 0 : i32
        %parallel_loop3A_888 = arith.constant 3 : i32
        %parallel_loop3A_889 = arith.index_cast %parallel_loop3A_887 : i32 to index
        %parallel_loop3A_890 = arith.index_cast %parallel_loop3A_888 : i32 to index
        %parallel_loop3A_891 = arith.index_cast %parallel_loop3A_886 : i32 to index
        %parallel_loop3A_892 = tpu.vector_load %arg5[%parallel_loop3A_889, %parallel_loop3A_890, %parallel_loop3A_891] {strides = array<i32>} : memref<2x8x1024xf32, #tpu.memory_space<vmem>>, vector<1x1x16xf32>,
        %parallel_loop3A_893 = vector.shape_cast %parallel_loop3A_892 : vector<1x1x16xf32> to vector<16xf32>
        %parallel_loop3A_894 = arith.constant 0 : i32
        %parallel_loop3A_895 = arith.constant 2 : i32
        %parallel_loop3A_896 = arith.constant 3 : i32
        %parallel_loop3A_897 = arith.index_cast %parallel_loop3A_894 : i32 to index
        %parallel_loop3A_898 = arith.index_cast %parallel_loop3A_895 : i32 to index
        %parallel_loop3A_899 = arith.index_cast %parallel_loop3A_896 : i32 to index
        %parallel_loop3A_900 = arith.index_cast %parallel_loop3A_886 : i32 to index
        %parallel_loop3A_901 = tpu.vector_load %arg6[%parallel_loop3A_897, %parallel_loop3A_898, %parallel_loop3A_899, %parallel_loop3A_900] {strides = array<i32>} : memref<2x4x8x1024xf32, #tpu.memory_space<vmem>>, vector<1x1x1x16xf32>,
        %parallel_loop3A_902 = vector.shape_cast %parallel_loop3A_901 : vector<1x1x1x16xf32> to vector<16xf32>
        %parallel_loop3A_903 = vector.shape_cast %parallel_loop3A_893 : vector<16xf32> to vector<1x1x1x16xf32>
        tpu.vector_store %arg6[%parallel_loop3A_897, %parallel_loop3A_898, %parallel_loop3A_899, %parallel_loop3A_900], %parallel_loop3A_903 {add = true, strides = array<i32>} : memref<2x4x8x1024xf32, #tpu.memory_space<vmem>>, vector<1x1x1x16xf32>,
      } {sc.loop_unroll_factor = 8 : i64, sc.parallel_access}
      %parallel_loop3A_480 = arith.constant 0 : i32
      %parallel_loop3A_481 = arith.constant 1024 : i32
      %parallel_loop3A_482 = arith.constant 16 : i32
      scf.for %parallel_loop3A_886 = %parallel_loop3A_480 to %parallel_loop3A_481 step %parallel_loop3A_482  : i32 {
        %parallel_loop3A_887 = arith.constant 0 : i32
        %parallel_loop3A_888 = arith.constant 4 : i32
        %parallel_loop3A_889 = arith.index_cast %parallel_loop3A_887 : i32 to index
        %parallel_loop3A_890 = arith.index_cast %parallel_loop3A_888 : i32 to index
        %parallel_loop3A_891 = arith.index_cast %parallel_loop3A_886 : i32 to index
        %parallel_loop3A_892 = tpu.vector_load %arg5[%parallel_loop3A_889, %parallel_loop3A_890, %parallel_loop3A_891] {strides = array<i32>} : memref<2x8x1024xf32, #tpu.memory_space<vmem>>, vector<1x1x16xf32>,
        %parallel_loop3A_893 = vector.shape_cast %parallel_loop3A_892 : vector<1x1x16xf32> to vector<16xf32>
        %parallel_loop3A_894 = arith.constant 0 : i32
        %parallel_loop3A_895 = arith.constant 2 : i32
        %parallel_loop3A_896 = arith.constant 4 : i32
        %parallel_loop3A_897 = arith.index_cast %parallel_loop3A_894 : i32 to index
        %parallel_loop3A_898 = arith.index_cast %parallel_loop3A_895 : i32 to index
        %parallel_loop3A_899 = arith.index_cast %parallel_loop3A_896 : i32 to index
        %parallel_loop3A_900 = arith.index_cast %parallel_loop3A_886 : i32 to index
        %parallel_loop3A_901 = tpu.vector_load %arg6[%parallel_loop3A_897, %parallel_loop3A_898, %parallel_loop3A_899, %parallel_loop3A_900] {strides = array<i32>} : memref<2x4x8x1024xf32, #tpu.memory_space<vmem>>, vector<1x1x1x16xf32>,
        %parallel_loop3A_902 = vector.shape_cast %parallel_loop3A_901 : vector<1x1x1x16xf32> to vector<16xf32>
        %parallel_loop3A_903 = vector.shape_cast %parallel_loop3A_893 : vector<16xf32> to vector<1x1x1x16xf32>
        tpu.vector_store %arg6[%parallel_loop3A_897, %parallel_loop3A_898, %parallel_loop3A_899, %parallel_loop3A_900], %parallel_loop3A_903 {add = true, strides = array<i32>} : memref<2x4x8x1024xf32, #tpu.memory_space<vmem>>, vector<1x1x1x16xf32>,
      } {sc.loop_unroll_factor = 8 : i64, sc.parallel_access}
      %parallel_loop3A_483 = arith.constant 0 : i32
      %parallel_loop3A_484 = arith.constant 1024 : i32
      %parallel_loop3A_485 = arith.constant 16 : i32
      scf.for %parallel_loop3A_886 = %parallel_loop3A_483 to %parallel_loop3A_484 step %parallel_loop3A_485  : i32 {
        %parallel_loop3A_887 = arith.constant 0 : i32
        %parallel_loop3A_888 = arith.constant 5 : i32
        %parallel_loop3A_889 = arith.index_cast %parallel_loop3A_887 : i32 to index
        %parallel_loop3A_890 = arith.index_cast %parallel_loop3A_888 : i32 to index
        %parallel_loop3A_891 = arith.index_cast %parallel_loop3A_886 : i32 to index
        %parallel_loop3A_892 = tpu.vector_load %arg5[%parallel_loop3A_889, %parallel_loop3A_890, %parallel_loop3A_891] {strides = array<i32>} : memref<2x8x1024xf32, #tpu.memory_space<vmem>>, vector<1x1x16xf32>,
        %parallel_loop3A_893 = vector.shape_cast %parallel_loop3A_892 : vector<1x1x16xf32> to vector<16xf32>
        %parallel_loop3A_894 = arith.constant 0 : i32
        %parallel_loop3A_895 = arith.constant 2 : i32
        %parallel_loop3A_896 = arith.constant 5 : i32
        %parallel_loop3A_897 = arith.index_cast %parallel_loop3A_894 : i32 to index
        %parallel_loop3A_898 = arith.index_cast %parallel_loop3A_895 : i32 to index
        %parallel_loop3A_899 = arith.index_cast %parallel_loop3A_896 : i32 to index
        %parallel_loop3A_900 = arith.index_cast %parallel_loop3A_886 : i32 to index
        %parallel_loop3A_901 = tpu.vector_load %arg6[%parallel_loop3A_897, %parallel_loop3A_898, %parallel_loop3A_899, %parallel_loop3A_900] {strides = array<i32>} : memref<2x4x8x1024xf32, #tpu.memory_space<vmem>>, vector<1x1x1x16xf32>,
        %parallel_loop3A_902 = vector.shape_cast %parallel_loop3A_901 : vector<1x1x1x16xf32> to vector<16xf32>
        %parallel_loop3A_903 = vector.shape_cast %parallel_loop3A_893 : vector<16xf32> to vector<1x1x1x16xf32>
        tpu.vector_store %arg6[%parallel_loop3A_897, %parallel_loop3A_898, %parallel_loop3A_899, %parallel_loop3A_900], %parallel_loop3A_903 {add = true, strides = array<i32>} : memref<2x4x8x1024xf32, #tpu.memory_space<vmem>>, vector<1x1x1x16xf32>,
      } {sc.loop_unroll_factor = 8 : i64, sc.parallel_access}
      %parallel_loop3A_486 = arith.constant 0 : i32
      %parallel_loop3A_487 = arith.constant 1024 : i32
      %parallel_loop3A_488 = arith.constant 16 : i32
      scf.for %parallel_loop3A_886 = %parallel_loop3A_486 to %parallel_loop3A_487 step %parallel_loop3A_488  : i32 {
        %parallel_loop3A_887 = arith.constant 0 : i32
        %parallel_loop3A_888 = arith.constant 6 : i32
        %parallel_loop3A_889 = arith.index_cast %parallel_loop3A_887 : i32 to index
        %parallel_loop3A_890 = arith.index_cast %parallel_loop3A_888 : i32 to index
        %parallel_loop3A_891 = arith.index_cast %parallel_loop3A_886 : i32 to index
        %parallel_loop3A_892 = tpu.vector_load %arg5[%parallel_loop3A_889, %parallel_loop3A_890, %parallel_loop3A_891] {strides = array<i32>} : memref<2x8x1024xf32, #tpu.memory_space<vmem>>, vector<1x1x16xf32>,
        %parallel_loop3A_893 = vector.shape_cast %parallel_loop3A_892 : vector<1x1x16xf32> to vector<16xf32>
        %parallel_loop3A_894 = arith.constant 0 : i32
        %parallel_loop3A_895 = arith.constant 2 : i32
        %parallel_loop3A_896 = arith.constant 6 : i32
        %parallel_loop3A_897 = arith.index_cast %parallel_loop3A_894 : i32 to index
        %parallel_loop3A_898 = arith.index_cast %parallel_loop3A_895 : i32 to index
        %parallel_loop3A_899 = arith.index_cast %parallel_loop3A_896 : i32 to index
        %parallel_loop3A_900 = arith.index_cast %parallel_loop3A_886 : i32 to index
        %parallel_loop3A_901 = tpu.vector_load %arg6[%parallel_loop3A_897, %parallel_loop3A_898, %parallel_loop3A_899, %parallel_loop3A_900] {strides = array<i32>} : memref<2x4x8x1024xf32, #tpu.memory_space<vmem>>, vector<1x1x1x16xf32>,
        %parallel_loop3A_902 = vector.shape_cast %parallel_loop3A_901 : vector<1x1x1x16xf32> to vector<16xf32>
        %parallel_loop3A_903 = vector.shape_cast %parallel_loop3A_893 : vector<16xf32> to vector<1x1x1x16xf32>
        tpu.vector_store %arg6[%parallel_loop3A_897, %parallel_loop3A_898, %parallel_loop3A_899, %parallel_loop3A_900], %parallel_loop3A_903 {add = true, strides = array<i32>} : memref<2x4x8x1024xf32, #tpu.memory_space<vmem>>, vector<1x1x1x16xf32>,
      } {sc.loop_unroll_factor = 8 : i64, sc.parallel_access}
      %parallel_loop3A_489 = arith.constant 0 : i32
      %parallel_loop3A_490 = arith.constant 1024 : i32
      %parallel_loop3A_491 = arith.constant 16 : i32
      scf.for %parallel_loop3A_886 = %parallel_loop3A_489 to %parallel_loop3A_490 step %parallel_loop3A_491  : i32 {
        %parallel_loop3A_887 = arith.constant 0 : i32
        %parallel_loop3A_888 = arith.constant 7 : i32
        %parallel_loop3A_889 = arith.index_cast %parallel_loop3A_887 : i32 to index
        %parallel_loop3A_890 = arith.index_cast %parallel_loop3A_888 : i32 to index
        %parallel_loop3A_891 = arith.index_cast %parallel_loop3A_886 : i32 to index
        %parallel_loop3A_892 = tpu.vector_load %arg5[%parallel_loop3A_889, %parallel_loop3A_890, %parallel_loop3A_891] {strides = array<i32>} : memref<2x8x1024xf32, #tpu.memory_space<vmem>>, vector<1x1x16xf32>,
        %parallel_loop3A_893 = vector.shape_cast %parallel_loop3A_892 : vector<1x1x16xf32> to vector<16xf32>
        %parallel_loop3A_894 = arith.constant 0 : i32
        %parallel_loop3A_895 = arith.constant 2 : i32
        %parallel_loop3A_896 = arith.constant 7 : i32
        %parallel_loop3A_897 = arith.index_cast %parallel_loop3A_894 : i32 to index
        %parallel_loop3A_898 = arith.index_cast %parallel_loop3A_895 : i32 to index
        %parallel_loop3A_899 = arith.index_cast %parallel_loop3A_896 : i32 to index
        %parallel_loop3A_900 = arith.index_cast %parallel_loop3A_886 : i32 to index
        %parallel_loop3A_901 = tpu.vector_load %arg6[%parallel_loop3A_897, %parallel_loop3A_898, %parallel_loop3A_899, %parallel_loop3A_900] {strides = array<i32>} : memref<2x4x8x1024xf32, #tpu.memory_space<vmem>>, vector<1x1x1x16xf32>,
        %parallel_loop3A_902 = vector.shape_cast %parallel_loop3A_901 : vector<1x1x1x16xf32> to vector<16xf32>
        %parallel_loop3A_903 = vector.shape_cast %parallel_loop3A_893 : vector<16xf32> to vector<1x1x1x16xf32>
        tpu.vector_store %arg6[%parallel_loop3A_897, %parallel_loop3A_898, %parallel_loop3A_899, %parallel_loop3A_900], %parallel_loop3A_903 {add = true, strides = array<i32>} : memref<2x4x8x1024xf32, #tpu.memory_space<vmem>>, vector<1x1x1x16xf32>,
      } {sc.loop_unroll_factor = 8 : i64, sc.parallel_access}
      %mul3A_492 = arith.constant 8 : i32
      %mul3A_493 = arith.muli %add3A_289, %mul3A_492 : i32
      %add3A_494 = arith.addi %mul3A_2, %mul3A_493 : i32
      %dma_start3A_495 = arith.constant 0 : i32
      %dma_start3A_496 = arith.constant 2 : i32
      %dma_start3A_497 = arith.constant 2 : i32
      %dma_start3A_498 = arith.constant 0 : i32
      %dma_start3A_499 = arith.constant 2 : i32
      %dma_start3A_500 = arith.constant 0 : i32
      %dma_start3A_501 = arith.constant 0 : i32
      %dma_start3A_502 = tpu.memref_slice %arg6[%dma_start3A_495, %dma_start3A_496, %dma_start3A_500, %dma_start3A_501] : memref<2x4x8x1024xf32, #tpu.memory_space<vmem>> -> memref<1x1x8x1024xf32, #tpu.memory_space<vmem>>
      %dma_start3A_503 = tpu.memref_squeeze %dma_start3A_502 : memref<1x1x8x1024xf32, #tpu.memory_space<vmem>> -> memref<8x1024xf32, #tpu.memory_space<vmem>>
      %dma_start3A_504 = arith.constant 0 : i32
      %dma_start3A_505 = tpu.memref_slice %arg4[%dma_start3A_497, %add3A_494, %dma_start3A_504] : memref<4x8192x1024xf32, #tpu.memory_space<hbm>> -> memref<1x8x1024xf32, #tpu.memory_space<hbm>>
      %dma_start3A_506 = tpu.memref_squeeze %dma_start3A_505 : memref<1x8x1024xf32, #tpu.memory_space<hbm>> -> memref<8x1024xf32, #tpu.memory_space<hbm>>
      %dma_start3A_507 = tpu.memref_slice %arg9[%dma_start3A_498, %dma_start3A_499] : memref<2x4x!tpu.dma_semaphore, #tpu.memory_space<semaphore_mem>> -> memref<1x1x!tpu.dma_semaphore, #tpu.memory_space<semaphore_mem>>
      %dma_start3A_508 = tpu.memref_squeeze %dma_start3A_507 : memref<1x1x!tpu.dma_semaphore, #tpu.memory_space<semaphore_mem>> -> memref<!tpu.dma_semaphore, #tpu.memory_space<semaphore_mem>>
      %dma_start3A_509 = arith.constant 0 : i32
      %dma_start3A_510 = tpu.memref_slice %arg4[%dma_start3A_497, %add3A_494, %dma_start3A_509] : memref<4x8192x1024xf32, #tpu.memory_space<hbm>> -> memref<1x8x1024xf32, #tpu.memory_space<hbm>>
      %dma_start3A_511 = tpu.memref_squeeze %dma_start3A_510 : memref<1x8x1024xf32, #tpu.memory_space<hbm>> -> memref<8x1024xf32, #tpu.memory_space<hbm>>
      %dma_start3A_512 = arith.constant 0 : i32
      %dma_start3A_513 = arith.constant 0 : i32
      %dma_start3A_514 = tpu.memref_slice %arg6[%dma_start3A_495, %dma_start3A_496, %dma_start3A_512, %dma_start3A_513] : memref<2x4x8x1024xf32, #tpu.memory_space<vmem>> -> memref<1x1x8x1024xf32, #tpu.memory_space<vmem>>
      %dma_start3A_515 = tpu.memref_squeeze %dma_start3A_514 : memref<1x1x8x1024xf32, #tpu.memory_space<vmem>> -> memref<8x1024xf32, #tpu.memory_space<vmem>>
      tpu.enqueue_dma source(%dma_start3A_515 : memref<8x1024xf32, #tpu.memory_space<vmem>>) target(%dma_start3A_511 : memref<8x1024xf32, #tpu.memory_space<hbm>>) target_semaphore(%dma_start3A_508 : memref<!tpu.dma_semaphore, #tpu.memory_space<semaphore_mem>>)
      %dma_wait3A_516 = arith.constant 3 : i32
      %dma_wait3A_517 = arith.constant 0 : i32
      %dma_wait3A_518 = arith.constant 3 : i32
      %dma_wait3A_519 = arith.constant 0 : i32
      %dma_wait3A_520 = arith.constant 3 : i32
      %dma_wait3A_521 = arith.constant 0 : i32
      %dma_wait3A_522 = arith.constant 0 : i32
      %dma_wait3A_523 = tpu.memref_slice %arg6[%dma_wait3A_517, %dma_wait3A_518, %dma_wait3A_521, %dma_wait3A_522] : memref<2x4x8x1024xf32, #tpu.memory_space<vmem>> -> memref<1x1x8x1024xf32, #tpu.memory_space<vmem>>
      %dma_wait3A_524 = tpu.memref_squeeze %dma_wait3A_523 : memref<1x1x8x1024xf32, #tpu.memory_space<vmem>> -> memref<8x1024xf32, #tpu.memory_space<vmem>>
      %dma_wait3A_525 = arith.constant 0 : i32
      %dma_wait3A_526 = tpu.memref_slice %arg2[%dma_wait3A_516, %mul3A_2, %dma_wait3A_525] : memref<4x8192x1024xf32, #tpu.memory_space<hbm>> -> memref<1x8x1024xf32, #tpu.memory_space<hbm>>
      %dma_wait3A_527 = tpu.memref_squeeze %dma_wait3A_526 : memref<1x8x1024xf32, #tpu.memory_space<hbm>> -> memref<8x1024xf32, #tpu.memory_space<hbm>>
      %dma_wait3A_528 = tpu.memref_slice %arg8[%dma_wait3A_519, %dma_wait3A_520] : memref<2x4x!tpu.dma_semaphore, #tpu.memory_space<semaphore_mem>> -> memref<1x1x!tpu.dma_semaphore, #tpu.memory_space<semaphore_mem>>
      %dma_wait3A_529 = tpu.memref_squeeze %dma_wait3A_528 : memref<1x1x!tpu.dma_semaphore, #tpu.memory_space<semaphore_mem>> -> memref<!tpu.dma_semaphore, #tpu.memory_space<semaphore_mem>>
      %dma_wait3A_530 = arith.constant 0 : i32
      %dma_wait3A_531 = arith.constant 0 : i32
      %dma_wait3A_532 = tpu.memref_slice %arg6[%dma_wait3A_517, %dma_wait3A_518, %dma_wait3A_530, %dma_wait3A_531] : memref<2x4x8x1024xf32, #tpu.memory_space<vmem>> -> memref<1x1x8x1024xf32, #tpu.memory_space<vmem>>
      %dma_wait3A_533 = tpu.memref_squeeze %dma_wait3A_532 : memref<1x1x8x1024xf32, #tpu.memory_space<vmem>> -> memref<8x1024xf32, #tpu.memory_space<vmem>>
      %dma_wait3A_534 = arith.constant 0 : i32
      %dma_wait3A_535 = tpu.memref_slice %arg2[%dma_wait3A_516, %mul3A_2, %dma_wait3A_534] : memref<4x8192x1024xf32, #tpu.memory_space<hbm>> -> memref<1x8x1024xf32, #tpu.memory_space<hbm>>
      %dma_wait3A_536 = tpu.memref_squeeze %dma_wait3A_535 : memref<1x8x1024xf32, #tpu.memory_space<hbm>> -> memref<8x1024xf32, #tpu.memory_space<hbm>>
      tpu.wait_dma2 semaphore(%dma_wait3A_529 : memref<!tpu.dma_semaphore, #tpu.memory_space<semaphore_mem>>) src(%dma_wait3A_536 : memref<8x1024xf32, #tpu.memory_space<hbm>>) dst(%dma_wait3A_533 : memref<8x1024xf32, #tpu.memory_space<vmem>>)
      %parallel_loop3A_537 = arith.constant 0 : i32
      %parallel_loop3A_538 = arith.constant 1024 : i32
      %parallel_loop3A_539 = arith.constant 16 : i32
      scf.for %parallel_loop3A_886 = %parallel_loop3A_537 to %parallel_loop3A_538 step %parallel_loop3A_539  : i32 {
        %parallel_loop3A_887 = arith.constant 0 : i32
        %parallel_loop3A_888 = arith.constant 0 : i32
        %parallel_loop3A_889 = arith.index_cast %parallel_loop3A_887 : i32 to index
        %parallel_loop3A_890 = arith.index_cast %parallel_loop3A_888 : i32 to index
        %parallel_loop3A_891 = arith.index_cast %parallel_loop3A_886 : i32 to index
        %parallel_loop3A_892 = tpu.vector_load %arg5[%parallel_loop3A_889, %parallel_loop3A_890, %parallel_loop3A_891] {strides = array<i32>} : memref<2x8x1024xf32, #tpu.memory_space<vmem>>, vector<1x1x16xf32>,
        %parallel_loop3A_893 = vector.shape_cast %parallel_loop3A_892 : vector<1x1x16xf32> to vector<16xf32>
        %parallel_loop3A_894 = arith.constant 0 : i32
        %parallel_loop3A_895 = arith.constant 3 : i32
        %parallel_loop3A_896 = arith.constant 0 : i32
        %parallel_loop3A_897 = arith.index_cast %parallel_loop3A_894 : i32 to index
        %parallel_loop3A_898 = arith.index_cast %parallel_loop3A_895 : i32 to index
        %parallel_loop3A_899 = arith.index_cast %parallel_loop3A_896 : i32 to index
        %parallel_loop3A_900 = arith.index_cast %parallel_loop3A_886 : i32 to index
        %parallel_loop3A_901 = tpu.vector_load %arg6[%parallel_loop3A_897, %parallel_loop3A_898, %parallel_loop3A_899, %parallel_loop3A_900] {strides = array<i32>} : memref<2x4x8x1024xf32, #tpu.memory_space<vmem>>, vector<1x1x1x16xf32>,
        %parallel_loop3A_902 = vector.shape_cast %parallel_loop3A_901 : vector<1x1x1x16xf32> to vector<16xf32>
        %parallel_loop3A_903 = vector.shape_cast %parallel_loop3A_893 : vector<16xf32> to vector<1x1x1x16xf32>
        tpu.vector_store %arg6[%parallel_loop3A_897, %parallel_loop3A_898, %parallel_loop3A_899, %parallel_loop3A_900], %parallel_loop3A_903 {add = true, strides = array<i32>} : memref<2x4x8x1024xf32, #tpu.memory_space<vmem>>, vector<1x1x1x16xf32>,
      } {sc.loop_unroll_factor = 8 : i64, sc.parallel_access}
      %parallel_loop3A_540 = arith.constant 0 : i32
      %parallel_loop3A_541 = arith.constant 1024 : i32
      %parallel_loop3A_542 = arith.constant 16 : i32
      scf.for %parallel_loop3A_886 = %parallel_loop3A_540 to %parallel_loop3A_541 step %parallel_loop3A_542  : i32 {
        %parallel_loop3A_887 = arith.constant 0 : i32
        %parallel_loop3A_888 = arith.constant 1 : i32
        %parallel_loop3A_889 = arith.index_cast %parallel_loop3A_887 : i32 to index
        %parallel_loop3A_890 = arith.index_cast %parallel_loop3A_888 : i32 to index
        %parallel_loop3A_891 = arith.index_cast %parallel_loop3A_886 : i32 to index
        %parallel_loop3A_892 = tpu.vector_load %arg5[%parallel_loop3A_889, %parallel_loop3A_890, %parallel_loop3A_891] {strides = array<i32>} : memref<2x8x1024xf32, #tpu.memory_space<vmem>>, vector<1x1x16xf32>,
        %parallel_loop3A_893 = vector.shape_cast %parallel_loop3A_892 : vector<1x1x16xf32> to vector<16xf32>
        %parallel_loop3A_894 = arith.constant 0 : i32
        %parallel_loop3A_895 = arith.constant 3 : i32
        %parallel_loop3A_896 = arith.constant 1 : i32
        %parallel_loop3A_897 = arith.index_cast %parallel_loop3A_894 : i32 to index
        %parallel_loop3A_898 = arith.index_cast %parallel_loop3A_895 : i32 to index
        %parallel_loop3A_899 = arith.index_cast %parallel_loop3A_896 : i32 to index
        %parallel_loop3A_900 = arith.index_cast %parallel_loop3A_886 : i32 to index
        %parallel_loop3A_901 = tpu.vector_load %arg6[%parallel_loop3A_897, %parallel_loop3A_898, %parallel_loop3A_899, %parallel_loop3A_900] {strides = array<i32>} : memref<2x4x8x1024xf32, #tpu.memory_space<vmem>>, vector<1x1x1x16xf32>,
        %parallel_loop3A_902 = vector.shape_cast %parallel_loop3A_901 : vector<1x1x1x16xf32> to vector<16xf32>
        %parallel_loop3A_903 = vector.shape_cast %parallel_loop3A_893 : vector<16xf32> to vector<1x1x1x16xf32>
        tpu.vector_store %arg6[%parallel_loop3A_897, %parallel_loop3A_898, %parallel_loop3A_899, %parallel_loop3A_900], %parallel_loop3A_903 {add = true, strides = array<i32>} : memref<2x4x8x1024xf32, #tpu.memory_space<vmem>>, vector<1x1x1x16xf32>,
      } {sc.loop_unroll_factor = 8 : i64, sc.parallel_access}
      %parallel_loop3A_543 = arith.constant 0 : i32
      %parallel_loop3A_544 = arith.constant 1024 : i32
      %parallel_loop3A_545 = arith.constant 16 : i32
      scf.for %parallel_loop3A_886 = %parallel_loop3A_543 to %parallel_loop3A_544 step %parallel_loop3A_545  : i32 {
        %parallel_loop3A_887 = arith.constant 0 : i32
        %parallel_loop3A_888 = arith.constant 2 : i32
        %parallel_loop3A_889 = arith.index_cast %parallel_loop3A_887 : i32 to index
        %parallel_loop3A_890 = arith.index_cast %parallel_loop3A_888 : i32 to index
        %parallel_loop3A_891 = arith.index_cast %parallel_loop3A_886 : i32 to index
        %parallel_loop3A_892 = tpu.vector_load %arg5[%parallel_loop3A_889, %parallel_loop3A_890, %parallel_loop3A_891] {strides = array<i32>} : memref<2x8x1024xf32, #tpu.memory_space<vmem>>, vector<1x1x16xf32>,
        %parallel_loop3A_893 = vector.shape_cast %parallel_loop3A_892 : vector<1x1x16xf32> to vector<16xf32>
        %parallel_loop3A_894 = arith.constant 0 : i32
        %parallel_loop3A_895 = arith.constant 3 : i32
        %parallel_loop3A_896 = arith.constant 2 : i32
        %parallel_loop3A_897 = arith.index_cast %parallel_loop3A_894 : i32 to index
        %parallel_loop3A_898 = arith.index_cast %parallel_loop3A_895 : i32 to index
        %parallel_loop3A_899 = arith.index_cast %parallel_loop3A_896 : i32 to index
        %parallel_loop3A_900 = arith.index_cast %parallel_loop3A_886 : i32 to index
        %parallel_loop3A_901 = tpu.vector_load %arg6[%parallel_loop3A_897, %parallel_loop3A_898, %parallel_loop3A_899, %parallel_loop3A_900] {strides = array<i32>} : memref<2x4x8x1024xf32, #tpu.memory_space<vmem>>, vector<1x1x1x16xf32>,
        %parallel_loop3A_902 = vector.shape_cast %parallel_loop3A_901 : vector<1x1x1x16xf32> to vector<16xf32>
        %parallel_loop3A_903 = vector.shape_cast %parallel_loop3A_893 : vector<16xf32> to vector<1x1x1x16xf32>
        tpu.vector_store %arg6[%parallel_loop3A_897, %parallel_loop3A_898, %parallel_loop3A_899, %parallel_loop3A_900], %parallel_loop3A_903 {add = true, strides = array<i32>} : memref<2x4x8x1024xf32, #tpu.memory_space<vmem>>, vector<1x1x1x16xf32>,
      } {sc.loop_unroll_factor = 8 : i64, sc.parallel_access}
      %parallel_loop3A_546 = arith.constant 0 : i32
      %parallel_loop3A_547 = arith.constant 1024 : i32
      %parallel_loop3A_548 = arith.constant 16 : i32
      scf.for %parallel_loop3A_886 = %parallel_loop3A_546 to %parallel_loop3A_547 step %parallel_loop3A_548  : i32 {
        %parallel_loop3A_887 = arith.constant 0 : i32
        %parallel_loop3A_888 = arith.constant 3 : i32
        %parallel_loop3A_889 = arith.index_cast %parallel_loop3A_887 : i32 to index
        %parallel_loop3A_890 = arith.index_cast %parallel_loop3A_888 : i32 to index
        %parallel_loop3A_891 = arith.index_cast %parallel_loop3A_886 : i32 to index
        %parallel_loop3A_892 = tpu.vector_load %arg5[%parallel_loop3A_889, %parallel_loop3A_890, %parallel_loop3A_891] {strides = array<i32>} : memref<2x8x1024xf32, #tpu.memory_space<vmem>>, vector<1x1x16xf32>,
        %parallel_loop3A_893 = vector.shape_cast %parallel_loop3A_892 : vector<1x1x16xf32> to vector<16xf32>
        %parallel_loop3A_894 = arith.constant 0 : i32
        %parallel_loop3A_895 = arith.constant 3 : i32
        %parallel_loop3A_896 = arith.constant 3 : i32
        %parallel_loop3A_897 = arith.index_cast %parallel_loop3A_894 : i32 to index
        %parallel_loop3A_898 = arith.index_cast %parallel_loop3A_895 : i32 to index
        %parallel_loop3A_899 = arith.index_cast %parallel_loop3A_896 : i32 to index
        %parallel_loop3A_900 = arith.index_cast %parallel_loop3A_886 : i32 to index
        %parallel_loop3A_901 = tpu.vector_load %arg6[%parallel_loop3A_897, %parallel_loop3A_898, %parallel_loop3A_899, %parallel_loop3A_900] {strides = array<i32>} : memref<2x4x8x1024xf32, #tpu.memory_space<vmem>>, vector<1x1x1x16xf32>,
        %parallel_loop3A_902 = vector.shape_cast %parallel_loop3A_901 : vector<1x1x1x16xf32> to vector<16xf32>
        %parallel_loop3A_903 = vector.shape_cast %parallel_loop3A_893 : vector<16xf32> to vector<1x1x1x16xf32>
        tpu.vector_store %arg6[%parallel_loop3A_897, %parallel_loop3A_898, %parallel_loop3A_899, %parallel_loop3A_900], %parallel_loop3A_903 {add = true, strides = array<i32>} : memref<2x4x8x1024xf32, #tpu.memory_space<vmem>>, vector<1x1x1x16xf32>,
      } {sc.loop_unroll_factor = 8 : i64, sc.parallel_access}
      %parallel_loop3A_549 = arith.constant 0 : i32
      %parallel_loop3A_550 = arith.constant 1024 : i32
      %parallel_loop3A_551 = arith.constant 16 : i32
      scf.for %parallel_loop3A_886 = %parallel_loop3A_549 to %parallel_loop3A_550 step %parallel_loop3A_551  : i32 {
        %parallel_loop3A_887 = arith.constant 0 : i32
        %parallel_loop3A_888 = arith.constant 4 : i32
        %parallel_loop3A_889 = arith.index_cast %parallel_loop3A_887 : i32 to index
        %parallel_loop3A_890 = arith.index_cast %parallel_loop3A_888 : i32 to index
        %parallel_loop3A_891 = arith.index_cast %parallel_loop3A_886 : i32 to index
        %parallel_loop3A_892 = tpu.vector_load %arg5[%parallel_loop3A_889, %parallel_loop3A_890, %parallel_loop3A_891] {strides = array<i32>} : memref<2x8x1024xf32, #tpu.memory_space<vmem>>, vector<1x1x16xf32>,
        %parallel_loop3A_893 = vector.shape_cast %parallel_loop3A_892 : vector<1x1x16xf32> to vector<16xf32>
        %parallel_loop3A_894 = arith.constant 0 : i32
        %parallel_loop3A_895 = arith.constant 3 : i32
        %parallel_loop3A_896 = arith.constant 4 : i32
        %parallel_loop3A_897 = arith.index_cast %parallel_loop3A_894 : i32 to index
        %parallel_loop3A_898 = arith.index_cast %parallel_loop3A_895 : i32 to index
        %parallel_loop3A_899 = arith.index_cast %parallel_loop3A_896 : i32 to index
        %parallel_loop3A_900 = arith.index_cast %parallel_loop3A_886 : i32 to index
        %parallel_loop3A_901 = tpu.vector_load %arg6[%parallel_loop3A_897, %parallel_loop3A_898, %parallel_loop3A_899, %parallel_loop3A_900] {strides = array<i32>} : memref<2x4x8x1024xf32, #tpu.memory_space<vmem>>, vector<1x1x1x16xf32>,
        %parallel_loop3A_902 = vector.shape_cast %parallel_loop3A_901 : vector<1x1x1x16xf32> to vector<16xf32>
        %parallel_loop3A_903 = vector.shape_cast %parallel_loop3A_893 : vector<16xf32> to vector<1x1x1x16xf32>
        tpu.vector_store %arg6[%parallel_loop3A_897, %parallel_loop3A_898, %parallel_loop3A_899, %parallel_loop3A_900], %parallel_loop3A_903 {add = true, strides = array<i32>} : memref<2x4x8x1024xf32, #tpu.memory_space<vmem>>, vector<1x1x1x16xf32>,
      } {sc.loop_unroll_factor = 8 : i64, sc.parallel_access}
      %parallel_loop3A_552 = arith.constant 0 : i32
      %parallel_loop3A_553 = arith.constant 1024 : i32
      %parallel_loop3A_554 = arith.constant 16 : i32
      scf.for %parallel_loop3A_886 = %parallel_loop3A_552 to %parallel_loop3A_553 step %parallel_loop3A_554  : i32 {
        %parallel_loop3A_887 = arith.constant 0 : i32
        %parallel_loop3A_888 = arith.constant 5 : i32
        %parallel_loop3A_889 = arith.index_cast %parallel_loop3A_887 : i32 to index
        %parallel_loop3A_890 = arith.index_cast %parallel_loop3A_888 : i32 to index
        %parallel_loop3A_891 = arith.index_cast %parallel_loop3A_886 : i32 to index
        %parallel_loop3A_892 = tpu.vector_load %arg5[%parallel_loop3A_889, %parallel_loop3A_890, %parallel_loop3A_891] {strides = array<i32>} : memref<2x8x1024xf32, #tpu.memory_space<vmem>>, vector<1x1x16xf32>,
        %parallel_loop3A_893 = vector.shape_cast %parallel_loop3A_892 : vector<1x1x16xf32> to vector<16xf32>
        %parallel_loop3A_894 = arith.constant 0 : i32
        %parallel_loop3A_895 = arith.constant 3 : i32
        %parallel_loop3A_896 = arith.constant 5 : i32
        %parallel_loop3A_897 = arith.index_cast %parallel_loop3A_894 : i32 to index
        %parallel_loop3A_898 = arith.index_cast %parallel_loop3A_895 : i32 to index
        %parallel_loop3A_899 = arith.index_cast %parallel_loop3A_896 : i32 to index
        %parallel_loop3A_900 = arith.index_cast %parallel_loop3A_886 : i32 to index
        %parallel_loop3A_901 = tpu.vector_load %arg6[%parallel_loop3A_897, %parallel_loop3A_898, %parallel_loop3A_899, %parallel_loop3A_900] {strides = array<i32>} : memref<2x4x8x1024xf32, #tpu.memory_space<vmem>>, vector<1x1x1x16xf32>,
        %parallel_loop3A_902 = vector.shape_cast %parallel_loop3A_901 : vector<1x1x1x16xf32> to vector<16xf32>
        %parallel_loop3A_903 = vector.shape_cast %parallel_loop3A_893 : vector<16xf32> to vector<1x1x1x16xf32>
        tpu.vector_store %arg6[%parallel_loop3A_897, %parallel_loop3A_898, %parallel_loop3A_899, %parallel_loop3A_900], %parallel_loop3A_903 {add = true, strides = array<i32>} : memref<2x4x8x1024xf32, #tpu.memory_space<vmem>>, vector<1x1x1x16xf32>,
      } {sc.loop_unroll_factor = 8 : i64, sc.parallel_access}
      %parallel_loop3A_555 = arith.constant 0 : i32
      %parallel_loop3A_556 = arith.constant 1024 : i32
      %parallel_loop3A_557 = arith.constant 16 : i32
      scf.for %parallel_loop3A_886 = %parallel_loop3A_555 to %parallel_loop3A_556 step %parallel_loop3A_557  : i32 {
        %parallel_loop3A_887 = arith.constant 0 : i32
        %parallel_loop3A_888 = arith.constant 6 : i32
        %parallel_loop3A_889 = arith.index_cast %parallel_loop3A_887 : i32 to index
        %parallel_loop3A_890 = arith.index_cast %parallel_loop3A_888 : i32 to index
        %parallel_loop3A_891 = arith.index_cast %parallel_loop3A_886 : i32 to index
        %parallel_loop3A_892 = tpu.vector_load %arg5[%parallel_loop3A_889, %parallel_loop3A_890, %parallel_loop3A_891] {strides = array<i32>} : memref<2x8x1024xf32, #tpu.memory_space<vmem>>, vector<1x1x16xf32>,
        %parallel_loop3A_893 = vector.shape_cast %parallel_loop3A_892 : vector<1x1x16xf32> to vector<16xf32>
        %parallel_loop3A_894 = arith.constant 0 : i32
        %parallel_loop3A_895 = arith.constant 3 : i32
        %parallel_loop3A_896 = arith.constant 6 : i32
        %parallel_loop3A_897 = arith.index_cast %parallel_loop3A_894 : i32 to index
        %parallel_loop3A_898 = arith.index_cast %parallel_loop3A_895 : i32 to index
        %parallel_loop3A_899 = arith.index_cast %parallel_loop3A_896 : i32 to index
        %parallel_loop3A_900 = arith.index_cast %parallel_loop3A_886 : i32 to index
        %parallel_loop3A_901 = tpu.vector_load %arg6[%parallel_loop3A_897, %parallel_loop3A_898, %parallel_loop3A_899, %parallel_loop3A_900] {strides = array<i32>} : memref<2x4x8x1024xf32, #tpu.memory_space<vmem>>, vector<1x1x1x16xf32>,
        %parallel_loop3A_902 = vector.shape_cast %parallel_loop3A_901 : vector<1x1x1x16xf32> to vector<16xf32>
        %parallel_loop3A_903 = vector.shape_cast %parallel_loop3A_893 : vector<16xf32> to vector<1x1x1x16xf32>
        tpu.vector_store %arg6[%parallel_loop3A_897, %parallel_loop3A_898, %parallel_loop3A_899, %parallel_loop3A_900], %parallel_loop3A_903 {add = true, strides = array<i32>} : memref<2x4x8x1024xf32, #tpu.memory_space<vmem>>, vector<1x1x1x16xf32>,
      } {sc.loop_unroll_factor = 8 : i64, sc.parallel_access}
      %parallel_loop3A_558 = arith.constant 0 : i32
      %parallel_loop3A_559 = arith.constant 1024 : i32
      %parallel_loop3A_560 = arith.constant 16 : i32
      scf.for %parallel_loop3A_886 = %parallel_loop3A_558 to %parallel_loop3A_559 step %parallel_loop3A_560  : i32 {
        %parallel_loop3A_887 = arith.constant 0 : i32
        %parallel_loop3A_888 = arith.constant 7 : i32
        %parallel_loop3A_889 = arith.index_cast %parallel_loop3A_887 : i32 to index
        %parallel_loop3A_890 = arith.index_cast %parallel_loop3A_888 : i32 to index
        %parallel_loop3A_891 = arith.index_cast %parallel_loop3A_886 : i32 to index
        %parallel_loop3A_892 = tpu.vector_load %arg5[%parallel_loop3A_889, %parallel_loop3A_890, %parallel_loop3A_891] {strides = array<i32>} : memref<2x8x1024xf32, #tpu.memory_space<vmem>>, vector<1x1x16xf32>,
        %parallel_loop3A_893 = vector.shape_cast %parallel_loop3A_892 : vector<1x1x16xf32> to vector<16xf32>
        %parallel_loop3A_894 = arith.constant 0 : i32
        %parallel_loop3A_895 = arith.constant 3 : i32
        %parallel_loop3A_896 = arith.constant 7 : i32
        %parallel_loop3A_897 = arith.index_cast %parallel_loop3A_894 : i32 to index
        %parallel_loop3A_898 = arith.index_cast %parallel_loop3A_895 : i32 to index
        %parallel_loop3A_899 = arith.index_cast %parallel_loop3A_896 : i32 to index
        %parallel_loop3A_900 = arith.index_cast %parallel_loop3A_886 : i32 to index
        %parallel_loop3A_901 = tpu.vector_load %arg6[%parallel_loop3A_897, %parallel_loop3A_898, %parallel_loop3A_899, %parallel_loop3A_900] {strides = array<i32>} : memref<2x4x8x1024xf32, #tpu.memory_space<vmem>>, vector<1x1x1x16xf32>,
        %parallel_loop3A_902 = vector.shape_cast %parallel_loop3A_901 : vector<1x1x1x16xf32> to vector<16xf32>
        %parallel_loop3A_903 = vector.shape_cast %parallel_loop3A_893 : vector<16xf32> to vector<1x1x1x16xf32>
        tpu.vector_store %arg6[%parallel_loop3A_897, %parallel_loop3A_898, %parallel_loop3A_899, %parallel_loop3A_900], %parallel_loop3A_903 {add = true, strides = array<i32>} : memref<2x4x8x1024xf32, #tpu.memory_space<vmem>>, vector<1x1x1x16xf32>,
      } {sc.loop_unroll_factor = 8 : i64, sc.parallel_access}
      %mul3A_561 = arith.constant 8 : i32
      %mul3A_562 = arith.muli %add3A_289, %mul3A_561 : i32
      %add3A_563 = arith.addi %mul3A_2, %mul3A_562 : i32
      %dma_start3A_564 = arith.constant 0 : i32
      %dma_start3A_565 = arith.constant 3 : i32
      %dma_start3A_566 = arith.constant 3 : i32
      %dma_start3A_567 = arith.constant 0 : i32
      %dma_start3A_568 = arith.constant 3 : i32
      %dma_start3A_569 = arith.constant 0 : i32
      %dma_start3A_570 = arith.constant 0 : i32
      %dma_start3A_571 = tpu.memref_slice %arg6[%dma_start3A_564, %dma_start3A_565, %dma_start3A_569, %dma_start3A_570] : memref<2x4x8x1024xf32, #tpu.memory_space<vmem>> -> memref<1x1x8x1024xf32, #tpu.memory_space<vmem>>
      %dma_start3A_572 = tpu.memref_squeeze %dma_start3A_571 : memref<1x1x8x1024xf32, #tpu.memory_space<vmem>> -> memref<8x1024xf32, #tpu.memory_space<vmem>>
      %dma_start3A_573 = arith.constant 0 : i32
      %dma_start3A_574 = tpu.memref_slice %arg4[%dma_start3A_566, %add3A_563, %dma_start3A_573] : memref<4x8192x1024xf32, #tpu.memory_space<hbm>> -> memref<1x8x1024xf32, #tpu.memory_space<hbm>>
      %dma_start3A_575 = tpu.memref_squeeze %dma_start3A_574 : memref<1x8x1024xf32, #tpu.memory_space<hbm>> -> memref<8x1024xf32, #tpu.memory_space<hbm>>
      %dma_start3A_576 = tpu.memref_slice %arg9[%dma_start3A_567, %dma_start3A_568] : memref<2x4x!tpu.dma_semaphore, #tpu.memory_space<semaphore_mem>> -> memref<1x1x!tpu.dma_semaphore, #tpu.memory_space<semaphore_mem>>
      %dma_start3A_577 = tpu.memref_squeeze %dma_start3A_576 : memref<1x1x!tpu.dma_semaphore, #tpu.memory_space<semaphore_mem>> -> memref<!tpu.dma_semaphore, #tpu.memory_space<semaphore_mem>>
      %dma_start3A_578 = arith.constant 0 : i32
      %dma_start3A_579 = tpu.memref_slice %arg4[%dma_start3A_566, %add3A_563, %dma_start3A_578] : memref<4x8192x1024xf32, #tpu.memory_space<hbm>> -> memref<1x8x1024xf32, #tpu.memory_space<hbm>>
      %dma_start3A_580 = tpu.memref_squeeze %dma_start3A_579 : memref<1x8x1024xf32, #tpu.memory_space<hbm>> -> memref<8x1024xf32, #tpu.memory_space<hbm>>
      %dma_start3A_581 = arith.constant 0 : i32
      %dma_start3A_582 = arith.constant 0 : i32
      %dma_start3A_583 = tpu.memref_slice %arg6[%dma_start3A_564, %dma_start3A_565, %dma_start3A_581, %dma_start3A_582] : memref<2x4x8x1024xf32, #tpu.memory_space<vmem>> -> memref<1x1x8x1024xf32, #tpu.memory_space<vmem>>
      %dma_start3A_584 = tpu.memref_squeeze %dma_start3A_583 : memref<1x1x8x1024xf32, #tpu.memory_space<vmem>> -> memref<8x1024xf32, #tpu.memory_space<vmem>>
      tpu.enqueue_dma source(%dma_start3A_584 : memref<8x1024xf32, #tpu.memory_space<vmem>>) target(%dma_start3A_580 : memref<8x1024xf32, #tpu.memory_space<hbm>>) target_semaphore(%dma_start3A_577 : memref<!tpu.dma_semaphore, #tpu.memory_space<semaphore_mem>>)
      %add3A_585 = arith.constant 1 : i32
      %add3A_586 = arith.addi %add3A_287, %add3A_585 : i32
      %add3A_587 = arith.constant 1 : i32
      %add3A_588 = arith.addi %add3A_586, %add3A_587 : i32
      %lt3A_589 = arith.constant 32 : i32
      %lt3A_590 = arith.cmpi slt, %add3A_588, %lt3A_589 : i32
      %convert_element_type3A_591 = arith.extui %lt3A_590 : i1 to i32
      %cond3A_592 = arith.constant 0 : i32
      %cond3A_593 = arith.cmpi ne, %convert_element_type3A_591, %cond3A_592 : i32
      scf.if %cond3A_593 {
        %add3A_886 = arith.constant 1 : i32
        %add3A_887 = arith.addi %add3A_586, %add3A_886 : i32
        %mul3A_888 = arith.constant 8 : i32
        %mul3A_889 = arith.muli %add3A_887, %mul3A_888 : i32
        %add3A_890 = arith.addi %mul3A_2, %mul3A_889 : i32
        %dma_start3A_891 = arith.constant 0 : i32
        %dma_start3A_892 = arith.constant 0 : i32
        %dma_start3A_893 = arith.constant 0 : i32
        %dma_start3A_894 = arith.constant 0 : i32
        %dma_start3A_895 = tpu.memref_slice %arg5[%dma_start3A_891, %dma_start3A_893, %dma_start3A_894] : memref<2x8x1024xf32, #tpu.memory_space<vmem>> -> memref<1x8x1024xf32, #tpu.memory_space<vmem>>
        %dma_start3A_896 = tpu.memref_squeeze %dma_start3A_895 : memref<1x8x1024xf32, #tpu.memory_space<vmem>> -> memref<8x1024xf32, #tpu.memory_space<vmem>>
        %dma_start3A_897 = arith.constant 0 : i32
        %dma_start3A_898 = tpu.memref_slice %arg3[%add3A_890, %dma_start3A_897] : memref<8192x1024xf32, #tpu.memory_space<hbm>> -> memref<8x1024xf32, #tpu.memory_space<hbm>>
        %dma_start3A_899 = tpu.memref_slice %arg7[%dma_start3A_892] : memref<2x!tpu.dma_semaphore, #tpu.memory_space<semaphore_mem>> -> memref<1x!tpu.dma_semaphore, #tpu.memory_space<semaphore_mem>>
        %dma_start3A_900 = tpu.memref_squeeze %dma_start3A_899 : memref<1x!tpu.dma_semaphore, #tpu.memory_space<semaphore_mem>> -> memref<!tpu.dma_semaphore, #tpu.memory_space<semaphore_mem>>
        %dma_start3A_901 = arith.constant 0 : i32
        %dma_start3A_902 = arith.constant 0 : i32
        %dma_start3A_903 = tpu.memref_slice %arg5[%dma_start3A_891, %dma_start3A_901, %dma_start3A_902] : memref<2x8x1024xf32, #tpu.memory_space<vmem>> -> memref<1x8x1024xf32, #tpu.memory_space<vmem>>
        %dma_start3A_904 = tpu.memref_squeeze %dma_start3A_903 : memref<1x8x1024xf32, #tpu.memory_space<vmem>> -> memref<8x1024xf32, #tpu.memory_space<vmem>>
        %dma_start3A_905 = arith.constant 0 : i32
        %dma_start3A_906 = tpu.memref_slice %arg3[%add3A_890, %dma_start3A_905] : memref<8192x1024xf32, #tpu.memory_space<hbm>> -> memref<8x1024xf32, #tpu.memory_space<hbm>>
        tpu.enqueue_dma source(%dma_start3A_906 : memref<8x1024xf32, #tpu.memory_space<hbm>>) target(%dma_start3A_904 : memref<8x1024xf32, #tpu.memory_space<vmem>>) target_semaphore(%dma_start3A_900 : memref<!tpu.dma_semaphore, #tpu.memory_space<semaphore_mem>>)
        %gt3A = arith.constant 0 : i32
        %gt3A_907 = arith.cmpi sgt, %add3A_586, %gt3A : i32
        %convert_element_type3A_908 = arith.extui %gt3A_907 : i1 to i32
        %cond3A_909 = arith.constant 0 : i32
        %cond3A_910 = arith.cmpi ne, %convert_element_type3A_908, %cond3A_909 : i32
        scf.if %cond3A_910 {
          %dma_wait3A_1030 = arith.constant 0 : i32
          %dma_wait3A_1031 = arith.constant 0 : i32
          %dma_wait3A_1032 = arith.constant 0 : i32
          %dma_wait3A_1033 = arith.constant 0 : i32
          %dma_wait3A_1034 = arith.constant 0 : i32
          %dma_wait3A_1035 = arith.constant 0 : i32
          %dma_wait3A_1036 = arith.constant 0 : i32
          %dma_wait3A_1037 = tpu.memref_slice %arg6[%dma_wait3A_1030, %dma_wait3A_1031, %dma_wait3A_1035, %dma_wait3A_1036] : memref<2x4x8x1024xf32, #tpu.memory_space<vmem>> -> memref<1x1x8x1024xf32, #tpu.memory_space<vmem>>
          %dma_wait3A_1038 = tpu.memref_squeeze %dma_wait3A_1037 : memref<1x1x8x1024xf32, #tpu.memory_space<vmem>> -> memref<8x1024xf32, #tpu.memory_space<vmem>>
          %dma_wait3A_1039 = arith.constant 0 : i32
          %dma_wait3A_1040 = tpu.memref_slice %arg4[%dma_wait3A_1032, %mul3A_2, %dma_wait3A_1039] : memref<4x8192x1024xf32, #tpu.memory_space<hbm>> -> memref<1x8x1024xf32, #tpu.memory_space<hbm>>
          %dma_wait3A_1041 = tpu.memref_squeeze %dma_wait3A_1040 : memref<1x8x1024xf32, #tpu.memory_space<hbm>> -> memref<8x1024xf32, #tpu.memory_space<hbm>>
          %dma_wait3A_1042 = tpu.memref_slice %arg9[%dma_wait3A_1033, %dma_wait3A_1034] : memref<2x4x!tpu.dma_semaphore, #tpu.memory_space<semaphore_mem>> -> memref<1x1x!tpu.dma_semaphore, #tpu.memory_space<semaphore_mem>>
          %dma_wait3A_1043 = tpu.memref_squeeze %dma_wait3A_1042 : memref<1x1x!tpu.dma_semaphore, #tpu.memory_space<semaphore_mem>> -> memref<!tpu.dma_semaphore, #tpu.memory_space<semaphore_mem>>
          %dma_wait3A_1044 = arith.constant 0 : i32
          %dma_wait3A_1045 = tpu.memref_slice %arg4[%dma_wait3A_1032, %mul3A_2, %dma_wait3A_1044] : memref<4x8192x1024xf32, #tpu.memory_space<hbm>> -> memref<1x8x1024xf32, #tpu.memory_space<hbm>>
          %dma_wait3A_1046 = tpu.memref_squeeze %dma_wait3A_1045 : memref<1x8x1024xf32, #tpu.memory_space<hbm>> -> memref<8x1024xf32, #tpu.memory_space<hbm>>
          %dma_wait3A_1047 = arith.constant 0 : i32
          %dma_wait3A_1048 = arith.constant 0 : i32
          %dma_wait3A_1049 = tpu.memref_slice %arg6[%dma_wait3A_1030, %dma_wait3A_1031, %dma_wait3A_1047, %dma_wait3A_1048] : memref<2x4x8x1024xf32, #tpu.memory_space<vmem>> -> memref<1x1x8x1024xf32, #tpu.memory_space<vmem>>
          %dma_wait3A_1050 = tpu.memref_squeeze %dma_wait3A_1049 : memref<1x1x8x1024xf32, #tpu.memory_space<vmem>> -> memref<8x1024xf32, #tpu.memory_space<vmem>>
          tpu.wait_dma2 semaphore(%dma_wait3A_1043 : memref<!tpu.dma_semaphore, #tpu.memory_space<semaphore_mem>>) src(%dma_wait3A_1050 : memref<8x1024xf32, #tpu.memory_space<vmem>>) dst(%dma_wait3A_1046 : memref<8x1024xf32, #tpu.memory_space<hbm>>)
        } else {
        }
        %add3A_911 = arith.constant 1 : i32
        %add3A_912 = arith.addi %add3A_586, %add3A_911 : i32
        %mul3A_913 = arith.constant 8 : i32
        %mul3A_914 = arith.muli %add3A_912, %mul3A_913 : i32
        %add3A_915 = arith.addi %mul3A_2, %mul3A_914 : i32
        %dma_start3A_916 = arith.constant 0 : i32
        %dma_start3A_917 = arith.constant 0 : i32
        %dma_start3A_918 = arith.constant 0 : i32
        %dma_start3A_919 = arith.constant 0 : i32
        %dma_start3A_920 = arith.constant 0 : i32
        %dma_start3A_921 = arith.constant 0 : i32
        %dma_start3A_922 = arith.constant 0 : i32
        %dma_start3A_923 = tpu.memref_slice %arg6[%dma_start3A_917, %dma_start3A_918, %dma_start3A_921, %dma_start3A_922] : memref<2x4x8x1024xf32, #tpu.memory_space<vmem>> -> memref<1x1x8x1024xf32, #tpu.memory_space<vmem>>
        %dma_start3A_924 = tpu.memref_squeeze %dma_start3A_923 : memref<1x1x8x1024xf32, #tpu.memory_space<vmem>> -> memref<8x1024xf32, #tpu.memory_space<vmem>>
        %dma_start3A_925 = arith.constant 0 : i32
        %dma_start3A_926 = tpu.memref_slice %arg2[%dma_start3A_916, %add3A_915, %dma_start3A_925] : memref<4x8192x1024xf32, #tpu.memory_space<hbm>> -> memref<1x8x1024xf32, #tpu.memory_space<hbm>>
        %dma_start3A_927 = tpu.memref_squeeze %dma_start3A_926 : memref<1x8x1024xf32, #tpu.memory_space<hbm>> -> memref<8x1024xf32, #tpu.memory_space<hbm>>
        %dma_start3A_928 = tpu.memref_slice %arg8[%dma_start3A_919, %dma_start3A_920] : memref<2x4x!tpu.dma_semaphore, #tpu.memory_space<semaphore_mem>> -> memref<1x1x!tpu.dma_semaphore, #tpu.memory_space<semaphore_mem>>
        %dma_start3A_929 = tpu.memref_squeeze %dma_start3A_928 : memref<1x1x!tpu.dma_semaphore, #tpu.memory_space<semaphore_mem>> -> memref<!tpu.dma_semaphore, #tpu.memory_space<semaphore_mem>>
        %dma_start3A_930 = arith.constant 0 : i32
        %dma_start3A_931 = arith.constant 0 : i32
        %dma_start3A_932 = tpu.memref_slice %arg6[%dma_start3A_917, %dma_start3A_918, %dma_start3A_930, %dma_start3A_931] : memref<2x4x8x1024xf32, #tpu.memory_space<vmem>> -> memref<1x1x8x1024xf32, #tpu.memory_space<vmem>>
        %dma_start3A_933 = tpu.memref_squeeze %dma_start3A_932 : memref<1x1x8x1024xf32, #tpu.memory_space<vmem>> -> memref<8x1024xf32, #tpu.memory_space<vmem>>
        %dma_start3A_934 = arith.constant 0 : i32
        %dma_start3A_935 = tpu.memref_slice %arg2[%dma_start3A_916, %add3A_915, %dma_start3A_934] : memref<4x8192x1024xf32, #tpu.memory_space<hbm>> -> memref<1x8x1024xf32, #tpu.memory_space<hbm>>
        %dma_start3A_936 = tpu.memref_squeeze %dma_start3A_935 : memref<1x8x1024xf32, #tpu.memory_space<hbm>> -> memref<8x1024xf32, #tpu.memory_space<hbm>>
        tpu.enqueue_dma source(%dma_start3A_936 : memref<8x1024xf32, #tpu.memory_space<hbm>>) target(%dma_start3A_933 : memref<8x1024xf32, #tpu.memory_space<vmem>>) target_semaphore(%dma_start3A_929 : memref<!tpu.dma_semaphore, #tpu.memory_space<semaphore_mem>>)
        %gt3A_937 = arith.constant 0 : i32
        %gt3A_938 = arith.cmpi sgt, %add3A_586, %gt3A_937 : i32
        %convert_element_type3A_939 = arith.extui %gt3A_938 : i1 to i32
        %cond3A_940 = arith.constant 0 : i32
        %cond3A_941 = arith.cmpi ne, %convert_element_type3A_939, %cond3A_940 : i32
        scf.if %cond3A_941 {
          %dma_wait3A_1030 = arith.constant 0 : i32
          %dma_wait3A_1031 = arith.constant 1 : i32
          %dma_wait3A_1032 = arith.constant 1 : i32
          %dma_wait3A_1033 = arith.constant 0 : i32
          %dma_wait3A_1034 = arith.constant 1 : i32
          %dma_wait3A_1035 = arith.constant 0 : i32
          %dma_wait3A_1036 = arith.constant 0 : i32
          %dma_wait3A_1037 = tpu.memref_slice %arg6[%dma_wait3A_1030, %dma_wait3A_1031, %dma_wait3A_1035, %dma_wait3A_1036] : memref<2x4x8x1024xf32, #tpu.memory_space<vmem>> -> memref<1x1x8x1024xf32, #tpu.memory_space<vmem>>
          %dma_wait3A_1038 = tpu.memref_squeeze %dma_wait3A_1037 : memref<1x1x8x1024xf32, #tpu.memory_space<vmem>> -> memref<8x1024xf32, #tpu.memory_space<vmem>>
          %dma_wait3A_1039 = arith.constant 0 : i32
          %dma_wait3A_1040 = tpu.memref_slice %arg4[%dma_wait3A_1032, %mul3A_2, %dma_wait3A_1039] : memref<4x8192x1024xf32, #tpu.memory_space<hbm>> -> memref<1x8x1024xf32, #tpu.memory_space<hbm>>
          %dma_wait3A_1041 = tpu.memref_squeeze %dma_wait3A_1040 : memref<1x8x1024xf32, #tpu.memory_space<hbm>> -> memref<8x1024xf32, #tpu.memory_space<hbm>>
          %dma_wait3A_1042 = tpu.memref_slice %arg9[%dma_wait3A_1033, %dma_wait3A_1034] : memref<2x4x!tpu.dma_semaphore, #tpu.memory_space<semaphore_mem>> -> memref<1x1x!tpu.dma_semaphore, #tpu.memory_space<semaphore_mem>>
          %dma_wait3A_1043 = tpu.memref_squeeze %dma_wait3A_1042 : memref<1x1x!tpu.dma_semaphore, #tpu.memory_space<semaphore_mem>> -> memref<!tpu.dma_semaphore, #tpu.memory_space<semaphore_mem>>
          %dma_wait3A_1044 = arith.constant 0 : i32
          %dma_wait3A_1045 = tpu.memref_slice %arg4[%dma_wait3A_1032, %mul3A_2, %dma_wait3A_1044] : memref<4x8192x1024xf32, #tpu.memory_space<hbm>> -> memref<1x8x1024xf32, #tpu.memory_space<hbm>>
          %dma_wait3A_1046 = tpu.memref_squeeze %dma_wait3A_1045 : memref<1x8x1024xf32, #tpu.memory_space<hbm>> -> memref<8x1024xf32, #tpu.memory_space<hbm>>
          %dma_wait3A_1047 = arith.constant 0 : i32
          %dma_wait3A_1048 = arith.constant 0 : i32
          %dma_wait3A_1049 = tpu.memref_slice %arg6[%dma_wait3A_1030, %dma_wait3A_1031, %dma_wait3A_1047, %dma_wait3A_1048] : memref<2x4x8x1024xf32, #tpu.memory_space<vmem>> -> memref<1x1x8x1024xf32, #tpu.memory_space<vmem>>
          %dma_wait3A_1050 = tpu.memref_squeeze %dma_wait3A_1049 : memref<1x1x8x1024xf32, #tpu.memory_space<vmem>> -> memref<8x1024xf32, #tpu.memory_space<vmem>>
          tpu.wait_dma2 semaphore(%dma_wait3A_1043 : memref<!tpu.dma_semaphore, #tpu.memory_space<semaphore_mem>>) src(%dma_wait3A_1050 : memref<8x1024xf32, #tpu.memory_space<vmem>>) dst(%dma_wait3A_1046 : memref<8x1024xf32, #tpu.memory_space<hbm>>)
        } else {
        }
        %add3A_942 = arith.constant 1 : i32
        %add3A_943 = arith.addi %add3A_586, %add3A_942 : i32
        %mul3A_944 = arith.constant 8 : i32
        %mul3A_945 = arith.muli %add3A_943, %mul3A_944 : i32
        %add3A_946 = arith.addi %mul3A_2, %mul3A_945 : i32
        %dma_start3A_947 = arith.constant 1 : i32
        %dma_start3A_948 = arith.constant 0 : i32
        %dma_start3A_949 = arith.constant 1 : i32
        %dma_start3A_950 = arith.constant 0 : i32
        %dma_start3A_951 = arith.constant 1 : i32
        %dma_start3A_952 = arith.constant 0 : i32
        %dma_start3A_953 = arith.constant 0 : i32
        %dma_start3A_954 = tpu.memref_slice %arg6[%dma_start3A_948, %dma_start3A_949, %dma_start3A_952, %dma_start3A_953] : memref<2x4x8x1024xf32, #tpu.memory_space<vmem>> -> memref<1x1x8x1024xf32, #tpu.memory_space<vmem>>
        %dma_start3A_955 = tpu.memref_squeeze %dma_start3A_954 : memref<1x1x8x1024xf32, #tpu.memory_space<vmem>> -> memref<8x1024xf32, #tpu.memory_space<vmem>>
        %dma_start3A_956 = arith.constant 0 : i32
        %dma_start3A_957 = tpu.memref_slice %arg2[%dma_start3A_947, %add3A_946, %dma_start3A_956] : memref<4x8192x1024xf32, #tpu.memory_space<hbm>> -> memref<1x8x1024xf32, #tpu.memory_space<hbm>>
        %dma_start3A_958 = tpu.memref_squeeze %dma_start3A_957 : memref<1x8x1024xf32, #tpu.memory_space<hbm>> -> memref<8x1024xf32, #tpu.memory_space<hbm>>
        %dma_start3A_959 = tpu.memref_slice %arg8[%dma_start3A_950, %dma_start3A_951] : memref<2x4x!tpu.dma_semaphore, #tpu.memory_space<semaphore_mem>> -> memref<1x1x!tpu.dma_semaphore, #tpu.memory_space<semaphore_mem>>
        %dma_start3A_960 = tpu.memref_squeeze %dma_start3A_959 : memref<1x1x!tpu.dma_semaphore, #tpu.memory_space<semaphore_mem>> -> memref<!tpu.dma_semaphore, #tpu.memory_space<semaphore_mem>>
        %dma_start3A_961 = arith.constant 0 : i32
        %dma_start3A_962 = arith.constant 0 : i32
        %dma_start3A_963 = tpu.memref_slice %arg6[%dma_start3A_948, %dma_start3A_949, %dma_start3A_961, %dma_start3A_962] : memref<2x4x8x1024xf32, #tpu.memory_space<vmem>> -> memref<1x1x8x1024xf32, #tpu.memory_space<vmem>>
        %dma_start3A_964 = tpu.memref_squeeze %dma_start3A_963 : memref<1x1x8x1024xf32, #tpu.memory_space<vmem>> -> memref<8x1024xf32, #tpu.memory_space<vmem>>
        %dma_start3A_965 = arith.constant 0 : i32
        %dma_start3A_966 = tpu.memref_slice %arg2[%dma_start3A_947, %add3A_946, %dma_start3A_965] : memref<4x8192x1024xf32, #tpu.memory_space<hbm>> -> memref<1x8x1024xf32, #tpu.memory_space<hbm>>
        %dma_start3A_967 = tpu.memref_squeeze %dma_start3A_966 : memref<1x8x1024xf32, #tpu.memory_space<hbm>> -> memref<8x1024xf32, #tpu.memory_space<hbm>>
        tpu.enqueue_dma source(%dma_start3A_967 : memref<8x1024xf32, #tpu.memory_space<hbm>>) target(%dma_start3A_964 : memref<8x1024xf32, #tpu.memory_space<vmem>>) target_semaphore(%dma_start3A_960 : memref<!tpu.dma_semaphore, #tpu.memory_space<semaphore_mem>>)
        %gt3A_968 = arith.constant 0 : i32
        %gt3A_969 = arith.cmpi sgt, %add3A_586, %gt3A_968 : i32
        %convert_element_type3A_970 = arith.extui %gt3A_969 : i1 to i32
        %cond3A_971 = arith.constant 0 : i32
        %cond3A_972 = arith.cmpi ne, %convert_element_type3A_970, %cond3A_971 : i32
        scf.if %cond3A_972 {
          %dma_wait3A_1030 = arith.constant 0 : i32
          %dma_wait3A_1031 = arith.constant 2 : i32
          %dma_wait3A_1032 = arith.constant 2 : i32
          %dma_wait3A_1033 = arith.constant 0 : i32
          %dma_wait3A_1034 = arith.constant 2 : i32
          %dma_wait3A_1035 = arith.constant 0 : i32
          %dma_wait3A_1036 = arith.constant 0 : i32
          %dma_wait3A_1037 = tpu.memref_slice %arg6[%dma_wait3A_1030, %dma_wait3A_1031, %dma_wait3A_1035, %dma_wait3A_1036] : memref<2x4x8x1024xf32, #tpu.memory_space<vmem>> -> memref<1x1x8x1024xf32, #tpu.memory_space<vmem>>
          %dma_wait3A_1038 = tpu.memref_squeeze %dma_wait3A_1037 : memref<1x1x8x1024xf32, #tpu.memory_space<vmem>> -> memref<8x1024xf32, #tpu.memory_space<vmem>>
          %dma_wait3A_1039 = arith.constant 0 : i32
          %dma_wait3A_1040 = tpu.memref_slice %arg4[%dma_wait3A_1032, %mul3A_2, %dma_wait3A_1039] : memref<4x8192x1024xf32, #tpu.memory_space<hbm>> -> memref<1x8x1024xf32, #tpu.memory_space<hbm>>
          %dma_wait3A_1041 = tpu.memref_squeeze %dma_wait3A_1040 : memref<1x8x1024xf32, #tpu.memory_space<hbm>> -> memref<8x1024xf32, #tpu.memory_space<hbm>>
          %dma_wait3A_1042 = tpu.memref_slice %arg9[%dma_wait3A_1033, %dma_wait3A_1034] : memref<2x4x!tpu.dma_semaphore, #tpu.memory_space<semaphore_mem>> -> memref<1x1x!tpu.dma_semaphore, #tpu.memory_space<semaphore_mem>>
          %dma_wait3A_1043 = tpu.memref_squeeze %dma_wait3A_1042 : memref<1x1x!tpu.dma_semaphore, #tpu.memory_space<semaphore_mem>> -> memref<!tpu.dma_semaphore, #tpu.memory_space<semaphore_mem>>
          %dma_wait3A_1044 = arith.constant 0 : i32
          %dma_wait3A_1045 = tpu.memref_slice %arg4[%dma_wait3A_1032, %mul3A_2, %dma_wait3A_1044] : memref<4x8192x1024xf32, #tpu.memory_space<hbm>> -> memref<1x8x1024xf32, #tpu.memory_space<hbm>>
          %dma_wait3A_1046 = tpu.memref_squeeze %dma_wait3A_1045 : memref<1x8x1024xf32, #tpu.memory_space<hbm>> -> memref<8x1024xf32, #tpu.memory_space<hbm>>
          %dma_wait3A_1047 = arith.constant 0 : i32
          %dma_wait3A_1048 = arith.constant 0 : i32
          %dma_wait3A_1049 = tpu.memref_slice %arg6[%dma_wait3A_1030, %dma_wait3A_1031, %dma_wait3A_1047, %dma_wait3A_1048] : memref<2x4x8x1024xf32, #tpu.memory_space<vmem>> -> memref<1x1x8x1024xf32, #tpu.memory_space<vmem>>
          %dma_wait3A_1050 = tpu.memref_squeeze %dma_wait3A_1049 : memref<1x1x8x1024xf32, #tpu.memory_space<vmem>> -> memref<8x1024xf32, #tpu.memory_space<vmem>>
          tpu.wait_dma2 semaphore(%dma_wait3A_1043 : memref<!tpu.dma_semaphore, #tpu.memory_space<semaphore_mem>>) src(%dma_wait3A_1050 : memref<8x1024xf32, #tpu.memory_space<vmem>>) dst(%dma_wait3A_1046 : memref<8x1024xf32, #tpu.memory_space<hbm>>)
        } else {
        }
        %add3A_973 = arith.constant 1 : i32
        %add3A_974 = arith.addi %add3A_586, %add3A_973 : i32
        %mul3A_975 = arith.constant 8 : i32
        %mul3A_976 = arith.muli %add3A_974, %mul3A_975 : i32
        %add3A_977 = arith.addi %mul3A_2, %mul3A_976 : i32
        %dma_start3A_978 = arith.constant 2 : i32
        %dma_start3A_979 = arith.constant 0 : i32
        %dma_start3A_980 = arith.constant 2 : i32
        %dma_start3A_981 = arith.constant 0 : i32
        %dma_start3A_982 = arith.constant 2 : i32
        %dma_start3A_983 = arith.constant 0 : i32
        %dma_start3A_984 = arith.constant 0 : i32
        %dma_start3A_985 = tpu.memref_slice %arg6[%dma_start3A_979, %dma_start3A_980, %dma_start3A_983, %dma_start3A_984] : memref<2x4x8x1024xf32, #tpu.memory_space<vmem>> -> memref<1x1x8x1024xf32, #tpu.memory_space<vmem>>
        %dma_start3A_986 = tpu.memref_squeeze %dma_start3A_985 : memref<1x1x8x1024xf32, #tpu.memory_space<vmem>> -> memref<8x1024xf32, #tpu.memory_space<vmem>>
        %dma_start3A_987 = arith.constant 0 : i32
        %dma_start3A_988 = tpu.memref_slice %arg2[%dma_start3A_978, %add3A_977, %dma_start3A_987] : memref<4x8192x1024xf32, #tpu.memory_space<hbm>> -> memref<1x8x1024xf32, #tpu.memory_space<hbm>>
        %dma_start3A_989 = tpu.memref_squeeze %dma_start3A_988 : memref<1x8x1024xf32, #tpu.memory_space<hbm>> -> memref<8x1024xf32, #tpu.memory_space<hbm>>
        %dma_start3A_990 = tpu.memref_slice %arg8[%dma_start3A_981, %dma_start3A_982] : memref<2x4x!tpu.dma_semaphore, #tpu.memory_space<semaphore_mem>> -> memref<1x1x!tpu.dma_semaphore, #tpu.memory_space<semaphore_mem>>
        %dma_start3A_991 = tpu.memref_squeeze %dma_start3A_990 : memref<1x1x!tpu.dma_semaphore, #tpu.memory_space<semaphore_mem>> -> memref<!tpu.dma_semaphore, #tpu.memory_space<semaphore_mem>>
        %dma_start3A_992 = arith.constant 0 : i32
        %dma_start3A_993 = arith.constant 0 : i32
        %dma_start3A_994 = tpu.memref_slice %arg6[%dma_start3A_979, %dma_start3A_980, %dma_start3A_992, %dma_start3A_993] : memref<2x4x8x1024xf32, #tpu.memory_space<vmem>> -> memref<1x1x8x1024xf32, #tpu.memory_space<vmem>>
        %dma_start3A_995 = tpu.memref_squeeze %dma_start3A_994 : memref<1x1x8x1024xf32, #tpu.memory_space<vmem>> -> memref<8x1024xf32, #tpu.memory_space<vmem>>
        %dma_start3A_996 = arith.constant 0 : i32
        %dma_start3A_997 = tpu.memref_slice %arg2[%dma_start3A_978, %add3A_977, %dma_start3A_996] : memref<4x8192x1024xf32, #tpu.memory_space<hbm>> -> memref<1x8x1024xf32, #tpu.memory_space<hbm>>
        %dma_start3A_998 = tpu.memref_squeeze %dma_start3A_997 : memref<1x8x1024xf32, #tpu.memory_space<hbm>> -> memref<8x1024xf32, #tpu.memory_space<hbm>>
        tpu.enqueue_dma source(%dma_start3A_998 : memref<8x1024xf32, #tpu.memory_space<hbm>>) target(%dma_start3A_995 : memref<8x1024xf32, #tpu.memory_space<vmem>>) target_semaphore(%dma_start3A_991 : memref<!tpu.dma_semaphore, #tpu.memory_space<semaphore_mem>>)
        %gt3A_999 = arith.constant 0 : i32
        %gt3A_1000 = arith.cmpi sgt, %add3A_586, %gt3A_999 : i32
        %convert_element_type3A_1001 = arith.extui %gt3A_1000 : i1 to i32
        %cond3A_1002 = arith.constant 0 : i32
        %cond3A_1003 = arith.cmpi ne, %convert_element_type3A_1001, %cond3A_1002 : i32
        scf.if %cond3A_1003 {
          %dma_wait3A_1030 = arith.constant 0 : i32
          %dma_wait3A_1031 = arith.constant 3 : i32
          %dma_wait3A_1032 = arith.constant 3 : i32
          %dma_wait3A_1033 = arith.constant 0 : i32
          %dma_wait3A_1034 = arith.constant 3 : i32
          %dma_wait3A_1035 = arith.constant 0 : i32
          %dma_wait3A_1036 = arith.constant 0 : i32
          %dma_wait3A_1037 = tpu.memref_slice %arg6[%dma_wait3A_1030, %dma_wait3A_1031, %dma_wait3A_1035, %dma_wait3A_1036] : memref<2x4x8x1024xf32, #tpu.memory_space<vmem>> -> memref<1x1x8x1024xf32, #tpu.memory_space<vmem>>
          %dma_wait3A_1038 = tpu.memref_squeeze %dma_wait3A_1037 : memref<1x1x8x1024xf32, #tpu.memory_space<vmem>> -> memref<8x1024xf32, #tpu.memory_space<vmem>>
          %dma_wait3A_1039 = arith.constant 0 : i32
          %dma_wait3A_1040 = tpu.memref_slice %arg4[%dma_wait3A_1032, %mul3A_2, %dma_wait3A_1039] : memref<4x8192x1024xf32, #tpu.memory_space<hbm>> -> memref<1x8x1024xf32, #tpu.memory_space<hbm>>
          %dma_wait3A_1041 = tpu.memref_squeeze %dma_wait3A_1040 : memref<1x8x1024xf32, #tpu.memory_space<hbm>> -> memref<8x1024xf32, #tpu.memory_space<hbm>>
          %dma_wait3A_1042 = tpu.memref_slice %arg9[%dma_wait3A_1033, %dma_wait3A_1034] : memref<2x4x!tpu.dma_semaphore, #tpu.memory_space<semaphore_mem>> -> memref<1x1x!tpu.dma_semaphore, #tpu.memory_space<semaphore_mem>>
          %dma_wait3A_1043 = tpu.memref_squeeze %dma_wait3A_1042 : memref<1x1x!tpu.dma_semaphore, #tpu.memory_space<semaphore_mem>> -> memref<!tpu.dma_semaphore, #tpu.memory_space<semaphore_mem>>
          %dma_wait3A_1044 = arith.constant 0 : i32
          %dma_wait3A_1045 = tpu.memref_slice %arg4[%dma_wait3A_1032, %mul3A_2, %dma_wait3A_1044] : memref<4x8192x1024xf32, #tpu.memory_space<hbm>> -> memref<1x8x1024xf32, #tpu.memory_space<hbm>>
          %dma_wait3A_1046 = tpu.memref_squeeze %dma_wait3A_1045 : memref<1x8x1024xf32, #tpu.memory_space<hbm>> -> memref<8x1024xf32, #tpu.memory_space<hbm>>
          %dma_wait3A_1047 = arith.constant 0 : i32
          %dma_wait3A_1048 = arith.constant 0 : i32
          %dma_wait3A_1049 = tpu.memref_slice %arg6[%dma_wait3A_1030, %dma_wait3A_1031, %dma_wait3A_1047, %dma_wait3A_1048] : memref<2x4x8x1024xf32, #tpu.memory_space<vmem>> -> memref<1x1x8x1024xf32, #tpu.memory_space<vmem>>
          %dma_wait3A_1050 = tpu.memref_squeeze %dma_wait3A_1049 : memref<1x1x8x1024xf32, #tpu.memory_space<vmem>> -> memref<8x1024xf32, #tpu.memory_space<vmem>>
          tpu.wait_dma2 semaphore(%dma_wait3A_1043 : memref<!tpu.dma_semaphore, #tpu.memory_space<semaphore_mem>>) src(%dma_wait3A_1050 : memref<8x1024xf32, #tpu.memory_space<vmem>>) dst(%dma_wait3A_1046 : memref<8x1024xf32, #tpu.memory_space<hbm>>)
        } else {
        }
        %add3A_1004 = arith.constant 1 : i32
        %add3A_1005 = arith.addi %add3A_586, %add3A_1004 : i32
        %mul3A_1006 = arith.constant 8 : i32
        %mul3A_1007 = arith.muli %add3A_1005, %mul3A_1006 : i32
        %add3A_1008 = arith.addi %mul3A_2, %mul3A_1007 : i32
        %dma_start3A_1009 = arith.constant 3 : i32
        %dma_start3A_1010 = arith.constant 0 : i32
        %dma_start3A_1011 = arith.constant 3 : i32
        %dma_start3A_1012 = arith.constant 0 : i32
        %dma_start3A_1013 = arith.constant 3 : i32
        %dma_start3A_1014 = arith.constant 0 : i32
        %dma_start3A_1015 = arith.constant 0 : i32
        %dma_start3A_1016 = tpu.memref_slice %arg6[%dma_start3A_1010, %dma_start3A_1011, %dma_start3A_1014, %dma_start3A_1015] : memref<2x4x8x1024xf32, #tpu.memory_space<vmem>> -> memref<1x1x8x1024xf32, #tpu.memory_space<vmem>>
        %dma_start3A_1017 = tpu.memref_squeeze %dma_start3A_1016 : memref<1x1x8x1024xf32, #tpu.memory_space<vmem>> -> memref<8x1024xf32, #tpu.memory_space<vmem>>
        %dma_start3A_1018 = arith.constant 0 : i32
        %dma_start3A_1019 = tpu.memref_slice %arg2[%dma_start3A_1009, %add3A_1008, %dma_start3A_1018] : memref<4x8192x1024xf32, #tpu.memory_space<hbm>> -> memref<1x8x1024xf32, #tpu.memory_space<hbm>>
        %dma_start3A_1020 = tpu.memref_squeeze %dma_start3A_1019 : memref<1x8x1024xf32, #tpu.memory_space<hbm>> -> memref<8x1024xf32, #tpu.memory_space<hbm>>
        %dma_start3A_1021 = tpu.memref_slice %arg8[%dma_start3A_1012, %dma_start3A_1013] : memref<2x4x!tpu.dma_semaphore, #tpu.memory_space<semaphore_mem>> -> memref<1x1x!tpu.dma_semaphore, #tpu.memory_space<semaphore_mem>>
        %dma_start3A_1022 = tpu.memref_squeeze %dma_start3A_1021 : memref<1x1x!tpu.dma_semaphore, #tpu.memory_space<semaphore_mem>> -> memref<!tpu.dma_semaphore, #tpu.memory_space<semaphore_mem>>
        %dma_start3A_1023 = arith.constant 0 : i32
        %dma_start3A_1024 = arith.constant 0 : i32
        %dma_start3A_1025 = tpu.memref_slice %arg6[%dma_start3A_1010, %dma_start3A_1011, %dma_start3A_1023, %dma_start3A_1024] : memref<2x4x8x1024xf32, #tpu.memory_space<vmem>> -> memref<1x1x8x1024xf32, #tpu.memory_space<vmem>>
        %dma_start3A_1026 = tpu.memref_squeeze %dma_start3A_1025 : memref<1x1x8x1024xf32, #tpu.memory_space<vmem>> -> memref<8x1024xf32, #tpu.memory_space<vmem>>
        %dma_start3A_1027 = arith.constant 0 : i32
        %dma_start3A_1028 = tpu.memref_slice %arg2[%dma_start3A_1009, %add3A_1008, %dma_start3A_1027] : memref<4x8192x1024xf32, #tpu.memory_space<hbm>> -> memref<1x8x1024xf32, #tpu.memory_space<hbm>>
        %dma_start3A_1029 = tpu.memref_squeeze %dma_start3A_1028 : memref<1x8x1024xf32, #tpu.memory_space<hbm>> -> memref<8x1024xf32, #tpu.memory_space<hbm>>
        tpu.enqueue_dma source(%dma_start3A_1029 : memref<8x1024xf32, #tpu.memory_space<hbm>>) target(%dma_start3A_1026 : memref<8x1024xf32, #tpu.memory_space<vmem>>) target_semaphore(%dma_start3A_1022 : memref<!tpu.dma_semaphore, #tpu.memory_space<semaphore_mem>>)
      } else {
      }
      %dma_wait3A_594 = arith.constant 1 : i32
      %dma_wait3A_595 = arith.constant 1 : i32
      %dma_wait3A_596 = arith.constant 0 : i32
      %dma_wait3A_597 = arith.constant 0 : i32
      %dma_wait3A_598 = tpu.memref_slice %arg5[%dma_wait3A_594, %dma_wait3A_596, %dma_wait3A_597] : memref<2x8x1024xf32, #tpu.memory_space<vmem>> -> memref<1x8x1024xf32, #tpu.memory_space<vmem>>
      %dma_wait3A_599 = tpu.memref_squeeze %dma_wait3A_598 : memref<1x8x1024xf32, #tpu.memory_space<vmem>> -> memref<8x1024xf32, #tpu.memory_space<vmem>>
      %dma_wait3A_600 = arith.constant 0 : i32
      %dma_wait3A_601 = tpu.memref_slice %arg3[%mul3A_2, %dma_wait3A_600] : memref<8192x1024xf32, #tpu.memory_space<hbm>> -> memref<8x1024xf32, #tpu.memory_space<hbm>>
      %dma_wait3A_602 = tpu.memref_slice %arg7[%dma_wait3A_595] : memref<2x!tpu.dma_semaphore, #tpu.memory_space<semaphore_mem>> -> memref<1x!tpu.dma_semaphore, #tpu.memory_space<semaphore_mem>>
      %dma_wait3A_603 = tpu.memref_squeeze %dma_wait3A_602 : memref<1x!tpu.dma_semaphore, #tpu.memory_space<semaphore_mem>> -> memref<!tpu.dma_semaphore, #tpu.memory_space<semaphore_mem>>
      %dma_wait3A_604 = arith.constant 0 : i32
      %dma_wait3A_605 = arith.constant 0 : i32
      %dma_wait3A_606 = tpu.memref_slice %arg5[%dma_wait3A_594, %dma_wait3A_604, %dma_wait3A_605] : memref<2x8x1024xf32, #tpu.memory_space<vmem>> -> memref<1x8x1024xf32, #tpu.memory_space<vmem>>
      %dma_wait3A_607 = tpu.memref_squeeze %dma_wait3A_606 : memref<1x8x1024xf32, #tpu.memory_space<vmem>> -> memref<8x1024xf32, #tpu.memory_space<vmem>>
      %dma_wait3A_608 = arith.constant 0 : i32
      %dma_wait3A_609 = tpu.memref_slice %arg3[%mul3A_2, %dma_wait3A_608] : memref<8192x1024xf32, #tpu.memory_space<hbm>> -> memref<8x1024xf32, #tpu.memory_space<hbm>>
      tpu.wait_dma2 semaphore(%dma_wait3A_603 : memref<!tpu.dma_semaphore, #tpu.memory_space<semaphore_mem>>) src(%dma_wait3A_609 : memref<8x1024xf32, #tpu.memory_space<hbm>>) dst(%dma_wait3A_607 : memref<8x1024xf32, #tpu.memory_space<vmem>>)
      %dma_wait3A_610 = arith.constant 0 : i32
      %dma_wait3A_611 = arith.constant 1 : i32
      %dma_wait3A_612 = arith.constant 0 : i32
      %dma_wait3A_613 = arith.constant 1 : i32
      %dma_wait3A_614 = arith.constant 0 : i32
      %dma_wait3A_615 = arith.constant 0 : i32
      %dma_wait3A_616 = arith.constant 0 : i32
      %dma_wait3A_617 = tpu.memref_slice %arg6[%dma_wait3A_611, %dma_wait3A_612, %dma_wait3A_615, %dma_wait3A_616] : memref<2x4x8x1024xf32, #tpu.memory_space<vmem>> -> memref<1x1x8x1024xf32, #tpu.memory_space<vmem>>
      %dma_wait3A_618 = tpu.memref_squeeze %dma_wait3A_617 : memref<1x1x8x1024xf32, #tpu.memory_space<vmem>> -> memref<8x1024xf32, #tpu.memory_space<vmem>>
      %dma_wait3A_619 = arith.constant 0 : i32
      %dma_wait3A_620 = tpu.memref_slice %arg2[%dma_wait3A_610, %mul3A_2, %dma_wait3A_619] : memref<4x8192x1024xf32, #tpu.memory_space<hbm>> -> memref<1x8x1024xf32, #tpu.memory_space<hbm>>
      %dma_wait3A_621 = tpu.memref_squeeze %dma_wait3A_620 : memref<1x8x1024xf32, #tpu.memory_space<hbm>> -> memref<8x1024xf32, #tpu.memory_space<hbm>>
      %dma_wait3A_622 = tpu.memref_slice %arg8[%dma_wait3A_613, %dma_wait3A_614] : memref<2x4x!tpu.dma_semaphore, #tpu.memory_space<semaphore_mem>> -> memref<1x1x!tpu.dma_semaphore, #tpu.memory_space<semaphore_mem>>
      %dma_wait3A_623 = tpu.memref_squeeze %dma_wait3A_622 : memref<1x1x!tpu.dma_semaphore, #tpu.memory_space<semaphore_mem>> -> memref<!tpu.dma_semaphore, #tpu.memory_space<semaphore_mem>>
      %dma_wait3A_624 = arith.constant 0 : i32
      %dma_wait3A_625 = arith.constant 0 : i32
      %dma_wait3A_626 = tpu.memref_slice %arg6[%dma_wait3A_611, %dma_wait3A_612, %dma_wait3A_624, %dma_wait3A_625] : memref<2x4x8x1024xf32, #tpu.memory_space<vmem>> -> memref<1x1x8x1024xf32, #tpu.memory_space<vmem>>
      %dma_wait3A_627 = tpu.memref_squeeze %dma_wait3A_626 : memref<1x1x8x1024xf32, #tpu.memory_space<vmem>> -> memref<8x1024xf32, #tpu.memory_space<vmem>>
      %dma_wait3A_628 = arith.constant 0 : i32
      %dma_wait3A_629 = tpu.memref_slice %arg2[%dma_wait3A_610, %mul3A_2, %dma_wait3A_628] : memref<4x8192x1024xf32, #tpu.memory_space<hbm>> -> memref<1x8x1024xf32, #tpu.memory_space<hbm>>
      %dma_wait3A_630 = tpu.memref_squeeze %dma_wait3A_629 : memref<1x8x1024xf32, #tpu.memory_space<hbm>> -> memref<8x1024xf32, #tpu.memory_space<hbm>>
      tpu.wait_dma2 semaphore(%dma_wait3A_623 : memref<!tpu.dma_semaphore, #tpu.memory_space<semaphore_mem>>) src(%dma_wait3A_630 : memref<8x1024xf32, #tpu.memory_space<hbm>>) dst(%dma_wait3A_627 : memref<8x1024xf32, #tpu.memory_space<vmem>>)
      %parallel_loop3A_631 = arith.constant 0 : i32
      %parallel_loop3A_632 = arith.constant 1024 : i32
      %parallel_loop3A_633 = arith.constant 16 : i32
      scf.for %parallel_loop3A_886 = %parallel_loop3A_631 to %parallel_loop3A_632 step %parallel_loop3A_633  : i32 {
        %parallel_loop3A_887 = arith.constant 1 : i32
        %parallel_loop3A_888 = arith.constant 0 : i32
        %parallel_loop3A_889 = arith.index_cast %parallel_loop3A_887 : i32 to index
        %parallel_loop3A_890 = arith.index_cast %parallel_loop3A_888 : i32 to index
        %parallel_loop3A_891 = arith.index_cast %parallel_loop3A_886 : i32 to index
        %parallel_loop3A_892 = tpu.vector_load %arg5[%parallel_loop3A_889, %parallel_loop3A_890, %parallel_loop3A_891] {strides = array<i32>} : memref<2x8x1024xf32, #tpu.memory_space<vmem>>, vector<1x1x16xf32>,
        %parallel_loop3A_893 = vector.shape_cast %parallel_loop3A_892 : vector<1x1x16xf32> to vector<16xf32>
        %parallel_loop3A_894 = arith.constant 1 : i32
        %parallel_loop3A_895 = arith.constant 0 : i32
        %parallel_loop3A_896 = arith.constant 0 : i32
        %parallel_loop3A_897 = arith.index_cast %parallel_loop3A_894 : i32 to index
        %parallel_loop3A_898 = arith.index_cast %parallel_loop3A_895 : i32 to index
        %parallel_loop3A_899 = arith.index_cast %parallel_loop3A_896 : i32 to index
        %parallel_loop3A_900 = arith.index_cast %parallel_loop3A_886 : i32 to index
        %parallel_loop3A_901 = tpu.vector_load %arg6[%parallel_loop3A_897, %parallel_loop3A_898, %parallel_loop3A_899, %parallel_loop3A_900] {strides = array<i32>} : memref<2x4x8x1024xf32, #tpu.memory_space<vmem>>, vector<1x1x1x16xf32>,
        %parallel_loop3A_902 = vector.shape_cast %parallel_loop3A_901 : vector<1x1x1x16xf32> to vector<16xf32>
        %parallel_loop3A_903 = vector.shape_cast %parallel_loop3A_893 : vector<16xf32> to vector<1x1x1x16xf32>
        tpu.vector_store %arg6[%parallel_loop3A_897, %parallel_loop3A_898, %parallel_loop3A_899, %parallel_loop3A_900], %parallel_loop3A_903 {add = true, strides = array<i32>} : memref<2x4x8x1024xf32, #tpu.memory_space<vmem>>, vector<1x1x1x16xf32>,
      } {sc.loop_unroll_factor = 8 : i64, sc.parallel_access}
      %parallel_loop3A_634 = arith.constant 0 : i32
      %parallel_loop3A_635 = arith.constant 1024 : i32
      %parallel_loop3A_636 = arith.constant 16 : i32
      scf.for %parallel_loop3A_886 = %parallel_loop3A_634 to %parallel_loop3A_635 step %parallel_loop3A_636  : i32 {
        %parallel_loop3A_887 = arith.constant 1 : i32
        %parallel_loop3A_888 = arith.constant 1 : i32
        %parallel_loop3A_889 = arith.index_cast %parallel_loop3A_887 : i32 to index
        %parallel_loop3A_890 = arith.index_cast %parallel_loop3A_888 : i32 to index
        %parallel_loop3A_891 = arith.index_cast %parallel_loop3A_886 : i32 to index
        %parallel_loop3A_892 = tpu.vector_load %arg5[%parallel_loop3A_889, %parallel_loop3A_890, %parallel_loop3A_891] {strides = array<i32>} : memref<2x8x1024xf32, #tpu.memory_space<vmem>>, vector<1x1x16xf32>,
        %parallel_loop3A_893 = vector.shape_cast %parallel_loop3A_892 : vector<1x1x16xf32> to vector<16xf32>
        %parallel_loop3A_894 = arith.constant 1 : i32
        %parallel_loop3A_895 = arith.constant 0 : i32
        %parallel_loop3A_896 = arith.constant 1 : i32
        %parallel_loop3A_897 = arith.index_cast %parallel_loop3A_894 : i32 to index
        %parallel_loop3A_898 = arith.index_cast %parallel_loop3A_895 : i32 to index
        %parallel_loop3A_899 = arith.index_cast %parallel_loop3A_896 : i32 to index
        %parallel_loop3A_900 = arith.index_cast %parallel_loop3A_886 : i32 to index
        %parallel_loop3A_901 = tpu.vector_load %arg6[%parallel_loop3A_897, %parallel_loop3A_898, %parallel_loop3A_899, %parallel_loop3A_900] {strides = array<i32>} : memref<2x4x8x1024xf32, #tpu.memory_space<vmem>>, vector<1x1x1x16xf32>,
        %parallel_loop3A_902 = vector.shape_cast %parallel_loop3A_901 : vector<1x1x1x16xf32> to vector<16xf32>
        %parallel_loop3A_903 = vector.shape_cast %parallel_loop3A_893 : vector<16xf32> to vector<1x1x1x16xf32>
        tpu.vector_store %arg6[%parallel_loop3A_897, %parallel_loop3A_898, %parallel_loop3A_899, %parallel_loop3A_900], %parallel_loop3A_903 {add = true, strides = array<i32>} : memref<2x4x8x1024xf32, #tpu.memory_space<vmem>>, vector<1x1x1x16xf32>,
      } {sc.loop_unroll_factor = 8 : i64, sc.parallel_access}
      %parallel_loop3A_637 = arith.constant 0 : i32
      %parallel_loop3A_638 = arith.constant 1024 : i32
      %parallel_loop3A_639 = arith.constant 16 : i32
      scf.for %parallel_loop3A_886 = %parallel_loop3A_637 to %parallel_loop3A_638 step %parallel_loop3A_639  : i32 {
        %parallel_loop3A_887 = arith.constant 1 : i32
        %parallel_loop3A_888 = arith.constant 2 : i32
        %parallel_loop3A_889 = arith.index_cast %parallel_loop3A_887 : i32 to index
        %parallel_loop3A_890 = arith.index_cast %parallel_loop3A_888 : i32 to index
        %parallel_loop3A_891 = arith.index_cast %parallel_loop3A_886 : i32 to index
        %parallel_loop3A_892 = tpu.vector_load %arg5[%parallel_loop3A_889, %parallel_loop3A_890, %parallel_loop3A_891] {strides = array<i32>} : memref<2x8x1024xf32, #tpu.memory_space<vmem>>, vector<1x1x16xf32>,
        %parallel_loop3A_893 = vector.shape_cast %parallel_loop3A_892 : vector<1x1x16xf32> to vector<16xf32>
        %parallel_loop3A_894 = arith.constant 1 : i32
        %parallel_loop3A_895 = arith.constant 0 : i32
        %parallel_loop3A_896 = arith.constant 2 : i32
        %parallel_loop3A_897 = arith.index_cast %parallel_loop3A_894 : i32 to index
        %parallel_loop3A_898 = arith.index_cast %parallel_loop3A_895 : i32 to index
        %parallel_loop3A_899 = arith.index_cast %parallel_loop3A_896 : i32 to index
        %parallel_loop3A_900 = arith.index_cast %parallel_loop3A_886 : i32 to index
        %parallel_loop3A_901 = tpu.vector_load %arg6[%parallel_loop3A_897, %parallel_loop3A_898, %parallel_loop3A_899, %parallel_loop3A_900] {strides = array<i32>} : memref<2x4x8x1024xf32, #tpu.memory_space<vmem>>, vector<1x1x1x16xf32>,
        %parallel_loop3A_902 = vector.shape_cast %parallel_loop3A_901 : vector<1x1x1x16xf32> to vector<16xf32>
        %parallel_loop3A_903 = vector.shape_cast %parallel_loop3A_893 : vector<16xf32> to vector<1x1x1x16xf32>
        tpu.vector_store %arg6[%parallel_loop3A_897, %parallel_loop3A_898, %parallel_loop3A_899, %parallel_loop3A_900], %parallel_loop3A_903 {add = true, strides = array<i32>} : memref<2x4x8x1024xf32, #tpu.memory_space<vmem>>, vector<1x1x1x16xf32>,
      } {sc.loop_unroll_factor = 8 : i64, sc.parallel_access}
      %parallel_loop3A_640 = arith.constant 0 : i32
      %parallel_loop3A_641 = arith.constant 1024 : i32
      %parallel_loop3A_642 = arith.constant 16 : i32
      scf.for %parallel_loop3A_886 = %parallel_loop3A_640 to %parallel_loop3A_641 step %parallel_loop3A_642  : i32 {
        %parallel_loop3A_887 = arith.constant 1 : i32
        %parallel_loop3A_888 = arith.constant 3 : i32
        %parallel_loop3A_889 = arith.index_cast %parallel_loop3A_887 : i32 to index
        %parallel_loop3A_890 = arith.index_cast %parallel_loop3A_888 : i32 to index
        %parallel_loop3A_891 = arith.index_cast %parallel_loop3A_886 : i32 to index
        %parallel_loop3A_892 = tpu.vector_load %arg5[%parallel_loop3A_889, %parallel_loop3A_890, %parallel_loop3A_891] {strides = array<i32>} : memref<2x8x1024xf32, #tpu.memory_space<vmem>>, vector<1x1x16xf32>,
        %parallel_loop3A_893 = vector.shape_cast %parallel_loop3A_892 : vector<1x1x16xf32> to vector<16xf32>
        %parallel_loop3A_894 = arith.constant 1 : i32
        %parallel_loop3A_895 = arith.constant 0 : i32
        %parallel_loop3A_896 = arith.constant 3 : i32
        %parallel_loop3A_897 = arith.index_cast %parallel_loop3A_894 : i32 to index
        %parallel_loop3A_898 = arith.index_cast %parallel_loop3A_895 : i32 to index
        %parallel_loop3A_899 = arith.index_cast %parallel_loop3A_896 : i32 to index
        %parallel_loop3A_900 = arith.index_cast %parallel_loop3A_886 : i32 to index
        %parallel_loop3A_901 = tpu.vector_load %arg6[%parallel_loop3A_897, %parallel_loop3A_898, %parallel_loop3A_899, %parallel_loop3A_900] {strides = array<i32>} : memref<2x4x8x1024xf32, #tpu.memory_space<vmem>>, vector<1x1x1x16xf32>,
        %parallel_loop3A_902 = vector.shape_cast %parallel_loop3A_901 : vector<1x1x1x16xf32> to vector<16xf32>
        %parallel_loop3A_903 = vector.shape_cast %parallel_loop3A_893 : vector<16xf32> to vector<1x1x1x16xf32>
        tpu.vector_store %arg6[%parallel_loop3A_897, %parallel_loop3A_898, %parallel_loop3A_899, %parallel_loop3A_900], %parallel_loop3A_903 {add = true, strides = array<i32>} : memref<2x4x8x1024xf32, #tpu.memory_space<vmem>>, vector<1x1x1x16xf32>,
      } {sc.loop_unroll_factor = 8 : i64, sc.parallel_access}
      %parallel_loop3A_643 = arith.constant 0 : i32
      %parallel_loop3A_644 = arith.constant 1024 : i32
      %parallel_loop3A_645 = arith.constant 16 : i32
      scf.for %parallel_loop3A_886 = %parallel_loop3A_643 to %parallel_loop3A_644 step %parallel_loop3A_645  : i32 {
        %parallel_loop3A_887 = arith.constant 1 : i32
        %parallel_loop3A_888 = arith.constant 4 : i32
        %parallel_loop3A_889 = arith.index_cast %parallel_loop3A_887 : i32 to index
        %parallel_loop3A_890 = arith.index_cast %parallel_loop3A_888 : i32 to index
        %parallel_loop3A_891 = arith.index_cast %parallel_loop3A_886 : i32 to index
        %parallel_loop3A_892 = tpu.vector_load %arg5[%parallel_loop3A_889, %parallel_loop3A_890, %parallel_loop3A_891] {strides = array<i32>} : memref<2x8x1024xf32, #tpu.memory_space<vmem>>, vector<1x1x16xf32>,
        %parallel_loop3A_893 = vector.shape_cast %parallel_loop3A_892 : vector<1x1x16xf32> to vector<16xf32>
        %parallel_loop3A_894 = arith.constant 1 : i32
        %parallel_loop3A_895 = arith.constant 0 : i32
        %parallel_loop3A_896 = arith.constant 4 : i32
        %parallel_loop3A_897 = arith.index_cast %parallel_loop3A_894 : i32 to index
        %parallel_loop3A_898 = arith.index_cast %parallel_loop3A_895 : i32 to index
        %parallel_loop3A_899 = arith.index_cast %parallel_loop3A_896 : i32 to index
        %parallel_loop3A_900 = arith.index_cast %parallel_loop3A_886 : i32 to index
        %parallel_loop3A_901 = tpu.vector_load %arg6[%parallel_loop3A_897, %parallel_loop3A_898, %parallel_loop3A_899, %parallel_loop3A_900] {strides = array<i32>} : memref<2x4x8x1024xf32, #tpu.memory_space<vmem>>, vector<1x1x1x16xf32>,
        %parallel_loop3A_902 = vector.shape_cast %parallel_loop3A_901 : vector<1x1x1x16xf32> to vector<16xf32>
        %parallel_loop3A_903 = vector.shape_cast %parallel_loop3A_893 : vector<16xf32> to vector<1x1x1x16xf32>
        tpu.vector_store %arg6[%parallel_loop3A_897, %parallel_loop3A_898, %parallel_loop3A_899, %parallel_loop3A_900], %parallel_loop3A_903 {add = true, strides = array<i32>} : memref<2x4x8x1024xf32, #tpu.memory_space<vmem>>, vector<1x1x1x16xf32>,
      } {sc.loop_unroll_factor = 8 : i64, sc.parallel_access}
      %parallel_loop3A_646 = arith.constant 0 : i32
      %parallel_loop3A_647 = arith.constant 1024 : i32
      %parallel_loop3A_648 = arith.constant 16 : i32
      scf.for %parallel_loop3A_886 = %parallel_loop3A_646 to %parallel_loop3A_647 step %parallel_loop3A_648  : i32 {
        %parallel_loop3A_887 = arith.constant 1 : i32
        %parallel_loop3A_888 = arith.constant 5 : i32
        %parallel_loop3A_889 = arith.index_cast %parallel_loop3A_887 : i32 to index
        %parallel_loop3A_890 = arith.index_cast %parallel_loop3A_888 : i32 to index
        %parallel_loop3A_891 = arith.index_cast %parallel_loop3A_886 : i32 to index
        %parallel_loop3A_892 = tpu.vector_load %arg5[%parallel_loop3A_889, %parallel_loop3A_890, %parallel_loop3A_891] {strides = array<i32>} : memref<2x8x1024xf32, #tpu.memory_space<vmem>>, vector<1x1x16xf32>,
        %parallel_loop3A_893 = vector.shape_cast %parallel_loop3A_892 : vector<1x1x16xf32> to vector<16xf32>
        %parallel_loop3A_894 = arith.constant 1 : i32
        %parallel_loop3A_895 = arith.constant 0 : i32
        %parallel_loop3A_896 = arith.constant 5 : i32
        %parallel_loop3A_897 = arith.index_cast %parallel_loop3A_894 : i32 to index
        %parallel_loop3A_898 = arith.index_cast %parallel_loop3A_895 : i32 to index
        %parallel_loop3A_899 = arith.index_cast %parallel_loop3A_896 : i32 to index
        %parallel_loop3A_900 = arith.index_cast %parallel_loop3A_886 : i32 to index
        %parallel_loop3A_901 = tpu.vector_load %arg6[%parallel_loop3A_897, %parallel_loop3A_898, %parallel_loop3A_899, %parallel_loop3A_900] {strides = array<i32>} : memref<2x4x8x1024xf32, #tpu.memory_space<vmem>>, vector<1x1x1x16xf32>,
        %parallel_loop3A_902 = vector.shape_cast %parallel_loop3A_901 : vector<1x1x1x16xf32> to vector<16xf32>
        %parallel_loop3A_903 = vector.shape_cast %parallel_loop3A_893 : vector<16xf32> to vector<1x1x1x16xf32>
        tpu.vector_store %arg6[%parallel_loop3A_897, %parallel_loop3A_898, %parallel_loop3A_899, %parallel_loop3A_900], %parallel_loop3A_903 {add = true, strides = array<i32>} : memref<2x4x8x1024xf32, #tpu.memory_space<vmem>>, vector<1x1x1x16xf32>,
      } {sc.loop_unroll_factor = 8 : i64, sc.parallel_access}
      %parallel_loop3A_649 = arith.constant 0 : i32
      %parallel_loop3A_650 = arith.constant 1024 : i32
      %parallel_loop3A_651 = arith.constant 16 : i32
      scf.for %parallel_loop3A_886 = %parallel_loop3A_649 to %parallel_loop3A_650 step %parallel_loop3A_651  : i32 {
        %parallel_loop3A_887 = arith.constant 1 : i32
        %parallel_loop3A_888 = arith.constant 6 : i32
        %parallel_loop3A_889 = arith.index_cast %parallel_loop3A_887 : i32 to index
        %parallel_loop3A_890 = arith.index_cast %parallel_loop3A_888 : i32 to index
        %parallel_loop3A_891 = arith.index_cast %parallel_loop3A_886 : i32 to index
        %parallel_loop3A_892 = tpu.vector_load %arg5[%parallel_loop3A_889, %parallel_loop3A_890, %parallel_loop3A_891] {strides = array<i32>} : memref<2x8x1024xf32, #tpu.memory_space<vmem>>, vector<1x1x16xf32>,
        %parallel_loop3A_893 = vector.shape_cast %parallel_loop3A_892 : vector<1x1x16xf32> to vector<16xf32>
        %parallel_loop3A_894 = arith.constant 1 : i32
        %parallel_loop3A_895 = arith.constant 0 : i32
        %parallel_loop3A_896 = arith.constant 6 : i32
        %parallel_loop3A_897 = arith.index_cast %parallel_loop3A_894 : i32 to index
        %parallel_loop3A_898 = arith.index_cast %parallel_loop3A_895 : i32 to index
        %parallel_loop3A_899 = arith.index_cast %parallel_loop3A_896 : i32 to index
        %parallel_loop3A_900 = arith.index_cast %parallel_loop3A_886 : i32 to index
        %parallel_loop3A_901 = tpu.vector_load %arg6[%parallel_loop3A_897, %parallel_loop3A_898, %parallel_loop3A_899, %parallel_loop3A_900] {strides = array<i32>} : memref<2x4x8x1024xf32, #tpu.memory_space<vmem>>, vector<1x1x1x16xf32>,
        %parallel_loop3A_902 = vector.shape_cast %parallel_loop3A_901 : vector<1x1x1x16xf32> to vector<16xf32>
        %parallel_loop3A_903 = vector.shape_cast %parallel_loop3A_893 : vector<16xf32> to vector<1x1x1x16xf32>
        tpu.vector_store %arg6[%parallel_loop3A_897, %parallel_loop3A_898, %parallel_loop3A_899, %parallel_loop3A_900], %parallel_loop3A_903 {add = true, strides = array<i32>} : memref<2x4x8x1024xf32, #tpu.memory_space<vmem>>, vector<1x1x1x16xf32>,
      } {sc.loop_unroll_factor = 8 : i64, sc.parallel_access}
      %parallel_loop3A_652 = arith.constant 0 : i32
      %parallel_loop3A_653 = arith.constant 1024 : i32
      %parallel_loop3A_654 = arith.constant 16 : i32
      scf.for %parallel_loop3A_886 = %parallel_loop3A_652 to %parallel_loop3A_653 step %parallel_loop3A_654  : i32 {
        %parallel_loop3A_887 = arith.constant 1 : i32
        %parallel_loop3A_888 = arith.constant 7 : i32
        %parallel_loop3A_889 = arith.index_cast %parallel_loop3A_887 : i32 to index
        %parallel_loop3A_890 = arith.index_cast %parallel_loop3A_888 : i32 to index
        %parallel_loop3A_891 = arith.index_cast %parallel_loop3A_886 : i32 to index
        %parallel_loop3A_892 = tpu.vector_load %arg5[%parallel_loop3A_889, %parallel_loop3A_890, %parallel_loop3A_891] {strides = array<i32>} : memref<2x8x1024xf32, #tpu.memory_space<vmem>>, vector<1x1x16xf32>,
        %parallel_loop3A_893 = vector.shape_cast %parallel_loop3A_892 : vector<1x1x16xf32> to vector<16xf32>
        %parallel_loop3A_894 = arith.constant 1 : i32
        %parallel_loop3A_895 = arith.constant 0 : i32
        %parallel_loop3A_896 = arith.constant 7 : i32
        %parallel_loop3A_897 = arith.index_cast %parallel_loop3A_894 : i32 to index
        %parallel_loop3A_898 = arith.index_cast %parallel_loop3A_895 : i32 to index
        %parallel_loop3A_899 = arith.index_cast %parallel_loop3A_896 : i32 to index
        %parallel_loop3A_900 = arith.index_cast %parallel_loop3A_886 : i32 to index
        %parallel_loop3A_901 = tpu.vector_load %arg6[%parallel_loop3A_897, %parallel_loop3A_898, %parallel_loop3A_899, %parallel_loop3A_900] {strides = array<i32>} : memref<2x4x8x1024xf32, #tpu.memory_space<vmem>>, vector<1x1x1x16xf32>,
        %parallel_loop3A_902 = vector.shape_cast %parallel_loop3A_901 : vector<1x1x1x16xf32> to vector<16xf32>
        %parallel_loop3A_903 = vector.shape_cast %parallel_loop3A_893 : vector<16xf32> to vector<1x1x1x16xf32>
        tpu.vector_store %arg6[%parallel_loop3A_897, %parallel_loop3A_898, %parallel_loop3A_899, %parallel_loop3A_900], %parallel_loop3A_903 {add = true, strides = array<i32>} : memref<2x4x8x1024xf32, #tpu.memory_space<vmem>>, vector<1x1x1x16xf32>,
      } {sc.loop_unroll_factor = 8 : i64, sc.parallel_access}
      %mul3A_655 = arith.constant 8 : i32
      %mul3A_656 = arith.muli %add3A_586, %mul3A_655 : i32
      %add3A_657 = arith.addi %mul3A_2, %mul3A_656 : i32
      %dma_start3A_658 = arith.constant 1 : i32
      %dma_start3A_659 = arith.constant 0 : i32
      %dma_start3A_660 = arith.constant 0 : i32
      %dma_start3A_661 = arith.constant 1 : i32
      %dma_start3A_662 = arith.constant 0 : i32
      %dma_start3A_663 = arith.constant 0 : i32
      %dma_start3A_664 = arith.constant 0 : i32
      %dma_start3A_665 = tpu.memref_slice %arg6[%dma_start3A_658, %dma_start3A_659, %dma_start3A_663, %dma_start3A_664] : memref<2x4x8x1024xf32, #tpu.memory_space<vmem>> -> memref<1x1x8x1024xf32, #tpu.memory_space<vmem>>
      %dma_start3A_666 = tpu.memref_squeeze %dma_start3A_665 : memref<1x1x8x1024xf32, #tpu.memory_space<vmem>> -> memref<8x1024xf32, #tpu.memory_space<vmem>>
      %dma_start3A_667 = arith.constant 0 : i32
      %dma_start3A_668 = tpu.memref_slice %arg4[%dma_start3A_660, %add3A_657, %dma_start3A_667] : memref<4x8192x1024xf32, #tpu.memory_space<hbm>> -> memref<1x8x1024xf32, #tpu.memory_space<hbm>>
      %dma_start3A_669 = tpu.memref_squeeze %dma_start3A_668 : memref<1x8x1024xf32, #tpu.memory_space<hbm>> -> memref<8x1024xf32, #tpu.memory_space<hbm>>
      %dma_start3A_670 = tpu.memref_slice %arg9[%dma_start3A_661, %dma_start3A_662] : memref<2x4x!tpu.dma_semaphore, #tpu.memory_space<semaphore_mem>> -> memref<1x1x!tpu.dma_semaphore, #tpu.memory_space<semaphore_mem>>
      %dma_start3A_671 = tpu.memref_squeeze %dma_start3A_670 : memref<1x1x!tpu.dma_semaphore, #tpu.memory_space<semaphore_mem>> -> memref<!tpu.dma_semaphore, #tpu.memory_space<semaphore_mem>>
      %dma_start3A_672 = arith.constant 0 : i32
      %dma_start3A_673 = tpu.memref_slice %arg4[%dma_start3A_660, %add3A_657, %dma_start3A_672] : memref<4x8192x1024xf32, #tpu.memory_space<hbm>> -> memref<1x8x1024xf32, #tpu.memory_space<hbm>>
      %dma_start3A_674 = tpu.memref_squeeze %dma_start3A_673 : memref<1x8x1024xf32, #tpu.memory_space<hbm>> -> memref<8x1024xf32, #tpu.memory_space<hbm>>
      %dma_start3A_675 = arith.constant 0 : i32
      %dma_start3A_676 = arith.constant 0 : i32
      %dma_start3A_677 = tpu.memref_slice %arg6[%dma_start3A_658, %dma_start3A_659, %dma_start3A_675, %dma_start3A_676] : memref<2x4x8x1024xf32, #tpu.memory_space<vmem>> -> memref<1x1x8x1024xf32, #tpu.memory_space<vmem>>
      %dma_start3A_678 = tpu.memref_squeeze %dma_start3A_677 : memref<1x1x8x1024xf32, #tpu.memory_space<vmem>> -> memref<8x1024xf32, #tpu.memory_space<vmem>>
      tpu.enqueue_dma source(%dma_start3A_678 : memref<8x1024xf32, #tpu.memory_space<vmem>>) target(%dma_start3A_674 : memref<8x1024xf32, #tpu.memory_space<hbm>>) target_semaphore(%dma_start3A_671 : memref<!tpu.dma_semaphore, #tpu.memory_space<semaphore_mem>>)
      %dma_wait3A_679 = arith.constant 1 : i32
      %dma_wait3A_680 = arith.constant 1 : i32
      %dma_wait3A_681 = arith.constant 1 : i32
      %dma_wait3A_682 = arith.constant 1 : i32
      %dma_wait3A_683 = arith.constant 1 : i32
      %dma_wait3A_684 = arith.constant 0 : i32
      %dma_wait3A_685 = arith.constant 0 : i32
      %dma_wait3A_686 = tpu.memref_slice %arg6[%dma_wait3A_680, %dma_wait3A_681, %dma_wait3A_684, %dma_wait3A_685] : memref<2x4x8x1024xf32, #tpu.memory_space<vmem>> -> memref<1x1x8x1024xf32, #tpu.memory_space<vmem>>
      %dma_wait3A_687 = tpu.memref_squeeze %dma_wait3A_686 : memref<1x1x8x1024xf32, #tpu.memory_space<vmem>> -> memref<8x1024xf32, #tpu.memory_space<vmem>>
      %dma_wait3A_688 = arith.constant 0 : i32
      %dma_wait3A_689 = tpu.memref_slice %arg2[%dma_wait3A_679, %mul3A_2, %dma_wait3A_688] : memref<4x8192x1024xf32, #tpu.memory_space<hbm>> -> memref<1x8x1024xf32, #tpu.memory_space<hbm>>
      %dma_wait3A_690 = tpu.memref_squeeze %dma_wait3A_689 : memref<1x8x1024xf32, #tpu.memory_space<hbm>> -> memref<8x1024xf32, #tpu.memory_space<hbm>>
      %dma_wait3A_691 = tpu.memref_slice %arg8[%dma_wait3A_682, %dma_wait3A_683] : memref<2x4x!tpu.dma_semaphore, #tpu.memory_space<semaphore_mem>> -> memref<1x1x!tpu.dma_semaphore, #tpu.memory_space<semaphore_mem>>
      %dma_wait3A_692 = tpu.memref_squeeze %dma_wait3A_691 : memref<1x1x!tpu.dma_semaphore, #tpu.memory_space<semaphore_mem>> -> memref<!tpu.dma_semaphore, #tpu.memory_space<semaphore_mem>>
      %dma_wait3A_693 = arith.constant 0 : i32
      %dma_wait3A_694 = arith.constant 0 : i32
      %dma_wait3A_695 = tpu.memref_slice %arg6[%dma_wait3A_680, %dma_wait3A_681, %dma_wait3A_693, %dma_wait3A_694] : memref<2x4x8x1024xf32, #tpu.memory_space<vmem>> -> memref<1x1x8x1024xf32, #tpu.memory_space<vmem>>
      %dma_wait3A_696 = tpu.memref_squeeze %dma_wait3A_695 : memref<1x1x8x1024xf32, #tpu.memory_space<vmem>> -> memref<8x1024xf32, #tpu.memory_space<vmem>>
      %dma_wait3A_697 = arith.constant 0 : i32
      %dma_wait3A_698 = tpu.memref_slice %arg2[%dma_wait3A_679, %mul3A_2, %dma_wait3A_697] : memref<4x8192x1024xf32, #tpu.memory_space<hbm>> -> memref<1x8x1024xf32, #tpu.memory_space<hbm>>
      %dma_wait3A_699 = tpu.memref_squeeze %dma_wait3A_698 : memref<1x8x1024xf32, #tpu.memory_space<hbm>> -> memref<8x1024xf32, #tpu.memory_space<hbm>>
      tpu.wait_dma2 semaphore(%dma_wait3A_692 : memref<!tpu.dma_semaphore, #tpu.memory_space<semaphore_mem>>) src(%dma_wait3A_699 : memref<8x1024xf32, #tpu.memory_space<hbm>>) dst(%dma_wait3A_696 : memref<8x1024xf32, #tpu.memory_space<vmem>>)
      %parallel_loop3A_700 = arith.constant 0 : i32
      %parallel_loop3A_701 = arith.constant 1024 : i32
      %parallel_loop3A_702 = arith.constant 16 : i32
      scf.for %parallel_loop3A_886 = %parallel_loop3A_700 to %parallel_loop3A_701 step %parallel_loop3A_702  : i32 {
        %parallel_loop3A_887 = arith.constant 1 : i32
        %parallel_loop3A_888 = arith.constant 0 : i32
        %parallel_loop3A_889 = arith.index_cast %parallel_loop3A_887 : i32 to index
        %parallel_loop3A_890 = arith.index_cast %parallel_loop3A_888 : i32 to index
        %parallel_loop3A_891 = arith.index_cast %parallel_loop3A_886 : i32 to index
        %parallel_loop3A_892 = tpu.vector_load %arg5[%parallel_loop3A_889, %parallel_loop3A_890, %parallel_loop3A_891] {strides = array<i32>} : memref<2x8x1024xf32, #tpu.memory_space<vmem>>, vector<1x1x16xf32>,
        %parallel_loop3A_893 = vector.shape_cast %parallel_loop3A_892 : vector<1x1x16xf32> to vector<16xf32>
        %parallel_loop3A_894 = arith.constant 1 : i32
        %parallel_loop3A_895 = arith.constant 1 : i32
        %parallel_loop3A_896 = arith.constant 0 : i32
        %parallel_loop3A_897 = arith.index_cast %parallel_loop3A_894 : i32 to index
        %parallel_loop3A_898 = arith.index_cast %parallel_loop3A_895 : i32 to index
        %parallel_loop3A_899 = arith.index_cast %parallel_loop3A_896 : i32 to index
        %parallel_loop3A_900 = arith.index_cast %parallel_loop3A_886 : i32 to index
        %parallel_loop3A_901 = tpu.vector_load %arg6[%parallel_loop3A_897, %parallel_loop3A_898, %parallel_loop3A_899, %parallel_loop3A_900] {strides = array<i32>} : memref<2x4x8x1024xf32, #tpu.memory_space<vmem>>, vector<1x1x1x16xf32>,
        %parallel_loop3A_902 = vector.shape_cast %parallel_loop3A_901 : vector<1x1x1x16xf32> to vector<16xf32>
        %parallel_loop3A_903 = vector.shape_cast %parallel_loop3A_893 : vector<16xf32> to vector<1x1x1x16xf32>
        tpu.vector_store %arg6[%parallel_loop3A_897, %parallel_loop3A_898, %parallel_loop3A_899, %parallel_loop3A_900], %parallel_loop3A_903 {add = true, strides = array<i32>} : memref<2x4x8x1024xf32, #tpu.memory_space<vmem>>, vector<1x1x1x16xf32>,
      } {sc.loop_unroll_factor = 8 : i64, sc.parallel_access}
      %parallel_loop3A_703 = arith.constant 0 : i32
      %parallel_loop3A_704 = arith.constant 1024 : i32
      %parallel_loop3A_705 = arith.constant 16 : i32
      scf.for %parallel_loop3A_886 = %parallel_loop3A_703 to %parallel_loop3A_704 step %parallel_loop3A_705  : i32 {
        %parallel_loop3A_887 = arith.constant 1 : i32
        %parallel_loop3A_888 = arith.constant 1 : i32
        %parallel_loop3A_889 = arith.index_cast %parallel_loop3A_887 : i32 to index
        %parallel_loop3A_890 = arith.index_cast %parallel_loop3A_888 : i32 to index
        %parallel_loop3A_891 = arith.index_cast %parallel_loop3A_886 : i32 to index
        %parallel_loop3A_892 = tpu.vector_load %arg5[%parallel_loop3A_889, %parallel_loop3A_890, %parallel_loop3A_891] {strides = array<i32>} : memref<2x8x1024xf32, #tpu.memory_space<vmem>>, vector<1x1x16xf32>,
        %parallel_loop3A_893 = vector.shape_cast %parallel_loop3A_892 : vector<1x1x16xf32> to vector<16xf32>
        %parallel_loop3A_894 = arith.constant 1 : i32
        %parallel_loop3A_895 = arith.constant 1 : i32
        %parallel_loop3A_896 = arith.constant 1 : i32
        %parallel_loop3A_897 = arith.index_cast %parallel_loop3A_894 : i32 to index
        %parallel_loop3A_898 = arith.index_cast %parallel_loop3A_895 : i32 to index
        %parallel_loop3A_899 = arith.index_cast %parallel_loop3A_896 : i32 to index
        %parallel_loop3A_900 = arith.index_cast %parallel_loop3A_886 : i32 to index
        %parallel_loop3A_901 = tpu.vector_load %arg6[%parallel_loop3A_897, %parallel_loop3A_898, %parallel_loop3A_899, %parallel_loop3A_900] {strides = array<i32>} : memref<2x4x8x1024xf32, #tpu.memory_space<vmem>>, vector<1x1x1x16xf32>,
        %parallel_loop3A_902 = vector.shape_cast %parallel_loop3A_901 : vector<1x1x1x16xf32> to vector<16xf32>
        %parallel_loop3A_903 = vector.shape_cast %parallel_loop3A_893 : vector<16xf32> to vector<1x1x1x16xf32>
        tpu.vector_store %arg6[%parallel_loop3A_897, %parallel_loop3A_898, %parallel_loop3A_899, %parallel_loop3A_900], %parallel_loop3A_903 {add = true, strides = array<i32>} : memref<2x4x8x1024xf32, #tpu.memory_space<vmem>>, vector<1x1x1x16xf32>,
      } {sc.loop_unroll_factor = 8 : i64, sc.parallel_access}
      %parallel_loop3A_706 = arith.constant 0 : i32
      %parallel_loop3A_707 = arith.constant 1024 : i32
      %parallel_loop3A_708 = arith.constant 16 : i32
      scf.for %parallel_loop3A_886 = %parallel_loop3A_706 to %parallel_loop3A_707 step %parallel_loop3A_708  : i32 {
        %parallel_loop3A_887 = arith.constant 1 : i32
        %parallel_loop3A_888 = arith.constant 2 : i32
        %parallel_loop3A_889 = arith.index_cast %parallel_loop3A_887 : i32 to index
        %parallel_loop3A_890 = arith.index_cast %parallel_loop3A_888 : i32 to index
        %parallel_loop3A_891 = arith.index_cast %parallel_loop3A_886 : i32 to index
        %parallel_loop3A_892 = tpu.vector_load %arg5[%parallel_loop3A_889, %parallel_loop3A_890, %parallel_loop3A_891] {strides = array<i32>} : memref<2x8x1024xf32, #tpu.memory_space<vmem>>, vector<1x1x16xf32>,
        %parallel_loop3A_893 = vector.shape_cast %parallel_loop3A_892 : vector<1x1x16xf32> to vector<16xf32>
        %parallel_loop3A_894 = arith.constant 1 : i32
        %parallel_loop3A_895 = arith.constant 1 : i32
        %parallel_loop3A_896 = arith.constant 2 : i32
        %parallel_loop3A_897 = arith.index_cast %parallel_loop3A_894 : i32 to index
        %parallel_loop3A_898 = arith.index_cast %parallel_loop3A_895 : i32 to index
        %parallel_loop3A_899 = arith.index_cast %parallel_loop3A_896 : i32 to index
        %parallel_loop3A_900 = arith.index_cast %parallel_loop3A_886 : i32 to index
        %parallel_loop3A_901 = tpu.vector_load %arg6[%parallel_loop3A_897, %parallel_loop3A_898, %parallel_loop3A_899, %parallel_loop3A_900] {strides = array<i32>} : memref<2x4x8x1024xf32, #tpu.memory_space<vmem>>, vector<1x1x1x16xf32>,
        %parallel_loop3A_902 = vector.shape_cast %parallel_loop3A_901 : vector<1x1x1x16xf32> to vector<16xf32>
        %parallel_loop3A_903 = vector.shape_cast %parallel_loop3A_893 : vector<16xf32> to vector<1x1x1x16xf32>
        tpu.vector_store %arg6[%parallel_loop3A_897, %parallel_loop3A_898, %parallel_loop3A_899, %parallel_loop3A_900], %parallel_loop3A_903 {add = true, strides = array<i32>} : memref<2x4x8x1024xf32, #tpu.memory_space<vmem>>, vector<1x1x1x16xf32>,
      } {sc.loop_unroll_factor = 8 : i64, sc.parallel_access}
      %parallel_loop3A_709 = arith.constant 0 : i32
      %parallel_loop3A_710 = arith.constant 1024 : i32
      %parallel_loop3A_711 = arith.constant 16 : i32
      scf.for %parallel_loop3A_886 = %parallel_loop3A_709 to %parallel_loop3A_710 step %parallel_loop3A_711  : i32 {
        %parallel_loop3A_887 = arith.constant 1 : i32
        %parallel_loop3A_888 = arith.constant 3 : i32
        %parallel_loop3A_889 = arith.index_cast %parallel_loop3A_887 : i32 to index
        %parallel_loop3A_890 = arith.index_cast %parallel_loop3A_888 : i32 to index
        %parallel_loop3A_891 = arith.index_cast %parallel_loop3A_886 : i32 to index
        %parallel_loop3A_892 = tpu.vector_load %arg5[%parallel_loop3A_889, %parallel_loop3A_890, %parallel_loop3A_891] {strides = array<i32>} : memref<2x8x1024xf32, #tpu.memory_space<vmem>>, vector<1x1x16xf32>,
        %parallel_loop3A_893 = vector.shape_cast %parallel_loop3A_892 : vector<1x1x16xf32> to vector<16xf32>
        %parallel_loop3A_894 = arith.constant 1 : i32
        %parallel_loop3A_895 = arith.constant 1 : i32
        %parallel_loop3A_896 = arith.constant 3 : i32
        %parallel_loop3A_897 = arith.index_cast %parallel_loop3A_894 : i32 to index
        %parallel_loop3A_898 = arith.index_cast %parallel_loop3A_895 : i32 to index
        %parallel_loop3A_899 = arith.index_cast %parallel_loop3A_896 : i32 to index
        %parallel_loop3A_900 = arith.index_cast %parallel_loop3A_886 : i32 to index
        %parallel_loop3A_901 = tpu.vector_load %arg6[%parallel_loop3A_897, %parallel_loop3A_898, %parallel_loop3A_899, %parallel_loop3A_900] {strides = array<i32>} : memref<2x4x8x1024xf32, #tpu.memory_space<vmem>>, vector<1x1x1x16xf32>,
        %parallel_loop3A_902 = vector.shape_cast %parallel_loop3A_901 : vector<1x1x1x16xf32> to vector<16xf32>
        %parallel_loop3A_903 = vector.shape_cast %parallel_loop3A_893 : vector<16xf32> to vector<1x1x1x16xf32>
        tpu.vector_store %arg6[%parallel_loop3A_897, %parallel_loop3A_898, %parallel_loop3A_899, %parallel_loop3A_900], %parallel_loop3A_903 {add = true, strides = array<i32>} : memref<2x4x8x1024xf32, #tpu.memory_space<vmem>>, vector<1x1x1x16xf32>,
      } {sc.loop_unroll_factor = 8 : i64, sc.parallel_access}
      %parallel_loop3A_712 = arith.constant 0 : i32
      %parallel_loop3A_713 = arith.constant 1024 : i32
      %parallel_loop3A_714 = arith.constant 16 : i32
      scf.for %parallel_loop3A_886 = %parallel_loop3A_712 to %parallel_loop3A_713 step %parallel_loop3A_714  : i32 {
        %parallel_loop3A_887 = arith.constant 1 : i32
        %parallel_loop3A_888 = arith.constant 4 : i32
        %parallel_loop3A_889 = arith.index_cast %parallel_loop3A_887 : i32 to index
        %parallel_loop3A_890 = arith.index_cast %parallel_loop3A_888 : i32 to index
        %parallel_loop3A_891 = arith.index_cast %parallel_loop3A_886 : i32 to index
        %parallel_loop3A_892 = tpu.vector_load %arg5[%parallel_loop3A_889, %parallel_loop3A_890, %parallel_loop3A_891] {strides = array<i32>} : memref<2x8x1024xf32, #tpu.memory_space<vmem>>, vector<1x1x16xf32>,
        %parallel_loop3A_893 = vector.shape_cast %parallel_loop3A_892 : vector<1x1x16xf32> to vector<16xf32>
        %parallel_loop3A_894 = arith.constant 1 : i32
        %parallel_loop3A_895 = arith.constant 1 : i32
        %parallel_loop3A_896 = arith.constant 4 : i32
        %parallel_loop3A_897 = arith.index_cast %parallel_loop3A_894 : i32 to index
        %parallel_loop3A_898 = arith.index_cast %parallel_loop3A_895 : i32 to index
        %parallel_loop3A_899 = arith.index_cast %parallel_loop3A_896 : i32 to index
        %parallel_loop3A_900 = arith.index_cast %parallel_loop3A_886 : i32 to index
        %parallel_loop3A_901 = tpu.vector_load %arg6[%parallel_loop3A_897, %parallel_loop3A_898, %parallel_loop3A_899, %parallel_loop3A_900] {strides = array<i32>} : memref<2x4x8x1024xf32, #tpu.memory_space<vmem>>, vector<1x1x1x16xf32>,
        %parallel_loop3A_902 = vector.shape_cast %parallel_loop3A_901 : vector<1x1x1x16xf32> to vector<16xf32>
        %parallel_loop3A_903 = vector.shape_cast %parallel_loop3A_893 : vector<16xf32> to vector<1x1x1x16xf32>
        tpu.vector_store %arg6[%parallel_loop3A_897, %parallel_loop3A_898, %parallel_loop3A_899, %parallel_loop3A_900], %parallel_loop3A_903 {add = true, strides = array<i32>} : memref<2x4x8x1024xf32, #tpu.memory_space<vmem>>, vector<1x1x1x16xf32>,
      } {sc.loop_unroll_factor = 8 : i64, sc.parallel_access}
      %parallel_loop3A_715 = arith.constant 0 : i32
      %parallel_loop3A_716 = arith.constant 1024 : i32
      %parallel_loop3A_717 = arith.constant 16 : i32
      scf.for %parallel_loop3A_886 = %parallel_loop3A_715 to %parallel_loop3A_716 step %parallel_loop3A_717  : i32 {
        %parallel_loop3A_887 = arith.constant 1 : i32
        %parallel_loop3A_888 = arith.constant 5 : i32
        %parallel_loop3A_889 = arith.index_cast %parallel_loop3A_887 : i32 to index
        %parallel_loop3A_890 = arith.index_cast %parallel_loop3A_888 : i32 to index
        %parallel_loop3A_891 = arith.index_cast %parallel_loop3A_886 : i32 to index
        %parallel_loop3A_892 = tpu.vector_load %arg5[%parallel_loop3A_889, %parallel_loop3A_890, %parallel_loop3A_891] {strides = array<i32>} : memref<2x8x1024xf32, #tpu.memory_space<vmem>>, vector<1x1x16xf32>,
        %parallel_loop3A_893 = vector.shape_cast %parallel_loop3A_892 : vector<1x1x16xf32> to vector<16xf32>
        %parallel_loop3A_894 = arith.constant 1 : i32
        %parallel_loop3A_895 = arith.constant 1 : i32
        %parallel_loop3A_896 = arith.constant 5 : i32
        %parallel_loop3A_897 = arith.index_cast %parallel_loop3A_894 : i32 to index
        %parallel_loop3A_898 = arith.index_cast %parallel_loop3A_895 : i32 to index
        %parallel_loop3A_899 = arith.index_cast %parallel_loop3A_896 : i32 to index
        %parallel_loop3A_900 = arith.index_cast %parallel_loop3A_886 : i32 to index
        %parallel_loop3A_901 = tpu.vector_load %arg6[%parallel_loop3A_897, %parallel_loop3A_898, %parallel_loop3A_899, %parallel_loop3A_900] {strides = array<i32>} : memref<2x4x8x1024xf32, #tpu.memory_space<vmem>>, vector<1x1x1x16xf32>,
        %parallel_loop3A_902 = vector.shape_cast %parallel_loop3A_901 : vector<1x1x1x16xf32> to vector<16xf32>
        %parallel_loop3A_903 = vector.shape_cast %parallel_loop3A_893 : vector<16xf32> to vector<1x1x1x16xf32>
        tpu.vector_store %arg6[%parallel_loop3A_897, %parallel_loop3A_898, %parallel_loop3A_899, %parallel_loop3A_900], %parallel_loop3A_903 {add = true, strides = array<i32>} : memref<2x4x8x1024xf32, #tpu.memory_space<vmem>>, vector<1x1x1x16xf32>,
      } {sc.loop_unroll_factor = 8 : i64, sc.parallel_access}
      %parallel_loop3A_718 = arith.constant 0 : i32
      %parallel_loop3A_719 = arith.constant 1024 : i32
      %parallel_loop3A_720 = arith.constant 16 : i32
      scf.for %parallel_loop3A_886 = %parallel_loop3A_718 to %parallel_loop3A_719 step %parallel_loop3A_720  : i32 {
        %parallel_loop3A_887 = arith.constant 1 : i32
        %parallel_loop3A_888 = arith.constant 6 : i32
        %parallel_loop3A_889 = arith.index_cast %parallel_loop3A_887 : i32 to index
        %parallel_loop3A_890 = arith.index_cast %parallel_loop3A_888 : i32 to index
        %parallel_loop3A_891 = arith.index_cast %parallel_loop3A_886 : i32 to index
        %parallel_loop3A_892 = tpu.vector_load %arg5[%parallel_loop3A_889, %parallel_loop3A_890, %parallel_loop3A_891] {strides = array<i32>} : memref<2x8x1024xf32, #tpu.memory_space<vmem>>, vector<1x1x16xf32>,
        %parallel_loop3A_893 = vector.shape_cast %parallel_loop3A_892 : vector<1x1x16xf32> to vector<16xf32>
        %parallel_loop3A_894 = arith.constant 1 : i32
        %parallel_loop3A_895 = arith.constant 1 : i32
        %parallel_loop3A_896 = arith.constant 6 : i32
        %parallel_loop3A_897 = arith.index_cast %parallel_loop3A_894 : i32 to index
        %parallel_loop3A_898 = arith.index_cast %parallel_loop3A_895 : i32 to index
        %parallel_loop3A_899 = arith.index_cast %parallel_loop3A_896 : i32 to index
        %parallel_loop3A_900 = arith.index_cast %parallel_loop3A_886 : i32 to index
        %parallel_loop3A_901 = tpu.vector_load %arg6[%parallel_loop3A_897, %parallel_loop3A_898, %parallel_loop3A_899, %parallel_loop3A_900] {strides = array<i32>} : memref<2x4x8x1024xf32, #tpu.memory_space<vmem>>, vector<1x1x1x16xf32>,
        %parallel_loop3A_902 = vector.shape_cast %parallel_loop3A_901 : vector<1x1x1x16xf32> to vector<16xf32>
        %parallel_loop3A_903 = vector.shape_cast %parallel_loop3A_893 : vector<16xf32> to vector<1x1x1x16xf32>
        tpu.vector_store %arg6[%parallel_loop3A_897, %parallel_loop3A_898, %parallel_loop3A_899, %parallel_loop3A_900], %parallel_loop3A_903 {add = true, strides = array<i32>} : memref<2x4x8x1024xf32, #tpu.memory_space<vmem>>, vector<1x1x1x16xf32>,
      } {sc.loop_unroll_factor = 8 : i64, sc.parallel_access}
      %parallel_loop3A_721 = arith.constant 0 : i32
      %parallel_loop3A_722 = arith.constant 1024 : i32
      %parallel_loop3A_723 = arith.constant 16 : i32
      scf.for %parallel_loop3A_886 = %parallel_loop3A_721 to %parallel_loop3A_722 step %parallel_loop3A_723  : i32 {
        %parallel_loop3A_887 = arith.constant 1 : i32
        %parallel_loop3A_888 = arith.constant 7 : i32
        %parallel_loop3A_889 = arith.index_cast %parallel_loop3A_887 : i32 to index
        %parallel_loop3A_890 = arith.index_cast %parallel_loop3A_888 : i32 to index
        %parallel_loop3A_891 = arith.index_cast %parallel_loop3A_886 : i32 to index
        %parallel_loop3A_892 = tpu.vector_load %arg5[%parallel_loop3A_889, %parallel_loop3A_890, %parallel_loop3A_891] {strides = array<i32>} : memref<2x8x1024xf32, #tpu.memory_space<vmem>>, vector<1x1x16xf32>,
        %parallel_loop3A_893 = vector.shape_cast %parallel_loop3A_892 : vector<1x1x16xf32> to vector<16xf32>
        %parallel_loop3A_894 = arith.constant 1 : i32
        %parallel_loop3A_895 = arith.constant 1 : i32
        %parallel_loop3A_896 = arith.constant 7 : i32
        %parallel_loop3A_897 = arith.index_cast %parallel_loop3A_894 : i32 to index
        %parallel_loop3A_898 = arith.index_cast %parallel_loop3A_895 : i32 to index
        %parallel_loop3A_899 = arith.index_cast %parallel_loop3A_896 : i32 to index
        %parallel_loop3A_900 = arith.index_cast %parallel_loop3A_886 : i32 to index
        %parallel_loop3A_901 = tpu.vector_load %arg6[%parallel_loop3A_897, %parallel_loop3A_898, %parallel_loop3A_899, %parallel_loop3A_900] {strides = array<i32>} : memref<2x4x8x1024xf32, #tpu.memory_space<vmem>>, vector<1x1x1x16xf32>,
        %parallel_loop3A_902 = vector.shape_cast %parallel_loop3A_901 : vector<1x1x1x16xf32> to vector<16xf32>
        %parallel_loop3A_903 = vector.shape_cast %parallel_loop3A_893 : vector<16xf32> to vector<1x1x1x16xf32>
        tpu.vector_store %arg6[%parallel_loop3A_897, %parallel_loop3A_898, %parallel_loop3A_899, %parallel_loop3A_900], %parallel_loop3A_903 {add = true, strides = array<i32>} : memref<2x4x8x1024xf32, #tpu.memory_space<vmem>>, vector<1x1x1x16xf32>,
      } {sc.loop_unroll_factor = 8 : i64, sc.parallel_access}
      %mul3A_724 = arith.constant 8 : i32
      %mul3A_725 = arith.muli %add3A_586, %mul3A_724 : i32
      %add3A_726 = arith.addi %mul3A_2, %mul3A_725 : i32
      %dma_start3A_727 = arith.constant 1 : i32
      %dma_start3A_728 = arith.constant 1 : i32
      %dma_start3A_729 = arith.constant 1 : i32
      %dma_start3A_730 = arith.constant 1 : i32
      %dma_start3A_731 = arith.constant 1 : i32
      %dma_start3A_732 = arith.constant 0 : i32
      %dma_start3A_733 = arith.constant 0 : i32
      %dma_start3A_734 = tpu.memref_slice %arg6[%dma_start3A_727, %dma_start3A_728, %dma_start3A_732, %dma_start3A_733] : memref<2x4x8x1024xf32, #tpu.memory_space<vmem>> -> memref<1x1x8x1024xf32, #tpu.memory_space<vmem>>
      %dma_start3A_735 = tpu.memref_squeeze %dma_start3A_734 : memref<1x1x8x1024xf32, #tpu.memory_space<vmem>> -> memref<8x1024xf32, #tpu.memory_space<vmem>>
      %dma_start3A_736 = arith.constant 0 : i32
      %dma_start3A_737 = tpu.memref_slice %arg4[%dma_start3A_729, %add3A_726, %dma_start3A_736] : memref<4x8192x1024xf32, #tpu.memory_space<hbm>> -> memref<1x8x1024xf32, #tpu.memory_space<hbm>>
      %dma_start3A_738 = tpu.memref_squeeze %dma_start3A_737 : memref<1x8x1024xf32, #tpu.memory_space<hbm>> -> memref<8x1024xf32, #tpu.memory_space<hbm>>
      %dma_start3A_739 = tpu.memref_slice %arg9[%dma_start3A_730, %dma_start3A_731] : memref<2x4x!tpu.dma_semaphore, #tpu.memory_space<semaphore_mem>> -> memref<1x1x!tpu.dma_semaphore, #tpu.memory_space<semaphore_mem>>
      %dma_start3A_740 = tpu.memref_squeeze %dma_start3A_739 : memref<1x1x!tpu.dma_semaphore, #tpu.memory_space<semaphore_mem>> -> memref<!tpu.dma_semaphore, #tpu.memory_space<semaphore_mem>>
      %dma_start3A_741 = arith.constant 0 : i32
      %dma_start3A_742 = tpu.memref_slice %arg4[%dma_start3A_729, %add3A_726, %dma_start3A_741] : memref<4x8192x1024xf32, #tpu.memory_space<hbm>> -> memref<1x8x1024xf32, #tpu.memory_space<hbm>>
      %dma_start3A_743 = tpu.memref_squeeze %dma_start3A_742 : memref<1x8x1024xf32, #tpu.memory_space<hbm>> -> memref<8x1024xf32, #tpu.memory_space<hbm>>
      %dma_start3A_744 = arith.constant 0 : i32
      %dma_start3A_745 = arith.constant 0 : i32
      %dma_start3A_746 = tpu.memref_slice %arg6[%dma_start3A_727, %dma_start3A_728, %dma_start3A_744, %dma_start3A_745] : memref<2x4x8x1024xf32, #tpu.memory_space<vmem>> -> memref<1x1x8x1024xf32, #tpu.memory_space<vmem>>
      %dma_start3A_747 = tpu.memref_squeeze %dma_start3A_746 : memref<1x1x8x1024xf32, #tpu.memory_space<vmem>> -> memref<8x1024xf32, #tpu.memory_space<vmem>>
      tpu.enqueue_dma source(%dma_start3A_747 : memref<8x1024xf32, #tpu.memory_space<vmem>>) target(%dma_start3A_743 : memref<8x1024xf32, #tpu.memory_space<hbm>>) target_semaphore(%dma_start3A_740 : memref<!tpu.dma_semaphore, #tpu.memory_space<semaphore_mem>>)
      %dma_wait3A_748 = arith.constant 2 : i32
      %dma_wait3A_749 = arith.constant 1 : i32
      %dma_wait3A_750 = arith.constant 2 : i32
      %dma_wait3A_751 = arith.constant 1 : i32
      %dma_wait3A_752 = arith.constant 2 : i32
      %dma_wait3A_753 = arith.constant 0 : i32
      %dma_wait3A_754 = arith.constant 0 : i32
      %dma_wait3A_755 = tpu.memref_slice %arg6[%dma_wait3A_749, %dma_wait3A_750, %dma_wait3A_753, %dma_wait3A_754] : memref<2x4x8x1024xf32, #tpu.memory_space<vmem>> -> memref<1x1x8x1024xf32, #tpu.memory_space<vmem>>
      %dma_wait3A_756 = tpu.memref_squeeze %dma_wait3A_755 : memref<1x1x8x1024xf32, #tpu.memory_space<vmem>> -> memref<8x1024xf32, #tpu.memory_space<vmem>>
      %dma_wait3A_757 = arith.constant 0 : i32
      %dma_wait3A_758 = tpu.memref_slice %arg2[%dma_wait3A_748, %mul3A_2, %dma_wait3A_757] : memref<4x8192x1024xf32, #tpu.memory_space<hbm>> -> memref<1x8x1024xf32, #tpu.memory_space<hbm>>
      %dma_wait3A_759 = tpu.memref_squeeze %dma_wait3A_758 : memref<1x8x1024xf32, #tpu.memory_space<hbm>> -> memref<8x1024xf32, #tpu.memory_space<hbm>>
      %dma_wait3A_760 = tpu.memref_slice %arg8[%dma_wait3A_751, %dma_wait3A_752] : memref<2x4x!tpu.dma_semaphore, #tpu.memory_space<semaphore_mem>> -> memref<1x1x!tpu.dma_semaphore, #tpu.memory_space<semaphore_mem>>
      %dma_wait3A_761 = tpu.memref_squeeze %dma_wait3A_760 : memref<1x1x!tpu.dma_semaphore, #tpu.memory_space<semaphore_mem>> -> memref<!tpu.dma_semaphore, #tpu.memory_space<semaphore_mem>>
      %dma_wait3A_762 = arith.constant 0 : i32
      %dma_wait3A_763 = arith.constant 0 : i32
      %dma_wait3A_764 = tpu.memref_slice %arg6[%dma_wait3A_749, %dma_wait3A_750, %dma_wait3A_762, %dma_wait3A_763] : memref<2x4x8x1024xf32, #tpu.memory_space<vmem>> -> memref<1x1x8x1024xf32, #tpu.memory_space<vmem>>
      %dma_wait3A_765 = tpu.memref_squeeze %dma_wait3A_764 : memref<1x1x8x1024xf32, #tpu.memory_space<vmem>> -> memref<8x1024xf32, #tpu.memory_space<vmem>>
      %dma_wait3A_766 = arith.constant 0 : i32
      %dma_wait3A_767 = tpu.memref_slice %arg2[%dma_wait3A_748, %mul3A_2, %dma_wait3A_766] : memref<4x8192x1024xf32, #tpu.memory_space<hbm>> -> memref<1x8x1024xf32, #tpu.memory_space<hbm>>
      %dma_wait3A_768 = tpu.memref_squeeze %dma_wait3A_767 : memref<1x8x1024xf32, #tpu.memory_space<hbm>> -> memref<8x1024xf32, #tpu.memory_space<hbm>>
      tpu.wait_dma2 semaphore(%dma_wait3A_761 : memref<!tpu.dma_semaphore, #tpu.memory_space<semaphore_mem>>) src(%dma_wait3A_768 : memref<8x1024xf32, #tpu.memory_space<hbm>>) dst(%dma_wait3A_765 : memref<8x1024xf32, #tpu.memory_space<vmem>>)
      %parallel_loop3A_769 = arith.constant 0 : i32
      %parallel_loop3A_770 = arith.constant 1024 : i32
      %parallel_loop3A_771 = arith.constant 16 : i32
      scf.for %parallel_loop3A_886 = %parallel_loop3A_769 to %parallel_loop3A_770 step %parallel_loop3A_771  : i32 {
        %parallel_loop3A_887 = arith.constant 1 : i32
        %parallel_loop3A_888 = arith.constant 0 : i32
        %parallel_loop3A_889 = arith.index_cast %parallel_loop3A_887 : i32 to index
        %parallel_loop3A_890 = arith.index_cast %parallel_loop3A_888 : i32 to index
        %parallel_loop3A_891 = arith.index_cast %parallel_loop3A_886 : i32 to index
        %parallel_loop3A_892 = tpu.vector_load %arg5[%parallel_loop3A_889, %parallel_loop3A_890, %parallel_loop3A_891] {strides = array<i32>} : memref<2x8x1024xf32, #tpu.memory_space<vmem>>, vector<1x1x16xf32>,
        %parallel_loop3A_893 = vector.shape_cast %parallel_loop3A_892 : vector<1x1x16xf32> to vector<16xf32>
        %parallel_loop3A_894 = arith.constant 1 : i32
        %parallel_loop3A_895 = arith.constant 2 : i32
        %parallel_loop3A_896 = arith.constant 0 : i32
        %parallel_loop3A_897 = arith.index_cast %parallel_loop3A_894 : i32 to index
        %parallel_loop3A_898 = arith.index_cast %parallel_loop3A_895 : i32 to index
        %parallel_loop3A_899 = arith.index_cast %parallel_loop3A_896 : i32 to index
        %parallel_loop3A_900 = arith.index_cast %parallel_loop3A_886 : i32 to index
        %parallel_loop3A_901 = tpu.vector_load %arg6[%parallel_loop3A_897, %parallel_loop3A_898, %parallel_loop3A_899, %parallel_loop3A_900] {strides = array<i32>} : memref<2x4x8x1024xf32, #tpu.memory_space<vmem>>, vector<1x1x1x16xf32>,
        %parallel_loop3A_902 = vector.shape_cast %parallel_loop3A_901 : vector<1x1x1x16xf32> to vector<16xf32>
        %parallel_loop3A_903 = vector.shape_cast %parallel_loop3A_893 : vector<16xf32> to vector<1x1x1x16xf32>
        tpu.vector_store %arg6[%parallel_loop3A_897, %parallel_loop3A_898, %parallel_loop3A_899, %parallel_loop3A_900], %parallel_loop3A_903 {add = true, strides = array<i32>} : memref<2x4x8x1024xf32, #tpu.memory_space<vmem>>, vector<1x1x1x16xf32>,
      } {sc.loop_unroll_factor = 8 : i64, sc.parallel_access}
      %parallel_loop3A_772 = arith.constant 0 : i32
      %parallel_loop3A_773 = arith.constant 1024 : i32
      %parallel_loop3A_774 = arith.constant 16 : i32
      scf.for %parallel_loop3A_886 = %parallel_loop3A_772 to %parallel_loop3A_773 step %parallel_loop3A_774  : i32 {
        %parallel_loop3A_887 = arith.constant 1 : i32
        %parallel_loop3A_888 = arith.constant 1 : i32
        %parallel_loop3A_889 = arith.index_cast %parallel_loop3A_887 : i32 to index
        %parallel_loop3A_890 = arith.index_cast %parallel_loop3A_888 : i32 to index
        %parallel_loop3A_891 = arith.index_cast %parallel_loop3A_886 : i32 to index
        %parallel_loop3A_892 = tpu.vector_load %arg5[%parallel_loop3A_889, %parallel_loop3A_890, %parallel_loop3A_891] {strides = array<i32>} : memref<2x8x1024xf32, #tpu.memory_space<vmem>>, vector<1x1x16xf32>,
        %parallel_loop3A_893 = vector.shape_cast %parallel_loop3A_892 : vector<1x1x16xf32> to vector<16xf32>
        %parallel_loop3A_894 = arith.constant 1 : i32
        %parallel_loop3A_895 = arith.constant 2 : i32
        %parallel_loop3A_896 = arith.constant 1 : i32
        %parallel_loop3A_897 = arith.index_cast %parallel_loop3A_894 : i32 to index
        %parallel_loop3A_898 = arith.index_cast %parallel_loop3A_895 : i32 to index
        %parallel_loop3A_899 = arith.index_cast %parallel_loop3A_896 : i32 to index
        %parallel_loop3A_900 = arith.index_cast %parallel_loop3A_886 : i32 to index
        %parallel_loop3A_901 = tpu.vector_load %arg6[%parallel_loop3A_897, %parallel_loop3A_898, %parallel_loop3A_899, %parallel_loop3A_900] {strides = array<i32>} : memref<2x4x8x1024xf32, #tpu.memory_space<vmem>>, vector<1x1x1x16xf32>,
        %parallel_loop3A_902 = vector.shape_cast %parallel_loop3A_901 : vector<1x1x1x16xf32> to vector<16xf32>
        %parallel_loop3A_903 = vector.shape_cast %parallel_loop3A_893 : vector<16xf32> to vector<1x1x1x16xf32>
        tpu.vector_store %arg6[%parallel_loop3A_897, %parallel_loop3A_898, %parallel_loop3A_899, %parallel_loop3A_900], %parallel_loop3A_903 {add = true, strides = array<i32>} : memref<2x4x8x1024xf32, #tpu.memory_space<vmem>>, vector<1x1x1x16xf32>,
      } {sc.loop_unroll_factor = 8 : i64, sc.parallel_access}
      %parallel_loop3A_775 = arith.constant 0 : i32
      %parallel_loop3A_776 = arith.constant 1024 : i32
      %parallel_loop3A_777 = arith.constant 16 : i32
      scf.for %parallel_loop3A_886 = %parallel_loop3A_775 to %parallel_loop3A_776 step %parallel_loop3A_777  : i32 {
        %parallel_loop3A_887 = arith.constant 1 : i32
        %parallel_loop3A_888 = arith.constant 2 : i32
        %parallel_loop3A_889 = arith.index_cast %parallel_loop3A_887 : i32 to index
        %parallel_loop3A_890 = arith.index_cast %parallel_loop3A_888 : i32 to index
        %parallel_loop3A_891 = arith.index_cast %parallel_loop3A_886 : i32 to index
        %parallel_loop3A_892 = tpu.vector_load %arg5[%parallel_loop3A_889, %parallel_loop3A_890, %parallel_loop3A_891] {strides = array<i32>} : memref<2x8x1024xf32, #tpu.memory_space<vmem>>, vector<1x1x16xf32>,
        %parallel_loop3A_893 = vector.shape_cast %parallel_loop3A_892 : vector<1x1x16xf32> to vector<16xf32>
        %parallel_loop3A_894 = arith.constant 1 : i32
        %parallel_loop3A_895 = arith.constant 2 : i32
        %parallel_loop3A_896 = arith.constant 2 : i32
        %parallel_loop3A_897 = arith.index_cast %parallel_loop3A_894 : i32 to index
        %parallel_loop3A_898 = arith.index_cast %parallel_loop3A_895 : i32 to index
        %parallel_loop3A_899 = arith.index_cast %parallel_loop3A_896 : i32 to index
        %parallel_loop3A_900 = arith.index_cast %parallel_loop3A_886 : i32 to index
        %parallel_loop3A_901 = tpu.vector_load %arg6[%parallel_loop3A_897, %parallel_loop3A_898, %parallel_loop3A_899, %parallel_loop3A_900] {strides = array<i32>} : memref<2x4x8x1024xf32, #tpu.memory_space<vmem>>, vector<1x1x1x16xf32>,
        %parallel_loop3A_902 = vector.shape_cast %parallel_loop3A_901 : vector<1x1x1x16xf32> to vector<16xf32>
        %parallel_loop3A_903 = vector.shape_cast %parallel_loop3A_893 : vector<16xf32> to vector<1x1x1x16xf32>
        tpu.vector_store %arg6[%parallel_loop3A_897, %parallel_loop3A_898, %parallel_loop3A_899, %parallel_loop3A_900], %parallel_loop3A_903 {add = true, strides = array<i32>} : memref<2x4x8x1024xf32, #tpu.memory_space<vmem>>, vector<1x1x1x16xf32>,
      } {sc.loop_unroll_factor = 8 : i64, sc.parallel_access}
      %parallel_loop3A_778 = arith.constant 0 : i32
      %parallel_loop3A_779 = arith.constant 1024 : i32
      %parallel_loop3A_780 = arith.constant 16 : i32
      scf.for %parallel_loop3A_886 = %parallel_loop3A_778 to %parallel_loop3A_779 step %parallel_loop3A_780  : i32 {
        %parallel_loop3A_887 = arith.constant 1 : i32
        %parallel_loop3A_888 = arith.constant 3 : i32
        %parallel_loop3A_889 = arith.index_cast %parallel_loop3A_887 : i32 to index
        %parallel_loop3A_890 = arith.index_cast %parallel_loop3A_888 : i32 to index
        %parallel_loop3A_891 = arith.index_cast %parallel_loop3A_886 : i32 to index
        %parallel_loop3A_892 = tpu.vector_load %arg5[%parallel_loop3A_889, %parallel_loop3A_890, %parallel_loop3A_891] {strides = array<i32>} : memref<2x8x1024xf32, #tpu.memory_space<vmem>>, vector<1x1x16xf32>,
        %parallel_loop3A_893 = vector.shape_cast %parallel_loop3A_892 : vector<1x1x16xf32> to vector<16xf32>
        %parallel_loop3A_894 = arith.constant 1 : i32
        %parallel_loop3A_895 = arith.constant 2 : i32
        %parallel_loop3A_896 = arith.constant 3 : i32
        %parallel_loop3A_897 = arith.index_cast %parallel_loop3A_894 : i32 to index
        %parallel_loop3A_898 = arith.index_cast %parallel_loop3A_895 : i32 to index
        %parallel_loop3A_899 = arith.index_cast %parallel_loop3A_896 : i32 to index
        %parallel_loop3A_900 = arith.index_cast %parallel_loop3A_886 : i32 to index
        %parallel_loop3A_901 = tpu.vector_load %arg6[%parallel_loop3A_897, %parallel_loop3A_898, %parallel_loop3A_899, %parallel_loop3A_900] {strides = array<i32>} : memref<2x4x8x1024xf32, #tpu.memory_space<vmem>>, vector<1x1x1x16xf32>,
        %parallel_loop3A_902 = vector.shape_cast %parallel_loop3A_901 : vector<1x1x1x16xf32> to vector<16xf32>
        %parallel_loop3A_903 = vector.shape_cast %parallel_loop3A_893 : vector<16xf32> to vector<1x1x1x16xf32>
        tpu.vector_store %arg6[%parallel_loop3A_897, %parallel_loop3A_898, %parallel_loop3A_899, %parallel_loop3A_900], %parallel_loop3A_903 {add = true, strides = array<i32>} : memref<2x4x8x1024xf32, #tpu.memory_space<vmem>>, vector<1x1x1x16xf32>,
      } {sc.loop_unroll_factor = 8 : i64, sc.parallel_access}
      %parallel_loop3A_781 = arith.constant 0 : i32
      %parallel_loop3A_782 = arith.constant 1024 : i32
      %parallel_loop3A_783 = arith.constant 16 : i32
      scf.for %parallel_loop3A_886 = %parallel_loop3A_781 to %parallel_loop3A_782 step %parallel_loop3A_783  : i32 {
        %parallel_loop3A_887 = arith.constant 1 : i32
        %parallel_loop3A_888 = arith.constant 4 : i32
        %parallel_loop3A_889 = arith.index_cast %parallel_loop3A_887 : i32 to index
        %parallel_loop3A_890 = arith.index_cast %parallel_loop3A_888 : i32 to index
        %parallel_loop3A_891 = arith.index_cast %parallel_loop3A_886 : i32 to index
        %parallel_loop3A_892 = tpu.vector_load %arg5[%parallel_loop3A_889, %parallel_loop3A_890, %parallel_loop3A_891] {strides = array<i32>} : memref<2x8x1024xf32, #tpu.memory_space<vmem>>, vector<1x1x16xf32>,
        %parallel_loop3A_893 = vector.shape_cast %parallel_loop3A_892 : vector<1x1x16xf32> to vector<16xf32>
        %parallel_loop3A_894 = arith.constant 1 : i32
        %parallel_loop3A_895 = arith.constant 2 : i32
        %parallel_loop3A_896 = arith.constant 4 : i32
        %parallel_loop3A_897 = arith.index_cast %parallel_loop3A_894 : i32 to index
        %parallel_loop3A_898 = arith.index_cast %parallel_loop3A_895 : i32 to index
        %parallel_loop3A_899 = arith.index_cast %parallel_loop3A_896 : i32 to index
        %parallel_loop3A_900 = arith.index_cast %parallel_loop3A_886 : i32 to index
        %parallel_loop3A_901 = tpu.vector_load %arg6[%parallel_loop3A_897, %parallel_loop3A_898, %parallel_loop3A_899, %parallel_loop3A_900] {strides = array<i32>} : memref<2x4x8x1024xf32, #tpu.memory_space<vmem>>, vector<1x1x1x16xf32>,
        %parallel_loop3A_902 = vector.shape_cast %parallel_loop3A_901 : vector<1x1x1x16xf32> to vector<16xf32>
        %parallel_loop3A_903 = vector.shape_cast %parallel_loop3A_893 : vector<16xf32> to vector<1x1x1x16xf32>
        tpu.vector_store %arg6[%parallel_loop3A_897, %parallel_loop3A_898, %parallel_loop3A_899, %parallel_loop3A_900], %parallel_loop3A_903 {add = true, strides = array<i32>} : memref<2x4x8x1024xf32, #tpu.memory_space<vmem>>, vector<1x1x1x16xf32>,
      } {sc.loop_unroll_factor = 8 : i64, sc.parallel_access}
      %parallel_loop3A_784 = arith.constant 0 : i32
      %parallel_loop3A_785 = arith.constant 1024 : i32
      %parallel_loop3A_786 = arith.constant 16 : i32
      scf.for %parallel_loop3A_886 = %parallel_loop3A_784 to %parallel_loop3A_785 step %parallel_loop3A_786  : i32 {
        %parallel_loop3A_887 = arith.constant 1 : i32
        %parallel_loop3A_888 = arith.constant 5 : i32
        %parallel_loop3A_889 = arith.index_cast %parallel_loop3A_887 : i32 to index
        %parallel_loop3A_890 = arith.index_cast %parallel_loop3A_888 : i32 to index
        %parallel_loop3A_891 = arith.index_cast %parallel_loop3A_886 : i32 to index
        %parallel_loop3A_892 = tpu.vector_load %arg5[%parallel_loop3A_889, %parallel_loop3A_890, %parallel_loop3A_891] {strides = array<i32>} : memref<2x8x1024xf32, #tpu.memory_space<vmem>>, vector<1x1x16xf32>,
        %parallel_loop3A_893 = vector.shape_cast %parallel_loop3A_892 : vector<1x1x16xf32> to vector<16xf32>
        %parallel_loop3A_894 = arith.constant 1 : i32
        %parallel_loop3A_895 = arith.constant 2 : i32
        %parallel_loop3A_896 = arith.constant 5 : i32
        %parallel_loop3A_897 = arith.index_cast %parallel_loop3A_894 : i32 to index
        %parallel_loop3A_898 = arith.index_cast %parallel_loop3A_895 : i32 to index
        %parallel_loop3A_899 = arith.index_cast %parallel_loop3A_896 : i32 to index
        %parallel_loop3A_900 = arith.index_cast %parallel_loop3A_886 : i32 to index
        %parallel_loop3A_901 = tpu.vector_load %arg6[%parallel_loop3A_897, %parallel_loop3A_898, %parallel_loop3A_899, %parallel_loop3A_900] {strides = array<i32>} : memref<2x4x8x1024xf32, #tpu.memory_space<vmem>>, vector<1x1x1x16xf32>,
        %parallel_loop3A_902 = vector.shape_cast %parallel_loop3A_901 : vector<1x1x1x16xf32> to vector<16xf32>
        %parallel_loop3A_903 = vector.shape_cast %parallel_loop3A_893 : vector<16xf32> to vector<1x1x1x16xf32>
        tpu.vector_store %arg6[%parallel_loop3A_897, %parallel_loop3A_898, %parallel_loop3A_899, %parallel_loop3A_900], %parallel_loop3A_903 {add = true, strides = array<i32>} : memref<2x4x8x1024xf32, #tpu.memory_space<vmem>>, vector<1x1x1x16xf32>,
      } {sc.loop_unroll_factor = 8 : i64, sc.parallel_access}
      %parallel_loop3A_787 = arith.constant 0 : i32
      %parallel_loop3A_788 = arith.constant 1024 : i32
      %parallel_loop3A_789 = arith.constant 16 : i32
      scf.for %parallel_loop3A_886 = %parallel_loop3A_787 to %parallel_loop3A_788 step %parallel_loop3A_789  : i32 {
        %parallel_loop3A_887 = arith.constant 1 : i32
        %parallel_loop3A_888 = arith.constant 6 : i32
        %parallel_loop3A_889 = arith.index_cast %parallel_loop3A_887 : i32 to index
        %parallel_loop3A_890 = arith.index_cast %parallel_loop3A_888 : i32 to index
        %parallel_loop3A_891 = arith.index_cast %parallel_loop3A_886 : i32 to index
        %parallel_loop3A_892 = tpu.vector_load %arg5[%parallel_loop3A_889, %parallel_loop3A_890, %parallel_loop3A_891] {strides = array<i32>} : memref<2x8x1024xf32, #tpu.memory_space<vmem>>, vector<1x1x16xf32>,
        %parallel_loop3A_893 = vector.shape_cast %parallel_loop3A_892 : vector<1x1x16xf32> to vector<16xf32>
        %parallel_loop3A_894 = arith.constant 1 : i32
        %parallel_loop3A_895 = arith.constant 2 : i32
        %parallel_loop3A_896 = arith.constant 6 : i32
        %parallel_loop3A_897 = arith.index_cast %parallel_loop3A_894 : i32 to index
        %parallel_loop3A_898 = arith.index_cast %parallel_loop3A_895 : i32 to index
        %parallel_loop3A_899 = arith.index_cast %parallel_loop3A_896 : i32 to index
        %parallel_loop3A_900 = arith.index_cast %parallel_loop3A_886 : i32 to index
        %parallel_loop3A_901 = tpu.vector_load %arg6[%parallel_loop3A_897, %parallel_loop3A_898, %parallel_loop3A_899, %parallel_loop3A_900] {strides = array<i32>} : memref<2x4x8x1024xf32, #tpu.memory_space<vmem>>, vector<1x1x1x16xf32>,
        %parallel_loop3A_902 = vector.shape_cast %parallel_loop3A_901 : vector<1x1x1x16xf32> to vector<16xf32>
        %parallel_loop3A_903 = vector.shape_cast %parallel_loop3A_893 : vector<16xf32> to vector<1x1x1x16xf32>
        tpu.vector_store %arg6[%parallel_loop3A_897, %parallel_loop3A_898, %parallel_loop3A_899, %parallel_loop3A_900], %parallel_loop3A_903 {add = true, strides = array<i32>} : memref<2x4x8x1024xf32, #tpu.memory_space<vmem>>, vector<1x1x1x16xf32>,
      } {sc.loop_unroll_factor = 8 : i64, sc.parallel_access}
      %parallel_loop3A_790 = arith.constant 0 : i32
      %parallel_loop3A_791 = arith.constant 1024 : i32
      %parallel_loop3A_792 = arith.constant 16 : i32
      scf.for %parallel_loop3A_886 = %parallel_loop3A_790 to %parallel_loop3A_791 step %parallel_loop3A_792  : i32 {
        %parallel_loop3A_887 = arith.constant 1 : i32
        %parallel_loop3A_888 = arith.constant 7 : i32
        %parallel_loop3A_889 = arith.index_cast %parallel_loop3A_887 : i32 to index
        %parallel_loop3A_890 = arith.index_cast %parallel_loop3A_888 : i32 to index
        %parallel_loop3A_891 = arith.index_cast %parallel_loop3A_886 : i32 to index
        %parallel_loop3A_892 = tpu.vector_load %arg5[%parallel_loop3A_889, %parallel_loop3A_890, %parallel_loop3A_891] {strides = array<i32>} : memref<2x8x1024xf32, #tpu.memory_space<vmem>>, vector<1x1x16xf32>,
        %parallel_loop3A_893 = vector.shape_cast %parallel_loop3A_892 : vector<1x1x16xf32> to vector<16xf32>
        %parallel_loop3A_894 = arith.constant 1 : i32
        %parallel_loop3A_895 = arith.constant 2 : i32
        %parallel_loop3A_896 = arith.constant 7 : i32
        %parallel_loop3A_897 = arith.index_cast %parallel_loop3A_894 : i32 to index
        %parallel_loop3A_898 = arith.index_cast %parallel_loop3A_895 : i32 to index
        %parallel_loop3A_899 = arith.index_cast %parallel_loop3A_896 : i32 to index
        %parallel_loop3A_900 = arith.index_cast %parallel_loop3A_886 : i32 to index
        %parallel_loop3A_901 = tpu.vector_load %arg6[%parallel_loop3A_897, %parallel_loop3A_898, %parallel_loop3A_899, %parallel_loop3A_900] {strides = array<i32>} : memref<2x4x8x1024xf32, #tpu.memory_space<vmem>>, vector<1x1x1x16xf32>,
        %parallel_loop3A_902 = vector.shape_cast %parallel_loop3A_901 : vector<1x1x1x16xf32> to vector<16xf32>
        %parallel_loop3A_903 = vector.shape_cast %parallel_loop3A_893 : vector<16xf32> to vector<1x1x1x16xf32>
        tpu.vector_store %arg6[%parallel_loop3A_897, %parallel_loop3A_898, %parallel_loop3A_899, %parallel_loop3A_900], %parallel_loop3A_903 {add = true, strides = array<i32>} : memref<2x4x8x1024xf32, #tpu.memory_space<vmem>>, vector<1x1x1x16xf32>,
      } {sc.loop_unroll_factor = 8 : i64, sc.parallel_access}
      %mul3A_793 = arith.constant 8 : i32
      %mul3A_794 = arith.muli %add3A_586, %mul3A_793 : i32
      %add3A_795 = arith.addi %mul3A_2, %mul3A_794 : i32
      %dma_start3A_796 = arith.constant 1 : i32
      %dma_start3A_797 = arith.constant 2 : i32
      %dma_start3A_798 = arith.constant 2 : i32
      %dma_start3A_799 = arith.constant 1 : i32
      %dma_start3A_800 = arith.constant 2 : i32
      %dma_start3A_801 = arith.constant 0 : i32
      %dma_start3A_802 = arith.constant 0 : i32
      %dma_start3A_803 = tpu.memref_slice %arg6[%dma_start3A_796, %dma_start3A_797, %dma_start3A_801, %dma_start3A_802] : memref<2x4x8x1024xf32, #tpu.memory_space<vmem>> -> memref<1x1x8x1024xf32, #tpu.memory_space<vmem>>
      %dma_start3A_804 = tpu.memref_squeeze %dma_start3A_803 : memref<1x1x8x1024xf32, #tpu.memory_space<vmem>> -> memref<8x1024xf32, #tpu.memory_space<vmem>>
      %dma_start3A_805 = arith.constant 0 : i32
      %dma_start3A_806 = tpu.memref_slice %arg4[%dma_start3A_798, %add3A_795, %dma_start3A_805] : memref<4x8192x1024xf32, #tpu.memory_space<hbm>> -> memref<1x8x1024xf32, #tpu.memory_space<hbm>>
      %dma_start3A_807 = tpu.memref_squeeze %dma_start3A_806 : memref<1x8x1024xf32, #tpu.memory_space<hbm>> -> memref<8x1024xf32, #tpu.memory_space<hbm>>
      %dma_start3A_808 = tpu.memref_slice %arg9[%dma_start3A_799, %dma_start3A_800] : memref<2x4x!tpu.dma_semaphore, #tpu.memory_space<semaphore_mem>> -> memref<1x1x!tpu.dma_semaphore, #tpu.memory_space<semaphore_mem>>
      %dma_start3A_809 = tpu.memref_squeeze %dma_start3A_808 : memref<1x1x!tpu.dma_semaphore, #tpu.memory_space<semaphore_mem>> -> memref<!tpu.dma_semaphore, #tpu.memory_space<semaphore_mem>>
      %dma_start3A_810 = arith.constant 0 : i32
      %dma_start3A_811 = tpu.memref_slice %arg4[%dma_start3A_798, %add3A_795, %dma_start3A_810] : memref<4x8192x1024xf32, #tpu.memory_space<hbm>> -> memref<1x8x1024xf32, #tpu.memory_space<hbm>>
      %dma_start3A_812 = tpu.memref_squeeze %dma_start3A_811 : memref<1x8x1024xf32, #tpu.memory_space<hbm>> -> memref<8x1024xf32, #tpu.memory_space<hbm>>
      %dma_start3A_813 = arith.constant 0 : i32
      %dma_start3A_814 = arith.constant 0 : i32
      %dma_start3A_815 = tpu.memref_slice %arg6[%dma_start3A_796, %dma_start3A_797, %dma_start3A_813, %dma_start3A_814] : memref<2x4x8x1024xf32, #tpu.memory_space<vmem>> -> memref<1x1x8x1024xf32, #tpu.memory_space<vmem>>
      %dma_start3A_816 = tpu.memref_squeeze %dma_start3A_815 : memref<1x1x8x1024xf32, #tpu.memory_space<vmem>> -> memref<8x1024xf32, #tpu.memory_space<vmem>>
      tpu.enqueue_dma source(%dma_start3A_816 : memref<8x1024xf32, #tpu.memory_space<vmem>>) target(%dma_start3A_812 : memref<8x1024xf32, #tpu.memory_space<hbm>>) target_semaphore(%dma_start3A_809 : memref<!tpu.dma_semaphore, #tpu.memory_space<semaphore_mem>>)
      %dma_wait3A_817 = arith.constant 3 : i32
      %dma_wait3A_818 = arith.constant 1 : i32
      %dma_wait3A_819 = arith.constant 3 : i32
      %dma_wait3A_820 = arith.constant 1 : i32
      %dma_wait3A_821 = arith.constant 3 : i32
      %dma_wait3A_822 = arith.constant 0 : i32
      %dma_wait3A_823 = arith.constant 0 : i32
      %dma_wait3A_824 = tpu.memref_slice %arg6[%dma_wait3A_818, %dma_wait3A_819, %dma_wait3A_822, %dma_wait3A_823] : memref<2x4x8x1024xf32, #tpu.memory_space<vmem>> -> memref<1x1x8x1024xf32, #tpu.memory_space<vmem>>
      %dma_wait3A_825 = tpu.memref_squeeze %dma_wait3A_824 : memref<1x1x8x1024xf32, #tpu.memory_space<vmem>> -> memref<8x1024xf32, #tpu.memory_space<vmem>>
      %dma_wait3A_826 = arith.constant 0 : i32
      %dma_wait3A_827 = tpu.memref_slice %arg2[%dma_wait3A_817, %mul3A_2, %dma_wait3A_826] : memref<4x8192x1024xf32, #tpu.memory_space<hbm>> -> memref<1x8x1024xf32, #tpu.memory_space<hbm>>
      %dma_wait3A_828 = tpu.memref_squeeze %dma_wait3A_827 : memref<1x8x1024xf32, #tpu.memory_space<hbm>> -> memref<8x1024xf32, #tpu.memory_space<hbm>>
      %dma_wait3A_829 = tpu.memref_slice %arg8[%dma_wait3A_820, %dma_wait3A_821] : memref<2x4x!tpu.dma_semaphore, #tpu.memory_space<semaphore_mem>> -> memref<1x1x!tpu.dma_semaphore, #tpu.memory_space<semaphore_mem>>
      %dma_wait3A_830 = tpu.memref_squeeze %dma_wait3A_829 : memref<1x1x!tpu.dma_semaphore, #tpu.memory_space<semaphore_mem>> -> memref<!tpu.dma_semaphore, #tpu.memory_space<semaphore_mem>>
      %dma_wait3A_831 = arith.constant 0 : i32
      %dma_wait3A_832 = arith.constant 0 : i32
      %dma_wait3A_833 = tpu.memref_slice %arg6[%dma_wait3A_818, %dma_wait3A_819, %dma_wait3A_831, %dma_wait3A_832] : memref<2x4x8x1024xf32, #tpu.memory_space<vmem>> -> memref<1x1x8x1024xf32, #tpu.memory_space<vmem>>
      %dma_wait3A_834 = tpu.memref_squeeze %dma_wait3A_833 : memref<1x1x8x1024xf32, #tpu.memory_space<vmem>> -> memref<8x1024xf32, #tpu.memory_space<vmem>>
      %dma_wait3A_835 = arith.constant 0 : i32
      %dma_wait3A_836 = tpu.memref_slice %arg2[%dma_wait3A_817, %mul3A_2, %dma_wait3A_835] : memref<4x8192x1024xf32, #tpu.memory_space<hbm>> -> memref<1x8x1024xf32, #tpu.memory_space<hbm>>
      %dma_wait3A_837 = tpu.memref_squeeze %dma_wait3A_836 : memref<1x8x1024xf32, #tpu.memory_space<hbm>> -> memref<8x1024xf32, #tpu.memory_space<hbm>>
      tpu.wait_dma2 semaphore(%dma_wait3A_830 : memref<!tpu.dma_semaphore, #tpu.memory_space<semaphore_mem>>) src(%dma_wait3A_837 : memref<8x1024xf32, #tpu.memory_space<hbm>>) dst(%dma_wait3A_834 : memref<8x1024xf32, #tpu.memory_space<vmem>>)
      %parallel_loop3A_838 = arith.constant 0 : i32
      %parallel_loop3A_839 = arith.constant 1024 : i32
      %parallel_loop3A_840 = arith.constant 16 : i32
      scf.for %parallel_loop3A_886 = %parallel_loop3A_838 to %parallel_loop3A_839 step %parallel_loop3A_840  : i32 {
        %parallel_loop3A_887 = arith.constant 1 : i32
        %parallel_loop3A_888 = arith.constant 0 : i32
        %parallel_loop3A_889 = arith.index_cast %parallel_loop3A_887 : i32 to index
        %parallel_loop3A_890 = arith.index_cast %parallel_loop3A_888 : i32 to index
        %parallel_loop3A_891 = arith.index_cast %parallel_loop3A_886 : i32 to index
        %parallel_loop3A_892 = tpu.vector_load %arg5[%parallel_loop3A_889, %parallel_loop3A_890, %parallel_loop3A_891] {strides = array<i32>} : memref<2x8x1024xf32, #tpu.memory_space<vmem>>, vector<1x1x16xf32>,
        %parallel_loop3A_893 = vector.shape_cast %parallel_loop3A_892 : vector<1x1x16xf32> to vector<16xf32>
        %parallel_loop3A_894 = arith.constant 1 : i32
        %parallel_loop3A_895 = arith.constant 3 : i32
        %parallel_loop3A_896 = arith.constant 0 : i32
        %parallel_loop3A_897 = arith.index_cast %parallel_loop3A_894 : i32 to index
        %parallel_loop3A_898 = arith.index_cast %parallel_loop3A_895 : i32 to index
        %parallel_loop3A_899 = arith.index_cast %parallel_loop3A_896 : i32 to index
        %parallel_loop3A_900 = arith.index_cast %parallel_loop3A_886 : i32 to index
        %parallel_loop3A_901 = tpu.vector_load %arg6[%parallel_loop3A_897, %parallel_loop3A_898, %parallel_loop3A_899, %parallel_loop3A_900] {strides = array<i32>} : memref<2x4x8x1024xf32, #tpu.memory_space<vmem>>, vector<1x1x1x16xf32>,
        %parallel_loop3A_902 = vector.shape_cast %parallel_loop3A_901 : vector<1x1x1x16xf32> to vector<16xf32>
        %parallel_loop3A_903 = vector.shape_cast %parallel_loop3A_893 : vector<16xf32> to vector<1x1x1x16xf32>
        tpu.vector_store %arg6[%parallel_loop3A_897, %parallel_loop3A_898, %parallel_loop3A_899, %parallel_loop3A_900], %parallel_loop3A_903 {add = true, strides = array<i32>} : memref<2x4x8x1024xf32, #tpu.memory_space<vmem>>, vector<1x1x1x16xf32>,
      } {sc.loop_unroll_factor = 8 : i64, sc.parallel_access}
      %parallel_loop3A_841 = arith.constant 0 : i32
      %parallel_loop3A_842 = arith.constant 1024 : i32
      %parallel_loop3A_843 = arith.constant 16 : i32
      scf.for %parallel_loop3A_886 = %parallel_loop3A_841 to %parallel_loop3A_842 step %parallel_loop3A_843  : i32 {
        %parallel_loop3A_887 = arith.constant 1 : i32
        %parallel_loop3A_888 = arith.constant 1 : i32
        %parallel_loop3A_889 = arith.index_cast %parallel_loop3A_887 : i32 to index
        %parallel_loop3A_890 = arith.index_cast %parallel_loop3A_888 : i32 to index
        %parallel_loop3A_891 = arith.index_cast %parallel_loop3A_886 : i32 to index
        %parallel_loop3A_892 = tpu.vector_load %arg5[%parallel_loop3A_889, %parallel_loop3A_890, %parallel_loop3A_891] {strides = array<i32>} : memref<2x8x1024xf32, #tpu.memory_space<vmem>>, vector<1x1x16xf32>,
        %parallel_loop3A_893 = vector.shape_cast %parallel_loop3A_892 : vector<1x1x16xf32> to vector<16xf32>
        %parallel_loop3A_894 = arith.constant 1 : i32
        %parallel_loop3A_895 = arith.constant 3 : i32
        %parallel_loop3A_896 = arith.constant 1 : i32
        %parallel_loop3A_897 = arith.index_cast %parallel_loop3A_894 : i32 to index
        %parallel_loop3A_898 = arith.index_cast %parallel_loop3A_895 : i32 to index
        %parallel_loop3A_899 = arith.index_cast %parallel_loop3A_896 : i32 to index
        %parallel_loop3A_900 = arith.index_cast %parallel_loop3A_886 : i32 to index
        %parallel_loop3A_901 = tpu.vector_load %arg6[%parallel_loop3A_897, %parallel_loop3A_898, %parallel_loop3A_899, %parallel_loop3A_900] {strides = array<i32>} : memref<2x4x8x1024xf32, #tpu.memory_space<vmem>>, vector<1x1x1x16xf32>,
        %parallel_loop3A_902 = vector.shape_cast %parallel_loop3A_901 : vector<1x1x1x16xf32> to vector<16xf32>
        %parallel_loop3A_903 = vector.shape_cast %parallel_loop3A_893 : vector<16xf32> to vector<1x1x1x16xf32>
        tpu.vector_store %arg6[%parallel_loop3A_897, %parallel_loop3A_898, %parallel_loop3A_899, %parallel_loop3A_900], %parallel_loop3A_903 {add = true, strides = array<i32>} : memref<2x4x8x1024xf32, #tpu.memory_space<vmem>>, vector<1x1x1x16xf32>,
      } {sc.loop_unroll_factor = 8 : i64, sc.parallel_access}
      %parallel_loop3A_844 = arith.constant 0 : i32
      %parallel_loop3A_845 = arith.constant 1024 : i32
      %parallel_loop3A_846 = arith.constant 16 : i32
      scf.for %parallel_loop3A_886 = %parallel_loop3A_844 to %parallel_loop3A_845 step %parallel_loop3A_846  : i32 {
        %parallel_loop3A_887 = arith.constant 1 : i32
        %parallel_loop3A_888 = arith.constant 2 : i32
        %parallel_loop3A_889 = arith.index_cast %parallel_loop3A_887 : i32 to index
        %parallel_loop3A_890 = arith.index_cast %parallel_loop3A_888 : i32 to index
        %parallel_loop3A_891 = arith.index_cast %parallel_loop3A_886 : i32 to index
        %parallel_loop3A_892 = tpu.vector_load %arg5[%parallel_loop3A_889, %parallel_loop3A_890, %parallel_loop3A_891] {strides = array<i32>} : memref<2x8x1024xf32, #tpu.memory_space<vmem>>, vector<1x1x16xf32>,
        %parallel_loop3A_893 = vector.shape_cast %parallel_loop3A_892 : vector<1x1x16xf32> to vector<16xf32>
        %parallel_loop3A_894 = arith.constant 1 : i32
        %parallel_loop3A_895 = arith.constant 3 : i32
        %parallel_loop3A_896 = arith.constant 2 : i32
        %parallel_loop3A_897 = arith.index_cast %parallel_loop3A_894 : i32 to index
        %parallel_loop3A_898 = arith.index_cast %parallel_loop3A_895 : i32 to index
        %parallel_loop3A_899 = arith.index_cast %parallel_loop3A_896 : i32 to index
        %parallel_loop3A_900 = arith.index_cast %parallel_loop3A_886 : i32 to index
        %parallel_loop3A_901 = tpu.vector_load %arg6[%parallel_loop3A_897, %parallel_loop3A_898, %parallel_loop3A_899, %parallel_loop3A_900] {strides = array<i32>} : memref<2x4x8x1024xf32, #tpu.memory_space<vmem>>, vector<1x1x1x16xf32>,
        %parallel_loop3A_902 = vector.shape_cast %parallel_loop3A_901 : vector<1x1x1x16xf32> to vector<16xf32>
        %parallel_loop3A_903 = vector.shape_cast %parallel_loop3A_893 : vector<16xf32> to vector<1x1x1x16xf32>
        tpu.vector_store %arg6[%parallel_loop3A_897, %parallel_loop3A_898, %parallel_loop3A_899, %parallel_loop3A_900], %parallel_loop3A_903 {add = true, strides = array<i32>} : memref<2x4x8x1024xf32, #tpu.memory_space<vmem>>, vector<1x1x1x16xf32>,
      } {sc.loop_unroll_factor = 8 : i64, sc.parallel_access}
      %parallel_loop3A_847 = arith.constant 0 : i32
      %parallel_loop3A_848 = arith.constant 1024 : i32
      %parallel_loop3A_849 = arith.constant 16 : i32
      scf.for %parallel_loop3A_886 = %parallel_loop3A_847 to %parallel_loop3A_848 step %parallel_loop3A_849  : i32 {
        %parallel_loop3A_887 = arith.constant 1 : i32
        %parallel_loop3A_888 = arith.constant 3 : i32
        %parallel_loop3A_889 = arith.index_cast %parallel_loop3A_887 : i32 to index
        %parallel_loop3A_890 = arith.index_cast %parallel_loop3A_888 : i32 to index
        %parallel_loop3A_891 = arith.index_cast %parallel_loop3A_886 : i32 to index
        %parallel_loop3A_892 = tpu.vector_load %arg5[%parallel_loop3A_889, %parallel_loop3A_890, %parallel_loop3A_891] {strides = array<i32>} : memref<2x8x1024xf32, #tpu.memory_space<vmem>>, vector<1x1x16xf32>,
        %parallel_loop3A_893 = vector.shape_cast %parallel_loop3A_892 : vector<1x1x16xf32> to vector<16xf32>
        %parallel_loop3A_894 = arith.constant 1 : i32
        %parallel_loop3A_895 = arith.constant 3 : i32
        %parallel_loop3A_896 = arith.constant 3 : i32
        %parallel_loop3A_897 = arith.index_cast %parallel_loop3A_894 : i32 to index
        %parallel_loop3A_898 = arith.index_cast %parallel_loop3A_895 : i32 to index
        %parallel_loop3A_899 = arith.index_cast %parallel_loop3A_896 : i32 to index
        %parallel_loop3A_900 = arith.index_cast %parallel_loop3A_886 : i32 to index
        %parallel_loop3A_901 = tpu.vector_load %arg6[%parallel_loop3A_897, %parallel_loop3A_898, %parallel_loop3A_899, %parallel_loop3A_900] {strides = array<i32>} : memref<2x4x8x1024xf32, #tpu.memory_space<vmem>>, vector<1x1x1x16xf32>,
        %parallel_loop3A_902 = vector.shape_cast %parallel_loop3A_901 : vector<1x1x1x16xf32> to vector<16xf32>
        %parallel_loop3A_903 = vector.shape_cast %parallel_loop3A_893 : vector<16xf32> to vector<1x1x1x16xf32>
        tpu.vector_store %arg6[%parallel_loop3A_897, %parallel_loop3A_898, %parallel_loop3A_899, %parallel_loop3A_900], %parallel_loop3A_903 {add = true, strides = array<i32>} : memref<2x4x8x1024xf32, #tpu.memory_space<vmem>>, vector<1x1x1x16xf32>,
      } {sc.loop_unroll_factor = 8 : i64, sc.parallel_access}
      %parallel_loop3A_850 = arith.constant 0 : i32
      %parallel_loop3A_851 = arith.constant 1024 : i32
      %parallel_loop3A_852 = arith.constant 16 : i32
      scf.for %parallel_loop3A_886 = %parallel_loop3A_850 to %parallel_loop3A_851 step %parallel_loop3A_852  : i32 {
        %parallel_loop3A_887 = arith.constant 1 : i32
        %parallel_loop3A_888 = arith.constant 4 : i32
        %parallel_loop3A_889 = arith.index_cast %parallel_loop3A_887 : i32 to index
        %parallel_loop3A_890 = arith.index_cast %parallel_loop3A_888 : i32 to index
        %parallel_loop3A_891 = arith.index_cast %parallel_loop3A_886 : i32 to index
        %parallel_loop3A_892 = tpu.vector_load %arg5[%parallel_loop3A_889, %parallel_loop3A_890, %parallel_loop3A_891] {strides = array<i32>} : memref<2x8x1024xf32, #tpu.memory_space<vmem>>, vector<1x1x16xf32>,
        %parallel_loop3A_893 = vector.shape_cast %parallel_loop3A_892 : vector<1x1x16xf32> to vector<16xf32>
        %parallel_loop3A_894 = arith.constant 1 : i32
        %parallel_loop3A_895 = arith.constant 3 : i32
        %parallel_loop3A_896 = arith.constant 4 : i32
        %parallel_loop3A_897 = arith.index_cast %parallel_loop3A_894 : i32 to index
        %parallel_loop3A_898 = arith.index_cast %parallel_loop3A_895 : i32 to index
        %parallel_loop3A_899 = arith.index_cast %parallel_loop3A_896 : i32 to index
        %parallel_loop3A_900 = arith.index_cast %parallel_loop3A_886 : i32 to index
        %parallel_loop3A_901 = tpu.vector_load %arg6[%parallel_loop3A_897, %parallel_loop3A_898, %parallel_loop3A_899, %parallel_loop3A_900] {strides = array<i32>} : memref<2x4x8x1024xf32, #tpu.memory_space<vmem>>, vector<1x1x1x16xf32>,
        %parallel_loop3A_902 = vector.shape_cast %parallel_loop3A_901 : vector<1x1x1x16xf32> to vector<16xf32>
        %parallel_loop3A_903 = vector.shape_cast %parallel_loop3A_893 : vector<16xf32> to vector<1x1x1x16xf32>
        tpu.vector_store %arg6[%parallel_loop3A_897, %parallel_loop3A_898, %parallel_loop3A_899, %parallel_loop3A_900], %parallel_loop3A_903 {add = true, strides = array<i32>} : memref<2x4x8x1024xf32, #tpu.memory_space<vmem>>, vector<1x1x1x16xf32>,
      } {sc.loop_unroll_factor = 8 : i64, sc.parallel_access}
      %parallel_loop3A_853 = arith.constant 0 : i32
      %parallel_loop3A_854 = arith.constant 1024 : i32
      %parallel_loop3A_855 = arith.constant 16 : i32
      scf.for %parallel_loop3A_886 = %parallel_loop3A_853 to %parallel_loop3A_854 step %parallel_loop3A_855  : i32 {
        %parallel_loop3A_887 = arith.constant 1 : i32
        %parallel_loop3A_888 = arith.constant 5 : i32
        %parallel_loop3A_889 = arith.index_cast %parallel_loop3A_887 : i32 to index
        %parallel_loop3A_890 = arith.index_cast %parallel_loop3A_888 : i32 to index
        %parallel_loop3A_891 = arith.index_cast %parallel_loop3A_886 : i32 to index
        %parallel_loop3A_892 = tpu.vector_load %arg5[%parallel_loop3A_889, %parallel_loop3A_890, %parallel_loop3A_891] {strides = array<i32>} : memref<2x8x1024xf32, #tpu.memory_space<vmem>>, vector<1x1x16xf32>,
        %parallel_loop3A_893 = vector.shape_cast %parallel_loop3A_892 : vector<1x1x16xf32> to vector<16xf32>
        %parallel_loop3A_894 = arith.constant 1 : i32
        %parallel_loop3A_895 = arith.constant 3 : i32
        %parallel_loop3A_896 = arith.constant 5 : i32
        %parallel_loop3A_897 = arith.index_cast %parallel_loop3A_894 : i32 to index
        %parallel_loop3A_898 = arith.index_cast %parallel_loop3A_895 : i32 to index
        %parallel_loop3A_899 = arith.index_cast %parallel_loop3A_896 : i32 to index
        %parallel_loop3A_900 = arith.index_cast %parallel_loop3A_886 : i32 to index
        %parallel_loop3A_901 = tpu.vector_load %arg6[%parallel_loop3A_897, %parallel_loop3A_898, %parallel_loop3A_899, %parallel_loop3A_900] {strides = array<i32>} : memref<2x4x8x1024xf32, #tpu.memory_space<vmem>>, vector<1x1x1x16xf32>,
        %parallel_loop3A_902 = vector.shape_cast %parallel_loop3A_901 : vector<1x1x1x16xf32> to vector<16xf32>
        %parallel_loop3A_903 = vector.shape_cast %parallel_loop3A_893 : vector<16xf32> to vector<1x1x1x16xf32>
        tpu.vector_store %arg6[%parallel_loop3A_897, %parallel_loop3A_898, %parallel_loop3A_899, %parallel_loop3A_900], %parallel_loop3A_903 {add = true, strides = array<i32>} : memref<2x4x8x1024xf32, #tpu.memory_space<vmem>>, vector<1x1x1x16xf32>,
      } {sc.loop_unroll_factor = 8 : i64, sc.parallel_access}
      %parallel_loop3A_856 = arith.constant 0 : i32
      %parallel_loop3A_857 = arith.constant 1024 : i32
      %parallel_loop3A_858 = arith.constant 16 : i32
      scf.for %parallel_loop3A_886 = %parallel_loop3A_856 to %parallel_loop3A_857 step %parallel_loop3A_858  : i32 {
        %parallel_loop3A_887 = arith.constant 1 : i32
        %parallel_loop3A_888 = arith.constant 6 : i32
        %parallel_loop3A_889 = arith.index_cast %parallel_loop3A_887 : i32 to index
        %parallel_loop3A_890 = arith.index_cast %parallel_loop3A_888 : i32 to index
        %parallel_loop3A_891 = arith.index_cast %parallel_loop3A_886 : i32 to index
        %parallel_loop3A_892 = tpu.vector_load %arg5[%parallel_loop3A_889, %parallel_loop3A_890, %parallel_loop3A_891] {strides = array<i32>} : memref<2x8x1024xf32, #tpu.memory_space<vmem>>, vector<1x1x16xf32>,
        %parallel_loop3A_893 = vector.shape_cast %parallel_loop3A_892 : vector<1x1x16xf32> to vector<16xf32>
        %parallel_loop3A_894 = arith.constant 1 : i32
        %parallel_loop3A_895 = arith.constant 3 : i32
        %parallel_loop3A_896 = arith.constant 6 : i32
        %parallel_loop3A_897 = arith.index_cast %parallel_loop3A_894 : i32 to index
        %parallel_loop3A_898 = arith.index_cast %parallel_loop3A_895 : i32 to index
        %parallel_loop3A_899 = arith.index_cast %parallel_loop3A_896 : i32 to index
        %parallel_loop3A_900 = arith.index_cast %parallel_loop3A_886 : i32 to index
        %parallel_loop3A_901 = tpu.vector_load %arg6[%parallel_loop3A_897, %parallel_loop3A_898, %parallel_loop3A_899, %parallel_loop3A_900] {strides = array<i32>} : memref<2x4x8x1024xf32, #tpu.memory_space<vmem>>, vector<1x1x1x16xf32>,
        %parallel_loop3A_902 = vector.shape_cast %parallel_loop3A_901 : vector<1x1x1x16xf32> to vector<16xf32>
        %parallel_loop3A_903 = vector.shape_cast %parallel_loop3A_893 : vector<16xf32> to vector<1x1x1x16xf32>
        tpu.vector_store %arg6[%parallel_loop3A_897, %parallel_loop3A_898, %parallel_loop3A_899, %parallel_loop3A_900], %parallel_loop3A_903 {add = true, strides = array<i32>} : memref<2x4x8x1024xf32, #tpu.memory_space<vmem>>, vector<1x1x1x16xf32>,
      } {sc.loop_unroll_factor = 8 : i64, sc.parallel_access}
      %parallel_loop3A_859 = arith.constant 0 : i32
      %parallel_loop3A_860 = arith.constant 1024 : i32
      %parallel_loop3A_861 = arith.constant 16 : i32
      scf.for %parallel_loop3A_886 = %parallel_loop3A_859 to %parallel_loop3A_860 step %parallel_loop3A_861  : i32 {
        %parallel_loop3A_887 = arith.constant 1 : i32
        %parallel_loop3A_888 = arith.constant 7 : i32
        %parallel_loop3A_889 = arith.index_cast %parallel_loop3A_887 : i32 to index
        %parallel_loop3A_890 = arith.index_cast %parallel_loop3A_888 : i32 to index
        %parallel_loop3A_891 = arith.index_cast %parallel_loop3A_886 : i32 to index
        %parallel_loop3A_892 = tpu.vector_load %arg5[%parallel_loop3A_889, %parallel_loop3A_890, %parallel_loop3A_891] {strides = array<i32>} : memref<2x8x1024xf32, #tpu.memory_space<vmem>>, vector<1x1x16xf32>,
        %parallel_loop3A_893 = vector.shape_cast %parallel_loop3A_892 : vector<1x1x16xf32> to vector<16xf32>
        %parallel_loop3A_894 = arith.constant 1 : i32
        %parallel_loop3A_895 = arith.constant 3 : i32
        %parallel_loop3A_896 = arith.constant 7 : i32
        %parallel_loop3A_897 = arith.index_cast %parallel_loop3A_894 : i32 to index
        %parallel_loop3A_898 = arith.index_cast %parallel_loop3A_895 : i32 to index
        %parallel_loop3A_899 = arith.index_cast %parallel_loop3A_896 : i32 to index
        %parallel_loop3A_900 = arith.index_cast %parallel_loop3A_886 : i32 to index
        %parallel_loop3A_901 = tpu.vector_load %arg6[%parallel_loop3A_897, %parallel_loop3A_898, %parallel_loop3A_899, %parallel_loop3A_900] {strides = array<i32>} : memref<2x4x8x1024xf32, #tpu.memory_space<vmem>>, vector<1x1x1x16xf32>,
        %parallel_loop3A_902 = vector.shape_cast %parallel_loop3A_901 : vector<1x1x1x16xf32> to vector<16xf32>
        %parallel_loop3A_903 = vector.shape_cast %parallel_loop3A_893 : vector<16xf32> to vector<1x1x1x16xf32>
        tpu.vector_store %arg6[%parallel_loop3A_897, %parallel_loop3A_898, %parallel_loop3A_899, %parallel_loop3A_900], %parallel_loop3A_903 {add = true, strides = array<i32>} : memref<2x4x8x1024xf32, #tpu.memory_space<vmem>>, vector<1x1x1x16xf32>,
      } {sc.loop_unroll_factor = 8 : i64, sc.parallel_access}
      %mul3A_862 = arith.constant 8 : i32
      %mul3A_863 = arith.muli %add3A_586, %mul3A_862 : i32
      %add3A_864 = arith.addi %mul3A_2, %mul3A_863 : i32
      %dma_start3A_865 = arith.constant 1 : i32
      %dma_start3A_866 = arith.constant 3 : i32
      %dma_start3A_867 = arith.constant 3 : i32
      %dma_start3A_868 = arith.constant 1 : i32
      %dma_start3A_869 = arith.constant 3 : i32
      %dma_start3A_870 = arith.constant 0 : i32
      %dma_start3A_871 = arith.constant 0 : i32
      %dma_start3A_872 = tpu.memref_slice %arg6[%dma_start3A_865, %dma_start3A_866, %dma_start3A_870, %dma_start3A_871] : memref<2x4x8x1024xf32, #tpu.memory_space<vmem>> -> memref<1x1x8x1024xf32, #tpu.memory_space<vmem>>
      %dma_start3A_873 = tpu.memref_squeeze %dma_start3A_872 : memref<1x1x8x1024xf32, #tpu.memory_space<vmem>> -> memref<8x1024xf32, #tpu.memory_space<vmem>>
      %dma_start3A_874 = arith.constant 0 : i32
      %dma_start3A_875 = tpu.memref_slice %arg4[%dma_start3A_867, %add3A_864, %dma_start3A_874] : memref<4x8192x1024xf32, #tpu.memory_space<hbm>> -> memref<1x8x1024xf32, #tpu.memory_space<hbm>>
      %dma_start3A_876 = tpu.memref_squeeze %dma_start3A_875 : memref<1x8x1024xf32, #tpu.memory_space<hbm>> -> memref<8x1024xf32, #tpu.memory_space<hbm>>
      %dma_start3A_877 = tpu.memref_slice %arg9[%dma_start3A_868, %dma_start3A_869] : memref<2x4x!tpu.dma_semaphore, #tpu.memory_space<semaphore_mem>> -> memref<1x1x!tpu.dma_semaphore, #tpu.memory_space<semaphore_mem>>
      %dma_start3A_878 = tpu.memref_squeeze %dma_start3A_877 : memref<1x1x!tpu.dma_semaphore, #tpu.memory_space<semaphore_mem>> -> memref<!tpu.dma_semaphore, #tpu.memory_space<semaphore_mem>>
      %dma_start3A_879 = arith.constant 0 : i32
      %dma_start3A_880 = tpu.memref_slice %arg4[%dma_start3A_867, %add3A_864, %dma_start3A_879] : memref<4x8192x1024xf32, #tpu.memory_space<hbm>> -> memref<1x8x1024xf32, #tpu.memory_space<hbm>>
      %dma_start3A_881 = tpu.memref_squeeze %dma_start3A_880 : memref<1x8x1024xf32, #tpu.memory_space<hbm>> -> memref<8x1024xf32, #tpu.memory_space<hbm>>
      %dma_start3A_882 = arith.constant 0 : i32
      %dma_start3A_883 = arith.constant 0 : i32
      %dma_start3A_884 = tpu.memref_slice %arg6[%dma_start3A_865, %dma_start3A_866, %dma_start3A_882, %dma_start3A_883] : memref<2x4x8x1024xf32, #tpu.memory_space<vmem>> -> memref<1x1x8x1024xf32, #tpu.memory_space<vmem>>
      %dma_start3A_885 = tpu.memref_squeeze %dma_start3A_884 : memref<1x1x8x1024xf32, #tpu.memory_space<vmem>> -> memref<8x1024xf32, #tpu.memory_space<vmem>>
      tpu.enqueue_dma source(%dma_start3A_885 : memref<8x1024xf32, #tpu.memory_space<vmem>>) target(%dma_start3A_881 : memref<8x1024xf32, #tpu.memory_space<hbm>>) target_semaphore(%dma_start3A_878 : memref<!tpu.dma_semaphore, #tpu.memory_space<semaphore_mem>>)
    }
    %scan3A_115 = arith.constant 16 : i32
    %dma_wait3A = arith.constant 0 : i32
    %dma_wait3A_116 = arith.constant 0 : i32
    %dma_wait3A_117 = arith.constant 0 : i32
    %dma_wait3A_118 = arith.constant 0 : i32
    %dma_wait3A_119 = arith.constant 0 : i32
    %dma_wait3A_120 = arith.constant 0 : i32
    %dma_wait3A_121 = arith.constant 0 : i32
    %dma_wait3A_122 = tpu.memref_slice %arg6[%dma_wait3A, %dma_wait3A_116, %dma_wait3A_120, %dma_wait3A_121] : memref<2x4x8x1024xf32, #tpu.memory_space<vmem>> -> memref<1x1x8x1024xf32, #tpu.memory_space<vmem>>
    %dma_wait3A_123 = tpu.memref_squeeze %dma_wait3A_122 : memref<1x1x8x1024xf32, #tpu.memory_space<vmem>> -> memref<8x1024xf32, #tpu.memory_space<vmem>>
    %dma_wait3A_124 = arith.constant 0 : i32
    %dma_wait3A_125 = tpu.memref_slice %arg4[%dma_wait3A_117, %mul3A_2, %dma_wait3A_124] : memref<4x8192x1024xf32, #tpu.memory_space<hbm>> -> memref<1x8x1024xf32, #tpu.memory_space<hbm>>
    %dma_wait3A_126 = tpu.memref_squeeze %dma_wait3A_125 : memref<1x8x1024xf32, #tpu.memory_space<hbm>> -> memref<8x1024xf32, #tpu.memory_space<hbm>>
    %dma_wait3A_127 = tpu.memref_slice %arg9[%dma_wait3A_118, %dma_wait3A_119] : memref<2x4x!tpu.dma_semaphore, #tpu.memory_space<semaphore_mem>> -> memref<1x1x!tpu.dma_semaphore, #tpu.memory_space<semaphore_mem>>
    %dma_wait3A_128 = tpu.memref_squeeze %dma_wait3A_127 : memref<1x1x!tpu.dma_semaphore, #tpu.memory_space<semaphore_mem>> -> memref<!tpu.dma_semaphore, #tpu.memory_space<semaphore_mem>>
    %dma_wait3A_129 = arith.constant 0 : i32
    %dma_wait3A_130 = tpu.memref_slice %arg4[%dma_wait3A_117, %mul3A_2, %dma_wait3A_129] : memref<4x8192x1024xf32, #tpu.memory_space<hbm>> -> memref<1x8x1024xf32, #tpu.memory_space<hbm>>
    %dma_wait3A_131 = tpu.memref_squeeze %dma_wait3A_130 : memref<1x8x1024xf32, #tpu.memory_space<hbm>> -> memref<8x1024xf32, #tpu.memory_space<hbm>>
    %dma_wait3A_132 = arith.constant 0 : i32
    %dma_wait3A_133 = arith.constant 0 : i32
    %dma_wait3A_134 = tpu.memref_slice %arg6[%dma_wait3A, %dma_wait3A_116, %dma_wait3A_132, %dma_wait3A_133] : memref<2x4x8x1024xf32, #tpu.memory_space<vmem>> -> memref<1x1x8x1024xf32, #tpu.memory_space<vmem>>
    %dma_wait3A_135 = tpu.memref_squeeze %dma_wait3A_134 : memref<1x1x8x1024xf32, #tpu.memory_space<vmem>> -> memref<8x1024xf32, #tpu.memory_space<vmem>>
    tpu.wait_dma2 semaphore(%dma_wait3A_128 : memref<!tpu.dma_semaphore, #tpu.memory_space<semaphore_mem>>) src(%dma_wait3A_135 : memref<8x1024xf32, #tpu.memory_space<vmem>>) dst(%dma_wait3A_131 : memref<8x1024xf32, #tpu.memory_space<hbm>>)
    %dma_wait3A_136 = arith.constant 0 : i32
    %dma_wait3A_137 = arith.constant 1 : i32
    %dma_wait3A_138 = arith.constant 1 : i32
    %dma_wait3A_139 = arith.constant 0 : i32
    %dma_wait3A_140 = arith.constant 1 : i32
    %dma_wait3A_141 = arith.constant 0 : i32
    %dma_wait3A_142 = arith.constant 0 : i32
    %dma_wait3A_143 = tpu.memref_slice %arg6[%dma_wait3A_136, %dma_wait3A_137, %dma_wait3A_141, %dma_wait3A_142] : memref<2x4x8x1024xf32, #tpu.memory_space<vmem>> -> memref<1x1x8x1024xf32, #tpu.memory_space<vmem>>
    %dma_wait3A_144 = tpu.memref_squeeze %dma_wait3A_143 : memref<1x1x8x1024xf32, #tpu.memory_space<vmem>> -> memref<8x1024xf32, #tpu.memory_space<vmem>>
    %dma_wait3A_145 = arith.constant 0 : i32
    %dma_wait3A_146 = tpu.memref_slice %arg4[%dma_wait3A_138, %mul3A_2, %dma_wait3A_145] : memref<4x8192x1024xf32, #tpu.memory_space<hbm>> -> memref<1x8x1024xf32, #tpu.memory_space<hbm>>
    %dma_wait3A_147 = tpu.memref_squeeze %dma_wait3A_146 : memref<1x8x1024xf32, #tpu.memory_space<hbm>> -> memref<8x1024xf32, #tpu.memory_space<hbm>>
    %dma_wait3A_148 = tpu.memref_slice %arg9[%dma_wait3A_139, %dma_wait3A_140] : memref<2x4x!tpu.dma_semaphore, #tpu.memory_space<semaphore_mem>> -> memref<1x1x!tpu.dma_semaphore, #tpu.memory_space<semaphore_mem>>
    %dma_wait3A_149 = tpu.memref_squeeze %dma_wait3A_148 : memref<1x1x!tpu.dma_semaphore, #tpu.memory_space<semaphore_mem>> -> memref<!tpu.dma_semaphore, #tpu.memory_space<semaphore_mem>>
    %dma_wait3A_150 = arith.constant 0 : i32
    %dma_wait3A_151 = tpu.memref_slice %arg4[%dma_wait3A_138, %mul3A_2, %dma_wait3A_150] : memref<4x8192x1024xf32, #tpu.memory_space<hbm>> -> memref<1x8x1024xf32, #tpu.memory_space<hbm>>
    %dma_wait3A_152 = tpu.memref_squeeze %dma_wait3A_151 : memref<1x8x1024xf32, #tpu.memory_space<hbm>> -> memref<8x1024xf32, #tpu.memory_space<hbm>>
    %dma_wait3A_153 = arith.constant 0 : i32
    %dma_wait3A_154 = arith.constant 0 : i32
    %dma_wait3A_155 = tpu.memref_slice %arg6[%dma_wait3A_136, %dma_wait3A_137, %dma_wait3A_153, %dma_wait3A_154] : memref<2x4x8x1024xf32, #tpu.memory_space<vmem>> -> memref<1x1x8x1024xf32, #tpu.memory_space<vmem>>
    %dma_wait3A_156 = tpu.memref_squeeze %dma_wait3A_155 : memref<1x1x8x1024xf32, #tpu.memory_space<vmem>> -> memref<8x1024xf32, #tpu.memory_space<vmem>>
    tpu.wait_dma2 semaphore(%dma_wait3A_149 : memref<!tpu.dma_semaphore, #tpu.memory_space<semaphore_mem>>) src(%dma_wait3A_156 : memref<8x1024xf32, #tpu.memory_space<vmem>>) dst(%dma_wait3A_152 : memref<8x1024xf32, #tpu.memory_space<hbm>>)
    %dma_wait3A_157 = arith.constant 0 : i32
    %dma_wait3A_158 = arith.constant 2 : i32
    %dma_wait3A_159 = arith.constant 2 : i32
    %dma_wait3A_160 = arith.constant 0 : i32
    %dma_wait3A_161 = arith.constant 2 : i32
    %dma_wait3A_162 = arith.constant 0 : i32
    %dma_wait3A_163 = arith.constant 0 : i32
    %dma_wait3A_164 = tpu.memref_slice %arg6[%dma_wait3A_157, %dma_wait3A_158, %dma_wait3A_162, %dma_wait3A_163] : memref<2x4x8x1024xf32, #tpu.memory_space<vmem>> -> memref<1x1x8x1024xf32, #tpu.memory_space<vmem>>
    %dma_wait3A_165 = tpu.memref_squeeze %dma_wait3A_164 : memref<1x1x8x1024xf32, #tpu.memory_space<vmem>> -> memref<8x1024xf32, #tpu.memory_space<vmem>>
    %dma_wait3A_166 = arith.constant 0 : i32
    %dma_wait3A_167 = tpu.memref_slice %arg4[%dma_wait3A_159, %mul3A_2, %dma_wait3A_166] : memref<4x8192x1024xf32, #tpu.memory_space<hbm>> -> memref<1x8x1024xf32, #tpu.memory_space<hbm>>
    %dma_wait3A_168 = tpu.memref_squeeze %dma_wait3A_167 : memref<1x8x1024xf32, #tpu.memory_space<hbm>> -> memref<8x1024xf32, #tpu.memory_space<hbm>>
    %dma_wait3A_169 = tpu.memref_slice %arg9[%dma_wait3A_160, %dma_wait3A_161] : memref<2x4x!tpu.dma_semaphore, #tpu.memory_space<semaphore_mem>> -> memref<1x1x!tpu.dma_semaphore, #tpu.memory_space<semaphore_mem>>
    %dma_wait3A_170 = tpu.memref_squeeze %dma_wait3A_169 : memref<1x1x!tpu.dma_semaphore, #tpu.memory_space<semaphore_mem>> -> memref<!tpu.dma_semaphore, #tpu.memory_space<semaphore_mem>>
    %dma_wait3A_171 = arith.constant 0 : i32
    %dma_wait3A_172 = tpu.memref_slice %arg4[%dma_wait3A_159, %mul3A_2, %dma_wait3A_171] : memref<4x8192x1024xf32, #tpu.memory_space<hbm>> -> memref<1x8x1024xf32, #tpu.memory_space<hbm>>
    %dma_wait3A_173 = tpu.memref_squeeze %dma_wait3A_172 : memref<1x8x1024xf32, #tpu.memory_space<hbm>> -> memref<8x1024xf32, #tpu.memory_space<hbm>>
    %dma_wait3A_174 = arith.constant 0 : i32
    %dma_wait3A_175 = arith.constant 0 : i32
    %dma_wait3A_176 = tpu.memref_slice %arg6[%dma_wait3A_157, %dma_wait3A_158, %dma_wait3A_174, %dma_wait3A_175] : memref<2x4x8x1024xf32, #tpu.memory_space<vmem>> -> memref<1x1x8x1024xf32, #tpu.memory_space<vmem>>
    %dma_wait3A_177 = tpu.memref_squeeze %dma_wait3A_176 : memref<1x1x8x1024xf32, #tpu.memory_space<vmem>> -> memref<8x1024xf32, #tpu.memory_space<vmem>>
    tpu.wait_dma2 semaphore(%dma_wait3A_170 : memref<!tpu.dma_semaphore, #tpu.memory_space<semaphore_mem>>) src(%dma_wait3A_177 : memref<8x1024xf32, #tpu.memory_space<vmem>>) dst(%dma_wait3A_173 : memref<8x1024xf32, #tpu.memory_space<hbm>>)
    %dma_wait3A_178 = arith.constant 0 : i32
    %dma_wait3A_179 = arith.constant 3 : i32
    %dma_wait3A_180 = arith.constant 3 : i32
    %dma_wait3A_181 = arith.constant 0 : i32
    %dma_wait3A_182 = arith.constant 3 : i32
    %dma_wait3A_183 = arith.constant 0 : i32
    %dma_wait3A_184 = arith.constant 0 : i32
    %dma_wait3A_185 = tpu.memref_slice %arg6[%dma_wait3A_178, %dma_wait3A_179, %dma_wait3A_183, %dma_wait3A_184] : memref<2x4x8x1024xf32, #tpu.memory_space<vmem>> -> memref<1x1x8x1024xf32, #tpu.memory_space<vmem>>
    %dma_wait3A_186 = tpu.memref_squeeze %dma_wait3A_185 : memref<1x1x8x1024xf32, #tpu.memory_space<vmem>> -> memref<8x1024xf32, #tpu.memory_space<vmem>>
    %dma_wait3A_187 = arith.constant 0 : i32
    %dma_wait3A_188 = tpu.memref_slice %arg4[%dma_wait3A_180, %mul3A_2, %dma_wait3A_187] : memref<4x8192x1024xf32, #tpu.memory_space<hbm>> -> memref<1x8x1024xf32, #tpu.memory_space<hbm>>
    %dma_wait3A_189 = tpu.memref_squeeze %dma_wait3A_188 : memref<1x8x1024xf32, #tpu.memory_space<hbm>> -> memref<8x1024xf32, #tpu.memory_space<hbm>>
    %dma_wait3A_190 = tpu.memref_slice %arg9[%dma_wait3A_181, %dma_wait3A_182] : memref<2x4x!tpu.dma_semaphore, #tpu.memory_space<semaphore_mem>> -> memref<1x1x!tpu.dma_semaphore, #tpu.memory_space<semaphore_mem>>
    %dma_wait3A_191 = tpu.memref_squeeze %dma_wait3A_190 : memref<1x1x!tpu.dma_semaphore, #tpu.memory_space<semaphore_mem>> -> memref<!tpu.dma_semaphore, #tpu.memory_space<semaphore_mem>>
    %dma_wait3A_192 = arith.constant 0 : i32
    %dma_wait3A_193 = tpu.memref_slice %arg4[%dma_wait3A_180, %mul3A_2, %dma_wait3A_192] : memref<4x8192x1024xf32, #tpu.memory_space<hbm>> -> memref<1x8x1024xf32, #tpu.memory_space<hbm>>
    %dma_wait3A_194 = tpu.memref_squeeze %dma_wait3A_193 : memref<1x8x1024xf32, #tpu.memory_space<hbm>> -> memref<8x1024xf32, #tpu.memory_space<hbm>>
    %dma_wait3A_195 = arith.constant 0 : i32
    %dma_wait3A_196 = arith.constant 0 : i32
    %dma_wait3A_197 = tpu.memref_slice %arg6[%dma_wait3A_178, %dma_wait3A_179, %dma_wait3A_195, %dma_wait3A_196] : memref<2x4x8x1024xf32, #tpu.memory_space<vmem>> -> memref<1x1x8x1024xf32, #tpu.memory_space<vmem>>
    %dma_wait3A_198 = tpu.memref_squeeze %dma_wait3A_197 : memref<1x1x8x1024xf32, #tpu.memory_space<vmem>> -> memref<8x1024xf32, #tpu.memory_space<vmem>>
    tpu.wait_dma2 semaphore(%dma_wait3A_191 : memref<!tpu.dma_semaphore, #tpu.memory_space<semaphore_mem>>) src(%dma_wait3A_198 : memref<8x1024xf32, #tpu.memory_space<vmem>>) dst(%dma_wait3A_194 : memref<8x1024xf32, #tpu.memory_space<hbm>>)
    %dma_wait3A_199 = arith.constant 1 : i32
    %dma_wait3A_200 = arith.constant 0 : i32
    %dma_wait3A_201 = arith.constant 0 : i32
    %dma_wait3A_202 = arith.constant 1 : i32
    %dma_wait3A_203 = arith.constant 0 : i32
    %dma_wait3A_204 = arith.constant 0 : i32
    %dma_wait3A_205 = arith.constant 0 : i32
    %dma_wait3A_206 = tpu.memref_slice %arg6[%dma_wait3A_199, %dma_wait3A_200, %dma_wait3A_204, %dma_wait3A_205] : memref<2x4x8x1024xf32, #tpu.memory_space<vmem>> -> memref<1x1x8x1024xf32, #tpu.memory_space<vmem>>
    %dma_wait3A_207 = tpu.memref_squeeze %dma_wait3A_206 : memref<1x1x8x1024xf32, #tpu.memory_space<vmem>> -> memref<8x1024xf32, #tpu.memory_space<vmem>>
    %dma_wait3A_208 = arith.constant 0 : i32
    %dma_wait3A_209 = tpu.memref_slice %arg4[%dma_wait3A_201, %mul3A_2, %dma_wait3A_208] : memref<4x8192x1024xf32, #tpu.memory_space<hbm>> -> memref<1x8x1024xf32, #tpu.memory_space<hbm>>
    %dma_wait3A_210 = tpu.memref_squeeze %dma_wait3A_209 : memref<1x8x1024xf32, #tpu.memory_space<hbm>> -> memref<8x1024xf32, #tpu.memory_space<hbm>>
    %dma_wait3A_211 = tpu.memref_slice %arg9[%dma_wait3A_202, %dma_wait3A_203] : memref<2x4x!tpu.dma_semaphore, #tpu.memory_space<semaphore_mem>> -> memref<1x1x!tpu.dma_semaphore, #tpu.memory_space<semaphore_mem>>
    %dma_wait3A_212 = tpu.memref_squeeze %dma_wait3A_211 : memref<1x1x!tpu.dma_semaphore, #tpu.memory_space<semaphore_mem>> -> memref<!tpu.dma_semaphore, #tpu.memory_space<semaphore_mem>>
    %dma_wait3A_213 = arith.constant 0 : i32
    %dma_wait3A_214 = tpu.memref_slice %arg4[%dma_wait3A_201, %mul3A_2, %dma_wait3A_213] : memref<4x8192x1024xf32, #tpu.memory_space<hbm>> -> memref<1x8x1024xf32, #tpu.memory_space<hbm>>
    %dma_wait3A_215 = tpu.memref_squeeze %dma_wait3A_214 : memref<1x8x1024xf32, #tpu.memory_space<hbm>> -> memref<8x1024xf32, #tpu.memory_space<hbm>>
    %dma_wait3A_216 = arith.constant 0 : i32
    %dma_wait3A_217 = arith.constant 0 : i32
    %dma_wait3A_218 = tpu.memref_slice %arg6[%dma_wait3A_199, %dma_wait3A_200, %dma_wait3A_216, %dma_wait3A_217] : memref<2x4x8x1024xf32, #tpu.memory_space<vmem>> -> memref<1x1x8x1024xf32, #tpu.memory_space<vmem>>
    %dma_wait3A_219 = tpu.memref_squeeze %dma_wait3A_218 : memref<1x1x8x1024xf32, #tpu.memory_space<vmem>> -> memref<8x1024xf32, #tpu.memory_space<vmem>>
    tpu.wait_dma2 semaphore(%dma_wait3A_212 : memref<!tpu.dma_semaphore, #tpu.memory_space<semaphore_mem>>) src(%dma_wait3A_219 : memref<8x1024xf32, #tpu.memory_space<vmem>>) dst(%dma_wait3A_215 : memref<8x1024xf32, #tpu.memory_space<hbm>>)
    %dma_wait3A_220 = arith.constant 1 : i32
    %dma_wait3A_221 = arith.constant 1 : i32
    %dma_wait3A_222 = arith.constant 1 : i32
    %dma_wait3A_223 = arith.constant 1 : i32
    %dma_wait3A_224 = arith.constant 1 : i32
    %dma_wait3A_225 = arith.constant 0 : i32
    %dma_wait3A_226 = arith.constant 0 : i32
    %dma_wait3A_227 = tpu.memref_slice %arg6[%dma_wait3A_220, %dma_wait3A_221, %dma_wait3A_225, %dma_wait3A_226] : memref<2x4x8x1024xf32, #tpu.memory_space<vmem>> -> memref<1x1x8x1024xf32, #tpu.memory_space<vmem>>
    %dma_wait3A_228 = tpu.memref_squeeze %dma_wait3A_227 : memref<1x1x8x1024xf32, #tpu.memory_space<vmem>> -> memref<8x1024xf32, #tpu.memory_space<vmem>>
    %dma_wait3A_229 = arith.constant 0 : i32
    %dma_wait3A_230 = tpu.memref_slice %arg4[%dma_wait3A_222, %mul3A_2, %dma_wait3A_229] : memref<4x8192x1024xf32, #tpu.memory_space<hbm>> -> memref<1x8x1024xf32, #tpu.memory_space<hbm>>
    %dma_wait3A_231 = tpu.memref_squeeze %dma_wait3A_230 : memref<1x8x1024xf32, #tpu.memory_space<hbm>> -> memref<8x1024xf32, #tpu.memory_space<hbm>>
    %dma_wait3A_232 = tpu.memref_slice %arg9[%dma_wait3A_223, %dma_wait3A_224] : memref<2x4x!tpu.dma_semaphore, #tpu.memory_space<semaphore_mem>> -> memref<1x1x!tpu.dma_semaphore, #tpu.memory_space<semaphore_mem>>
    %dma_wait3A_233 = tpu.memref_squeeze %dma_wait3A_232 : memref<1x1x!tpu.dma_semaphore, #tpu.memory_space<semaphore_mem>> -> memref<!tpu.dma_semaphore, #tpu.memory_space<semaphore_mem>>
    %dma_wait3A_234 = arith.constant 0 : i32
    %dma_wait3A_235 = tpu.memref_slice %arg4[%dma_wait3A_222, %mul3A_2, %dma_wait3A_234] : memref<4x8192x1024xf32, #tpu.memory_space<hbm>> -> memref<1x8x1024xf32, #tpu.memory_space<hbm>>
    %dma_wait3A_236 = tpu.memref_squeeze %dma_wait3A_235 : memref<1x8x1024xf32, #tpu.memory_space<hbm>> -> memref<8x1024xf32, #tpu.memory_space<hbm>>
    %dma_wait3A_237 = arith.constant 0 : i32
    %dma_wait3A_238 = arith.constant 0 : i32
    %dma_wait3A_239 = tpu.memref_slice %arg6[%dma_wait3A_220, %dma_wait3A_221, %dma_wait3A_237, %dma_wait3A_238] : memref<2x4x8x1024xf32, #tpu.memory_space<vmem>> -> memref<1x1x8x1024xf32, #tpu.memory_space<vmem>>
    %dma_wait3A_240 = tpu.memref_squeeze %dma_wait3A_239 : memref<1x1x8x1024xf32, #tpu.memory_space<vmem>> -> memref<8x1024xf32, #tpu.memory_space<vmem>>
    tpu.wait_dma2 semaphore(%dma_wait3A_233 : memref<!tpu.dma_semaphore, #tpu.memory_space<semaphore_mem>>) src(%dma_wait3A_240 : memref<8x1024xf32, #tpu.memory_space<vmem>>) dst(%dma_wait3A_236 : memref<8x1024xf32, #tpu.memory_space<hbm>>)
    %dma_wait3A_241 = arith.constant 1 : i32
    %dma_wait3A_242 = arith.constant 2 : i32
    %dma_wait3A_243 = arith.constant 2 : i32
    %dma_wait3A_244 = arith.constant 1 : i32
    %dma_wait3A_245 = arith.constant 2 : i32
    %dma_wait3A_246 = arith.constant 0 : i32
    %dma_wait3A_247 = arith.constant 0 : i32
    %dma_wait3A_248 = tpu.memref_slice %arg6[%dma_wait3A_241, %dma_wait3A_242, %dma_wait3A_246, %dma_wait3A_247] : memref<2x4x8x1024xf32, #tpu.memory_space<vmem>> -> memref<1x1x8x1024xf32, #tpu.memory_space<vmem>>
    %dma_wait3A_249 = tpu.memref_squeeze %dma_wait3A_248 : memref<1x1x8x1024xf32, #tpu.memory_space<vmem>> -> memref<8x1024xf32, #tpu.memory_space<vmem>>
    %dma_wait3A_250 = arith.constant 0 : i32
    %dma_wait3A_251 = tpu.memref_slice %arg4[%dma_wait3A_243, %mul3A_2, %dma_wait3A_250] : memref<4x8192x1024xf32, #tpu.memory_space<hbm>> -> memref<1x8x1024xf32, #tpu.memory_space<hbm>>
    %dma_wait3A_252 = tpu.memref_squeeze %dma_wait3A_251 : memref<1x8x1024xf32, #tpu.memory_space<hbm>> -> memref<8x1024xf32, #tpu.memory_space<hbm>>
    %dma_wait3A_253 = tpu.memref_slice %arg9[%dma_wait3A_244, %dma_wait3A_245] : memref<2x4x!tpu.dma_semaphore, #tpu.memory_space<semaphore_mem>> -> memref<1x1x!tpu.dma_semaphore, #tpu.memory_space<semaphore_mem>>
    %dma_wait3A_254 = tpu.memref_squeeze %dma_wait3A_253 : memref<1x1x!tpu.dma_semaphore, #tpu.memory_space<semaphore_mem>> -> memref<!tpu.dma_semaphore, #tpu.memory_space<semaphore_mem>>
    %dma_wait3A_255 = arith.constant 0 : i32
    %dma_wait3A_256 = tpu.memref_slice %arg4[%dma_wait3A_243, %mul3A_2, %dma_wait3A_255] : memref<4x8192x1024xf32, #tpu.memory_space<hbm>> -> memref<1x8x1024xf32, #tpu.memory_space<hbm>>
    %dma_wait3A_257 = tpu.memref_squeeze %dma_wait3A_256 : memref<1x8x1024xf32, #tpu.memory_space<hbm>> -> memref<8x1024xf32, #tpu.memory_space<hbm>>
    %dma_wait3A_258 = arith.constant 0 : i32
    %dma_wait3A_259 = arith.constant 0 : i32
    %dma_wait3A_260 = tpu.memref_slice %arg6[%dma_wait3A_241, %dma_wait3A_242, %dma_wait3A_258, %dma_wait3A_259] : memref<2x4x8x1024xf32, #tpu.memory_space<vmem>> -> memref<1x1x8x1024xf32, #tpu.memory_space<vmem>>
    %dma_wait3A_261 = tpu.memref_squeeze %dma_wait3A_260 : memref<1x1x8x1024xf32, #tpu.memory_space<vmem>> -> memref<8x1024xf32, #tpu.memory_space<vmem>>
    tpu.wait_dma2 semaphore(%dma_wait3A_254 : memref<!tpu.dma_semaphore, #tpu.memory_space<semaphore_mem>>) src(%dma_wait3A_261 : memref<8x1024xf32, #tpu.memory_space<vmem>>) dst(%dma_wait3A_257 : memref<8x1024xf32, #tpu.memory_space<hbm>>)
    %dma_wait3A_262 = arith.constant 1 : i32
    %dma_wait3A_263 = arith.constant 3 : i32
    %dma_wait3A_264 = arith.constant 3 : i32
    %dma_wait3A_265 = arith.constant 1 : i32
    %dma_wait3A_266 = arith.constant 3 : i32
    %dma_wait3A_267 = arith.constant 0 : i32
    %dma_wait3A_268 = arith.constant 0 : i32
    %dma_wait3A_269 = tpu.memref_slice %arg6[%dma_wait3A_262, %dma_wait3A_263, %dma_wait3A_267, %dma_wait3A_268] : memref<2x4x8x1024xf32, #tpu.memory_space<vmem>> -> memref<1x1x8x1024xf32, #tpu.memory_space<vmem>>
    %dma_wait3A_270 = tpu.memref_squeeze %dma_wait3A_269 : memref<1x1x8x1024xf32, #tpu.memory_space<vmem>> -> memref<8x1024xf32, #tpu.memory_space<vmem>>
    %dma_wait3A_271 = arith.constant 0 : i32
    %dma_wait3A_272 = tpu.memref_slice %arg4[%dma_wait3A_264, %mul3A_2, %dma_wait3A_271] : memref<4x8192x1024xf32, #tpu.memory_space<hbm>> -> memref<1x8x1024xf32, #tpu.memory_space<hbm>>
    %dma_wait3A_273 = tpu.memref_squeeze %dma_wait3A_272 : memref<1x8x1024xf32, #tpu.memory_space<hbm>> -> memref<8x1024xf32, #tpu.memory_space<hbm>>
    %dma_wait3A_274 = tpu.memref_slice %arg9[%dma_wait3A_265, %dma_wait3A_266] : memref<2x4x!tpu.dma_semaphore, #tpu.memory_space<semaphore_mem>> -> memref<1x1x!tpu.dma_semaphore, #tpu.memory_space<semaphore_mem>>
    %dma_wait3A_275 = tpu.memref_squeeze %dma_wait3A_274 : memref<1x1x!tpu.dma_semaphore, #tpu.memory_space<semaphore_mem>> -> memref<!tpu.dma_semaphore, #tpu.memory_space<semaphore_mem>>
    %dma_wait3A_276 = arith.constant 0 : i32
    %dma_wait3A_277 = tpu.memref_slice %arg4[%dma_wait3A_264, %mul3A_2, %dma_wait3A_276] : memref<4x8192x1024xf32, #tpu.memory_space<hbm>> -> memref<1x8x1024xf32, #tpu.memory_space<hbm>>
    %dma_wait3A_278 = tpu.memref_squeeze %dma_wait3A_277 : memref<1x8x1024xf32, #tpu.memory_space<hbm>> -> memref<8x1024xf32, #tpu.memory_space<hbm>>
    %dma_wait3A_279 = arith.constant 0 : i32
    %dma_wait3A_280 = arith.constant 0 : i32
    %dma_wait3A_281 = tpu.memref_slice %arg6[%dma_wait3A_262, %dma_wait3A_263, %dma_wait3A_279, %dma_wait3A_280] : memref<2x4x8x1024xf32, #tpu.memory_space<vmem>> -> memref<1x1x8x1024xf32, #tpu.memory_space<vmem>>
    %dma_wait3A_282 = tpu.memref_squeeze %dma_wait3A_281 : memref<1x1x8x1024xf32, #tpu.memory_space<vmem>> -> memref<8x1024xf32, #tpu.memory_space<vmem>>
    tpu.wait_dma2 semaphore(%dma_wait3A_275 : memref<!tpu.dma_semaphore, #tpu.memory_space<semaphore_mem>>) src(%dma_wait3A_282 : memref<8x1024xf32, #tpu.memory_space<vmem>>) dst(%dma_wait3A_278 : memref<8x1024xf32, #tpu.memory_space<hbm>>)
    return
  }
}

</mosaic_0001>

<sc_bundles>
// kernel: kernel.3.cloned.1.call-start
scs
__scs_entry_jumppad:
0x0: {  	(pc) =	sbr.rel $0x88, $3  }
0x1: {  	(tag) =	ssettag $0x0;
	lr =	simm.s32 $0x1  }
0x2: {  	[smem:$0x3F9F] =	sst lr;
	_ =	strace $0xD0000000  }
0x3: {  	_ = 	snop  }
0x4: {  	_ = 	snop  }
0x5: {  	_ = 	snop  }
0x6: {  	_ = 	snop  }
0x7: {  	_ = 	snop  }
__scs_overlays_trampoline_lowered:
0x8: {  	[smem:$0x3FAE] =	sst s0  }
0x9: {  	[smem:$0x3FAF] =	sst s1  }
0xa: {  	[smem:$0x3FB0] =	sst s2  }
0xb: {  	[smem:$0x3FB1] =	sst s3  }
0xc: {  	[smem:$0x3FB2] =	sst s4  }
0xd: {  	[smem:$0x3FB3] =	sst s5  }
0xe: {  	[smem:$0x3FB4] =	sst s6  }
0xf: {  	[smem:$0x3FB5] =	sst s7  }
0x10: {  	[smem:$0x3FB6] =	sst s8  }
0x11: {  	[smem:$0x3FB7] =	sst s9;
	s0 =	simm.s32 @!p0 $0x0  }
0x12: {  	s1 =	sld [smem:$0x3F9D];
	s0 =	simm.s32 @p0 $0x1  }
0x13: {  	[smem:$0x3FB8] =	sst s0;
	s0 =	simm.s32 @!p1 $0x0  }
0x14: {  	s2 =	sld [smem:$0x3F9C];
	s0 =	simm.s32 @p1 $0x1  }
0x15: {  	[smem:$0x3FB9] =	sst s0;
	s0 =	simm.s32 @!p2 $0x0  }
0x16: {  	s3 =	sld [smem:$0x3FDB];
	s0 =	simm.s32 @p2 $0x1  }
0x17: {  	s4 =	simm.s32 $0x1BF5;
	[smem:$0x3FBB] =	sst s0  }
0x18: {  	s0 =	sld [smem:$0x3F9E];
	_ =	swait.ge [sflag:s4], $0x0  }
0x19: {  	s7 =	sld [smem:$0x3F9F]  }
0x1a: {  	s8 =	sadd.s32 $0xFFFFE003, lr  }
0x1b: {  	s9 =	sadd.s32 $0xFFFFFEF7, lr;
	s5 =	simm.s32 $0xFFFFFFFF;
	p2 =	slt.u32 s8, $0xFFFFF086  }
0x1c: {  	p1 =	slt.u32 s9, $0xF7A;
	s5 =	simm.s32 @!p2 $0x0  }
0x1d: {  	s5 =	simm.s32 @p1 $0x1;
	p0 =	seq.s32 s7, s2  }
0x1e: {  	s7 =	smul.u32 @!p0 $0xF7A, s2;
	p2 =	seq.s32 @!p0 s5, $0x0  }
0x1f: {  	s9 =	smul.u32 $0xF7A, s1;
	s8 =	simm.s32 @!p0 $0x1BF5;
	p2 =	por !p2, p0  }
0x20: {  	[sflag:s8] =	ssyncset.s32 @!p0 $0xFFFFF086;
	s6 =	sadd.s32 @!p0 s3, s7;
	s7 =	simm.s32 @!p0 $0x108  }
0x21: {  	s3 =	sadd.s32 s3, s9;
	s6 =	sadd.s32 @!p0 $0x88, s6;
	s7 =	simm.s32 @p2 $0x1082  }
0x22: {  	[simem:s7], [sflag:s8] =	dma.local @!p0 [hbm:s6], $0xF7A  }
0x23: {  	s9 =	sor.u32 $0xD0000000, s2;
	s6 =	simm.s32 $0x108;
	_ =	swait.ge @!p0 [sflag:s8], $0x0  }
0x24: {  	s3 =	sadd.s32 $0x88, s3;
	s6 =	simm.s32 @!p1 $0x1082;
	[sflag:s4] =	ssyncset.s32 $0xFFFFF086  }
0x25: {  	[simem:s6], [sflag:s4] =	dma.local [hbm:s3], $0xF7A  }
0x26: {  	[smem:$0x3F9F] =	sst s1;
	(tag) =	ssettag s2;
	_ =	strace s9  }
0x27: {  	s1 =	sld [smem:$0x3FAF]  }
0x28: {  	s2 =	sld [smem:$0x3FB0]  }
0x29: {  	s4 =	sld [smem:$0x3FB2]  }
0x2a: {  	p0 =	seq.s32 s5, $0x0;
	s5 =	sld [smem:$0x3FB3]  }
0x2b: {  	s6 =	sld [smem:$0x3FB4]  }
0x2c: {  	s7 =	sld [smem:$0x3FB5]  }
0x2d: {  	s3 =	simm.s32 $0x108;
	s8 =	sld [smem:$0x3FB6]  }
0x2e: {  	s3 =	simm.s32 @!p0 $0x1082;
	s9 =	sld [smem:$0x3FB7]  }
0x2f: {  	lr =	sadd.s32 s0, s3;
	s0 =	sld [smem:$0x3FAE]  }
0x30: {  	s3 =	sld [smem:$0x3FB1]  }
0x31: {  	[smem:$0x3FBA] =	sst s10  }
0x32: {  	s10 =	sld [smem:$0x3FB8];
	_ =	sdelay $0x3  }
0x33: {  	p0 =	seq.s32 s10, $0x1;
	s10 =	sld [smem:$0x3FBA];
	_ =	sdelay $0x3  }
0x34: {  	[smem:$0x3FBA] =	sst s10  }
0x35: {  	s10 =	sld [smem:$0x3FB9];
	_ =	sdelay $0x3  }
0x36: {  	p1 =	seq.s32 s10, $0x1;
	s10 =	sld [smem:$0x3FBA];
	_ =	sdelay $0x3  }
0x37: {  	[smem:$0x3FBA] =	sst s10  }
0x38: {  	s10 =	sld [smem:$0x3FBB]  }
0x39: {  	_ = 	snop;
	(pc) =	sbr.ind lr, $3  }
0x3a: {  	_ = 	snop  }
0x3b: {  	_ = 	snop  }
0x3c: {  	p2 =	seq.s32 s10, $0x1;
	s10 =	sld [smem:$0x3FBA]  }
0x3d: {  	_ =	shalt  }
0x3e: {  	_ =	shalt  }
0x3f: {  	_ =	shalt  }
0x40: {  	_ =	shalt  }
0x41: {  	_ =	shalt  }
0x42: {  	_ =	shalt  }
0x43: {  	_ =	shalt  }
0x44: {  	_ =	shalt  }
0x45: {  	_ =	shalt  }
0x46: {  	_ =	shalt  }
0x47: {  	_ =	shalt  }
0x48: {  	_ =	shalt  }
0x49: {  	_ =	shalt  }
0x4a: {  	_ =	shalt  }
0x4b: {  	_ =	shalt  }
0x4c: {  	_ =	shalt  }
0x4d: {  	_ =	shalt  }
0x4e: {  	_ =	shalt  }
0x4f: {  	_ =	shalt  }
0x50: {  	_ =	shalt  }
0x51: {  	_ =	shalt  }
0x52: {  	_ =	shalt  }
0x53: {  	_ =	shalt  }
0x54: {  	_ =	shalt  }
0x55: {  	_ =	shalt  }
0x56: {  	_ =	shalt  }
0x57: {  	_ =	shalt  }
0x58: {  	_ =	shalt  }
0x59: {  	_ =	shalt  }
0x5a: {  	_ =	shalt  }
0x5b: {  	_ =	shalt  }
0x5c: {  	_ =	shalt  }
0x5d: {  	_ =	shalt  }
0x5e: {  	_ =	shalt  }
0x5f: {  	_ =	shalt  }
0x60: {  	_ =	shalt  }
0x61: {  	_ =	shalt  }
0x62: {  	_ =	shalt  }
0x63: {  	_ =	shalt  }
0x64: {  	_ =	shalt  }
0x65: {  	_ =	shalt  }
0x66: {  	_ =	shalt  }
0x67: {  	_ =	shalt  }
0x68: {  	_ =	shalt  }
0x69: {  	_ =	shalt  }
0x6a: {  	_ =	shalt  }
0x6b: {  	_ =	shalt  }
0x6c: {  	_ =	shalt  }
0x6d: {  	_ =	shalt  }
0x6e: {  	_ =	shalt  }
0x6f: {  	_ =	shalt  }
0x70: {  	_ =	shalt  }
0x71: {  	_ =	shalt  }
0x72: {  	_ =	shalt  }
0x73: {  	_ =	shalt  }
0x74: {  	_ =	shalt  }
0x75: {  	_ =	shalt  }
0x76: {  	_ =	shalt  }
0x77: {  	_ =	shalt  }
0x78: {  	_ =	shalt  }
0x79: {  	_ =	shalt  }
0x7a: {  	_ =	shalt  }
0x7b: {  	_ =	shalt  }
0x7c: {  	_ =	shalt  }
0x7d: {  	_ =	shalt  }
0x7e: {  	_ =	shalt  }
0x7f: {  	_ =	shalt  }
0x80: {  	_ =	shalt  }
0x81: {  	_ =	shalt  }
0x82: {  	_ =	shalt  }
0x83: {  	_ =	shalt  }
0x84: {  	_ =	shalt  }
0x85: {  	_ =	shalt  }
0x86: {  	_ =	shalt  }
0x87: {  	_ =	shalt  }
.Lfunc_end0:
.L_simem_size_0:
called_computation_lowered:
.L_overlay_start_0:
0x88: {  	s2 =	sld [smem:$0x3FD9]  }
0x89: {  	s3 =	sld [smem:$0x3FFE];
	_ =	sdelay $0x1  }
0x8a: {  	s1 =	srdreg.scid  }
0x8b: {  	s0 =	sand.u32 $0x1, s1  }
0x8c: {  	s18 =	sshll.u32 s0, $0xA;
	s2 =	sadd.s32 s3, s2  }
0x8d: {  	s2 =	sadd.s32 s2, s18  }
0x8e: {  	[smem:$0x3FC6] =	sst s2  }
0x8f: {  	_ = 	snop  }
0x90: {  	s2 =	sld [smem:$0x3FC9]  }
0x91: {  	s19 =	sld [smem:$0x3FC8]  }
0x92: {  	s4 =	sld [smem:$0x3FD0];
	(tm) =	ssettm $0x1  }
0x93: {  	s5 =	sld [smem:$0x3FFB];
	_ =	sdelay $0x3  }
0x94: {  	_ =	strace s5  }
0x95: {  	s5 =	sld [smem:$0x3FFC];
	_ =	sdelay $0x3  }
0x96: {  	_ =	strace s5  }
0x97: {  	s5 =	sld [smem:$0x3FFD];
	_ =	sdelay $0x3  }
0x98: {  	_ =	strace s5  }
0x99: {  	_ =	strace $0x8FFFFFFF  }
0x9a: {  	s20 =	sld [smem:$0x3FDB];
	_ =	sdelay $0x1  }
0x9b: {  	s6 =	simm.s32 $_scs_section_size  }
0x9c: {  	s7 =	simm.s32 $_size__tile_overlayer_lowered;
	s8 =	simm.s32 $_tile_overlayer_lowered  }
0x9d: {  	s23 =	simm.s32 $0x1BFF;
	s22 =	sshll.u32 s8, $0x1;
	s5 =	sadd.s32 s6, s20  }
0x9e: {  	s9 =	simm.s32 $0x0;
	s21 =	sshll.u32 s7, $0x1;
	s7 =	sadd.s32 s22, s5  }
0x9f: {  	[timem:s9], [sflag:s23] =	dma.local [hbm:s7], s21  }
0xa0: {  	_ =	swait.ge [sflag:s23], s21  }
0xa1: {  	s6 =	ssub.s32 $0x0, s21;
	[sflag:s23] =	ssyncset.done $0x0  }
0xa2: {  	[sflag:s23] =	ssyncadd.s32 s6;
	_ =	sdelay $0x1  }
0xa3: {  	s24 =	simm.s32 $0x1B8B  }
0xa4: {  	_ =	swait.ge [sflag:s24], $0x1  }
0xa5: {  	[sflag:s24] =	ssyncset.done $0x0  }
0xa6: {  	s25 =	simm.s32 $0x1B8E;
	[sflag:s24] =	ssyncadd.s32 $0xFFFFFFFF  }
0xa7: {  	s26 =	simm.s32 $execute0_lowered;
	[smem:$0x3FD2] =	sst s25  }
0xa8: {  	s6 =	sshll.u32 s26, $0x1;
	_ =	strace $0x80000046;
	[dreg:$0x1] =	wrdreg $0xFFFFFFFF  }
0xa9: {  	s28 =	simm.s32 $_size_execute0_lowered;
	s5 =	sadd.s32 s5, s6;
	[dreg:$0x0] =	wrdreg $0x0  }
0xaa: {  	s6 =	sshll.u32 s28, $0x1;
	[dreg:$0x2] =	wrdreg s5  }
0xab: {  	[dreg:$0x3] =	wrdreg s6  }
0xac: {  	[dreg:$0x4] =	wrdreg $0xC0  }
0xad: {  	_ =	task [dreg:s9], $0x5FFFF  }
0xae: {  	[dreg:$0x1] =	wrdreg $0xFFFFFFFF  }
0xaf: {  	[dreg:$0x0] =	wrdreg $0x60  }
0xb0: {  	[dreg:$0x2] =	wrdreg s2  }
0xb1: {  	[dreg:$0x3] =	wrdreg s19  }
0xb2: {  	[dreg:$0x4] =	wrdreg s4  }
0xb3: {  	[dreg:$0x5] =	wrdreg $0x9  }
0xb4: {  	_ =	task.clear_ibuf [dreg:s9], $0x6FFFF;
	_ =	strace $0x90000046  }
0xb5: {  	s29 =	simm.s32 $0x9;
	_ =	strace $0x80000048  }
0xb6: {  	_ =	swait.ge [sflag:s29], $0x1  }
0xb7: {  	[sflag:s29] =	ssyncadd.s32 $0xFFFFFFFF  }
0xb8: {  	_ =	strace $0x90000048  }
0xb9: {  	_ =	sfence  }
0xba: {  	s30 =	sld [smem:$0x0];
	_ =	sdelay $0x2  }
0xbb: {  	s31 =	sshll.u32 s1, $0xD;
	s1 =	sshrl.u32 s1, $0x2  }
0xbc: {  	s3 =	sand.u32 $0x4000, s31;
	s1 =	sadd.s32 s1, s30  }
0xbd: {  	s0 =	sor.u32 s3, s0;
	s1 =	sshll.u32 s1, $0x11  }
0xbe: {  	s0 =	sor.u32 s1, s0  }
0xbf: {  	s0 =	sadd.s32 $0x8F2B, s0  }
0xc0: {  	[sflag:s0] =	ssyncadd.remote.s32 $0x1  }
0xc1: {  	_ =	sfence.sel $0xFFFF  }
0xc2: {  	[dreg:$0x0] =	wrdreg $0xFFFFFFFF;
	(pc) =	sbr.abs _section_cstart, $3  }
0xc3: {  	[dreg:$0x1] =	wrdreg $0xFFFFFFFF  }
0xc4: {  	_ =	task.clear_ibuf [dreg:s9], $0x2FFFF;
	_ =	strace $0x9FFFFFFF  }
0xc5: {  	(tm) =	ssettm $0x7FFFFFFF  }
tec
execute0_lowered:
.L_overlay_start_1:
0x0: {  	(tag) =	ssettag $0x1  }
0x1: {  	s1 =	rddreg [dreg:$0x0];
	s0 =	srdreg.scid  }
0x2: {  	s7 =	rddreg [dreg:$0x1];
	s2 =	stileid.u32  }
0x3: {  	s4 =	rddreg [dreg:$0x2];
	s5 =	simm.s32 $0x0;
	s28 =	simm.s32 $0x4  }
0x4: {  	s29 =	simm.s32 $0x5;
	s30 =	simm.s32 $0x6;
	s31 =	simm.s32 $0x2  }
0x5: {  	s11 =	simm.s32 $0xA;
	s0 =	sand.u32 $0x1, s0;
	s2 =	sshll.u32 s2, $0x9  }
0x6: {  	[smem:$0x7FF] =	sst s5;
	s6 =	smov.u32 s7;
	s26 =	sadd.s32 $0x100000, s4  }
0x7: {  	s14 =	sadd.s32 $0x200000, s4;
	s15 =	sadd.s32 $0x300000, s4;
	s3 =	sshll.u32 s0, $0x8  }
0x8: {  	s0 =	ssub.s32 $0x2, s0;
	_ =	strace $0x80000047;
	s2 =	sor.u32 s3, s2  }
0x9: {  	[dreg:$0x9] =	wrdreg s26;
	s21 =	sshrl.u32 s0, $0x1;
	s8 =	sshll.u32 s2, $0x7  }
0xa: {  	s26 =	simm.s32 $0x3;
	s0 =	ssub.s32 s0, s21;
	s22 =	sadd.s32 s7, s8  }
0xb: {  	s12 =	sshrl.u32 s2, $0x3;
	s9 =	sadd.s32 s1, s8;
	[dreg:$0x5] =	wrdreg s22  }
0xc: {  	s2 =	simm.s32 $0x7;
	s0 =	smax.u32 s0, $0x1;
	[dreg:$0x4] =	wrdreg s9  }
0xd: {  	s13 =	smov.u32 s8;
	s23 =	sadd.s32 $0x100000, s9;
	[dreg:$0xa] =	wrdreg s0  }
0xe: {  	s16 =	sor.u32 $0x2, s12;
	s24 =	sadd.s32 $0x200000, s9;
	[dreg:$0x6] =	wrdreg s23  }
0xf: {  	s8 =	simm.s32 $0x8;
	s25 =	sadd.s32 $0x300000, s9;
	[dreg:$0x7] =	wrdreg s24  }
0x10: {  	s7 =	simm.s32 $0x0;
	s9 =	simm.s32 $0x9;
	[dreg:$0x8] =	wrdreg s25  }
0x11: {  	s23 =	simm.s32 $0xE000;
	s24 =	simm.s32 $0x12000;
	s25 =	simm.s32 $0x1  }
.LBB2_1:
0x12: {  	[dreg:$0xb] =	wrdreg s7  }
0x13: {  	s0 =	rddreg [dreg:$0x5]  }
0x14: {  	[tilespmem:s5], [sflag:$0x1] =	stream.linear.gather [hbm4b:s0+s5], $0x2000, $0x38;
	[tilespmem:$0x14000] =	vst v63  }
0x15: {  	s10 =	rddreg [dreg:$0x4];
	s3 =	simm.s32 $0x4000  }
0x16: {  	[tilespmem:s3], [sflag:$0x3] =	stream.linear.gather [hbm4b:s10+s5], $0x2000, $0x38;
	[tilespmem:$0x14000] =	vst v63  }
0x17: {  	s17 =	rddreg [dreg:$0x6];
	s18 =	simm.s32 $0x6000  }
0x18: {  	[tilespmem:s18], [sflag:$0x4] =	stream.linear.gather [hbm4b:s17+s5], $0x2000, $0x38;
	[tilespmem:$0x14000] =	vst v63  }
0x19: {  	s19 =	rddreg [dreg:$0x7];
	s20 =	simm.s32 $0x8000  }
0x1a: {  	[tilespmem:s20], [sflag:$0x5] =	stream.linear.gather [hbm4b:s19+s5], $0x2000, $0x38;
	[tilespmem:$0x14000] =	vst v63  }
0x1b: {  	s21 =	rddreg [dreg:$0x8];
	s22 =	simm.s32 $0xA000;
	s7 =	simm.s32 $0x0  }
0x1c: {  	[tilespmem:s22], [sflag:$0x6] =	stream.linear.gather [hbm4b:s21+s5], $0x2000, $0x38;
	[tilespmem:$0x14000] =	vst v63  }
.LBB2_2:
0x1d: {  	s18 =	sshll.u32 s7, $0x1  }
0x1e: {  	s0 =	sor.u32 s18, s12  }
0x1f: {  	s22 =	sshll.u32 s0, $0xA  }
0x20: {  	s10 =	sor.u32 $0x400, s22  }
0x21: {  	s3 =	simm.s32 $0x2000;
	p0 =	seq.s32 s7, $0x0;
	s20 =	sadd.s32 s6, s10  }
0x22: {  	[tilespmem:s3], [sflag:$0x2] =	stream.linear.gather [hbm4b:s20+s5], $0x2000, $0x38;
	[tilespmem:$0x14000] =	vst v63  }
0x23: {  	s17 =	simm.s32 @p0 $0xC000;
	s0 =	sadd.s32 @p0 s1, s10;
	s3 =	simm.s32 @p0 $0x0  }
0x24: {  	[tilespmem:s17], [sflag:$0x7] =	stream.linear.gather @p0 [hbm4b:s0+s3], $0x2000, $0x38;
	[tilespmem:$0x14000] =	vst v63  }
0x25: {  	s0 =	simm.s32 @!p0 $0xF  }
0x26: {  	_ =	swait.ge @!p0 [sflag:s0], $0x2000  }
0x27: {  	s19 =	simm.s32 @!p0 $0xC000;
	[sflag:s0] =	ssyncset.done @!p0 $0x0  }
0x28: {  	s17 =	simm.s32 @!p0 $0x0;
	[sflag:s0] =	ssyncadd.s32 @!p0 $0xFFFFE000;
	s0 =	sadd.s32 @!p0 s1, s10  }
0x29: {  	[tilespmem:s19], [sflag:$0x7] =	stream.linear.gather @!p0 [hbm4b:s0+s17], $0x2000, $0x38;
	[tilespmem:$0x14000] =	vst v63  }
0x2a: {  	s19 =	simm.s32 @!p0 $0x10  }
0x2b: {  	_ =	swait.ge @!p0 [sflag:s19], $0x2000  }
0x2c: {  	s0 =	sor.u32 $0x100400, s22;
	[sflag:s19] =	ssyncset.done @!p0 $0x0  }
0x2d: {  	s21 =	sadd.s32 s1, s0;
	[sflag:s19] =	ssyncadd.s32 @!p0 $0xFFFFE000;
	s19 =	sor.u32 @p0 $0x200400, s22  }
0x2e: {  	[tilespmem:s23], [sflag:$0x8] =	stream.linear.gather [hbm4b:s21+s5], $0x2000, $0x38;
	[tilespmem:$0x14000] =	vst v63  }
0x2f: {  	s20 =	simm.s32 @p0 $0x10000;
	s19 =	sadd.s32 @p0 s1, s19  }
0x30: {  	[tilespmem:s20], [sflag:$0x9] =	stream.linear.gather @p0 [hbm4b:s19+s3], $0x2000, $0x38;
	[tilespmem:$0x14000] =	vst v63  }
0x31: {  	s3 =	simm.s32 @!p0 $0x11  }
0x32: {  	_ =	swait.ge @!p0 [sflag:s3], $0x2000  }
0x33: {  	s19 =	sor.u32 @!p0 $0x200400, s22;
	[sflag:s3] =	ssyncset.done @!p0 $0x0  }
0x34: {  	[sflag:s3] =	ssyncadd.s32 @!p0 $0xFFFFE000;
	s3 =	sadd.s32 @!p0 s1, s19;
	s19 =	simm.s32 @!p0 $0x10000  }
0x35: {  	[tilespmem:s19], [sflag:$0x9] =	stream.linear.gather @!p0 [hbm4b:s3+s17], $0x2000, $0x38;
	[tilespmem:$0x14000] =	vst v63  }
0x36: {  	s3 =	simm.s32 @!p0 $0x12  }
0x37: {  	_ =	swait.ge @!p0 [sflag:s3], $0x2000  }
0x38: {  	s17 =	sor.u32 $0x300400, s22;
	[sflag:s3] =	ssyncset.done @!p0 $0x0  }
0x39: {  	s21 =	simm.s32 $0x0;
	s20 =	sadd.s32 s1, s17;
	[sflag:s3] =	ssyncadd.s32 @!p0 $0xFFFFE000  }
0x3a: {  	[tilespmem:s24], [sflag:$0xA] =	stream.linear.gather [hbm4b:s20+s21], $0x2000, $0x38;
	[tilespmem:$0x14000] =	vst v63  }
0x3b: {  	_ =	swait.ge [sflag:s25], $0x2000  }
0x3c: {  	[sflag:s25] =	ssyncset.done $0x0  }
0x3d: {  	[sflag:s25] =	ssyncadd.s32 $0xFFFFE000  }
0x3e: {  	_ =	swait.ge [sflag:s26], $0x2000  }
0x3f: {  	[sflag:s26] =	ssyncset.done $0x0  }
0x40: {  	s19 =	simm.s32 $0x0;
	[sflag:s26] =	ssyncadd.s32 $0xFFFFE000  }
0x41: {  	v0 =	vld [tilespmem:s19+$0x70]  }
0x42: {  	v1 =	vld [tilespmem:s19+$0x0]  }
0x43: {  	v2 =	vld [tilespmem:s19+$0x10]  }
0x44: {  	v3 =	vld [tilespmem:s19+$0x20]  }
0x45: {  	v4 =	vld [tilespmem:s19+$0x30]  }
0x46: {  	v5 =	vld [tilespmem:s19+$0x40]  }
0x47: {  	v6 =	vld [tilespmem:s19+$0x50]  }
0x48: {  	[tilespmem:s19+$0x4070] =	vst.add.f32.msk $0xffff, v0  }
0x49: {  	v0 =	vld [tilespmem:s19+$0x60]  }
0x4a: {  	[tilespmem:s19+$0x4000] =	vst.add.f32.msk $0xffff, v1  }
0x4b: {  	[tilespmem:s19+$0x4010] =	vst.add.f32.msk $0xffff, v2  }
0x4c: {  	[tilespmem:s19+$0x4020] =	vst.add.f32.msk $0xffff, v3  }
0x4d: {  	[tilespmem:s19+$0x4030] =	vst.add.f32.msk $0xffff, v4  }
0x4e: {  	[tilespmem:s19+$0x4040] =	vst.add.f32.msk $0xffff, v5  }
0x4f: {  	s20 =	simm.s32 $0x0;
	s21 =	simm.s32 $0x1000;
	[tilespmem:s19+$0x4050] =	vst.add.f32.msk $0xffff, v6  }
.LBB2_3:
0x50: {  	s20 =	sadd.s32 $0x80, s20;
	[tilespmem:s19+$0x4060] =	vst.add.f32.msk $0xffff, v0;
	s19 =	sshra.s32 s21, $0x2  }
0x51: {  	v0 =	vld [tilespmem:s19+$0x70];
	p0 =	slt.u32 s20, $0x380  }
0x52: {  	v1 =	vld [tilespmem:s19+$0x0]  }
0x53: {  	v2 =	vld [tilespmem:s19+$0x10]  }
0x54: {  	v3 =	vld [tilespmem:s19+$0x20]  }
0x55: {  	v4 =	vld [tilespmem:s19+$0x30]  }
0x56: {  	[tilespmem:s19+$0x4070] =	vst.add.f32.msk $0xffff, v0  }
0x57: {  	v5 =	vld [tilespmem:s19+$0x40]  }
0x58: {  	v6 =	vld [tilespmem:s19+$0x50]  }
0x59: {  	v0 =	vld [tilespmem:s19+$0x60]  }
0x5a: {  	[tilespmem:s19+$0x4000] =	vst.add.f32.msk $0xffff, v1  }
.Ltmp0:
0x5b: {  	[tilespmem:s19+$0x4010] =	vst.add.f32.msk $0xffff, v2;
	(pc) =	sbr.rel @p0 .LBB2_3-.Ltmp0, $4  }
0x5c: {  	[tilespmem:s19+$0x4020] =	vst.add.f32.msk $0xffff, v3  }
0x5d: {  	[tilespmem:s19+$0x4030] =	vst.add.f32.msk $0xffff, v4  }
0x5e: {  	[tilespmem:s19+$0x4040] =	vst.add.f32.msk $0xffff, v5  }
0x5f: {  	s21 =	sadd.s32 $0x1000, s21;
	[tilespmem:s19+$0x4050] =	vst.add.f32.msk $0xffff, v6  }
0x60: {  	[tilespmem:s19+$0x4060] =	vst.add.f32.msk $0xffff, v0;
	s19 =	simm.s32 $0x0  }
0x61: {  	v0 =	vld [tilespmem:s19+$0xF0]  }
0x62: {  	v1 =	vld [tilespmem:s19+$0x80]  }
0x63: {  	v2 =	vld [tilespmem:s19+$0x90]  }
0x64: {  	v3 =	vld [tilespmem:s19+$0xA0]  }
0x65: {  	v4 =	vld [tilespmem:s19+$0xB0]  }
0x66: {  	v5 =	vld [tilespmem:s19+$0xC0]  }
0x67: {  	v6 =	vld [tilespmem:s19+$0xD0]  }
0x68: {  	[tilespmem:s19+$0x40F0] =	vst.add.f32.msk $0xffff, v0  }
0x69: {  	v0 =	vld [tilespmem:s19+$0xE0]  }
0x6a: {  	[tilespmem:s19+$0x4080] =	vst.add.f32.msk $0xffff, v1  }
0x6b: {  	[tilespmem:s19+$0x4090] =	vst.add.f32.msk $0xffff, v2  }
0x6c: {  	[tilespmem:s19+$0x40A0] =	vst.add.f32.msk $0xffff, v3  }
0x6d: {  	[tilespmem:s19+$0x40B0] =	vst.add.f32.msk $0xffff, v4  }
0x6e: {  	[tilespmem:s19+$0x40C0] =	vst.add.f32.msk $0xffff, v5  }
0x6f: {  	s20 =	simm.s32 $0x0;
	s21 =	simm.s32 $0x1000;
	[tilespmem:s19+$0x40D0] =	vst.add.f32.msk $0xffff, v6  }
.LBB2_5:
0x70: {  	s20 =	sadd.s32 $0x80, s20;
	[tilespmem:s19+$0x40E0] =	vst.add.f32.msk $0xffff, v0;
	s19 =	sshra.s32 s21, $0x2  }
0x71: {  	v0 =	vld [tilespmem:s19+$0xF0];
	p0 =	slt.u32 s20, $0x380  }
0x72: {  	v1 =	vld [tilespmem:s19+$0x80]  }
0x73: {  	v2 =	vld [tilespmem:s19+$0x90]  }
0x74: {  	v3 =	vld [tilespmem:s19+$0xA0]  }
0x75: {  	v4 =	vld [tilespmem:s19+$0xB0]  }
0x76: {  	[tilespmem:s19+$0x40F0] =	vst.add.f32.msk $0xffff, v0  }
0x77: {  	v5 =	vld [tilespmem:s19+$0xC0]  }
0x78: {  	v6 =	vld [tilespmem:s19+$0xD0]  }
0x79: {  	v0 =	vld [tilespmem:s19+$0xE0]  }
0x7a: {  	[tilespmem:s19+$0x4080] =	vst.add.f32.msk $0xffff, v1  }
.Ltmp1:
0x7b: {  	[tilespmem:s19+$0x4090] =	vst.add.f32.msk $0xffff, v2;
	(pc) =	sbr.rel @p0 .LBB2_5-.Ltmp1, $4  }
0x7c: {  	[tilespmem:s19+$0x40A0] =	vst.add.f32.msk $0xffff, v3  }
0x7d: {  	[tilespmem:s19+$0x40B0] =	vst.add.f32.msk $0xffff, v4  }
0x7e: {  	[tilespmem:s19+$0x40C0] =	vst.add.f32.msk $0xffff, v5  }
0x7f: {  	s21 =	sadd.s32 $0x1000, s21;
	[tilespmem:s19+$0x40D0] =	vst.add.f32.msk $0xffff, v6  }
0x80: {  	[tilespmem:s19+$0x40E0] =	vst.add.f32.msk $0xffff, v0;
	s19 =	simm.s32 $0x0  }
0x81: {  	v0 =	vld [tilespmem:s19+$0x170]  }
0x82: {  	v1 =	vld [tilespmem:s19+$0x100]  }
0x83: {  	v2 =	vld [tilespmem:s19+$0x110]  }
0x84: {  	v3 =	vld [tilespmem:s19+$0x120]  }
0x85: {  	v4 =	vld [tilespmem:s19+$0x130]  }
0x86: {  	v5 =	vld [tilespmem:s19+$0x140]  }
0x87: {  	v6 =	vld [tilespmem:s19+$0x150]  }
0x88: {  	[tilespmem:s19+$0x4170] =	vst.add.f32.msk $0xffff, v0  }
0x89: {  	v0 =	vld [tilespmem:s19+$0x160]  }
0x8a: {  	[tilespmem:s19+$0x4100] =	vst.add.f32.msk $0xffff, v1  }
0x8b: {  	[tilespmem:s19+$0x4110] =	vst.add.f32.msk $0xffff, v2  }
0x8c: {  	[tilespmem:s19+$0x4120] =	vst.add.f32.msk $0xffff, v3  }
0x8d: {  	[tilespmem:s19+$0x4130] =	vst.add.f32.msk $0xffff, v4  }
0x8e: {  	[tilespmem:s19+$0x4140] =	vst.add.f32.msk $0xffff, v5  }
0x8f: {  	s20 =	simm.s32 $0x0;
	s21 =	simm.s32 $0x1000;
	[tilespmem:s19+$0x4150] =	vst.add.f32.msk $0xffff, v6  }
.LBB2_7:
0x90: {  	s20 =	sadd.s32 $0x80, s20;
	[tilespmem:s19+$0x4160] =	vst.add.f32.msk $0xffff, v0;
	s19 =	sshra.s32 s21, $0x2  }
0x91: {  	v0 =	vld [tilespmem:s19+$0x170];
	p0 =	slt.u32 s20, $0x380  }
0x92: {  	v1 =	vld [tilespmem:s19+$0x100]  }
0x93: {  	v2 =	vld [tilespmem:s19+$0x110]  }
0x94: {  	v3 =	vld [tilespmem:s19+$0x120]  }
0x95: {  	v4 =	vld [tilespmem:s19+$0x130]  }
0x96: {  	[tilespmem:s19+$0x4170] =	vst.add.f32.msk $0xffff, v0  }
0x97: {  	v5 =	vld [tilespmem:s19+$0x140]  }
0x98: {  	v6 =	vld [tilespmem:s19+$0x150]  }
0x99: {  	v0 =	vld [tilespmem:s19+$0x160]  }
0x9a: {  	[tilespmem:s19+$0x4100] =	vst.add.f32.msk $0xffff, v1  }
.Ltmp2:
0x9b: {  	[tilespmem:s19+$0x4110] =	vst.add.f32.msk $0xffff, v2;
	(pc) =	sbr.rel @p0 .LBB2_7-.Ltmp2, $4  }
0x9c: {  	[tilespmem:s19+$0x4120] =	vst.add.f32.msk $0xffff, v3  }
0x9d: {  	[tilespmem:s19+$0x4130] =	vst.add.f32.msk $0xffff, v4  }
0x9e: {  	[tilespmem:s19+$0x4140] =	vst.add.f32.msk $0xffff, v5  }
0x9f: {  	s21 =	sadd.s32 $0x1000, s21;
	[tilespmem:s19+$0x4150] =	vst.add.f32.msk $0xffff, v6  }
0xa0: {  	[tilespmem:s19+$0x4160] =	vst.add.f32.msk $0xffff, v0;
	s19 =	simm.s32 $0x0  }
0xa1: {  	v0 =	vld [tilespmem:s19+$0x1F0]  }
0xa2: {  	v1 =	vld [tilespmem:s19+$0x180]  }
0xa3: {  	v2 =	vld [tilespmem:s19+$0x190]  }
0xa4: {  	v3 =	vld [tilespmem:s19+$0x1A0]  }
0xa5: {  	v4 =	vld [tilespmem:s19+$0x1B0]  }
0xa6: {  	v5 =	vld [tilespmem:s19+$0x1C0]  }
0xa7: {  	v6 =	vld [tilespmem:s19+$0x1D0]  }
0xa8: {  	[tilespmem:s19+$0x41F0] =	vst.add.f32.msk $0xffff, v0  }
0xa9: {  	v0 =	vld [tilespmem:s19+$0x1E0]  }
0xaa: {  	[tilespmem:s19+$0x4180] =	vst.add.f32.msk $0xffff, v1  }
0xab: {  	[tilespmem:s19+$0x4190] =	vst.add.f32.msk $0xffff, v2  }
0xac: {  	[tilespmem:s19+$0x41A0] =	vst.add.f32.msk $0xffff, v3  }
0xad: {  	[tilespmem:s19+$0x41B0] =	vst.add.f32.msk $0xffff, v4  }
0xae: {  	[tilespmem:s19+$0x41C0] =	vst.add.f32.msk $0xffff, v5  }
0xaf: {  	s20 =	simm.s32 $0x0;
	s21 =	simm.s32 $0x1000;
	[tilespmem:s19+$0x41D0] =	vst.add.f32.msk $0xffff, v6  }
.LBB2_9:
0xb0: {  	s20 =	sadd.s32 $0x80, s20;
	[tilespmem:s19+$0x41E0] =	vst.add.f32.msk $0xffff, v0;
	s19 =	sshra.s32 s21, $0x2  }
0xb1: {  	v0 =	vld [tilespmem:s19+$0x1F0];
	p0 =	slt.u32 s20, $0x380  }
0xb2: {  	v1 =	vld [tilespmem:s19+$0x180]  }
0xb3: {  	v2 =	vld [tilespmem:s19+$0x190]  }
0xb4: {  	v3 =	vld [tilespmem:s19+$0x1A0]  }
0xb5: {  	v4 =	vld [tilespmem:s19+$0x1B0]  }
0xb6: {  	[tilespmem:s19+$0x41F0] =	vst.add.f32.msk $0xffff, v0  }
0xb7: {  	v5 =	vld [tilespmem:s19+$0x1C0]  }
0xb8: {  	v6 =	vld [tilespmem:s19+$0x1D0]  }
0xb9: {  	v0 =	vld [tilespmem:s19+$0x1E0]  }
0xba: {  	[tilespmem:s19+$0x4180] =	vst.add.f32.msk $0xffff, v1  }
.Ltmp3:
0xbb: {  	[tilespmem:s19+$0x4190] =	vst.add.f32.msk $0xffff, v2;
	(pc) =	sbr.rel @p0 .LBB2_9-.Ltmp3, $4  }
0xbc: {  	[tilespmem:s19+$0x41A0] =	vst.add.f32.msk $0xffff, v3  }
0xbd: {  	[tilespmem:s19+$0x41B0] =	vst.add.f32.msk $0xffff, v4  }
0xbe: {  	[tilespmem:s19+$0x41C0] =	vst.add.f32.msk $0xffff, v5  }
0xbf: {  	s21 =	sadd.s32 $0x1000, s21;
	[tilespmem:s19+$0x41D0] =	vst.add.f32.msk $0xffff, v6  }
0xc0: {  	[tilespmem:s19+$0x41E0] =	vst.add.f32.msk $0xffff, v0;
	s19 =	simm.s32 $0x0  }
0xc1: {  	v0 =	vld [tilespmem:s19+$0x270]  }
0xc2: {  	v1 =	vld [tilespmem:s19+$0x200]  }
0xc3: {  	v2 =	vld [tilespmem:s19+$0x210]  }
0xc4: {  	v3 =	vld [tilespmem:s19+$0x220]  }
0xc5: {  	v4 =	vld [tilespmem:s19+$0x230]  }
0xc6: {  	v5 =	vld [tilespmem:s19+$0x240]  }
0xc7: {  	v6 =	vld [tilespmem:s19+$0x250]  }
0xc8: {  	[tilespmem:s19+$0x4270] =	vst.add.f32.msk $0xffff, v0  }
0xc9: {  	v0 =	vld [tilespmem:s19+$0x260]  }
0xca: {  	[tilespmem:s19+$0x4200] =	vst.add.f32.msk $0xffff, v1  }
0xcb: {  	[tilespmem:s19+$0x4210] =	vst.add.f32.msk $0xffff, v2  }
0xcc: {  	[tilespmem:s19+$0x4220] =	vst.add.f32.msk $0xffff, v3  }
0xcd: {  	[tilespmem:s19+$0x4230] =	vst.add.f32.msk $0xffff, v4  }
0xce: {  	[tilespmem:s19+$0x4240] =	vst.add.f32.msk $0xffff, v5  }
0xcf: {  	s20 =	simm.s32 $0x0;
	s21 =	simm.s32 $0x1000;
	[tilespmem:s19+$0x4250] =	vst.add.f32.msk $0xffff, v6  }
.LBB2_11:
0xd0: {  	s20 =	sadd.s32 $0x80, s20;
	[tilespmem:s19+$0x4260] =	vst.add.f32.msk $0xffff, v0;
	s19 =	sshra.s32 s21, $0x2  }
0xd1: {  	v0 =	vld [tilespmem:s19+$0x270];
	p0 =	slt.u32 s20, $0x380  }
0xd2: {  	v1 =	vld [tilespmem:s19+$0x200]  }
0xd3: {  	v2 =	vld [tilespmem:s19+$0x210]  }
0xd4: {  	v3 =	vld [tilespmem:s19+$0x220]  }
0xd5: {  	v4 =	vld [tilespmem:s19+$0x230]  }
0xd6: {  	[tilespmem:s19+$0x4270] =	vst.add.f32.msk $0xffff, v0  }
0xd7: {  	v5 =	vld [tilespmem:s19+$0x240]  }
0xd8: {  	v6 =	vld [tilespmem:s19+$0x250]  }
0xd9: {  	v0 =	vld [tilespmem:s19+$0x260]  }
0xda: {  	[tilespmem:s19+$0x4200] =	vst.add.f32.msk $0xffff, v1  }
.Ltmp4:
0xdb: {  	[tilespmem:s19+$0x4210] =	vst.add.f32.msk $0xffff, v2;
	(pc) =	sbr.rel @p0 .LBB2_11-.Ltmp4, $4  }
0xdc: {  	[tilespmem:s19+$0x4220] =	vst.add.f32.msk $0xffff, v3  }
0xdd: {  	[tilespmem:s19+$0x4230] =	vst.add.f32.msk $0xffff, v4  }
0xde: {  	[tilespmem:s19+$0x4240] =	vst.add.f32.msk $0xffff, v5  }
0xdf: {  	s21 =	sadd.s32 $0x1000, s21;
	[tilespmem:s19+$0x4250] =	vst.add.f32.msk $0xffff, v6  }
0xe0: {  	[tilespmem:s19+$0x4260] =	vst.add.f32.msk $0xffff, v0;
	s19 =	simm.s32 $0x0  }
0xe1: {  	v0 =	vld [tilespmem:s19+$0x2F0]  }
0xe2: {  	v1 =	vld [tilespmem:s19+$0x280]  }
0xe3: {  	v2 =	vld [tilespmem:s19+$0x290]  }
0xe4: {  	v3 =	vld [tilespmem:s19+$0x2A0]  }
0xe5: {  	v4 =	vld [tilespmem:s19+$0x2B0]  }
0xe6: {  	v5 =	vld [tilespmem:s19+$0x2C0]  }
0xe7: {  	v6 =	vld [tilespmem:s19+$0x2D0]  }
0xe8: {  	[tilespmem:s19+$0x42F0] =	vst.add.f32.msk $0xffff, v0  }
0xe9: {  	v0 =	vld [tilespmem:s19+$0x2E0]  }
0xea: {  	[tilespmem:s19+$0x4280] =	vst.add.f32.msk $0xffff, v1  }
0xeb: {  	[tilespmem:s19+$0x4290] =	vst.add.f32.msk $0xffff, v2  }
0xec: {  	[tilespmem:s19+$0x42A0] =	vst.add.f32.msk $0xffff, v3  }
0xed: {  	[tilespmem:s19+$0x42B0] =	vst.add.f32.msk $0xffff, v4  }
0xee: {  	[tilespmem:s19+$0x42C0] =	vst.add.f32.msk $0xffff, v5  }
0xef: {  	s20 =	simm.s32 $0x0;
	s21 =	simm.s32 $0x1000;
	[tilespmem:s19+$0x42D0] =	vst.add.f32.msk $0xffff, v6  }
.LBB2_13:
0xf0: {  	s20 =	sadd.s32 $0x80, s20;
	[tilespmem:s19+$0x42E0] =	vst.add.f32.msk $0xffff, v0;
	s19 =	sshra.s32 s21, $0x2  }
0xf1: {  	v0 =	vld [tilespmem:s19+$0x2F0];
	p0 =	slt.u32 s20, $0x380  }
0xf2: {  	v1 =	vld [tilespmem:s19+$0x280]  }
0xf3: {  	v2 =	vld [tilespmem:s19+$0x290]  }
0xf4: {  	v3 =	vld [tilespmem:s19+$0x2A0]  }
0xf5: {  	v4 =	vld [tilespmem:s19+$0x2B0]  }
0xf6: {  	[tilespmem:s19+$0x42F0] =	vst.add.f32.msk $0xffff, v0  }
0xf7: {  	v5 =	vld [tilespmem:s19+$0x2C0]  }
0xf8: {  	v6 =	vld [tilespmem:s19+$0x2D0]  }
0xf9: {  	v0 =	vld [tilespmem:s19+$0x2E0]  }
0xfa: {  	[tilespmem:s19+$0x4280] =	vst.add.f32.msk $0xffff, v1  }
.Ltmp5:
0xfb: {  	[tilespmem:s19+$0x4290] =	vst.add.f32.msk $0xffff, v2;
	(pc) =	sbr.rel @p0 .LBB2_13-.Ltmp5, $4  }
0xfc: {  	[tilespmem:s19+$0x42A0] =	vst.add.f32.msk $0xffff, v3  }
0xfd: {  	[tilespmem:s19+$0x42B0] =	vst.add.f32.msk $0xffff, v4  }
0xfe: {  	[tilespmem:s19+$0x42C0] =	vst.add.f32.msk $0xffff, v5  }
0xff: {  	s21 =	sadd.s32 $0x1000, s21;
	[tilespmem:s19+$0x42D0] =	vst.add.f32.msk $0xffff, v6  }
0x100: {  	[tilespmem:s19+$0x42E0] =	vst.add.f32.msk $0xffff, v0;
	s19 =	simm.s32 $0x0  }
0x101: {  	v0 =	vld [tilespmem:s19+$0x370]  }
0x102: {  	v1 =	vld [tilespmem:s19+$0x300]  }
0x103: {  	v2 =	vld [tilespmem:s19+$0x310]  }
0x104: {  	v3 =	vld [tilespmem:s19+$0x320]  }
0x105: {  	v4 =	vld [tilespmem:s19+$0x330]  }
0x106: {  	v5 =	vld [tilespmem:s19+$0x340]  }
0x107: {  	v6 =	vld [tilespmem:s19+$0x350]  }
0x108: {  	[tilespmem:s19+$0x4370] =	vst.add.f32.msk $0xffff, v0  }
0x109: {  	v0 =	vld [tilespmem:s19+$0x360]  }
0x10a: {  	[tilespmem:s19+$0x4300] =	vst.add.f32.msk $0xffff, v1  }
0x10b: {  	[tilespmem:s19+$0x4310] =	vst.add.f32.msk $0xffff, v2  }
0x10c: {  	[tilespmem:s19+$0x4320] =	vst.add.f32.msk $0xffff, v3  }
0x10d: {  	[tilespmem:s19+$0x4330] =	vst.add.f32.msk $0xffff, v4  }
0x10e: {  	[tilespmem:s19+$0x4340] =	vst.add.f32.msk $0xffff, v5  }
0x10f: {  	s20 =	simm.s32 $0x0;
	s21 =	simm.s32 $0x1000;
	[tilespmem:s19+$0x4350] =	vst.add.f32.msk $0xffff, v6  }
.LBB2_15:
0x110: {  	s20 =	sadd.s32 $0x80, s20;
	[tilespmem:s19+$0x4360] =	vst.add.f32.msk $0xffff, v0;
	s19 =	sshra.s32 s21, $0x2  }
0x111: {  	v0 =	vld [tilespmem:s19+$0x370];
	p0 =	slt.u32 s20, $0x380  }
0x112: {  	v1 =	vld [tilespmem:s19+$0x300]  }
0x113: {  	v2 =	vld [tilespmem:s19+$0x310]  }
0x114: {  	v3 =	vld [tilespmem:s19+$0x320]  }
0x115: {  	v4 =	vld [tilespmem:s19+$0x330]  }
0x116: {  	[tilespmem:s19+$0x4370] =	vst.add.f32.msk $0xffff, v0  }
0x117: {  	v5 =	vld [tilespmem:s19+$0x340]  }
0x118: {  	v6 =	vld [tilespmem:s19+$0x350]  }
0x119: {  	v0 =	vld [tilespmem:s19+$0x360]  }
0x11a: {  	[tilespmem:s19+$0x4300] =	vst.add.f32.msk $0xffff, v1  }
.Ltmp6:
0x11b: {  	[tilespmem:s19+$0x4310] =	vst.add.f32.msk $0xffff, v2;
	(pc) =	sbr.rel @p0 .LBB2_15-.Ltmp6, $4  }
0x11c: {  	[tilespmem:s19+$0x4320] =	vst.add.f32.msk $0xffff, v3  }
0x11d: {  	[tilespmem:s19+$0x4330] =	vst.add.f32.msk $0xffff, v4  }
0x11e: {  	[tilespmem:s19+$0x4340] =	vst.add.f32.msk $0xffff, v5  }
0x11f: {  	s21 =	sadd.s32 $0x1000, s21;
	[tilespmem:s19+$0x4350] =	vst.add.f32.msk $0xffff, v6  }
0x120: {  	[tilespmem:s19+$0x4360] =	vst.add.f32.msk $0xffff, v0;
	s20 =	simm.s32 $0x0  }
0x121: {  	v0 =	vld [tilespmem:s20+$0x3F0]  }
0x122: {  	v1 =	vld [tilespmem:s20+$0x380]  }
0x123: {  	v2 =	vld [tilespmem:s20+$0x390]  }
0x124: {  	v3 =	vld [tilespmem:s20+$0x3A0]  }
0x125: {  	v4 =	vld [tilespmem:s20+$0x3B0]  }
0x126: {  	v5 =	vld [tilespmem:s20+$0x3C0]  }
0x127: {  	v6 =	vld [tilespmem:s20+$0x3D0]  }
0x128: {  	[tilespmem:s20+$0x43F0] =	vst.add.f32.msk $0xffff, v0  }
0x129: {  	v0 =	vld [tilespmem:s20+$0x3E0]  }
0x12a: {  	[tilespmem:s20+$0x4380] =	vst.add.f32.msk $0xffff, v1  }
0x12b: {  	[tilespmem:s20+$0x4390] =	vst.add.f32.msk $0xffff, v2  }
0x12c: {  	[tilespmem:s20+$0x43A0] =	vst.add.f32.msk $0xffff, v3  }
0x12d: {  	[tilespmem:s20+$0x43B0] =	vst.add.f32.msk $0xffff, v4  }
0x12e: {  	[tilespmem:s20+$0x43C0] =	vst.add.f32.msk $0xffff, v5  }
0x12f: {  	s19 =	simm.s32 $0x0;
	s21 =	simm.s32 $0x1000;
	[tilespmem:s20+$0x43D0] =	vst.add.f32.msk $0xffff, v6  }
.LBB2_17:
0x130: {  	s19 =	sadd.s32 $0x80, s19;
	[tilespmem:s20+$0x43E0] =	vst.add.f32.msk $0xffff, v0;
	s20 =	sshra.s32 s21, $0x2  }
0x131: {  	v0 =	vld [tilespmem:s20+$0x3F0];
	p0 =	slt.u32 s19, $0x380  }
0x132: {  	v1 =	vld [tilespmem:s20+$0x380]  }
0x133: {  	v2 =	vld [tilespmem:s20+$0x390]  }
0x134: {  	v3 =	vld [tilespmem:s20+$0x3A0]  }
0x135: {  	v4 =	vld [tilespmem:s20+$0x3B0]  }
0x136: {  	[tilespmem:s20+$0x43F0] =	vst.add.f32.msk $0xffff, v0  }
0x137: {  	v5 =	vld [tilespmem:s20+$0x3C0]  }
0x138: {  	v6 =	vld [tilespmem:s20+$0x3D0]  }
0x139: {  	v0 =	vld [tilespmem:s20+$0x3E0]  }
0x13a: {  	[tilespmem:s20+$0x4380] =	vst.add.f32.msk $0xffff, v1  }
.Ltmp7:
0x13b: {  	[tilespmem:s20+$0x4390] =	vst.add.f32.msk $0xffff, v2;
	(pc) =	sbr.rel @p0 .LBB2_17-.Ltmp7, $4  }
0x13c: {  	[tilespmem:s20+$0x43A0] =	vst.add.f32.msk $0xffff, v3  }
0x13d: {  	[tilespmem:s20+$0x43B0] =	vst.add.f32.msk $0xffff, v4  }
0x13e: {  	[tilespmem:s20+$0x43C0] =	vst.add.f32.msk $0xffff, v5  }
0x13f: {  	s21 =	sadd.s32 $0x1000, s21;
	[tilespmem:s20+$0x43D0] =	vst.add.f32.msk $0xffff, v6  }
0x140: {  	s3 =	sshll.u32 s7, $0xB  }
0x141: {  	s19 =	sadd.s32 s13, s3  }
0x142: {  	[tilespmem:s20+$0x43E0] =	vst.add.f32.msk $0xffff, v0;
	s20 =	simm.s32 $0x0;
	s21 =	simm.s32 $0x4000;
	s3 =	sadd.s32 s4, s19  }
0x143: {  	[hbm4b:s3+s20] =	stream.linear.scatter [tilespmem:s21], [sflag:$0xB], $0x2000, $0x38;
	[tilespmem:$0x14000] =	vst v63  }
0x144: {  	_ =	swait.ge [sflag:s28], $0x2000  }
0x145: {  	[sflag:s28] =	ssyncset.done $0x0  }
0x146: {  	s20 =	simm.s32 $0x0;
	[sflag:s28] =	ssyncadd.s32 $0xFFFFE000  }
0x147: {  	v0 =	vld [tilespmem:s20+$0x70]  }
0x148: {  	v1 =	vld [tilespmem:s20+$0x0]  }
0x149: {  	v2 =	vld [tilespmem:s20+$0x10]  }
0x14a: {  	v3 =	vld [tilespmem:s20+$0x20]  }
0x14b: {  	v4 =	vld [tilespmem:s20+$0x30]  }
0x14c: {  	v5 =	vld [tilespmem:s20+$0x40]  }
0x14d: {  	v6 =	vld [tilespmem:s20+$0x50]  }
0x14e: {  	[tilespmem:s20+$0x6070] =	vst.add.f32.msk $0xffff, v0  }
0x14f: {  	v0 =	vld [tilespmem:s20+$0x60]  }
0x150: {  	[tilespmem:s20+$0x6000] =	vst.add.f32.msk $0xffff, v1  }
0x151: {  	[tilespmem:s20+$0x6010] =	vst.add.f32.msk $0xffff, v2  }
0x152: {  	[tilespmem:s20+$0x6020] =	vst.add.f32.msk $0xffff, v3  }
0x153: {  	[tilespmem:s20+$0x6030] =	vst.add.f32.msk $0xffff, v4  }
0x154: {  	[tilespmem:s20+$0x6040] =	vst.add.f32.msk $0xffff, v5  }
0x155: {  	s21 =	simm.s32 $0x0;
	s3 =	simm.s32 $0x1000;
	[tilespmem:s20+$0x6050] =	vst.add.f32.msk $0xffff, v6  }
.LBB2_19:
0x156: {  	s21 =	sadd.s32 $0x80, s21;
	[tilespmem:s20+$0x6060] =	vst.add.f32.msk $0xffff, v0;
	s20 =	sshra.s32 s3, $0x2  }
0x157: {  	v0 =	vld [tilespmem:s20+$0x70];
	p0 =	slt.u32 s21, $0x380  }
0x158: {  	v1 =	vld [tilespmem:s20+$0x0]  }
0x159: {  	v2 =	vld [tilespmem:s20+$0x10]  }
0x15a: {  	v3 =	vld [tilespmem:s20+$0x20]  }
0x15b: {  	v4 =	vld [tilespmem:s20+$0x30]  }
0x15c: {  	[tilespmem:s20+$0x6070] =	vst.add.f32.msk $0xffff, v0  }
0x15d: {  	v5 =	vld [tilespmem:s20+$0x40]  }
0x15e: {  	v6 =	vld [tilespmem:s20+$0x50]  }
0x15f: {  	v0 =	vld [tilespmem:s20+$0x60]  }
0x160: {  	[tilespmem:s20+$0x6000] =	vst.add.f32.msk $0xffff, v1  }
.Ltmp8:
0x161: {  	[tilespmem:s20+$0x6010] =	vst.add.f32.msk $0xffff, v2;
	(pc) =	sbr.rel @p0 .LBB2_19-.Ltmp8, $4  }
0x162: {  	[tilespmem:s20+$0x6020] =	vst.add.f32.msk $0xffff, v3  }
0x163: {  	[tilespmem:s20+$0x6030] =	vst.add.f32.msk $0xffff, v4  }
0x164: {  	[tilespmem:s20+$0x6040] =	vst.add.f32.msk $0xffff, v5  }
0x165: {  	s3 =	sadd.s32 $0x1000, s3;
	[tilespmem:s20+$0x6050] =	vst.add.f32.msk $0xffff, v6  }
0x166: {  	[tilespmem:s20+$0x6060] =	vst.add.f32.msk $0xffff, v0;
	s20 =	simm.s32 $0x0  }
0x167: {  	v0 =	vld [tilespmem:s20+$0xF0]  }
0x168: {  	v1 =	vld [tilespmem:s20+$0x80]  }
0x169: {  	v2 =	vld [tilespmem:s20+$0x90]  }
0x16a: {  	v3 =	vld [tilespmem:s20+$0xA0]  }
0x16b: {  	v4 =	vld [tilespmem:s20+$0xB0]  }
0x16c: {  	v5 =	vld [tilespmem:s20+$0xC0]  }
0x16d: {  	v6 =	vld [tilespmem:s20+$0xD0]  }
0x16e: {  	[tilespmem:s20+$0x60F0] =	vst.add.f32.msk $0xffff, v0  }
0x16f: {  	v0 =	vld [tilespmem:s20+$0xE0]  }
0x170: {  	[tilespmem:s20+$0x6080] =	vst.add.f32.msk $0xffff, v1  }
0x171: {  	[tilespmem:s20+$0x6090] =	vst.add.f32.msk $0xffff, v2  }
0x172: {  	[tilespmem:s20+$0x60A0] =	vst.add.f32.msk $0xffff, v3  }
0x173: {  	[tilespmem:s20+$0x60B0] =	vst.add.f32.msk $0xffff, v4  }
0x174: {  	[tilespmem:s20+$0x60C0] =	vst.add.f32.msk $0xffff, v5  }
0x175: {  	s21 =	simm.s32 $0x0;
	s3 =	simm.s32 $0x1000;
	[tilespmem:s20+$0x60D0] =	vst.add.f32.msk $0xffff, v6  }
.LBB2_21:
0x176: {  	s21 =	sadd.s32 $0x80, s21;
	[tilespmem:s20+$0x60E0] =	vst.add.f32.msk $0xffff, v0;
	s20 =	sshra.s32 s3, $0x2  }
0x177: {  	v0 =	vld [tilespmem:s20+$0xF0];
	p0 =	slt.u32 s21, $0x380  }
0x178: {  	v1 =	vld [tilespmem:s20+$0x80]  }
0x179: {  	v2 =	vld [tilespmem:s20+$0x90]  }
0x17a: {  	v3 =	vld [tilespmem:s20+$0xA0]  }
0x17b: {  	v4 =	vld [tilespmem:s20+$0xB0]  }
0x17c: {  	[tilespmem:s20+$0x60F0] =	vst.add.f32.msk $0xffff, v0  }
0x17d: {  	v5 =	vld [tilespmem:s20+$0xC0]  }
0x17e: {  	v6 =	vld [tilespmem:s20+$0xD0]  }
0x17f: {  	v0 =	vld [tilespmem:s20+$0xE0]  }
0x180: {  	[tilespmem:s20+$0x6080] =	vst.add.f32.msk $0xffff, v1  }
.Ltmp9:
0x181: {  	[tilespmem:s20+$0x6090] =	vst.add.f32.msk $0xffff, v2;
	(pc) =	sbr.rel @p0 .LBB2_21-.Ltmp9, $4  }
0x182: {  	[tilespmem:s20+$0x60A0] =	vst.add.f32.msk $0xffff, v3  }
0x183: {  	[tilespmem:s20+$0x60B0] =	vst.add.f32.msk $0xffff, v4  }
0x184: {  	[tilespmem:s20+$0x60C0] =	vst.add.f32.msk $0xffff, v5  }
0x185: {  	s3 =	sadd.s32 $0x1000, s3;
	[tilespmem:s20+$0x60D0] =	vst.add.f32.msk $0xffff, v6  }
0x186: {  	[tilespmem:s20+$0x60E0] =	vst.add.f32.msk $0xffff, v0;
	s20 =	simm.s32 $0x0  }
0x187: {  	v0 =	vld [tilespmem:s20+$0x170]  }
0x188: {  	v1 =	vld [tilespmem:s20+$0x100]  }
0x189: {  	v2 =	vld [tilespmem:s20+$0x110]  }
0x18a: {  	v3 =	vld [tilespmem:s20+$0x120]  }
0x18b: {  	v4 =	vld [tilespmem:s20+$0x130]  }
0x18c: {  	v5 =	vld [tilespmem:s20+$0x140]  }
0x18d: {  	v6 =	vld [tilespmem:s20+$0x150]  }
0x18e: {  	[tilespmem:s20+$0x6170] =	vst.add.f32.msk $0xffff, v0  }
0x18f: {  	v0 =	vld [tilespmem:s20+$0x160]  }
0x190: {  	[tilespmem:s20+$0x6100] =	vst.add.f32.msk $0xffff, v1  }
0x191: {  	[tilespmem:s20+$0x6110] =	vst.add.f32.msk $0xffff, v2  }
0x192: {  	[tilespmem:s20+$0x6120] =	vst.add.f32.msk $0xffff, v3  }
0x193: {  	[tilespmem:s20+$0x6130] =	vst.add.f32.msk $0xffff, v4  }
0x194: {  	[tilespmem:s20+$0x6140] =	vst.add.f32.msk $0xffff, v5  }
0x195: {  	s21 =	simm.s32 $0x0;
	s3 =	simm.s32 $0x1000;
	[tilespmem:s20+$0x6150] =	vst.add.f32.msk $0xffff, v6  }
.LBB2_23:
0x196: {  	s21 =	sadd.s32 $0x80, s21;
	[tilespmem:s20+$0x6160] =	vst.add.f32.msk $0xffff, v0;
	s20 =	sshra.s32 s3, $0x2  }
0x197: {  	v0 =	vld [tilespmem:s20+$0x170];
	p0 =	slt.u32 s21, $0x380  }
0x198: {  	v1 =	vld [tilespmem:s20+$0x100]  }
0x199: {  	v2 =	vld [tilespmem:s20+$0x110]  }
0x19a: {  	v3 =	vld [tilespmem:s20+$0x120]  }
0x19b: {  	v4 =	vld [tilespmem:s20+$0x130]  }
0x19c: {  	[tilespmem:s20+$0x6170] =	vst.add.f32.msk $0xffff, v0  }
0x19d: {  	v5 =	vld [tilespmem:s20+$0x140]  }
0x19e: {  	v6 =	vld [tilespmem:s20+$0x150]  }
0x19f: {  	v0 =	vld [tilespmem:s20+$0x160]  }
0x1a0: {  	[tilespmem:s20+$0x6100] =	vst.add.f32.msk $0xffff, v1  }
.Ltmp10:
0x1a1: {  	[tilespmem:s20+$0x6110] =	vst.add.f32.msk $0xffff, v2;
	(pc) =	sbr.rel @p0 .LBB2_23-.Ltmp10, $4  }
0x1a2: {  	[tilespmem:s20+$0x6120] =	vst.add.f32.msk $0xffff, v3  }
0x1a3: {  	[tilespmem:s20+$0x6130] =	vst.add.f32.msk $0xffff, v4  }
0x1a4: {  	[tilespmem:s20+$0x6140] =	vst.add.f32.msk $0xffff, v5  }
0x1a5: {  	s3 =	sadd.s32 $0x1000, s3;
	[tilespmem:s20+$0x6150] =	vst.add.f32.msk $0xffff, v6  }
0x1a6: {  	[tilespmem:s20+$0x6160] =	vst.add.f32.msk $0xffff, v0;
	s20 =	simm.s32 $0x0  }
0x1a7: {  	v0 =	vld [tilespmem:s20+$0x1F0]  }
0x1a8: {  	v1 =	vld [tilespmem:s20+$0x180]  }
0x1a9: {  	v2 =	vld [tilespmem:s20+$0x190]  }
0x1aa: {  	v3 =	vld [tilespmem:s20+$0x1A0]  }
0x1ab: {  	v4 =	vld [tilespmem:s20+$0x1B0]  }
0x1ac: {  	v5 =	vld [tilespmem:s20+$0x1C0]  }
0x1ad: {  	v6 =	vld [tilespmem:s20+$0x1D0]  }
0x1ae: {  	[tilespmem:s20+$0x61F0] =	vst.add.f32.msk $0xffff, v0  }
0x1af: {  	v0 =	vld [tilespmem:s20+$0x1E0]  }
0x1b0: {  	[tilespmem:s20+$0x6180] =	vst.add.f32.msk $0xffff, v1  }
0x1b1: {  	[tilespmem:s20+$0x6190] =	vst.add.f32.msk $0xffff, v2  }
0x1b2: {  	[tilespmem:s20+$0x61A0] =	vst.add.f32.msk $0xffff, v3  }
0x1b3: {  	[tilespmem:s20+$0x61B0] =	vst.add.f32.msk $0xffff, v4  }
0x1b4: {  	[tilespmem:s20+$0x61C0] =	vst.add.f32.msk $0xffff, v5  }
0x1b5: {  	s21 =	simm.s32 $0x0;
	s3 =	simm.s32 $0x1000;
	[tilespmem:s20+$0x61D0] =	vst.add.f32.msk $0xffff, v6  }
.LBB2_25:
0x1b6: {  	s21 =	sadd.s32 $0x80, s21;
	[tilespmem:s20+$0x61E0] =	vst.add.f32.msk $0xffff, v0;
	s20 =	sshra.s32 s3, $0x2  }
0x1b7: {  	v0 =	vld [tilespmem:s20+$0x1F0];
	p0 =	slt.u32 s21, $0x380  }
0x1b8: {  	v1 =	vld [tilespmem:s20+$0x180]  }
0x1b9: {  	v2 =	vld [tilespmem:s20+$0x190]  }
0x1ba: {  	v3 =	vld [tilespmem:s20+$0x1A0]  }
0x1bb: {  	v4 =	vld [tilespmem:s20+$0x1B0]  }
0x1bc: {  	[tilespmem:s20+$0x61F0] =	vst.add.f32.msk $0xffff, v0  }
0x1bd: {  	v5 =	vld [tilespmem:s20+$0x1C0]  }
0x1be: {  	v6 =	vld [tilespmem:s20+$0x1D0]  }
0x1bf: {  	v0 =	vld [tilespmem:s20+$0x1E0]  }
0x1c0: {  	[tilespmem:s20+$0x6180] =	vst.add.f32.msk $0xffff, v1  }
.Ltmp11:
0x1c1: {  	[tilespmem:s20+$0x6190] =	vst.add.f32.msk $0xffff, v2;
	(pc) =	sbr.rel @p0 .LBB2_25-.Ltmp11, $4  }
0x1c2: {  	[tilespmem:s20+$0x61A0] =	vst.add.f32.msk $0xffff, v3  }
0x1c3: {  	[tilespmem:s20+$0x61B0] =	vst.add.f32.msk $0xffff, v4  }
0x1c4: {  	[tilespmem:s20+$0x61C0] =	vst.add.f32.msk $0xffff, v5  }
0x1c5: {  	s3 =	sadd.s32 $0x1000, s3;
	[tilespmem:s20+$0x61D0] =	vst.add.f32.msk $0xffff, v6  }
0x1c6: {  	[tilespmem:s20+$0x61E0] =	vst.add.f32.msk $0xffff, v0;
	s20 =	simm.s32 $0x0  }
0x1c7: {  	v0 =	vld [tilespmem:s20+$0x270]  }
0x1c8: {  	v1 =	vld [tilespmem:s20+$0x200]  }
0x1c9: {  	v2 =	vld [tilespmem:s20+$0x210]  }
0x1ca: {  	v3 =	vld [tilespmem:s20+$0x220]  }
0x1cb: {  	v4 =	vld [tilespmem:s20+$0x230]  }
0x1cc: {  	v5 =	vld [tilespmem:s20+$0x240]  }
0x1cd: {  	v6 =	vld [tilespmem:s20+$0x250]  }
0x1ce: {  	[tilespmem:s20+$0x6270] =	vst.add.f32.msk $0xffff, v0  }
0x1cf: {  	v0 =	vld [tilespmem:s20+$0x260]  }
0x1d0: {  	[tilespmem:s20+$0x6200] =	vst.add.f32.msk $0xffff, v1  }
0x1d1: {  	[tilespmem:s20+$0x6210] =	vst.add.f32.msk $0xffff, v2  }
0x1d2: {  	[tilespmem:s20+$0x6220] =	vst.add.f32.msk $0xffff, v3  }
0x1d3: {  	[tilespmem:s20+$0x6230] =	vst.add.f32.msk $0xffff, v4  }
0x1d4: {  	[tilespmem:s20+$0x6240] =	vst.add.f32.msk $0xffff, v5  }
0x1d5: {  	s21 =	simm.s32 $0x0;
	s3 =	simm.s32 $0x1000;
	[tilespmem:s20+$0x6250] =	vst.add.f32.msk $0xffff, v6  }
.LBB2_27:
0x1d6: {  	s21 =	sadd.s32 $0x80, s21;
	[tilespmem:s20+$0x6260] =	vst.add.f32.msk $0xffff, v0;
	s20 =	sshra.s32 s3, $0x2  }
0x1d7: {  	v0 =	vld [tilespmem:s20+$0x270];
	p0 =	slt.u32 s21, $0x380  }
0x1d8: {  	v1 =	vld [tilespmem:s20+$0x200]  }
0x1d9: {  	v2 =	vld [tilespmem:s20+$0x210]  }
0x1da: {  	v3 =	vld [tilespmem:s20+$0x220]  }
0x1db: {  	v4 =	vld [tilespmem:s20+$0x230]  }
0x1dc: {  	[tilespmem:s20+$0x6270] =	vst.add.f32.msk $0xffff, v0  }
0x1dd: {  	v5 =	vld [tilespmem:s20+$0x240]  }
0x1de: {  	v6 =	vld [tilespmem:s20+$0x250]  }
0x1df: {  	v0 =	vld [tilespmem:s20+$0x260]  }
0x1e0: {  	[tilespmem:s20+$0x6200] =	vst.add.f32.msk $0xffff, v1  }
.Ltmp12:
0x1e1: {  	[tilespmem:s20+$0x6210] =	vst.add.f32.msk $0xffff, v2;
	(pc) =	sbr.rel @p0 .LBB2_27-.Ltmp12, $4  }
0x1e2: {  	[tilespmem:s20+$0x6220] =	vst.add.f32.msk $0xffff, v3  }
0x1e3: {  	[tilespmem:s20+$0x6230] =	vst.add.f32.msk $0xffff, v4  }
0x1e4: {  	[tilespmem:s20+$0x6240] =	vst.add.f32.msk $0xffff, v5  }
0x1e5: {  	s3 =	sadd.s32 $0x1000, s3;
	[tilespmem:s20+$0x6250] =	vst.add.f32.msk $0xffff, v6  }
0x1e6: {  	[tilespmem:s20+$0x6260] =	vst.add.f32.msk $0xffff, v0;
	s20 =	simm.s32 $0x0  }
0x1e7: {  	v0 =	vld [tilespmem:s20+$0x2F0]  }
0x1e8: {  	v1 =	vld [tilespmem:s20+$0x280]  }
0x1e9: {  	v2 =	vld [tilespmem:s20+$0x290]  }
0x1ea: {  	v3 =	vld [tilespmem:s20+$0x2A0]  }
0x1eb: {  	v4 =	vld [tilespmem:s20+$0x2B0]  }
0x1ec: {  	v5 =	vld [tilespmem:s20+$0x2C0]  }
0x1ed: {  	v6 =	vld [tilespmem:s20+$0x2D0]  }
0x1ee: {  	[tilespmem:s20+$0x62F0] =	vst.add.f32.msk $0xffff, v0  }
0x1ef: {  	v0 =	vld [tilespmem:s20+$0x2E0]  }
0x1f0: {  	[tilespmem:s20+$0x6280] =	vst.add.f32.msk $0xffff, v1  }
0x1f1: {  	[tilespmem:s20+$0x6290] =	vst.add.f32.msk $0xffff, v2  }
0x1f2: {  	[tilespmem:s20+$0x62A0] =	vst.add.f32.msk $0xffff, v3  }
0x1f3: {  	[tilespmem:s20+$0x62B0] =	vst.add.f32.msk $0xffff, v4  }
0x1f4: {  	[tilespmem:s20+$0x62C0] =	vst.add.f32.msk $0xffff, v5  }
0x1f5: {  	s21 =	simm.s32 $0x0;
	s3 =	simm.s32 $0x1000;
	[tilespmem:s20+$0x62D0] =	vst.add.f32.msk $0xffff, v6  }
.LBB2_29:
0x1f6: {  	s21 =	sadd.s32 $0x80, s21;
	[tilespmem:s20+$0x62E0] =	vst.add.f32.msk $0xffff, v0;
	s20 =	sshra.s32 s3, $0x2  }
0x1f7: {  	v0 =	vld [tilespmem:s20+$0x2F0];
	p0 =	slt.u32 s21, $0x380  }
0x1f8: {  	v1 =	vld [tilespmem:s20+$0x280]  }
0x1f9: {  	v2 =	vld [tilespmem:s20+$0x290]  }
0x1fa: {  	v3 =	vld [tilespmem:s20+$0x2A0]  }
0x1fb: {  	v4 =	vld [tilespmem:s20+$0x2B0]  }
0x1fc: {  	[tilespmem:s20+$0x62F0] =	vst.add.f32.msk $0xffff, v0  }
0x1fd: {  	v5 =	vld [tilespmem:s20+$0x2C0]  }
0x1fe: {  	v6 =	vld [tilespmem:s20+$0x2D0]  }
0x1ff: {  	v0 =	vld [tilespmem:s20+$0x2E0]  }
0x200: {  	[tilespmem:s20+$0x6280] =	vst.add.f32.msk $0xffff, v1  }
.Ltmp13:
0x201: {  	[tilespmem:s20+$0x6290] =	vst.add.f32.msk $0xffff, v2;
	(pc) =	sbr.rel @p0 .LBB2_29-.Ltmp13, $4  }
0x202: {  	[tilespmem:s20+$0x62A0] =	vst.add.f32.msk $0xffff, v3  }
0x203: {  	[tilespmem:s20+$0x62B0] =	vst.add.f32.msk $0xffff, v4  }
0x204: {  	[tilespmem:s20+$0x62C0] =	vst.add.f32.msk $0xffff, v5  }
0x205: {  	s3 =	sadd.s32 $0x1000, s3;
	[tilespmem:s20+$0x62D0] =	vst.add.f32.msk $0xffff, v6  }
0x206: {  	[tilespmem:s20+$0x62E0] =	vst.add.f32.msk $0xffff, v0;
	s20 =	simm.s32 $0x0  }
0x207: {  	v0 =	vld [tilespmem:s20+$0x370]  }
0x208: {  	v1 =	vld [tilespmem:s20+$0x300]  }
0x209: {  	v2 =	vld [tilespmem:s20+$0x310]  }
0x20a: {  	v3 =	vld [tilespmem:s20+$0x320]  }
0x20b: {  	v4 =	vld [tilespmem:s20+$0x330]  }
0x20c: {  	v5 =	vld [tilespmem:s20+$0x340]  }
0x20d: {  	v6 =	vld [tilespmem:s20+$0x350]  }
0x20e: {  	[tilespmem:s20+$0x6370] =	vst.add.f32.msk $0xffff, v0  }
0x20f: {  	v0 =	vld [tilespmem:s20+$0x360]  }
0x210: {  	[tilespmem:s20+$0x6300] =	vst.add.f32.msk $0xffff, v1  }
0x211: {  	[tilespmem:s20+$0x6310] =	vst.add.f32.msk $0xffff, v2  }
0x212: {  	[tilespmem:s20+$0x6320] =	vst.add.f32.msk $0xffff, v3  }
0x213: {  	[tilespmem:s20+$0x6330] =	vst.add.f32.msk $0xffff, v4  }
0x214: {  	[tilespmem:s20+$0x6340] =	vst.add.f32.msk $0xffff, v5  }
0x215: {  	s21 =	simm.s32 $0x0;
	s3 =	simm.s32 $0x1000;
	[tilespmem:s20+$0x6350] =	vst.add.f32.msk $0xffff, v6  }
.LBB2_31:
0x216: {  	s21 =	sadd.s32 $0x80, s21;
	[tilespmem:s20+$0x6360] =	vst.add.f32.msk $0xffff, v0;
	s20 =	sshra.s32 s3, $0x2  }
0x217: {  	v0 =	vld [tilespmem:s20+$0x370];
	p0 =	slt.u32 s21, $0x380  }
0x218: {  	v1 =	vld [tilespmem:s20+$0x300]  }
0x219: {  	v2 =	vld [tilespmem:s20+$0x310]  }
0x21a: {  	v3 =	vld [tilespmem:s20+$0x320]  }
0x21b: {  	v4 =	vld [tilespmem:s20+$0x330]  }
0x21c: {  	[tilespmem:s20+$0x6370] =	vst.add.f32.msk $0xffff, v0  }
0x21d: {  	v5 =	vld [tilespmem:s20+$0x340]  }
0x21e: {  	v6 =	vld [tilespmem:s20+$0x350]  }
0x21f: {  	v0 =	vld [tilespmem:s20+$0x360]  }
0x220: {  	[tilespmem:s20+$0x6300] =	vst.add.f32.msk $0xffff, v1  }
.Ltmp14:
0x221: {  	[tilespmem:s20+$0x6310] =	vst.add.f32.msk $0xffff, v2;
	(pc) =	sbr.rel @p0 .LBB2_31-.Ltmp14, $4  }
0x222: {  	[tilespmem:s20+$0x6320] =	vst.add.f32.msk $0xffff, v3  }
0x223: {  	[tilespmem:s20+$0x6330] =	vst.add.f32.msk $0xffff, v4  }
0x224: {  	[tilespmem:s20+$0x6340] =	vst.add.f32.msk $0xffff, v5  }
0x225: {  	s3 =	sadd.s32 $0x1000, s3;
	[tilespmem:s20+$0x6350] =	vst.add.f32.msk $0xffff, v6  }
0x226: {  	[tilespmem:s20+$0x6360] =	vst.add.f32.msk $0xffff, v0;
	s20 =	simm.s32 $0x0  }
0x227: {  	v0 =	vld [tilespmem:s20+$0x3F0]  }
0x228: {  	v1 =	vld [tilespmem:s20+$0x380]  }
0x229: {  	v2 =	vld [tilespmem:s20+$0x390]  }
0x22a: {  	v3 =	vld [tilespmem:s20+$0x3A0]  }
0x22b: {  	v4 =	vld [tilespmem:s20+$0x3B0]  }
0x22c: {  	v5 =	vld [tilespmem:s20+$0x3C0]  }
0x22d: {  	v6 =	vld [tilespmem:s20+$0x3D0]  }
0x22e: {  	[tilespmem:s20+$0x63F0] =	vst.add.f32.msk $0xffff, v0  }
0x22f: {  	v0 =	vld [tilespmem:s20+$0x3E0]  }
0x230: {  	[tilespmem:s20+$0x6380] =	vst.add.f32.msk $0xffff, v1  }
0x231: {  	[tilespmem:s20+$0x6390] =	vst.add.f32.msk $0xffff, v2  }
0x232: {  	[tilespmem:s20+$0x63A0] =	vst.add.f32.msk $0xffff, v3  }
0x233: {  	[tilespmem:s20+$0x63B0] =	vst.add.f32.msk $0xffff, v4  }
0x234: {  	[tilespmem:s20+$0x63C0] =	vst.add.f32.msk $0xffff, v5  }
0x235: {  	s21 =	simm.s32 $0x0;
	s3 =	simm.s32 $0x1000;
	[tilespmem:s20+$0x63D0] =	vst.add.f32.msk $0xffff, v6  }
.LBB2_33:
0x236: {  	s21 =	sadd.s32 $0x80, s21;
	[tilespmem:s20+$0x63E0] =	vst.add.f32.msk $0xffff, v0;
	s20 =	sshra.s32 s3, $0x2  }
0x237: {  	v0 =	vld [tilespmem:s20+$0x3F0];
	p0 =	slt.u32 s21, $0x380  }
0x238: {  	v1 =	vld [tilespmem:s20+$0x380]  }
0x239: {  	v2 =	vld [tilespmem:s20+$0x390]  }
0x23a: {  	v3 =	vld [tilespmem:s20+$0x3A0]  }
0x23b: {  	v4 =	vld [tilespmem:s20+$0x3B0]  }
0x23c: {  	[tilespmem:s20+$0x63F0] =	vst.add.f32.msk $0xffff, v0  }
0x23d: {  	v5 =	vld [tilespmem:s20+$0x3C0]  }
0x23e: {  	v6 =	vld [tilespmem:s20+$0x3D0]  }
0x23f: {  	v0 =	vld [tilespmem:s20+$0x3E0]  }
0x240: {  	[tilespmem:s20+$0x6380] =	vst.add.f32.msk $0xffff, v1  }
.Ltmp15:
0x241: {  	[tilespmem:s20+$0x6390] =	vst.add.f32.msk $0xffff, v2;
	(pc) =	sbr.rel @p0 .LBB2_33-.Ltmp15, $4  }
0x242: {  	[tilespmem:s20+$0x63A0] =	vst.add.f32.msk $0xffff, v3  }
0x243: {  	[tilespmem:s20+$0x63B0] =	vst.add.f32.msk $0xffff, v4  }
0x244: {  	[tilespmem:s20+$0x63C0] =	vst.add.f32.msk $0xffff, v5  }
0x245: {  	s3 =	sadd.s32 $0x1000, s3;
	[tilespmem:s20+$0x63D0] =	vst.add.f32.msk $0xffff, v6  }
0x246: {  	[tilespmem:s20+$0x63E0] =	vst.add.f32.msk $0xffff, v0  }
0x247: {  	s3 =	rddreg [dreg:$0x9]  }
0x248: {  	s20 =	simm.s32 $0x0;
	s21 =	simm.s32 $0x6000;
	s3 =	sadd.s32 s19, s3  }
0x249: {  	[hbm4b:s3+s20] =	stream.linear.scatter [tilespmem:s21], [sflag:$0xC], $0x2000, $0x38;
	[tilespmem:$0x14000] =	vst v63  }
0x24a: {  	_ =	swait.ge [sflag:s29], $0x2000  }
0x24b: {  	[sflag:s29] =	ssyncset.done $0x0  }
0x24c: {  	s20 =	simm.s32 $0x0;
	[sflag:s29] =	ssyncadd.s32 $0xFFFFE000  }
0x24d: {  	v0 =	vld [tilespmem:s20+$0x70]  }
0x24e: {  	v1 =	vld [tilespmem:s20+$0x0]  }
0x24f: {  	v2 =	vld [tilespmem:s20+$0x10]  }
0x250: {  	v3 =	vld [tilespmem:s20+$0x20]  }
0x251: {  	v4 =	vld [tilespmem:s20+$0x30]  }
0x252: {  	v5 =	vld [tilespmem:s20+$0x40]  }
0x253: {  	v6 =	vld [tilespmem:s20+$0x50]  }
0x254: {  	[tilespmem:s20+$0x8070] =	vst.add.f32.msk $0xffff, v0  }
0x255: {  	v0 =	vld [tilespmem:s20+$0x60]  }
0x256: {  	[tilespmem:s20+$0x8000] =	vst.add.f32.msk $0xffff, v1  }
0x257: {  	[tilespmem:s20+$0x8010] =	vst.add.f32.msk $0xffff, v2  }
0x258: {  	[tilespmem:s20+$0x8020] =	vst.add.f32.msk $0xffff, v3  }
0x259: {  	[tilespmem:s20+$0x8030] =	vst.add.f32.msk $0xffff, v4  }
0x25a: {  	[tilespmem:s20+$0x8040] =	vst.add.f32.msk $0xffff, v5  }
0x25b: {  	s21 =	simm.s32 $0x0;
	s3 =	simm.s32 $0x1000;
	[tilespmem:s20+$0x8050] =	vst.add.f32.msk $0xffff, v6  }
.LBB2_35:
0x25c: {  	s21 =	sadd.s32 $0x80, s21;
	[tilespmem:s20+$0x8060] =	vst.add.f32.msk $0xffff, v0;
	s20 =	sshra.s32 s3, $0x2  }
0x25d: {  	v0 =	vld [tilespmem:s20+$0x70];
	p0 =	slt.u32 s21, $0x380  }
0x25e: {  	v1 =	vld [tilespmem:s20+$0x0]  }
0x25f: {  	v2 =	vld [tilespmem:s20+$0x10]  }
0x260: {  	v3 =	vld [tilespmem:s20+$0x20]  }
0x261: {  	v4 =	vld [tilespmem:s20+$0x30]  }
0x262: {  	[tilespmem:s20+$0x8070] =	vst.add.f32.msk $0xffff, v0  }
0x263: {  	v5 =	vld [tilespmem:s20+$0x40]  }
0x264: {  	v6 =	vld [tilespmem:s20+$0x50]  }
0x265: {  	v0 =	vld [tilespmem:s20+$0x60]  }
0x266: {  	[tilespmem:s20+$0x8000] =	vst.add.f32.msk $0xffff, v1  }
.Ltmp16:
0x267: {  	[tilespmem:s20+$0x8010] =	vst.add.f32.msk $0xffff, v2;
	(pc) =	sbr.rel @p0 .LBB2_35-.Ltmp16, $4  }
0x268: {  	[tilespmem:s20+$0x8020] =	vst.add.f32.msk $0xffff, v3  }
0x269: {  	[tilespmem:s20+$0x8030] =	vst.add.f32.msk $0xffff, v4  }
0x26a: {  	[tilespmem:s20+$0x8040] =	vst.add.f32.msk $0xffff, v5  }
0x26b: {  	s3 =	sadd.s32 $0x1000, s3;
	[tilespmem:s20+$0x8050] =	vst.add.f32.msk $0xffff, v6  }
0x26c: {  	[tilespmem:s20+$0x8060] =	vst.add.f32.msk $0xffff, v0;
	s20 =	simm.s32 $0x0  }
0x26d: {  	v0 =	vld [tilespmem:s20+$0xF0]  }
0x26e: {  	v1 =	vld [tilespmem:s20+$0x80]  }
0x26f: {  	v2 =	vld [tilespmem:s20+$0x90]  }
0x270: {  	v3 =	vld [tilespmem:s20+$0xA0]  }
0x271: {  	v4 =	vld [tilespmem:s20+$0xB0]  }
0x272: {  	v5 =	vld [tilespmem:s20+$0xC0]  }
0x273: {  	v6 =	vld [tilespmem:s20+$0xD0]  }
0x274: {  	[tilespmem:s20+$0x80F0] =	vst.add.f32.msk $0xffff, v0  }
0x275: {  	v0 =	vld [tilespmem:s20+$0xE0]  }
0x276: {  	[tilespmem:s20+$0x8080] =	vst.add.f32.msk $0xffff, v1  }
0x277: {  	[tilespmem:s20+$0x8090] =	vst.add.f32.msk $0xffff, v2  }
0x278: {  	[tilespmem:s20+$0x80A0] =	vst.add.f32.msk $0xffff, v3  }
0x279: {  	[tilespmem:s20+$0x80B0] =	vst.add.f32.msk $0xffff, v4  }
0x27a: {  	[tilespmem:s20+$0x80C0] =	vst.add.f32.msk $0xffff, v5  }
0x27b: {  	s21 =	simm.s32 $0x0;
	s3 =	simm.s32 $0x1000;
	[tilespmem:s20+$0x80D0] =	vst.add.f32.msk $0xffff, v6  }
.LBB2_37:
0x27c: {  	s21 =	sadd.s32 $0x80, s21;
	[tilespmem:s20+$0x80E0] =	vst.add.f32.msk $0xffff, v0;
	s20 =	sshra.s32 s3, $0x2  }
0x27d: {  	v0 =	vld [tilespmem:s20+$0xF0];
	p0 =	slt.u32 s21, $0x380  }
0x27e: {  	v1 =	vld [tilespmem:s20+$0x80]  }
0x27f: {  	v2 =	vld [tilespmem:s20+$0x90]  }
0x280: {  	v3 =	vld [tilespmem:s20+$0xA0]  }
0x281: {  	v4 =	vld [tilespmem:s20+$0xB0]  }
0x282: {  	[tilespmem:s20+$0x80F0] =	vst.add.f32.msk $0xffff, v0  }
0x283: {  	v5 =	vld [tilespmem:s20+$0xC0]  }
0x284: {  	v6 =	vld [tilespmem:s20+$0xD0]  }
0x285: {  	v0 =	vld [tilespmem:s20+$0xE0]  }
0x286: {  	[tilespmem:s20+$0x8080] =	vst.add.f32.msk $0xffff, v1  }
.Ltmp17:
0x287: {  	[tilespmem:s20+$0x8090] =	vst.add.f32.msk $0xffff, v2;
	(pc) =	sbr.rel @p0 .LBB2_37-.Ltmp17, $4  }
0x288: {  	[tilespmem:s20+$0x80A0] =	vst.add.f32.msk $0xffff, v3  }
0x289: {  	[tilespmem:s20+$0x80B0] =	vst.add.f32.msk $0xffff, v4  }
0x28a: {  	[tilespmem:s20+$0x80C0] =	vst.add.f32.msk $0xffff, v5  }
0x28b: {  	s3 =	sadd.s32 $0x1000, s3;
	[tilespmem:s20+$0x80D0] =	vst.add.f32.msk $0xffff, v6  }
0x28c: {  	[tilespmem:s20+$0x80E0] =	vst.add.f32.msk $0xffff, v0;
	s20 =	simm.s32 $0x0  }
0x28d: {  	v0 =	vld [tilespmem:s20+$0x170]  }
0x28e: {  	v1 =	vld [tilespmem:s20+$0x100]  }
0x28f: {  	v2 =	vld [tilespmem:s20+$0x110]  }
0x290: {  	v3 =	vld [tilespmem:s20+$0x120]  }
0x291: {  	v4 =	vld [tilespmem:s20+$0x130]  }
0x292: {  	v5 =	vld [tilespmem:s20+$0x140]  }
0x293: {  	v6 =	vld [tilespmem:s20+$0x150]  }
0x294: {  	[tilespmem:s20+$0x8170] =	vst.add.f32.msk $0xffff, v0  }
0x295: {  	v0 =	vld [tilespmem:s20+$0x160]  }
0x296: {  	[tilespmem:s20+$0x8100] =	vst.add.f32.msk $0xffff, v1  }
0x297: {  	[tilespmem:s20+$0x8110] =	vst.add.f32.msk $0xffff, v2  }
0x298: {  	[tilespmem:s20+$0x8120] =	vst.add.f32.msk $0xffff, v3  }
0x299: {  	[tilespmem:s20+$0x8130] =	vst.add.f32.msk $0xffff, v4  }
0x29a: {  	[tilespmem:s20+$0x8140] =	vst.add.f32.msk $0xffff, v5  }
0x29b: {  	s21 =	simm.s32 $0x0;
	s3 =	simm.s32 $0x1000;
	[tilespmem:s20+$0x8150] =	vst.add.f32.msk $0xffff, v6  }
.LBB2_39:
0x29c: {  	s21 =	sadd.s32 $0x80, s21;
	[tilespmem:s20+$0x8160] =	vst.add.f32.msk $0xffff, v0;
	s20 =	sshra.s32 s3, $0x2  }
0x29d: {  	v0 =	vld [tilespmem:s20+$0x170];
	p0 =	slt.u32 s21, $0x380  }
0x29e: {  	v1 =	vld [tilespmem:s20+$0x100]  }
0x29f: {  	v2 =	vld [tilespmem:s20+$0x110]  }
0x2a0: {  	v3 =	vld [tilespmem:s20+$0x120]  }
0x2a1: {  	v4 =	vld [tilespmem:s20+$0x130]  }
0x2a2: {  	[tilespmem:s20+$0x8170] =	vst.add.f32.msk $0xffff, v0  }
0x2a3: {  	v5 =	vld [tilespmem:s20+$0x140]  }
0x2a4: {  	v6 =	vld [tilespmem:s20+$0x150]  }
0x2a5: {  	v0 =	vld [tilespmem:s20+$0x160]  }
0x2a6: {  	[tilespmem:s20+$0x8100] =	vst.add.f32.msk $0xffff, v1  }
.Ltmp18:
0x2a7: {  	[tilespmem:s20+$0x8110] =	vst.add.f32.msk $0xffff, v2;
	(pc) =	sbr.rel @p0 .LBB2_39-.Ltmp18, $4  }
0x2a8: {  	[tilespmem:s20+$0x8120] =	vst.add.f32.msk $0xffff, v3  }
0x2a9: {  	[tilespmem:s20+$0x8130] =	vst.add.f32.msk $0xffff, v4  }
0x2aa: {  	[tilespmem:s20+$0x8140] =	vst.add.f32.msk $0xffff, v5  }
0x2ab: {  	s3 =	sadd.s32 $0x1000, s3;
	[tilespmem:s20+$0x8150] =	vst.add.f32.msk $0xffff, v6  }
0x2ac: {  	[tilespmem:s20+$0x8160] =	vst.add.f32.msk $0xffff, v0;
	s20 =	simm.s32 $0x0  }
0x2ad: {  	v0 =	vld [tilespmem:s20+$0x1F0]  }
0x2ae: {  	v1 =	vld [tilespmem:s20+$0x180]  }
0x2af: {  	v2 =	vld [tilespmem:s20+$0x190]  }
0x2b0: {  	v3 =	vld [tilespmem:s20+$0x1A0]  }
0x2b1: {  	v4 =	vld [tilespmem:s20+$0x1B0]  }
0x2b2: {  	v5 =	vld [tilespmem:s20+$0x1C0]  }
0x2b3: {  	v6 =	vld [tilespmem:s20+$0x1D0]  }
0x2b4: {  	[tilespmem:s20+$0x81F0] =	vst.add.f32.msk $0xffff, v0  }
0x2b5: {  	v0 =	vld [tilespmem:s20+$0x1E0]  }
0x2b6: {  	[tilespmem:s20+$0x8180] =	vst.add.f32.msk $0xffff, v1  }
0x2b7: {  	[tilespmem:s20+$0x8190] =	vst.add.f32.msk $0xffff, v2  }
0x2b8: {  	[tilespmem:s20+$0x81A0] =	vst.add.f32.msk $0xffff, v3  }
0x2b9: {  	[tilespmem:s20+$0x81B0] =	vst.add.f32.msk $0xffff, v4  }
0x2ba: {  	[tilespmem:s20+$0x81C0] =	vst.add.f32.msk $0xffff, v5  }
0x2bb: {  	s21 =	simm.s32 $0x0;
	s3 =	simm.s32 $0x1000;
	[tilespmem:s20+$0x81D0] =	vst.add.f32.msk $0xffff, v6  }
.LBB2_41:
0x2bc: {  	s21 =	sadd.s32 $0x80, s21;
	[tilespmem:s20+$0x81E0] =	vst.add.f32.msk $0xffff, v0;
	s20 =	sshra.s32 s3, $0x2  }
0x2bd: {  	v0 =	vld [tilespmem:s20+$0x1F0];
	p0 =	slt.u32 s21, $0x380  }
0x2be: {  	v1 =	vld [tilespmem:s20+$0x180]  }
0x2bf: {  	v2 =	vld [tilespmem:s20+$0x190]  }
0x2c0: {  	v3 =	vld [tilespmem:s20+$0x1A0]  }
0x2c1: {  	v4 =	vld [tilespmem:s20+$0x1B0]  }
0x2c2: {  	[tilespmem:s20+$0x81F0] =	vst.add.f32.msk $0xffff, v0  }
0x2c3: {  	v5 =	vld [tilespmem:s20+$0x1C0]  }
0x2c4: {  	v6 =	vld [tilespmem:s20+$0x1D0]  }
0x2c5: {  	v0 =	vld [tilespmem:s20+$0x1E0]  }
0x2c6: {  	[tilespmem:s20+$0x8180] =	vst.add.f32.msk $0xffff, v1  }
.Ltmp19:
0x2c7: {  	[tilespmem:s20+$0x8190] =	vst.add.f32.msk $0xffff, v2;
	(pc) =	sbr.rel @p0 .LBB2_41-.Ltmp19, $4  }
0x2c8: {  	[tilespmem:s20+$0x81A0] =	vst.add.f32.msk $0xffff, v3  }
0x2c9: {  	[tilespmem:s20+$0x81B0] =	vst.add.f32.msk $0xffff, v4  }
0x2ca: {  	[tilespmem:s20+$0x81C0] =	vst.add.f32.msk $0xffff, v5  }
0x2cb: {  	s3 =	sadd.s32 $0x1000, s3;
	[tilespmem:s20+$0x81D0] =	vst.add.f32.msk $0xffff, v6  }
0x2cc: {  	[tilespmem:s20+$0x81E0] =	vst.add.f32.msk $0xffff, v0;
	s20 =	simm.s32 $0x0  }
0x2cd: {  	v0 =	vld [tilespmem:s20+$0x270]  }
0x2ce: {  	v1 =	vld [tilespmem:s20+$0x200]  }
0x2cf: {  	v2 =	vld [tilespmem:s20+$0x210]  }
0x2d0: {  	v3 =	vld [tilespmem:s20+$0x220]  }
0x2d1: {  	v4 =	vld [tilespmem:s20+$0x230]  }
0x2d2: {  	v5 =	vld [tilespmem:s20+$0x240]  }
0x2d3: {  	v6 =	vld [tilespmem:s20+$0x250]  }
0x2d4: {  	[tilespmem:s20+$0x8270] =	vst.add.f32.msk $0xffff, v0  }
0x2d5: {  	v0 =	vld [tilespmem:s20+$0x260]  }
0x2d6: {  	[tilespmem:s20+$0x8200] =	vst.add.f32.msk $0xffff, v1  }
0x2d7: {  	[tilespmem:s20+$0x8210] =	vst.add.f32.msk $0xffff, v2  }
0x2d8: {  	[tilespmem:s20+$0x8220] =	vst.add.f32.msk $0xffff, v3  }
0x2d9: {  	[tilespmem:s20+$0x8230] =	vst.add.f32.msk $0xffff, v4  }
0x2da: {  	[tilespmem:s20+$0x8240] =	vst.add.f32.msk $0xffff, v5  }
0x2db: {  	s21 =	simm.s32 $0x0;
	s3 =	simm.s32 $0x1000;
	[tilespmem:s20+$0x8250] =	vst.add.f32.msk $0xffff, v6  }
.LBB2_43:
0x2dc: {  	s21 =	sadd.s32 $0x80, s21;
	[tilespmem:s20+$0x8260] =	vst.add.f32.msk $0xffff, v0;
	s20 =	sshra.s32 s3, $0x2  }
0x2dd: {  	v0 =	vld [tilespmem:s20+$0x270];
	p0 =	slt.u32 s21, $0x380  }
0x2de: {  	v1 =	vld [tilespmem:s20+$0x200]  }
0x2df: {  	v2 =	vld [tilespmem:s20+$0x210]  }
0x2e0: {  	v3 =	vld [tilespmem:s20+$0x220]  }
0x2e1: {  	v4 =	vld [tilespmem:s20+$0x230]  }
0x2e2: {  	[tilespmem:s20+$0x8270] =	vst.add.f32.msk $0xffff, v0  }
0x2e3: {  	v5 =	vld [tilespmem:s20+$0x240]  }
0x2e4: {  	v6 =	vld [tilespmem:s20+$0x250]  }
0x2e5: {  	v0 =	vld [tilespmem:s20+$0x260]  }
0x2e6: {  	[tilespmem:s20+$0x8200] =	vst.add.f32.msk $0xffff, v1  }
.Ltmp20:
0x2e7: {  	[tilespmem:s20+$0x8210] =	vst.add.f32.msk $0xffff, v2;
	(pc) =	sbr.rel @p0 .LBB2_43-.Ltmp20, $4  }
0x2e8: {  	[tilespmem:s20+$0x8220] =	vst.add.f32.msk $0xffff, v3  }
0x2e9: {  	[tilespmem:s20+$0x8230] =	vst.add.f32.msk $0xffff, v4  }
0x2ea: {  	[tilespmem:s20+$0x8240] =	vst.add.f32.msk $0xffff, v5  }
0x2eb: {  	s3 =	sadd.s32 $0x1000, s3;
	[tilespmem:s20+$0x8250] =	vst.add.f32.msk $0xffff, v6  }
0x2ec: {  	[tilespmem:s20+$0x8260] =	vst.add.f32.msk $0xffff, v0;
	s20 =	simm.s32 $0x0  }
0x2ed: {  	v0 =	vld [tilespmem:s20+$0x2F0]  }
0x2ee: {  	v1 =	vld [tilespmem:s20+$0x280]  }
0x2ef: {  	v2 =	vld [tilespmem:s20+$0x290]  }
0x2f0: {  	v3 =	vld [tilespmem:s20+$0x2A0]  }
0x2f1: {  	v4 =	vld [tilespmem:s20+$0x2B0]  }
0x2f2: {  	v5 =	vld [tilespmem:s20+$0x2C0]  }
0x2f3: {  	v6 =	vld [tilespmem:s20+$0x2D0]  }
0x2f4: {  	[tilespmem:s20+$0x82F0] =	vst.add.f32.msk $0xffff, v0  }
0x2f5: {  	v0 =	vld [tilespmem:s20+$0x2E0]  }
0x2f6: {  	[tilespmem:s20+$0x8280] =	vst.add.f32.msk $0xffff, v1  }
0x2f7: {  	[tilespmem:s20+$0x8290] =	vst.add.f32.msk $0xffff, v2  }
0x2f8: {  	[tilespmem:s20+$0x82A0] =	vst.add.f32.msk $0xffff, v3  }
0x2f9: {  	[tilespmem:s20+$0x82B0] =	vst.add.f32.msk $0xffff, v4  }
0x2fa: {  	[tilespmem:s20+$0x82C0] =	vst.add.f32.msk $0xffff, v5  }
0x2fb: {  	s21 =	simm.s32 $0x0;
	s3 =	simm.s32 $0x1000;
	[tilespmem:s20+$0x82D0] =	vst.add.f32.msk $0xffff, v6  }
.LBB2_45:
0x2fc: {  	s21 =	sadd.s32 $0x80, s21;
	[tilespmem:s20+$0x82E0] =	vst.add.f32.msk $0xffff, v0;
	s20 =	sshra.s32 s3, $0x2  }
0x2fd: {  	v0 =	vld [tilespmem:s20+$0x2F0];
	p0 =	slt.u32 s21, $0x380  }
0x2fe: {  	v1 =	vld [tilespmem:s20+$0x280]  }
0x2ff: {  	v2 =	vld [tilespmem:s20+$0x290]  }
0x300: {  	v3 =	vld [tilespmem:s20+$0x2A0]  }
0x301: {  	v4 =	vld [tilespmem:s20+$0x2B0]  }
0x302: {  	[tilespmem:s20+$0x82F0] =	vst.add.f32.msk $0xffff, v0  }
0x303: {  	v5 =	vld [tilespmem:s20+$0x2C0]  }
0x304: {  	v6 =	vld [tilespmem:s20+$0x2D0]  }
0x305: {  	v0 =	vld [tilespmem:s20+$0x2E0]  }
0x306: {  	[tilespmem:s20+$0x8280] =	vst.add.f32.msk $0xffff, v1  }
.Ltmp21:
0x307: {  	[tilespmem:s20+$0x8290] =	vst.add.f32.msk $0xffff, v2;
	(pc) =	sbr.rel @p0 .LBB2_45-.Ltmp21, $4  }
0x308: {  	[tilespmem:s20+$0x82A0] =	vst.add.f32.msk $0xffff, v3  }
0x309: {  	[tilespmem:s20+$0x82B0] =	vst.add.f32.msk $0xffff, v4  }
0x30a: {  	[tilespmem:s20+$0x82C0] =	vst.add.f32.msk $0xffff, v5  }
0x30b: {  	s3 =	sadd.s32 $0x1000, s3;
	[tilespmem:s20+$0x82D0] =	vst.add.f32.msk $0xffff, v6  }
0x30c: {  	[tilespmem:s20+$0x82E0] =	vst.add.f32.msk $0xffff, v0;
	s20 =	simm.s32 $0x0  }
0x30d: {  	v0 =	vld [tilespmem:s20+$0x370]  }
0x30e: {  	v1 =	vld [tilespmem:s20+$0x300]  }
0x30f: {  	v2 =	vld [tilespmem:s20+$0x310]  }
0x310: {  	v3 =	vld [tilespmem:s20+$0x320]  }
0x311: {  	v4 =	vld [tilespmem:s20+$0x330]  }
0x312: {  	v5 =	vld [tilespmem:s20+$0x340]  }
0x313: {  	v6 =	vld [tilespmem:s20+$0x350]  }
0x314: {  	[tilespmem:s20+$0x8370] =	vst.add.f32.msk $0xffff, v0  }
0x315: {  	v0 =	vld [tilespmem:s20+$0x360]  }
0x316: {  	[tilespmem:s20+$0x8300] =	vst.add.f32.msk $0xffff, v1  }
0x317: {  	[tilespmem:s20+$0x8310] =	vst.add.f32.msk $0xffff, v2  }
0x318: {  	[tilespmem:s20+$0x8320] =	vst.add.f32.msk $0xffff, v3  }
0x319: {  	[tilespmem:s20+$0x8330] =	vst.add.f32.msk $0xffff, v4  }
0x31a: {  	[tilespmem:s20+$0x8340] =	vst.add.f32.msk $0xffff, v5  }
0x31b: {  	s21 =	simm.s32 $0x0;
	s3 =	simm.s32 $0x1000;
	[tilespmem:s20+$0x8350] =	vst.add.f32.msk $0xffff, v6  }
.LBB2_47:
0x31c: {  	s21 =	sadd.s32 $0x80, s21;
	[tilespmem:s20+$0x8360] =	vst.add.f32.msk $0xffff, v0;
	s20 =	sshra.s32 s3, $0x2  }
0x31d: {  	v0 =	vld [tilespmem:s20+$0x370];
	p0 =	slt.u32 s21, $0x380  }
0x31e: {  	v1 =	vld [tilespmem:s20+$0x300]  }
0x31f: {  	v2 =	vld [tilespmem:s20+$0x310]  }
0x320: {  	v3 =	vld [tilespmem:s20+$0x320]  }
0x321: {  	v4 =	vld [tilespmem:s20+$0x330]  }
0x322: {  	[tilespmem:s20+$0x8370] =	vst.add.f32.msk $0xffff, v0  }
0x323: {  	v5 =	vld [tilespmem:s20+$0x340]  }
0x324: {  	v6 =	vld [tilespmem:s20+$0x350]  }
0x325: {  	v0 =	vld [tilespmem:s20+$0x360]  }
0x326: {  	[tilespmem:s20+$0x8300] =	vst.add.f32.msk $0xffff, v1  }
.Ltmp22:
0x327: {  	[tilespmem:s20+$0x8310] =	vst.add.f32.msk $0xffff, v2;
	(pc) =	sbr.rel @p0 .LBB2_47-.Ltmp22, $4  }
0x328: {  	[tilespmem:s20+$0x8320] =	vst.add.f32.msk $0xffff, v3  }
0x329: {  	[tilespmem:s20+$0x8330] =	vst.add.f32.msk $0xffff, v4  }
0x32a: {  	[tilespmem:s20+$0x8340] =	vst.add.f32.msk $0xffff, v5  }
0x32b: {  	s3 =	sadd.s32 $0x1000, s3;
	[tilespmem:s20+$0x8350] =	vst.add.f32.msk $0xffff, v6  }
0x32c: {  	[tilespmem:s20+$0x8360] =	vst.add.f32.msk $0xffff, v0;
	s20 =	simm.s32 $0x0  }
0x32d: {  	v0 =	vld [tilespmem:s20+$0x3F0]  }
0x32e: {  	v1 =	vld [tilespmem:s20+$0x380]  }
0x32f: {  	v2 =	vld [tilespmem:s20+$0x390]  }
0x330: {  	v3 =	vld [tilespmem:s20+$0x3A0]  }
0x331: {  	v4 =	vld [tilespmem:s20+$0x3B0]  }
0x332: {  	v5 =	vld [tilespmem:s20+$0x3C0]  }
0x333: {  	v6 =	vld [tilespmem:s20+$0x3D0]  }
0x334: {  	[tilespmem:s20+$0x83F0] =	vst.add.f32.msk $0xffff, v0  }
0x335: {  	v0 =	vld [tilespmem:s20+$0x3E0]  }
0x336: {  	[tilespmem:s20+$0x8380] =	vst.add.f32.msk $0xffff, v1  }
0x337: {  	[tilespmem:s20+$0x8390] =	vst.add.f32.msk $0xffff, v2  }
0x338: {  	[tilespmem:s20+$0x83A0] =	vst.add.f32.msk $0xffff, v3  }
0x339: {  	[tilespmem:s20+$0x83B0] =	vst.add.f32.msk $0xffff, v4  }
0x33a: {  	[tilespmem:s20+$0x83C0] =	vst.add.f32.msk $0xffff, v5  }
0x33b: {  	s21 =	simm.s32 $0x0;
	s3 =	simm.s32 $0x1000;
	[tilespmem:s20+$0x83D0] =	vst.add.f32.msk $0xffff, v6  }
.LBB2_49:
0x33c: {  	s21 =	sadd.s32 $0x80, s21;
	[tilespmem:s20+$0x83E0] =	vst.add.f32.msk $0xffff, v0;
	s20 =	sshra.s32 s3, $0x2  }
0x33d: {  	v0 =	vld [tilespmem:s20+$0x3F0];
	p0 =	slt.u32 s21, $0x380  }
0x33e: {  	v1 =	vld [tilespmem:s20+$0x380]  }
0x33f: {  	v2 =	vld [tilespmem:s20+$0x390]  }
0x340: {  	v3 =	vld [tilespmem:s20+$0x3A0]  }
0x341: {  	v4 =	vld [tilespmem:s20+$0x3B0]  }
0x342: {  	[tilespmem:s20+$0x83F0] =	vst.add.f32.msk $0xffff, v0  }
0x343: {  	v5 =	vld [tilespmem:s20+$0x3C0]  }
0x344: {  	v6 =	vld [tilespmem:s20+$0x3D0]  }
0x345: {  	v0 =	vld [tilespmem:s20+$0x3E0]  }
0x346: {  	[tilespmem:s20+$0x8380] =	vst.add.f32.msk $0xffff, v1  }
.Ltmp23:
0x347: {  	[tilespmem:s20+$0x8390] =	vst.add.f32.msk $0xffff, v2;
	(pc) =	sbr.rel @p0 .LBB2_49-.Ltmp23, $4  }
0x348: {  	[tilespmem:s20+$0x83A0] =	vst.add.f32.msk $0xffff, v3  }
0x349: {  	[tilespmem:s20+$0x83B0] =	vst.add.f32.msk $0xffff, v4  }
0x34a: {  	[tilespmem:s20+$0x83C0] =	vst.add.f32.msk $0xffff, v5  }
0x34b: {  	s3 =	sadd.s32 $0x1000, s3;
	[tilespmem:s20+$0x83D0] =	vst.add.f32.msk $0xffff, v6  }
0x34c: {  	[tilespmem:s20+$0x83E0] =	vst.add.f32.msk $0xffff, v0;
	s3 =	sadd.s32 s19, s14;
	s20 =	simm.s32 $0x0;
	s21 =	simm.s32 $0x8000  }
0x34d: {  	[hbm4b:s3+s20] =	stream.linear.scatter [tilespmem:s21], [sflag:$0xD], $0x2000, $0x38;
	[tilespmem:$0x14000] =	vst v63  }
0x34e: {  	_ =	swait.ge [sflag:s30], $0x2000  }
0x34f: {  	[sflag:s30] =	ssyncset.done $0x0  }
0x350: {  	s20 =	simm.s32 $0x0;
	[sflag:s30] =	ssyncadd.s32 $0xFFFFE000  }
0x351: {  	v0 =	vld [tilespmem:s20+$0x70]  }
0x352: {  	v1 =	vld [tilespmem:s20+$0x0]  }
0x353: {  	v2 =	vld [tilespmem:s20+$0x10]  }
0x354: {  	v3 =	vld [tilespmem:s20+$0x20]  }
0x355: {  	v4 =	vld [tilespmem:s20+$0x30]  }
0x356: {  	v5 =	vld [tilespmem:s20+$0x40]  }
0x357: {  	v6 =	vld [tilespmem:s20+$0x50]  }
0x358: {  	[tilespmem:s20+$0xA070] =	vst.add.f32.msk $0xffff, v0  }
0x359: {  	v0 =	vld [tilespmem:s20+$0x60]  }
0x35a: {  	[tilespmem:s20+$0xA000] =	vst.add.f32.msk $0xffff, v1  }
0x35b: {  	[tilespmem:s20+$0xA010] =	vst.add.f32.msk $0xffff, v2  }
0x35c: {  	[tilespmem:s20+$0xA020] =	vst.add.f32.msk $0xffff, v3  }
0x35d: {  	[tilespmem:s20+$0xA030] =	vst.add.f32.msk $0xffff, v4  }
0x35e: {  	[tilespmem:s20+$0xA040] =	vst.add.f32.msk $0xffff, v5  }
0x35f: {  	s21 =	simm.s32 $0x0;
	s3 =	simm.s32 $0x1000;
	[tilespmem:s20+$0xA050] =	vst.add.f32.msk $0xffff, v6  }
.LBB2_51:
0x360: {  	s21 =	sadd.s32 $0x80, s21;
	[tilespmem:s20+$0xA060] =	vst.add.f32.msk $0xffff, v0;
	s20 =	sshra.s32 s3, $0x2  }
0x361: {  	v0 =	vld [tilespmem:s20+$0x70];
	p0 =	slt.u32 s21, $0x380  }
0x362: {  	v1 =	vld [tilespmem:s20+$0x0]  }
0x363: {  	v2 =	vld [tilespmem:s20+$0x10]  }
0x364: {  	v3 =	vld [tilespmem:s20+$0x20]  }
0x365: {  	v4 =	vld [tilespmem:s20+$0x30]  }
0x366: {  	[tilespmem:s20+$0xA070] =	vst.add.f32.msk $0xffff, v0  }
0x367: {  	v5 =	vld [tilespmem:s20+$0x40]  }
0x368: {  	v6 =	vld [tilespmem:s20+$0x50]  }
0x369: {  	v0 =	vld [tilespmem:s20+$0x60]  }
0x36a: {  	[tilespmem:s20+$0xA000] =	vst.add.f32.msk $0xffff, v1  }
.Ltmp24:
0x36b: {  	[tilespmem:s20+$0xA010] =	vst.add.f32.msk $0xffff, v2;
	(pc) =	sbr.rel @p0 .LBB2_51-.Ltmp24, $4  }
0x36c: {  	[tilespmem:s20+$0xA020] =	vst.add.f32.msk $0xffff, v3  }
0x36d: {  	[tilespmem:s20+$0xA030] =	vst.add.f32.msk $0xffff, v4  }
0x36e: {  	[tilespmem:s20+$0xA040] =	vst.add.f32.msk $0xffff, v5  }
0x36f: {  	s3 =	sadd.s32 $0x1000, s3;
	[tilespmem:s20+$0xA050] =	vst.add.f32.msk $0xffff, v6  }
0x370: {  	[tilespmem:s20+$0xA060] =	vst.add.f32.msk $0xffff, v0;
	s20 =	simm.s32 $0x0  }
0x371: {  	v0 =	vld [tilespmem:s20+$0xF0]  }
0x372: {  	v1 =	vld [tilespmem:s20+$0x80]  }
0x373: {  	v2 =	vld [tilespmem:s20+$0x90]  }
0x374: {  	v3 =	vld [tilespmem:s20+$0xA0]  }
0x375: {  	v4 =	vld [tilespmem:s20+$0xB0]  }
0x376: {  	v5 =	vld [tilespmem:s20+$0xC0]  }
0x377: {  	v6 =	vld [tilespmem:s20+$0xD0]  }
0x378: {  	[tilespmem:s20+$0xA0F0] =	vst.add.f32.msk $0xffff, v0  }
0x379: {  	v0 =	vld [tilespmem:s20+$0xE0]  }
0x37a: {  	[tilespmem:s20+$0xA080] =	vst.add.f32.msk $0xffff, v1  }
0x37b: {  	[tilespmem:s20+$0xA090] =	vst.add.f32.msk $0xffff, v2  }
0x37c: {  	[tilespmem:s20+$0xA0A0] =	vst.add.f32.msk $0xffff, v3  }
0x37d: {  	[tilespmem:s20+$0xA0B0] =	vst.add.f32.msk $0xffff, v4  }
0x37e: {  	[tilespmem:s20+$0xA0C0] =	vst.add.f32.msk $0xffff, v5  }
0x37f: {  	s21 =	simm.s32 $0x0;
	s3 =	simm.s32 $0x1000;
	[tilespmem:s20+$0xA0D0] =	vst.add.f32.msk $0xffff, v6  }
.LBB2_53:
0x380: {  	s21 =	sadd.s32 $0x80, s21;
	[tilespmem:s20+$0xA0E0] =	vst.add.f32.msk $0xffff, v0;
	s20 =	sshra.s32 s3, $0x2  }
0x381: {  	v0 =	vld [tilespmem:s20+$0xF0];
	p0 =	slt.u32 s21, $0x380  }
0x382: {  	v1 =	vld [tilespmem:s20+$0x80]  }
0x383: {  	v2 =	vld [tilespmem:s20+$0x90]  }
0x384: {  	v3 =	vld [tilespmem:s20+$0xA0]  }
0x385: {  	v4 =	vld [tilespmem:s20+$0xB0]  }
0x386: {  	[tilespmem:s20+$0xA0F0] =	vst.add.f32.msk $0xffff, v0  }
0x387: {  	v5 =	vld [tilespmem:s20+$0xC0]  }
0x388: {  	v6 =	vld [tilespmem:s20+$0xD0]  }
0x389: {  	v0 =	vld [tilespmem:s20+$0xE0]  }
0x38a: {  	[tilespmem:s20+$0xA080] =	vst.add.f32.msk $0xffff, v1  }
.Ltmp25:
0x38b: {  	[tilespmem:s20+$0xA090] =	vst.add.f32.msk $0xffff, v2;
	(pc) =	sbr.rel @p0 .LBB2_53-.Ltmp25, $4  }
0x38c: {  	[tilespmem:s20+$0xA0A0] =	vst.add.f32.msk $0xffff, v3  }
0x38d: {  	[tilespmem:s20+$0xA0B0] =	vst.add.f32.msk $0xffff, v4  }
0x38e: {  	[tilespmem:s20+$0xA0C0] =	vst.add.f32.msk $0xffff, v5  }
0x38f: {  	s3 =	sadd.s32 $0x1000, s3;
	[tilespmem:s20+$0xA0D0] =	vst.add.f32.msk $0xffff, v6  }
0x390: {  	[tilespmem:s20+$0xA0E0] =	vst.add.f32.msk $0xffff, v0;
	s20 =	simm.s32 $0x0  }
0x391: {  	v0 =	vld [tilespmem:s20+$0x170]  }
0x392: {  	v1 =	vld [tilespmem:s20+$0x100]  }
0x393: {  	v2 =	vld [tilespmem:s20+$0x110]  }
0x394: {  	v3 =	vld [tilespmem:s20+$0x120]  }
0x395: {  	v4 =	vld [tilespmem:s20+$0x130]  }
0x396: {  	v5 =	vld [tilespmem:s20+$0x140]  }
0x397: {  	v6 =	vld [tilespmem:s20+$0x150]  }
0x398: {  	[tilespmem:s20+$0xA170] =	vst.add.f32.msk $0xffff, v0  }
0x399: {  	v0 =	vld [tilespmem:s20+$0x160]  }
0x39a: {  	[tilespmem:s20+$0xA100] =	vst.add.f32.msk $0xffff, v1  }
0x39b: {  	[tilespmem:s20+$0xA110] =	vst.add.f32.msk $0xffff, v2  }
0x39c: {  	[tilespmem:s20+$0xA120] =	vst.add.f32.msk $0xffff, v3  }
0x39d: {  	[tilespmem:s20+$0xA130] =	vst.add.f32.msk $0xffff, v4  }
0x39e: {  	[tilespmem:s20+$0xA140] =	vst.add.f32.msk $0xffff, v5  }
0x39f: {  	s21 =	simm.s32 $0x0;
	s3 =	simm.s32 $0x1000;
	[tilespmem:s20+$0xA150] =	vst.add.f32.msk $0xffff, v6  }
.LBB2_55:
0x3a0: {  	s21 =	sadd.s32 $0x80, s21;
	[tilespmem:s20+$0xA160] =	vst.add.f32.msk $0xffff, v0;
	s20 =	sshra.s32 s3, $0x2  }
0x3a1: {  	v0 =	vld [tilespmem:s20+$0x170];
	p0 =	slt.u32 s21, $0x380  }
0x3a2: {  	v1 =	vld [tilespmem:s20+$0x100]  }
0x3a3: {  	v2 =	vld [tilespmem:s20+$0x110]  }
0x3a4: {  	v3 =	vld [tilespmem:s20+$0x120]  }
0x3a5: {  	v4 =	vld [tilespmem:s20+$0x130]  }
0x3a6: {  	[tilespmem:s20+$0xA170] =	vst.add.f32.msk $0xffff, v0  }
0x3a7: {  	v5 =	vld [tilespmem:s20+$0x140]  }
0x3a8: {  	v6 =	vld [tilespmem:s20+$0x150]  }
0x3a9: {  	v0 =	vld [tilespmem:s20+$0x160]  }
0x3aa: {  	[tilespmem:s20+$0xA100] =	vst.add.f32.msk $0xffff, v1  }
.Ltmp26:
0x3ab: {  	[tilespmem:s20+$0xA110] =	vst.add.f32.msk $0xffff, v2;
	(pc) =	sbr.rel @p0 .LBB2_55-.Ltmp26, $4  }
0x3ac: {  	[tilespmem:s20+$0xA120] =	vst.add.f32.msk $0xffff, v3  }
0x3ad: {  	[tilespmem:s20+$0xA130] =	vst.add.f32.msk $0xffff, v4  }
0x3ae: {  	[tilespmem:s20+$0xA140] =	vst.add.f32.msk $0xffff, v5  }
0x3af: {  	s3 =	sadd.s32 $0x1000, s3;
	[tilespmem:s20+$0xA150] =	vst.add.f32.msk $0xffff, v6  }
0x3b0: {  	[tilespmem:s20+$0xA160] =	vst.add.f32.msk $0xffff, v0;
	s20 =	simm.s32 $0x0  }
0x3b1: {  	v0 =	vld [tilespmem:s20+$0x1F0]  }
0x3b2: {  	v1 =	vld [tilespmem:s20+$0x180]  }
0x3b3: {  	v2 =	vld [tilespmem:s20+$0x190]  }
0x3b4: {  	v3 =	vld [tilespmem:s20+$0x1A0]  }
0x3b5: {  	v4 =	vld [tilespmem:s20+$0x1B0]  }
0x3b6: {  	v5 =	vld [tilespmem:s20+$0x1C0]  }
0x3b7: {  	v6 =	vld [tilespmem:s20+$0x1D0]  }
0x3b8: {  	[tilespmem:s20+$0xA1F0] =	vst.add.f32.msk $0xffff, v0  }
0x3b9: {  	v0 =	vld [tilespmem:s20+$0x1E0]  }
0x3ba: {  	[tilespmem:s20+$0xA180] =	vst.add.f32.msk $0xffff, v1  }
0x3bb: {  	[tilespmem:s20+$0xA190] =	vst.add.f32.msk $0xffff, v2  }
0x3bc: {  	[tilespmem:s20+$0xA1A0] =	vst.add.f32.msk $0xffff, v3  }
0x3bd: {  	[tilespmem:s20+$0xA1B0] =	vst.add.f32.msk $0xffff, v4  }
0x3be: {  	[tilespmem:s20+$0xA1C0] =	vst.add.f32.msk $0xffff, v5  }
0x3bf: {  	s21 =	simm.s32 $0x0;
	s3 =	simm.s32 $0x1000;
	[tilespmem:s20+$0xA1D0] =	vst.add.f32.msk $0xffff, v6  }
.LBB2_57:
0x3c0: {  	s21 =	sadd.s32 $0x80, s21;
	[tilespmem:s20+$0xA1E0] =	vst.add.f32.msk $0xffff, v0;
	s20 =	sshra.s32 s3, $0x2  }
0x3c1: {  	v0 =	vld [tilespmem:s20+$0x1F0];
	p0 =	slt.u32 s21, $0x380  }
0x3c2: {  	v1 =	vld [tilespmem:s20+$0x180]  }
0x3c3: {  	v2 =	vld [tilespmem:s20+$0x190]  }
0x3c4: {  	v3 =	vld [tilespmem:s20+$0x1A0]  }
0x3c5: {  	v4 =	vld [tilespmem:s20+$0x1B0]  }
0x3c6: {  	[tilespmem:s20+$0xA1F0] =	vst.add.f32.msk $0xffff, v0  }
0x3c7: {  	v5 =	vld [tilespmem:s20+$0x1C0]  }
0x3c8: {  	v6 =	vld [tilespmem:s20+$0x1D0]  }
0x3c9: {  	v0 =	vld [tilespmem:s20+$0x1E0]  }
0x3ca: {  	[tilespmem:s20+$0xA180] =	vst.add.f32.msk $0xffff, v1  }
.Ltmp27:
0x3cb: {  	[tilespmem:s20+$0xA190] =	vst.add.f32.msk $0xffff, v2;
	(pc) =	sbr.rel @p0 .LBB2_57-.Ltmp27, $4  }
0x3cc: {  	[tilespmem:s20+$0xA1A0] =	vst.add.f32.msk $0xffff, v3  }
0x3cd: {  	[tilespmem:s20+$0xA1B0] =	vst.add.f32.msk $0xffff, v4  }
0x3ce: {  	[tilespmem:s20+$0xA1C0] =	vst.add.f32.msk $0xffff, v5  }
0x3cf: {  	s3 =	sadd.s32 $0x1000, s3;
	[tilespmem:s20+$0xA1D0] =	vst.add.f32.msk $0xffff, v6  }
0x3d0: {  	[tilespmem:s20+$0xA1E0] =	vst.add.f32.msk $0xffff, v0;
	s20 =	simm.s32 $0x0  }
0x3d1: {  	v0 =	vld [tilespmem:s20+$0x270]  }
0x3d2: {  	v1 =	vld [tilespmem:s20+$0x200]  }
0x3d3: {  	v2 =	vld [tilespmem:s20+$0x210]  }
0x3d4: {  	v3 =	vld [tilespmem:s20+$0x220]  }
0x3d5: {  	v4 =	vld [tilespmem:s20+$0x230]  }
0x3d6: {  	v5 =	vld [tilespmem:s20+$0x240]  }
0x3d7: {  	v6 =	vld [tilespmem:s20+$0x250]  }
0x3d8: {  	[tilespmem:s20+$0xA270] =	vst.add.f32.msk $0xffff, v0  }
0x3d9: {  	v0 =	vld [tilespmem:s20+$0x260]  }
0x3da: {  	[tilespmem:s20+$0xA200] =	vst.add.f32.msk $0xffff, v1  }
0x3db: {  	[tilespmem:s20+$0xA210] =	vst.add.f32.msk $0xffff, v2  }
0x3dc: {  	[tilespmem:s20+$0xA220] =	vst.add.f32.msk $0xffff, v3  }
0x3dd: {  	[tilespmem:s20+$0xA230] =	vst.add.f32.msk $0xffff, v4  }
0x3de: {  	[tilespmem:s20+$0xA240] =	vst.add.f32.msk $0xffff, v5  }
0x3df: {  	s21 =	simm.s32 $0x0;
	s3 =	simm.s32 $0x1000;
	[tilespmem:s20+$0xA250] =	vst.add.f32.msk $0xffff, v6  }
.LBB2_59:
0x3e0: {  	s21 =	sadd.s32 $0x80, s21;
	[tilespmem:s20+$0xA260] =	vst.add.f32.msk $0xffff, v0;
	s20 =	sshra.s32 s3, $0x2  }
0x3e1: {  	v0 =	vld [tilespmem:s20+$0x270];
	p0 =	slt.u32 s21, $0x380  }
0x3e2: {  	v1 =	vld [tilespmem:s20+$0x200]  }
0x3e3: {  	v2 =	vld [tilespmem:s20+$0x210]  }
0x3e4: {  	v3 =	vld [tilespmem:s20+$0x220]  }
0x3e5: {  	v4 =	vld [tilespmem:s20+$0x230]  }
0x3e6: {  	[tilespmem:s20+$0xA270] =	vst.add.f32.msk $0xffff, v0  }
0x3e7: {  	v5 =	vld [tilespmem:s20+$0x240]  }
0x3e8: {  	v6 =	vld [tilespmem:s20+$0x250]  }
0x3e9: {  	v0 =	vld [tilespmem:s20+$0x260]  }
0x3ea: {  	[tilespmem:s20+$0xA200] =	vst.add.f32.msk $0xffff, v1  }
.Ltmp28:
0x3eb: {  	[tilespmem:s20+$0xA210] =	vst.add.f32.msk $0xffff, v2;
	(pc) =	sbr.rel @p0 .LBB2_59-.Ltmp28, $4  }
0x3ec: {  	[tilespmem:s20+$0xA220] =	vst.add.f32.msk $0xffff, v3  }
0x3ed: {  	[tilespmem:s20+$0xA230] =	vst.add.f32.msk $0xffff, v4  }
0x3ee: {  	[tilespmem:s20+$0xA240] =	vst.add.f32.msk $0xffff, v5  }
0x3ef: {  	s3 =	sadd.s32 $0x1000, s3;
	[tilespmem:s20+$0xA250] =	vst.add.f32.msk $0xffff, v6  }
0x3f0: {  	[tilespmem:s20+$0xA260] =	vst.add.f32.msk $0xffff, v0;
	s20 =	simm.s32 $0x0  }
0x3f1: {  	v0 =	vld [tilespmem:s20+$0x2F0]  }
0x3f2: {  	v1 =	vld [tilespmem:s20+$0x280]  }
0x3f3: {  	v2 =	vld [tilespmem:s20+$0x290]  }
0x3f4: {  	v3 =	vld [tilespmem:s20+$0x2A0]  }
0x3f5: {  	v4 =	vld [tilespmem:s20+$0x2B0]  }
0x3f6: {  	v5 =	vld [tilespmem:s20+$0x2C0]  }
0x3f7: {  	v6 =	vld [tilespmem:s20+$0x2D0]  }
0x3f8: {  	[tilespmem:s20+$0xA2F0] =	vst.add.f32.msk $0xffff, v0  }
0x3f9: {  	v0 =	vld [tilespmem:s20+$0x2E0]  }
0x3fa: {  	[tilespmem:s20+$0xA280] =	vst.add.f32.msk $0xffff, v1  }
0x3fb: {  	[tilespmem:s20+$0xA290] =	vst.add.f32.msk $0xffff, v2  }
0x3fc: {  	[tilespmem:s20+$0xA2A0] =	vst.add.f32.msk $0xffff, v3  }
0x3fd: {  	[tilespmem:s20+$0xA2B0] =	vst.add.f32.msk $0xffff, v4  }
0x3fe: {  	[tilespmem:s20+$0xA2C0] =	vst.add.f32.msk $0xffff, v5  }
0x3ff: {  	s21 =	simm.s32 $0x0;
	s3 =	simm.s32 $0x1000;
	[tilespmem:s20+$0xA2D0] =	vst.add.f32.msk $0xffff, v6  }
.LBB2_61:
0x400: {  	s21 =	sadd.s32 $0x80, s21;
	[tilespmem:s20+$0xA2E0] =	vst.add.f32.msk $0xffff, v0;
	s20 =	sshra.s32 s3, $0x2  }
0x401: {  	v0 =	vld [tilespmem:s20+$0x2F0];
	p0 =	slt.u32 s21, $0x380  }
0x402: {  	v1 =	vld [tilespmem:s20+$0x280]  }
0x403: {  	v2 =	vld [tilespmem:s20+$0x290]  }
0x404: {  	v3 =	vld [tilespmem:s20+$0x2A0]  }
0x405: {  	v4 =	vld [tilespmem:s20+$0x2B0]  }
0x406: {  	[tilespmem:s20+$0xA2F0] =	vst.add.f32.msk $0xffff, v0  }
0x407: {  	v5 =	vld [tilespmem:s20+$0x2C0]  }
0x408: {  	v6 =	vld [tilespmem:s20+$0x2D0]  }
0x409: {  	v0 =	vld [tilespmem:s20+$0x2E0]  }
0x40a: {  	[tilespmem:s20+$0xA280] =	vst.add.f32.msk $0xffff, v1  }
.Ltmp29:
0x40b: {  	[tilespmem:s20+$0xA290] =	vst.add.f32.msk $0xffff, v2;
	(pc) =	sbr.rel @p0 .LBB2_61-.Ltmp29, $4  }
0x40c: {  	[tilespmem:s20+$0xA2A0] =	vst.add.f32.msk $0xffff, v3  }
0x40d: {  	[tilespmem:s20+$0xA2B0] =	vst.add.f32.msk $0xffff, v4  }
0x40e: {  	[tilespmem:s20+$0xA2C0] =	vst.add.f32.msk $0xffff, v5  }
0x40f: {  	s3 =	sadd.s32 $0x1000, s3;
	[tilespmem:s20+$0xA2D0] =	vst.add.f32.msk $0xffff, v6  }
0x410: {  	[tilespmem:s20+$0xA2E0] =	vst.add.f32.msk $0xffff, v0;
	s20 =	simm.s32 $0x0  }
0x411: {  	v0 =	vld [tilespmem:s20+$0x370]  }
0x412: {  	v1 =	vld [tilespmem:s20+$0x300]  }
0x413: {  	v2 =	vld [tilespmem:s20+$0x310]  }
0x414: {  	v3 =	vld [tilespmem:s20+$0x320]  }
0x415: {  	v4 =	vld [tilespmem:s20+$0x330]  }
0x416: {  	v5 =	vld [tilespmem:s20+$0x340]  }
0x417: {  	v6 =	vld [tilespmem:s20+$0x350]  }
0x418: {  	[tilespmem:s20+$0xA370] =	vst.add.f32.msk $0xffff, v0  }
0x419: {  	v0 =	vld [tilespmem:s20+$0x360]  }
0x41a: {  	[tilespmem:s20+$0xA300] =	vst.add.f32.msk $0xffff, v1  }
0x41b: {  	[tilespmem:s20+$0xA310] =	vst.add.f32.msk $0xffff, v2  }
0x41c: {  	[tilespmem:s20+$0xA320] =	vst.add.f32.msk $0xffff, v3  }
0x41d: {  	[tilespmem:s20+$0xA330] =	vst.add.f32.msk $0xffff, v4  }
0x41e: {  	[tilespmem:s20+$0xA340] =	vst.add.f32.msk $0xffff, v5  }
0x41f: {  	s21 =	simm.s32 $0x0;
	s3 =	simm.s32 $0x1000;
	[tilespmem:s20+$0xA350] =	vst.add.f32.msk $0xffff, v6  }
.LBB2_63:
0x420: {  	s21 =	sadd.s32 $0x80, s21;
	[tilespmem:s20+$0xA360] =	vst.add.f32.msk $0xffff, v0;
	s20 =	sshra.s32 s3, $0x2  }
0x421: {  	v0 =	vld [tilespmem:s20+$0x370];
	p0 =	slt.u32 s21, $0x380  }
0x422: {  	v1 =	vld [tilespmem:s20+$0x300]  }
0x423: {  	v2 =	vld [tilespmem:s20+$0x310]  }
0x424: {  	v3 =	vld [tilespmem:s20+$0x320]  }
0x425: {  	v4 =	vld [tilespmem:s20+$0x330]  }
0x426: {  	[tilespmem:s20+$0xA370] =	vst.add.f32.msk $0xffff, v0  }
0x427: {  	v5 =	vld [tilespmem:s20+$0x340]  }
0x428: {  	v6 =	vld [tilespmem:s20+$0x350]  }
0x429: {  	v0 =	vld [tilespmem:s20+$0x360]  }
0x42a: {  	[tilespmem:s20+$0xA300] =	vst.add.f32.msk $0xffff, v1  }
.Ltmp30:
0x42b: {  	[tilespmem:s20+$0xA310] =	vst.add.f32.msk $0xffff, v2;
	(pc) =	sbr.rel @p0 .LBB2_63-.Ltmp30, $4  }
0x42c: {  	[tilespmem:s20+$0xA320] =	vst.add.f32.msk $0xffff, v3  }
0x42d: {  	[tilespmem:s20+$0xA330] =	vst.add.f32.msk $0xffff, v4  }
0x42e: {  	[tilespmem:s20+$0xA340] =	vst.add.f32.msk $0xffff, v5  }
0x42f: {  	s3 =	sadd.s32 $0x1000, s3;
	[tilespmem:s20+$0xA350] =	vst.add.f32.msk $0xffff, v6  }
0x430: {  	[tilespmem:s20+$0xA360] =	vst.add.f32.msk $0xffff, v0;
	s20 =	simm.s32 $0x0  }
0x431: {  	v0 =	vld [tilespmem:s20+$0x3F0]  }
0x432: {  	v1 =	vld [tilespmem:s20+$0x380]  }
0x433: {  	v2 =	vld [tilespmem:s20+$0x390]  }
0x434: {  	v3 =	vld [tilespmem:s20+$0x3A0]  }
0x435: {  	v4 =	vld [tilespmem:s20+$0x3B0]  }
0x436: {  	v5 =	vld [tilespmem:s20+$0x3C0]  }
0x437: {  	v6 =	vld [tilespmem:s20+$0x3D0]  }
0x438: {  	[tilespmem:s20+$0xA3F0] =	vst.add.f32.msk $0xffff, v0  }
0x439: {  	v0 =	vld [tilespmem:s20+$0x3E0]  }
0x43a: {  	[tilespmem:s20+$0xA380] =	vst.add.f32.msk $0xffff, v1  }
0x43b: {  	[tilespmem:s20+$0xA390] =	vst.add.f32.msk $0xffff, v2  }
0x43c: {  	[tilespmem:s20+$0xA3A0] =	vst.add.f32.msk $0xffff, v3  }
0x43d: {  	[tilespmem:s20+$0xA3B0] =	vst.add.f32.msk $0xffff, v4  }
0x43e: {  	[tilespmem:s20+$0xA3C0] =	vst.add.f32.msk $0xffff, v5  }
0x43f: {  	s21 =	simm.s32 $0x0;
	s3 =	simm.s32 $0x1000;
	[tilespmem:s20+$0xA3D0] =	vst.add.f32.msk $0xffff, v6  }
.LBB2_65:
0x440: {  	s21 =	sadd.s32 $0x80, s21;
	[tilespmem:s20+$0xA3E0] =	vst.add.f32.msk $0xffff, v0;
	s20 =	sshra.s32 s3, $0x2  }
0x441: {  	v0 =	vld [tilespmem:s20+$0x3F0];
	p0 =	slt.u32 s21, $0x380  }
0x442: {  	v1 =	vld [tilespmem:s20+$0x380]  }
0x443: {  	v2 =	vld [tilespmem:s20+$0x390]  }
0x444: {  	v3 =	vld [tilespmem:s20+$0x3A0]  }
0x445: {  	v4 =	vld [tilespmem:s20+$0x3B0]  }
0x446: {  	[tilespmem:s20+$0xA3F0] =	vst.add.f32.msk $0xffff, v0  }
0x447: {  	v5 =	vld [tilespmem:s20+$0x3C0]  }
0x448: {  	v6 =	vld [tilespmem:s20+$0x3D0]  }
0x449: {  	v0 =	vld [tilespmem:s20+$0x3E0]  }
0x44a: {  	[tilespmem:s20+$0xA380] =	vst.add.f32.msk $0xffff, v1  }
.Ltmp31:
0x44b: {  	[tilespmem:s20+$0xA390] =	vst.add.f32.msk $0xffff, v2;
	(pc) =	sbr.rel @p0 .LBB2_65-.Ltmp31, $4  }
0x44c: {  	[tilespmem:s20+$0xA3A0] =	vst.add.f32.msk $0xffff, v3  }
0x44d: {  	[tilespmem:s20+$0xA3B0] =	vst.add.f32.msk $0xffff, v4  }
0x44e: {  	[tilespmem:s20+$0xA3C0] =	vst.add.f32.msk $0xffff, v5  }
0x44f: {  	s3 =	sadd.s32 $0x1000, s3;
	[tilespmem:s20+$0xA3D0] =	vst.add.f32.msk $0xffff, v6  }
0x450: {  	[tilespmem:s20+$0xA3E0] =	vst.add.f32.msk $0xffff, v0;
	s3 =	sadd.s32 s19, s15;
	s21 =	simm.s32 $0xA000;
	p0 =	seq.s32 s7, $0xF  }
0x451: {  	[hbm4b:s3+s5] =	stream.linear.scatter [tilespmem:s21], [sflag:$0xE], $0x2000, $0x38;
	[tilespmem:$0x14000] =	vst v63  }
0x452: {  	s3 =	sadd.s32 @!p0 s18, s16  }
0x453: {  	s3 =	sshll.u32 @!p0 s3, $0xA  }
0x454: {  	s19 =	simm.s32 @!p0 $0x0;
	s18 =	sadd.s32 @!p0 s6, s3  }
0x455: {  	[tilespmem:s19], [sflag:$0x1] =	stream.linear.gather @!p0 [hbm4b:s18+s19], $0x2000, $0x38;
	[tilespmem:$0x14000] =	vst v63  }
0x456: {  	s18 =	simm.s32 @!p0 $0xB  }
0x457: {  	_ =	swait.ge @!p0 [sflag:s18], $0x2000  }
0x458: {  	[sflag:s18] =	ssyncset.done @!p0 $0x0  }
0x459: {  	s20 =	simm.s32 @!p0 $0x4000;
	[sflag:s18] =	ssyncadd.s32 @!p0 $0xFFFFE000;
	s18 =	sadd.s32 @!p0 s1, s3  }
0x45a: {  	[tilespmem:s20], [sflag:$0x3] =	stream.linear.gather @!p0 [hbm4b:s18+s19], $0x2000, $0x38;
	[tilespmem:$0x14000] =	vst v63  }
0x45b: {  	s18 =	simm.s32 @!p0 $0xC  }
0x45c: {  	s20 =	sand.u32 @!p0 $0x1FFFFC00, s3;
	_ =	swait.ge @!p0 [sflag:s18], $0x2000  }
0x45d: {  	s20 =	sadd.s32 @!p0 s1, s20;
	[sflag:s18] =	ssyncset.done @!p0 $0x0  }
0x45e: {  	s21 =	simm.s32 @!p0 $0x6000;
	[sflag:s18] =	ssyncadd.s32 @!p0 $0xFFFFE000;
	s18 =	sadd.s32 @!p0 $0x100000, s20  }
0x45f: {  	[tilespmem:s21], [sflag:$0x4] =	stream.linear.gather @!p0 [hbm4b:s18+s19], $0x2000, $0x38;
	[tilespmem:$0x14000] =	vst v63  }
0x460: {  	s18 =	simm.s32 @!p0 $0xD  }
0x461: {  	_ =	swait.ge @!p0 [sflag:s18], $0x2000  }
0x462: {  	s3 =	sor.u32 @!p0 $0x200000, s3;
	[sflag:s18] =	ssyncset.done @!p0 $0x0  }
0x463: {  	s3 =	sadd.s32 @!p0 s1, s3;
	[sflag:s18] =	ssyncadd.s32 @!p0 $0xFFFFE000;
	s18 =	simm.s32 @!p0 $0x8000  }
0x464: {  	[tilespmem:s18], [sflag:$0x5] =	stream.linear.gather @!p0 [hbm4b:s3+s19], $0x2000, $0x38;
	[tilespmem:$0x14000] =	vst v63  }
0x465: {  	s3 =	simm.s32 @!p0 $0xE  }
0x466: {  	_ =	swait.ge @!p0 [sflag:s3], $0x2000  }
0x467: {  	[sflag:s3] =	ssyncset.done @!p0 $0x0  }
0x468: {  	s18 =	simm.s32 @!p0 $0xA000;
	[sflag:s3] =	ssyncadd.s32 @!p0 $0xFFFFE000;
	s3 =	sadd.s32 @!p0 $0x300000, s20  }
0x469: {  	[tilespmem:s18], [sflag:$0x6] =	stream.linear.gather @!p0 [hbm4b:s3+s19], $0x2000, $0x38;
	[tilespmem:$0x14000] =	vst v63  }
0x46a: {  	_ =	swait.ge [sflag:s31], $0x2000  }
0x46b: {  	[sflag:s31] =	ssyncset.done $0x0  }
0x46c: {  	[sflag:s31] =	ssyncadd.s32 $0xFFFFE000  }
0x46d: {  	_ =	swait.ge [sflag:s2], $0x2000  }
0x46e: {  	[sflag:s2] =	ssyncset.done $0x0  }
0x46f: {  	s18 =	simm.s32 $0x0;
	[sflag:s2] =	ssyncadd.s32 $0xFFFFE000  }
0x470: {  	v0 =	vld [tilespmem:s18+$0x2070]  }
0x471: {  	v1 =	vld [tilespmem:s18+$0x2000]  }
0x472: {  	v2 =	vld [tilespmem:s18+$0x2010]  }
0x473: {  	v3 =	vld [tilespmem:s18+$0x2020]  }
0x474: {  	v4 =	vld [tilespmem:s18+$0x2030]  }
0x475: {  	v5 =	vld [tilespmem:s18+$0x2040]  }
0x476: {  	v6 =	vld [tilespmem:s18+$0x2050]  }
0x477: {  	[tilespmem:s18+$0xC070] =	vst.add.f32.msk $0xffff, v0  }
0x478: {  	v0 =	vld [tilespmem:s18+$0x2060]  }
0x479: {  	[tilespmem:s18+$0xC000] =	vst.add.f32.msk $0xffff, v1  }
0x47a: {  	[tilespmem:s18+$0xC010] =	vst.add.f32.msk $0xffff, v2  }
0x47b: {  	[tilespmem:s18+$0xC020] =	vst.add.f32.msk $0xffff, v3  }
0x47c: {  	[tilespmem:s18+$0xC030] =	vst.add.f32.msk $0xffff, v4  }
0x47d: {  	[tilespmem:s18+$0xC040] =	vst.add.f32.msk $0xffff, v5  }
0x47e: {  	s19 =	simm.s32 $0x0;
	s3 =	simm.s32 $0x1000;
	[tilespmem:s18+$0xC050] =	vst.add.f32.msk $0xffff, v6  }
.LBB2_67:
0x47f: {  	s19 =	sadd.s32 $0x80, s19;
	[tilespmem:s18+$0xC060] =	vst.add.f32.msk $0xffff, v0;
	s18 =	sshra.s32 s3, $0x2  }
0x480: {  	v0 =	vld [tilespmem:s18+$0x2070];
	p0 =	slt.u32 s19, $0x380  }
0x481: {  	v1 =	vld [tilespmem:s18+$0x2000]  }
0x482: {  	v2 =	vld [tilespmem:s18+$0x2010]  }
0x483: {  	v3 =	vld [tilespmem:s18+$0x2020]  }
0x484: {  	v4 =	vld [tilespmem:s18+$0x2030]  }
0x485: {  	[tilespmem:s18+$0xC070] =	vst.add.f32.msk $0xffff, v0  }
0x486: {  	v5 =	vld [tilespmem:s18+$0x2040]  }
0x487: {  	v6 =	vld [tilespmem:s18+$0x2050]  }
0x488: {  	v0 =	vld [tilespmem:s18+$0x2060]  }
0x489: {  	[tilespmem:s18+$0xC000] =	vst.add.f32.msk $0xffff, v1  }
.Ltmp32:
0x48a: {  	[tilespmem:s18+$0xC010] =	vst.add.f32.msk $0xffff, v2;
	(pc) =	sbr.rel @p0 .LBB2_67-.Ltmp32, $4  }
0x48b: {  	[tilespmem:s18+$0xC020] =	vst.add.f32.msk $0xffff, v3  }
0x48c: {  	[tilespmem:s18+$0xC030] =	vst.add.f32.msk $0xffff, v4  }
0x48d: {  	[tilespmem:s18+$0xC040] =	vst.add.f32.msk $0xffff, v5  }
0x48e: {  	s3 =	sadd.s32 $0x1000, s3;
	[tilespmem:s18+$0xC050] =	vst.add.f32.msk $0xffff, v6  }
0x48f: {  	[tilespmem:s18+$0xC060] =	vst.add.f32.msk $0xffff, v0;
	s18 =	simm.s32 $0x0  }
0x490: {  	v0 =	vld [tilespmem:s18+$0x20F0]  }
0x491: {  	v1 =	vld [tilespmem:s18+$0x2080]  }
0x492: {  	v2 =	vld [tilespmem:s18+$0x2090]  }
0x493: {  	v3 =	vld [tilespmem:s18+$0x20A0]  }
0x494: {  	v4 =	vld [tilespmem:s18+$0x20B0]  }
0x495: {  	v5 =	vld [tilespmem:s18+$0x20C0]  }
0x496: {  	v6 =	vld [tilespmem:s18+$0x20D0]  }
0x497: {  	[tilespmem:s18+$0xC0F0] =	vst.add.f32.msk $0xffff, v0  }
0x498: {  	v0 =	vld [tilespmem:s18+$0x20E0]  }
0x499: {  	[tilespmem:s18+$0xC080] =	vst.add.f32.msk $0xffff, v1  }
0x49a: {  	[tilespmem:s18+$0xC090] =	vst.add.f32.msk $0xffff, v2  }
0x49b: {  	[tilespmem:s18+$0xC0A0] =	vst.add.f32.msk $0xffff, v3  }
0x49c: {  	[tilespmem:s18+$0xC0B0] =	vst.add.f32.msk $0xffff, v4  }
0x49d: {  	[tilespmem:s18+$0xC0C0] =	vst.add.f32.msk $0xffff, v5  }
0x49e: {  	s19 =	simm.s32 $0x0;
	s3 =	simm.s32 $0x1000;
	[tilespmem:s18+$0xC0D0] =	vst.add.f32.msk $0xffff, v6  }
.LBB2_69:
0x49f: {  	s19 =	sadd.s32 $0x80, s19;
	[tilespmem:s18+$0xC0E0] =	vst.add.f32.msk $0xffff, v0;
	s18 =	sshra.s32 s3, $0x2  }
0x4a0: {  	v0 =	vld [tilespmem:s18+$0x20F0];
	p0 =	slt.u32 s19, $0x380  }
0x4a1: {  	v1 =	vld [tilespmem:s18+$0x2080]  }
0x4a2: {  	v2 =	vld [tilespmem:s18+$0x2090]  }
0x4a3: {  	v3 =	vld [tilespmem:s18+$0x20A0]  }
0x4a4: {  	v4 =	vld [tilespmem:s18+$0x20B0]  }
0x4a5: {  	[tilespmem:s18+$0xC0F0] =	vst.add.f32.msk $0xffff, v0  }
0x4a6: {  	v5 =	vld [tilespmem:s18+$0x20C0]  }
0x4a7: {  	v6 =	vld [tilespmem:s18+$0x20D0]  }
0x4a8: {  	v0 =	vld [tilespmem:s18+$0x20E0]  }
0x4a9: {  	[tilespmem:s18+$0xC080] =	vst.add.f32.msk $0xffff, v1  }
.Ltmp33:
0x4aa: {  	[tilespmem:s18+$0xC090] =	vst.add.f32.msk $0xffff, v2;
	(pc) =	sbr.rel @p0 .LBB2_69-.Ltmp33, $4  }
0x4ab: {  	[tilespmem:s18+$0xC0A0] =	vst.add.f32.msk $0xffff, v3  }
0x4ac: {  	[tilespmem:s18+$0xC0B0] =	vst.add.f32.msk $0xffff, v4  }
0x4ad: {  	[tilespmem:s18+$0xC0C0] =	vst.add.f32.msk $0xffff, v5  }
0x4ae: {  	s3 =	sadd.s32 $0x1000, s3;
	[tilespmem:s18+$0xC0D0] =	vst.add.f32.msk $0xffff, v6  }
0x4af: {  	[tilespmem:s18+$0xC0E0] =	vst.add.f32.msk $0xffff, v0;
	s18 =	simm.s32 $0x0  }
0x4b0: {  	v0 =	vld [tilespmem:s18+$0x2170]  }
0x4b1: {  	v1 =	vld [tilespmem:s18+$0x2100]  }
0x4b2: {  	v2 =	vld [tilespmem:s18+$0x2110]  }
0x4b3: {  	v3 =	vld [tilespmem:s18+$0x2120]  }
0x4b4: {  	v4 =	vld [tilespmem:s18+$0x2130]  }
0x4b5: {  	v5 =	vld [tilespmem:s18+$0x2140]  }
0x4b6: {  	v6 =	vld [tilespmem:s18+$0x2150]  }
0x4b7: {  	[tilespmem:s18+$0xC170] =	vst.add.f32.msk $0xffff, v0  }
0x4b8: {  	v0 =	vld [tilespmem:s18+$0x2160]  }
0x4b9: {  	[tilespmem:s18+$0xC100] =	vst.add.f32.msk $0xffff, v1  }
0x4ba: {  	[tilespmem:s18+$0xC110] =	vst.add.f32.msk $0xffff, v2  }
0x4bb: {  	[tilespmem:s18+$0xC120] =	vst.add.f32.msk $0xffff, v3  }
0x4bc: {  	[tilespmem:s18+$0xC130] =	vst.add.f32.msk $0xffff, v4  }
0x4bd: {  	[tilespmem:s18+$0xC140] =	vst.add.f32.msk $0xffff, v5  }
0x4be: {  	s19 =	simm.s32 $0x0;
	s3 =	simm.s32 $0x1000;
	[tilespmem:s18+$0xC150] =	vst.add.f32.msk $0xffff, v6  }
.LBB2_71:
0x4bf: {  	s19 =	sadd.s32 $0x80, s19;
	[tilespmem:s18+$0xC160] =	vst.add.f32.msk $0xffff, v0;
	s18 =	sshra.s32 s3, $0x2  }
0x4c0: {  	v0 =	vld [tilespmem:s18+$0x2170];
	p0 =	slt.u32 s19, $0x380  }
0x4c1: {  	v1 =	vld [tilespmem:s18+$0x2100]  }
0x4c2: {  	v2 =	vld [tilespmem:s18+$0x2110]  }
0x4c3: {  	v3 =	vld [tilespmem:s18+$0x2120]  }
0x4c4: {  	v4 =	vld [tilespmem:s18+$0x2130]  }
0x4c5: {  	[tilespmem:s18+$0xC170] =	vst.add.f32.msk $0xffff, v0  }
0x4c6: {  	v5 =	vld [tilespmem:s18+$0x2140]  }
0x4c7: {  	v6 =	vld [tilespmem:s18+$0x2150]  }
0x4c8: {  	v0 =	vld [tilespmem:s18+$0x2160]  }
0x4c9: {  	[tilespmem:s18+$0xC100] =	vst.add.f32.msk $0xffff, v1  }
.Ltmp34:
0x4ca: {  	[tilespmem:s18+$0xC110] =	vst.add.f32.msk $0xffff, v2;
	(pc) =	sbr.rel @p0 .LBB2_71-.Ltmp34, $4  }
0x4cb: {  	[tilespmem:s18+$0xC120] =	vst.add.f32.msk $0xffff, v3  }
0x4cc: {  	[tilespmem:s18+$0xC130] =	vst.add.f32.msk $0xffff, v4  }
0x4cd: {  	[tilespmem:s18+$0xC140] =	vst.add.f32.msk $0xffff, v5  }
0x4ce: {  	s3 =	sadd.s32 $0x1000, s3;
	[tilespmem:s18+$0xC150] =	vst.add.f32.msk $0xffff, v6  }
0x4cf: {  	[tilespmem:s18+$0xC160] =	vst.add.f32.msk $0xffff, v0;
	s18 =	simm.s32 $0x0  }
0x4d0: {  	v0 =	vld [tilespmem:s18+$0x21F0]  }
0x4d1: {  	v1 =	vld [tilespmem:s18+$0x2180]  }
0x4d2: {  	v2 =	vld [tilespmem:s18+$0x2190]  }
0x4d3: {  	v3 =	vld [tilespmem:s18+$0x21A0]  }
0x4d4: {  	v4 =	vld [tilespmem:s18+$0x21B0]  }
0x4d5: {  	v5 =	vld [tilespmem:s18+$0x21C0]  }
0x4d6: {  	v6 =	vld [tilespmem:s18+$0x21D0]  }
0x4d7: {  	[tilespmem:s18+$0xC1F0] =	vst.add.f32.msk $0xffff, v0  }
0x4d8: {  	v0 =	vld [tilespmem:s18+$0x21E0]  }
0x4d9: {  	[tilespmem:s18+$0xC180] =	vst.add.f32.msk $0xffff, v1  }
0x4da: {  	[tilespmem:s18+$0xC190] =	vst.add.f32.msk $0xffff, v2  }
0x4db: {  	[tilespmem:s18+$0xC1A0] =	vst.add.f32.msk $0xffff, v3  }
0x4dc: {  	[tilespmem:s18+$0xC1B0] =	vst.add.f32.msk $0xffff, v4  }
0x4dd: {  	[tilespmem:s18+$0xC1C0] =	vst.add.f32.msk $0xffff, v5  }
0x4de: {  	s19 =	simm.s32 $0x0;
	s3 =	simm.s32 $0x1000;
	[tilespmem:s18+$0xC1D0] =	vst.add.f32.msk $0xffff, v6  }
.LBB2_73:
0x4df: {  	s19 =	sadd.s32 $0x80, s19;
	[tilespmem:s18+$0xC1E0] =	vst.add.f32.msk $0xffff, v0;
	s18 =	sshra.s32 s3, $0x2  }
0x4e0: {  	v0 =	vld [tilespmem:s18+$0x21F0];
	p0 =	slt.u32 s19, $0x380  }
0x4e1: {  	v1 =	vld [tilespmem:s18+$0x2180]  }
0x4e2: {  	v2 =	vld [tilespmem:s18+$0x2190]  }
0x4e3: {  	v3 =	vld [tilespmem:s18+$0x21A0]  }
0x4e4: {  	v4 =	vld [tilespmem:s18+$0x21B0]  }
0x4e5: {  	[tilespmem:s18+$0xC1F0] =	vst.add.f32.msk $0xffff, v0  }
0x4e6: {  	v5 =	vld [tilespmem:s18+$0x21C0]  }
0x4e7: {  	v6 =	vld [tilespmem:s18+$0x21D0]  }
0x4e8: {  	v0 =	vld [tilespmem:s18+$0x21E0]  }
0x4e9: {  	[tilespmem:s18+$0xC180] =	vst.add.f32.msk $0xffff, v1  }
.Ltmp35:
0x4ea: {  	[tilespmem:s18+$0xC190] =	vst.add.f32.msk $0xffff, v2;
	(pc) =	sbr.rel @p0 .LBB2_73-.Ltmp35, $4  }
0x4eb: {  	[tilespmem:s18+$0xC1A0] =	vst.add.f32.msk $0xffff, v3  }
0x4ec: {  	[tilespmem:s18+$0xC1B0] =	vst.add.f32.msk $0xffff, v4  }
0x4ed: {  	[tilespmem:s18+$0xC1C0] =	vst.add.f32.msk $0xffff, v5  }
0x4ee: {  	s3 =	sadd.s32 $0x1000, s3;
	[tilespmem:s18+$0xC1D0] =	vst.add.f32.msk $0xffff, v6  }
0x4ef: {  	[tilespmem:s18+$0xC1E0] =	vst.add.f32.msk $0xffff, v0;
	s18 =	simm.s32 $0x0  }
0x4f0: {  	v0 =	vld [tilespmem:s18+$0x2270]  }
0x4f1: {  	v1 =	vld [tilespmem:s18+$0x2200]  }
0x4f2: {  	v2 =	vld [tilespmem:s18+$0x2210]  }
0x4f3: {  	v3 =	vld [tilespmem:s18+$0x2220]  }
0x4f4: {  	v4 =	vld [tilespmem:s18+$0x2230]  }
0x4f5: {  	v5 =	vld [tilespmem:s18+$0x2240]  }
0x4f6: {  	v6 =	vld [tilespmem:s18+$0x2250]  }
0x4f7: {  	[tilespmem:s18+$0xC270] =	vst.add.f32.msk $0xffff, v0  }
0x4f8: {  	v0 =	vld [tilespmem:s18+$0x2260]  }
0x4f9: {  	[tilespmem:s18+$0xC200] =	vst.add.f32.msk $0xffff, v1  }
0x4fa: {  	[tilespmem:s18+$0xC210] =	vst.add.f32.msk $0xffff, v2  }
0x4fb: {  	[tilespmem:s18+$0xC220] =	vst.add.f32.msk $0xffff, v3  }
0x4fc: {  	[tilespmem:s18+$0xC230] =	vst.add.f32.msk $0xffff, v4  }
0x4fd: {  	[tilespmem:s18+$0xC240] =	vst.add.f32.msk $0xffff, v5  }
0x4fe: {  	s19 =	simm.s32 $0x0;
	s3 =	simm.s32 $0x1000;
	[tilespmem:s18+$0xC250] =	vst.add.f32.msk $0xffff, v6  }
.LBB2_75:
0x4ff: {  	s19 =	sadd.s32 $0x80, s19;
	[tilespmem:s18+$0xC260] =	vst.add.f32.msk $0xffff, v0;
	s18 =	sshra.s32 s3, $0x2  }
0x500: {  	v0 =	vld [tilespmem:s18+$0x2270];
	p0 =	slt.u32 s19, $0x380  }
0x501: {  	v1 =	vld [tilespmem:s18+$0x2200]  }
0x502: {  	v2 =	vld [tilespmem:s18+$0x2210]  }
0x503: {  	v3 =	vld [tilespmem:s18+$0x2220]  }
0x504: {  	v4 =	vld [tilespmem:s18+$0x2230]  }
0x505: {  	[tilespmem:s18+$0xC270] =	vst.add.f32.msk $0xffff, v0  }
0x506: {  	v5 =	vld [tilespmem:s18+$0x2240]  }
0x507: {  	v6 =	vld [tilespmem:s18+$0x2250]  }
0x508: {  	v0 =	vld [tilespmem:s18+$0x2260]  }
0x509: {  	[tilespmem:s18+$0xC200] =	vst.add.f32.msk $0xffff, v1  }
.Ltmp36:
0x50a: {  	[tilespmem:s18+$0xC210] =	vst.add.f32.msk $0xffff, v2;
	(pc) =	sbr.rel @p0 .LBB2_75-.Ltmp36, $4  }
0x50b: {  	[tilespmem:s18+$0xC220] =	vst.add.f32.msk $0xffff, v3  }
0x50c: {  	[tilespmem:s18+$0xC230] =	vst.add.f32.msk $0xffff, v4  }
0x50d: {  	[tilespmem:s18+$0xC240] =	vst.add.f32.msk $0xffff, v5  }
0x50e: {  	s3 =	sadd.s32 $0x1000, s3;
	[tilespmem:s18+$0xC250] =	vst.add.f32.msk $0xffff, v6  }
0x50f: {  	[tilespmem:s18+$0xC260] =	vst.add.f32.msk $0xffff, v0;
	s18 =	simm.s32 $0x0  }
0x510: {  	v0 =	vld [tilespmem:s18+$0x22F0]  }
0x511: {  	v1 =	vld [tilespmem:s18+$0x2280]  }
0x512: {  	v2 =	vld [tilespmem:s18+$0x2290]  }
0x513: {  	v3 =	vld [tilespmem:s18+$0x22A0]  }
0x514: {  	v4 =	vld [tilespmem:s18+$0x22B0]  }
0x515: {  	v5 =	vld [tilespmem:s18+$0x22C0]  }
0x516: {  	v6 =	vld [tilespmem:s18+$0x22D0]  }
0x517: {  	[tilespmem:s18+$0xC2F0] =	vst.add.f32.msk $0xffff, v0  }
0x518: {  	v0 =	vld [tilespmem:s18+$0x22E0]  }
0x519: {  	[tilespmem:s18+$0xC280] =	vst.add.f32.msk $0xffff, v1  }
0x51a: {  	[tilespmem:s18+$0xC290] =	vst.add.f32.msk $0xffff, v2  }
0x51b: {  	[tilespmem:s18+$0xC2A0] =	vst.add.f32.msk $0xffff, v3  }
0x51c: {  	[tilespmem:s18+$0xC2B0] =	vst.add.f32.msk $0xffff, v4  }
0x51d: {  	[tilespmem:s18+$0xC2C0] =	vst.add.f32.msk $0xffff, v5  }
0x51e: {  	s19 =	simm.s32 $0x0;
	s3 =	simm.s32 $0x1000;
	[tilespmem:s18+$0xC2D0] =	vst.add.f32.msk $0xffff, v6  }
.LBB2_77:
0x51f: {  	s19 =	sadd.s32 $0x80, s19;
	[tilespmem:s18+$0xC2E0] =	vst.add.f32.msk $0xffff, v0;
	s18 =	sshra.s32 s3, $0x2  }
0x520: {  	v0 =	vld [tilespmem:s18+$0x22F0];
	p0 =	slt.u32 s19, $0x380  }
0x521: {  	v1 =	vld [tilespmem:s18+$0x2280]  }
0x522: {  	v2 =	vld [tilespmem:s18+$0x2290]  }
0x523: {  	v3 =	vld [tilespmem:s18+$0x22A0]  }
0x524: {  	v4 =	vld [tilespmem:s18+$0x22B0]  }
0x525: {  	[tilespmem:s18+$0xC2F0] =	vst.add.f32.msk $0xffff, v0  }
0x526: {  	v5 =	vld [tilespmem:s18+$0x22C0]  }
0x527: {  	v6 =	vld [tilespmem:s18+$0x22D0]  }
0x528: {  	v0 =	vld [tilespmem:s18+$0x22E0]  }
0x529: {  	[tilespmem:s18+$0xC280] =	vst.add.f32.msk $0xffff, v1  }
.Ltmp37:
0x52a: {  	[tilespmem:s18+$0xC290] =	vst.add.f32.msk $0xffff, v2;
	(pc) =	sbr.rel @p0 .LBB2_77-.Ltmp37, $4  }
0x52b: {  	[tilespmem:s18+$0xC2A0] =	vst.add.f32.msk $0xffff, v3  }
0x52c: {  	[tilespmem:s18+$0xC2B0] =	vst.add.f32.msk $0xffff, v4  }
0x52d: {  	[tilespmem:s18+$0xC2C0] =	vst.add.f32.msk $0xffff, v5  }
0x52e: {  	s3 =	sadd.s32 $0x1000, s3;
	[tilespmem:s18+$0xC2D0] =	vst.add.f32.msk $0xffff, v6  }
0x52f: {  	[tilespmem:s18+$0xC2E0] =	vst.add.f32.msk $0xffff, v0;
	s18 =	simm.s32 $0x0  }
0x530: {  	v0 =	vld [tilespmem:s18+$0x2370]  }
0x531: {  	v1 =	vld [tilespmem:s18+$0x2300]  }
0x532: {  	v2 =	vld [tilespmem:s18+$0x2310]  }
0x533: {  	v3 =	vld [tilespmem:s18+$0x2320]  }
0x534: {  	v4 =	vld [tilespmem:s18+$0x2330]  }
0x535: {  	v5 =	vld [tilespmem:s18+$0x2340]  }
0x536: {  	v6 =	vld [tilespmem:s18+$0x2350]  }
0x537: {  	[tilespmem:s18+$0xC370] =	vst.add.f32.msk $0xffff, v0  }
0x538: {  	v0 =	vld [tilespmem:s18+$0x2360]  }
0x539: {  	[tilespmem:s18+$0xC300] =	vst.add.f32.msk $0xffff, v1  }
0x53a: {  	[tilespmem:s18+$0xC310] =	vst.add.f32.msk $0xffff, v2  }
0x53b: {  	[tilespmem:s18+$0xC320] =	vst.add.f32.msk $0xffff, v3  }
0x53c: {  	[tilespmem:s18+$0xC330] =	vst.add.f32.msk $0xffff, v4  }
0x53d: {  	[tilespmem:s18+$0xC340] =	vst.add.f32.msk $0xffff, v5  }
0x53e: {  	s19 =	simm.s32 $0x0;
	s3 =	simm.s32 $0x1000;
	[tilespmem:s18+$0xC350] =	vst.add.f32.msk $0xffff, v6  }
.LBB2_79:
0x53f: {  	s19 =	sadd.s32 $0x80, s19;
	[tilespmem:s18+$0xC360] =	vst.add.f32.msk $0xffff, v0;
	s18 =	sshra.s32 s3, $0x2  }
0x540: {  	v0 =	vld [tilespmem:s18+$0x2370];
	p0 =	slt.u32 s19, $0x380  }
0x541: {  	v1 =	vld [tilespmem:s18+$0x2300]  }
0x542: {  	v2 =	vld [tilespmem:s18+$0x2310]  }
0x543: {  	v3 =	vld [tilespmem:s18+$0x2320]  }
0x544: {  	v4 =	vld [tilespmem:s18+$0x2330]  }
0x545: {  	[tilespmem:s18+$0xC370] =	vst.add.f32.msk $0xffff, v0  }
0x546: {  	v5 =	vld [tilespmem:s18+$0x2340]  }
0x547: {  	v6 =	vld [tilespmem:s18+$0x2350]  }
0x548: {  	v0 =	vld [tilespmem:s18+$0x2360]  }
0x549: {  	[tilespmem:s18+$0xC300] =	vst.add.f32.msk $0xffff, v1  }
.Ltmp38:
0x54a: {  	[tilespmem:s18+$0xC310] =	vst.add.f32.msk $0xffff, v2;
	(pc) =	sbr.rel @p0 .LBB2_79-.Ltmp38, $4  }
0x54b: {  	[tilespmem:s18+$0xC320] =	vst.add.f32.msk $0xffff, v3  }
0x54c: {  	[tilespmem:s18+$0xC330] =	vst.add.f32.msk $0xffff, v4  }
0x54d: {  	[tilespmem:s18+$0xC340] =	vst.add.f32.msk $0xffff, v5  }
0x54e: {  	s3 =	sadd.s32 $0x1000, s3;
	[tilespmem:s18+$0xC350] =	vst.add.f32.msk $0xffff, v6  }
0x54f: {  	[tilespmem:s18+$0xC360] =	vst.add.f32.msk $0xffff, v0;
	s18 =	simm.s32 $0x0  }
0x550: {  	v0 =	vld [tilespmem:s18+$0x23F0]  }
0x551: {  	v1 =	vld [tilespmem:s18+$0x2380]  }
0x552: {  	v2 =	vld [tilespmem:s18+$0x2390]  }
0x553: {  	v3 =	vld [tilespmem:s18+$0x23A0]  }
0x554: {  	v4 =	vld [tilespmem:s18+$0x23B0]  }
0x555: {  	v5 =	vld [tilespmem:s18+$0x23C0]  }
0x556: {  	v6 =	vld [tilespmem:s18+$0x23D0]  }
0x557: {  	[tilespmem:s18+$0xC3F0] =	vst.add.f32.msk $0xffff, v0  }
0x558: {  	v0 =	vld [tilespmem:s18+$0x23E0]  }
0x559: {  	[tilespmem:s18+$0xC380] =	vst.add.f32.msk $0xffff, v1  }
0x55a: {  	[tilespmem:s18+$0xC390] =	vst.add.f32.msk $0xffff, v2  }
0x55b: {  	[tilespmem:s18+$0xC3A0] =	vst.add.f32.msk $0xffff, v3  }
0x55c: {  	[tilespmem:s18+$0xC3B0] =	vst.add.f32.msk $0xffff, v4  }
0x55d: {  	[tilespmem:s18+$0xC3C0] =	vst.add.f32.msk $0xffff, v5  }
0x55e: {  	s19 =	simm.s32 $0x0;
	s3 =	simm.s32 $0x1000;
	[tilespmem:s18+$0xC3D0] =	vst.add.f32.msk $0xffff, v6  }
.LBB2_81:
0x55f: {  	s19 =	sadd.s32 $0x80, s19;
	[tilespmem:s18+$0xC3E0] =	vst.add.f32.msk $0xffff, v0;
	s18 =	sshra.s32 s3, $0x2  }
0x560: {  	v0 =	vld [tilespmem:s18+$0x23F0];
	p0 =	slt.u32 s19, $0x380  }
0x561: {  	v1 =	vld [tilespmem:s18+$0x2380]  }
0x562: {  	v2 =	vld [tilespmem:s18+$0x2390]  }
0x563: {  	v3 =	vld [tilespmem:s18+$0x23A0]  }
0x564: {  	v4 =	vld [tilespmem:s18+$0x23B0]  }
0x565: {  	[tilespmem:s18+$0xC3F0] =	vst.add.f32.msk $0xffff, v0  }
0x566: {  	v5 =	vld [tilespmem:s18+$0x23C0]  }
0x567: {  	v6 =	vld [tilespmem:s18+$0x23D0]  }
0x568: {  	v0 =	vld [tilespmem:s18+$0x23E0]  }
0x569: {  	[tilespmem:s18+$0xC380] =	vst.add.f32.msk $0xffff, v1  }
.Ltmp39:
0x56a: {  	[tilespmem:s18+$0xC390] =	vst.add.f32.msk $0xffff, v2;
	(pc) =	sbr.rel @p0 .LBB2_81-.Ltmp39, $4  }
0x56b: {  	[tilespmem:s18+$0xC3A0] =	vst.add.f32.msk $0xffff, v3  }
0x56c: {  	[tilespmem:s18+$0xC3B0] =	vst.add.f32.msk $0xffff, v4  }
0x56d: {  	[tilespmem:s18+$0xC3C0] =	vst.add.f32.msk $0xffff, v5  }
0x56e: {  	s3 =	sadd.s32 $0x1000, s3;
	[tilespmem:s18+$0xC3D0] =	vst.add.f32.msk $0xffff, v6  }
0x56f: {  	[tilespmem:s18+$0xC3E0] =	vst.add.f32.msk $0xffff, v0;
	s3 =	sadd.s32 s4, s10;
	s20 =	simm.s32 $0x0;
	s21 =	simm.s32 $0xC000  }
0x570: {  	[hbm4b:s3+s20] =	stream.linear.scatter [tilespmem:s21], [sflag:$0xF], $0x2000, $0x38;
	[tilespmem:$0x14000] =	vst v63  }
0x571: {  	_ =	swait.ge [sflag:s8], $0x2000  }
0x572: {  	[sflag:s8] =	ssyncset.done $0x0  }
0x573: {  	s10 =	simm.s32 $0x0;
	[sflag:s8] =	ssyncadd.s32 $0xFFFFE000  }
0x574: {  	v0 =	vld [tilespmem:s10+$0x2070]  }
0x575: {  	v1 =	vld [tilespmem:s10+$0x2000]  }
0x576: {  	v2 =	vld [tilespmem:s10+$0x2010]  }
0x577: {  	v3 =	vld [tilespmem:s10+$0x2020]  }
0x578: {  	v4 =	vld [tilespmem:s10+$0x2030]  }
0x579: {  	v5 =	vld [tilespmem:s10+$0x2040]  }
0x57a: {  	v6 =	vld [tilespmem:s10+$0x2050]  }
0x57b: {  	[tilespmem:s10+$0xE070] =	vst.add.f32.msk $0xffff, v0  }
0x57c: {  	v0 =	vld [tilespmem:s10+$0x2060]  }
0x57d: {  	[tilespmem:s10+$0xE000] =	vst.add.f32.msk $0xffff, v1  }
0x57e: {  	[tilespmem:s10+$0xE010] =	vst.add.f32.msk $0xffff, v2  }
0x57f: {  	[tilespmem:s10+$0xE020] =	vst.add.f32.msk $0xffff, v3  }
0x580: {  	[tilespmem:s10+$0xE030] =	vst.add.f32.msk $0xffff, v4  }
0x581: {  	[tilespmem:s10+$0xE040] =	vst.add.f32.msk $0xffff, v5  }
0x582: {  	s18 =	simm.s32 $0x0;
	s3 =	simm.s32 $0x1000;
	[tilespmem:s10+$0xE050] =	vst.add.f32.msk $0xffff, v6  }
.LBB2_83:
0x583: {  	s18 =	sadd.s32 $0x80, s18;
	[tilespmem:s10+$0xE060] =	vst.add.f32.msk $0xffff, v0;
	s10 =	sshra.s32 s3, $0x2  }
0x584: {  	v0 =	vld [tilespmem:s10+$0x2070];
	p0 =	slt.u32 s18, $0x380  }
0x585: {  	v1 =	vld [tilespmem:s10+$0x2000]  }
0x586: {  	v2 =	vld [tilespmem:s10+$0x2010]  }
0x587: {  	v3 =	vld [tilespmem:s10+$0x2020]  }
0x588: {  	v4 =	vld [tilespmem:s10+$0x2030]  }
0x589: {  	[tilespmem:s10+$0xE070] =	vst.add.f32.msk $0xffff, v0  }
0x58a: {  	v5 =	vld [tilespmem:s10+$0x2040]  }
0x58b: {  	v6 =	vld [tilespmem:s10+$0x2050]  }
0x58c: {  	v0 =	vld [tilespmem:s10+$0x2060]  }
0x58d: {  	[tilespmem:s10+$0xE000] =	vst.add.f32.msk $0xffff, v1  }
.Ltmp40:
0x58e: {  	[tilespmem:s10+$0xE010] =	vst.add.f32.msk $0xffff, v2;
	(pc) =	sbr.rel @p0 .LBB2_83-.Ltmp40, $4  }
0x58f: {  	[tilespmem:s10+$0xE020] =	vst.add.f32.msk $0xffff, v3  }
0x590: {  	[tilespmem:s10+$0xE030] =	vst.add.f32.msk $0xffff, v4  }
0x591: {  	[tilespmem:s10+$0xE040] =	vst.add.f32.msk $0xffff, v5  }
0x592: {  	s3 =	sadd.s32 $0x1000, s3;
	[tilespmem:s10+$0xE050] =	vst.add.f32.msk $0xffff, v6  }
0x593: {  	[tilespmem:s10+$0xE060] =	vst.add.f32.msk $0xffff, v0;
	s10 =	simm.s32 $0x0  }
0x594: {  	v0 =	vld [tilespmem:s10+$0x20F0]  }
0x595: {  	v1 =	vld [tilespmem:s10+$0x2080]  }
0x596: {  	v2 =	vld [tilespmem:s10+$0x2090]  }
0x597: {  	v3 =	vld [tilespmem:s10+$0x20A0]  }
0x598: {  	v4 =	vld [tilespmem:s10+$0x20B0]  }
0x599: {  	v5 =	vld [tilespmem:s10+$0x20C0]  }
0x59a: {  	v6 =	vld [tilespmem:s10+$0x20D0]  }
0x59b: {  	[tilespmem:s10+$0xE0F0] =	vst.add.f32.msk $0xffff, v0  }
0x59c: {  	v0 =	vld [tilespmem:s10+$0x20E0]  }
0x59d: {  	[tilespmem:s10+$0xE080] =	vst.add.f32.msk $0xffff, v1  }
0x59e: {  	[tilespmem:s10+$0xE090] =	vst.add.f32.msk $0xffff, v2  }
0x59f: {  	[tilespmem:s10+$0xE0A0] =	vst.add.f32.msk $0xffff, v3  }
0x5a0: {  	[tilespmem:s10+$0xE0B0] =	vst.add.f32.msk $0xffff, v4  }
0x5a1: {  	[tilespmem:s10+$0xE0C0] =	vst.add.f32.msk $0xffff, v5  }
0x5a2: {  	s18 =	simm.s32 $0x0;
	s3 =	simm.s32 $0x1000;
	[tilespmem:s10+$0xE0D0] =	vst.add.f32.msk $0xffff, v6  }
.LBB2_85:
0x5a3: {  	s18 =	sadd.s32 $0x80, s18;
	[tilespmem:s10+$0xE0E0] =	vst.add.f32.msk $0xffff, v0;
	s10 =	sshra.s32 s3, $0x2  }
0x5a4: {  	v0 =	vld [tilespmem:s10+$0x20F0];
	p0 =	slt.u32 s18, $0x380  }
0x5a5: {  	v1 =	vld [tilespmem:s10+$0x2080]  }
0x5a6: {  	v2 =	vld [tilespmem:s10+$0x2090]  }
0x5a7: {  	v3 =	vld [tilespmem:s10+$0x20A0]  }
0x5a8: {  	v4 =	vld [tilespmem:s10+$0x20B0]  }
0x5a9: {  	[tilespmem:s10+$0xE0F0] =	vst.add.f32.msk $0xffff, v0  }
0x5aa: {  	v5 =	vld [tilespmem:s10+$0x20C0]  }
0x5ab: {  	v6 =	vld [tilespmem:s10+$0x20D0]  }
0x5ac: {  	v0 =	vld [tilespmem:s10+$0x20E0]  }
0x5ad: {  	[tilespmem:s10+$0xE080] =	vst.add.f32.msk $0xffff, v1  }
.Ltmp41:
0x5ae: {  	[tilespmem:s10+$0xE090] =	vst.add.f32.msk $0xffff, v2;
	(pc) =	sbr.rel @p0 .LBB2_85-.Ltmp41, $4  }
0x5af: {  	[tilespmem:s10+$0xE0A0] =	vst.add.f32.msk $0xffff, v3  }
0x5b0: {  	[tilespmem:s10+$0xE0B0] =	vst.add.f32.msk $0xffff, v4  }
0x5b1: {  	[tilespmem:s10+$0xE0C0] =	vst.add.f32.msk $0xffff, v5  }
0x5b2: {  	s3 =	sadd.s32 $0x1000, s3;
	[tilespmem:s10+$0xE0D0] =	vst.add.f32.msk $0xffff, v6  }
0x5b3: {  	[tilespmem:s10+$0xE0E0] =	vst.add.f32.msk $0xffff, v0;
	s10 =	simm.s32 $0x0  }
0x5b4: {  	v0 =	vld [tilespmem:s10+$0x2170]  }
0x5b5: {  	v1 =	vld [tilespmem:s10+$0x2100]  }
0x5b6: {  	v2 =	vld [tilespmem:s10+$0x2110]  }
0x5b7: {  	v3 =	vld [tilespmem:s10+$0x2120]  }
0x5b8: {  	v4 =	vld [tilespmem:s10+$0x2130]  }
0x5b9: {  	v5 =	vld [tilespmem:s10+$0x2140]  }
0x5ba: {  	v6 =	vld [tilespmem:s10+$0x2150]  }
0x5bb: {  	[tilespmem:s10+$0xE170] =	vst.add.f32.msk $0xffff, v0  }
0x5bc: {  	v0 =	vld [tilespmem:s10+$0x2160]  }
0x5bd: {  	[tilespmem:s10+$0xE100] =	vst.add.f32.msk $0xffff, v1  }
0x5be: {  	[tilespmem:s10+$0xE110] =	vst.add.f32.msk $0xffff, v2  }
0x5bf: {  	[tilespmem:s10+$0xE120] =	vst.add.f32.msk $0xffff, v3  }
0x5c0: {  	[tilespmem:s10+$0xE130] =	vst.add.f32.msk $0xffff, v4  }
0x5c1: {  	[tilespmem:s10+$0xE140] =	vst.add.f32.msk $0xffff, v5  }
0x5c2: {  	s18 =	simm.s32 $0x0;
	s3 =	simm.s32 $0x1000;
	[tilespmem:s10+$0xE150] =	vst.add.f32.msk $0xffff, v6  }
.LBB2_87:
0x5c3: {  	s18 =	sadd.s32 $0x80, s18;
	[tilespmem:s10+$0xE160] =	vst.add.f32.msk $0xffff, v0;
	s10 =	sshra.s32 s3, $0x2  }
0x5c4: {  	v0 =	vld [tilespmem:s10+$0x2170];
	p0 =	slt.u32 s18, $0x380  }
0x5c5: {  	v1 =	vld [tilespmem:s10+$0x2100]  }
0x5c6: {  	v2 =	vld [tilespmem:s10+$0x2110]  }
0x5c7: {  	v3 =	vld [tilespmem:s10+$0x2120]  }
0x5c8: {  	v4 =	vld [tilespmem:s10+$0x2130]  }
0x5c9: {  	[tilespmem:s10+$0xE170] =	vst.add.f32.msk $0xffff, v0  }
0x5ca: {  	v5 =	vld [tilespmem:s10+$0x2140]  }
0x5cb: {  	v6 =	vld [tilespmem:s10+$0x2150]  }
0x5cc: {  	v0 =	vld [tilespmem:s10+$0x2160]  }
0x5cd: {  	[tilespmem:s10+$0xE100] =	vst.add.f32.msk $0xffff, v1  }
.Ltmp42:
0x5ce: {  	[tilespmem:s10+$0xE110] =	vst.add.f32.msk $0xffff, v2;
	(pc) =	sbr.rel @p0 .LBB2_87-.Ltmp42, $4  }
0x5cf: {  	[tilespmem:s10+$0xE120] =	vst.add.f32.msk $0xffff, v3  }
0x5d0: {  	[tilespmem:s10+$0xE130] =	vst.add.f32.msk $0xffff, v4  }
0x5d1: {  	[tilespmem:s10+$0xE140] =	vst.add.f32.msk $0xffff, v5  }
0x5d2: {  	s3 =	sadd.s32 $0x1000, s3;
	[tilespmem:s10+$0xE150] =	vst.add.f32.msk $0xffff, v6  }
0x5d3: {  	[tilespmem:s10+$0xE160] =	vst.add.f32.msk $0xffff, v0;
	s10 =	simm.s32 $0x0  }
0x5d4: {  	v0 =	vld [tilespmem:s10+$0x21F0]  }
0x5d5: {  	v1 =	vld [tilespmem:s10+$0x2180]  }
0x5d6: {  	v2 =	vld [tilespmem:s10+$0x2190]  }
0x5d7: {  	v3 =	vld [tilespmem:s10+$0x21A0]  }
0x5d8: {  	v4 =	vld [tilespmem:s10+$0x21B0]  }
0x5d9: {  	v5 =	vld [tilespmem:s10+$0x21C0]  }
0x5da: {  	v6 =	vld [tilespmem:s10+$0x21D0]  }
0x5db: {  	[tilespmem:s10+$0xE1F0] =	vst.add.f32.msk $0xffff, v0  }
0x5dc: {  	v0 =	vld [tilespmem:s10+$0x21E0]  }
0x5dd: {  	[tilespmem:s10+$0xE180] =	vst.add.f32.msk $0xffff, v1  }
0x5de: {  	[tilespmem:s10+$0xE190] =	vst.add.f32.msk $0xffff, v2  }
0x5df: {  	[tilespmem:s10+$0xE1A0] =	vst.add.f32.msk $0xffff, v3  }
0x5e0: {  	[tilespmem:s10+$0xE1B0] =	vst.add.f32.msk $0xffff, v4  }
0x5e1: {  	[tilespmem:s10+$0xE1C0] =	vst.add.f32.msk $0xffff, v5  }
0x5e2: {  	s18 =	simm.s32 $0x0;
	s3 =	simm.s32 $0x1000;
	[tilespmem:s10+$0xE1D0] =	vst.add.f32.msk $0xffff, v6  }
.LBB2_89:
0x5e3: {  	s18 =	sadd.s32 $0x80, s18;
	[tilespmem:s10+$0xE1E0] =	vst.add.f32.msk $0xffff, v0;
	s10 =	sshra.s32 s3, $0x2  }
0x5e4: {  	v0 =	vld [tilespmem:s10+$0x21F0];
	p0 =	slt.u32 s18, $0x380  }
0x5e5: {  	v1 =	vld [tilespmem:s10+$0x2180]  }
0x5e6: {  	v2 =	vld [tilespmem:s10+$0x2190]  }
0x5e7: {  	v3 =	vld [tilespmem:s10+$0x21A0]  }
0x5e8: {  	v4 =	vld [tilespmem:s10+$0x21B0]  }
0x5e9: {  	[tilespmem:s10+$0xE1F0] =	vst.add.f32.msk $0xffff, v0  }
0x5ea: {  	v5 =	vld [tilespmem:s10+$0x21C0]  }
0x5eb: {  	v6 =	vld [tilespmem:s10+$0x21D0]  }
0x5ec: {  	v0 =	vld [tilespmem:s10+$0x21E0]  }
0x5ed: {  	[tilespmem:s10+$0xE180] =	vst.add.f32.msk $0xffff, v1  }
.Ltmp43:
0x5ee: {  	[tilespmem:s10+$0xE190] =	vst.add.f32.msk $0xffff, v2;
	(pc) =	sbr.rel @p0 .LBB2_89-.Ltmp43, $4  }
0x5ef: {  	[tilespmem:s10+$0xE1A0] =	vst.add.f32.msk $0xffff, v3  }
0x5f0: {  	[tilespmem:s10+$0xE1B0] =	vst.add.f32.msk $0xffff, v4  }
0x5f1: {  	[tilespmem:s10+$0xE1C0] =	vst.add.f32.msk $0xffff, v5  }
0x5f2: {  	s3 =	sadd.s32 $0x1000, s3;
	[tilespmem:s10+$0xE1D0] =	vst.add.f32.msk $0xffff, v6  }
0x5f3: {  	[tilespmem:s10+$0xE1E0] =	vst.add.f32.msk $0xffff, v0;
	s10 =	simm.s32 $0x0  }
0x5f4: {  	v0 =	vld [tilespmem:s10+$0x2270]  }
0x5f5: {  	v1 =	vld [tilespmem:s10+$0x2200]  }
0x5f6: {  	v2 =	vld [tilespmem:s10+$0x2210]  }
0x5f7: {  	v3 =	vld [tilespmem:s10+$0x2220]  }
0x5f8: {  	v4 =	vld [tilespmem:s10+$0x2230]  }
0x5f9: {  	v5 =	vld [tilespmem:s10+$0x2240]  }
0x5fa: {  	v6 =	vld [tilespmem:s10+$0x2250]  }
0x5fb: {  	[tilespmem:s10+$0xE270] =	vst.add.f32.msk $0xffff, v0  }
0x5fc: {  	v0 =	vld [tilespmem:s10+$0x2260]  }
0x5fd: {  	[tilespmem:s10+$0xE200] =	vst.add.f32.msk $0xffff, v1  }
0x5fe: {  	[tilespmem:s10+$0xE210] =	vst.add.f32.msk $0xffff, v2  }
0x5ff: {  	[tilespmem:s10+$0xE220] =	vst.add.f32.msk $0xffff, v3  }
0x600: {  	[tilespmem:s10+$0xE230] =	vst.add.f32.msk $0xffff, v4  }
0x601: {  	[tilespmem:s10+$0xE240] =	vst.add.f32.msk $0xffff, v5  }
0x602: {  	s18 =	simm.s32 $0x0;
	s3 =	simm.s32 $0x1000;
	[tilespmem:s10+$0xE250] =	vst.add.f32.msk $0xffff, v6  }
.LBB2_91:
0x603: {  	s18 =	sadd.s32 $0x80, s18;
	[tilespmem:s10+$0xE260] =	vst.add.f32.msk $0xffff, v0;
	s10 =	sshra.s32 s3, $0x2  }
0x604: {  	v0 =	vld [tilespmem:s10+$0x2270];
	p0 =	slt.u32 s18, $0x380  }
0x605: {  	v1 =	vld [tilespmem:s10+$0x2200]  }
0x606: {  	v2 =	vld [tilespmem:s10+$0x2210]  }
0x607: {  	v3 =	vld [tilespmem:s10+$0x2220]  }
0x608: {  	v4 =	vld [tilespmem:s10+$0x2230]  }
0x609: {  	[tilespmem:s10+$0xE270] =	vst.add.f32.msk $0xffff, v0  }
0x60a: {  	v5 =	vld [tilespmem:s10+$0x2240]  }
0x60b: {  	v6 =	vld [tilespmem:s10+$0x2250]  }
0x60c: {  	v0 =	vld [tilespmem:s10+$0x2260]  }
0x60d: {  	[tilespmem:s10+$0xE200] =	vst.add.f32.msk $0xffff, v1  }
.Ltmp44:
0x60e: {  	[tilespmem:s10+$0xE210] =	vst.add.f32.msk $0xffff, v2;
	(pc) =	sbr.rel @p0 .LBB2_91-.Ltmp44, $4  }
0x60f: {  	[tilespmem:s10+$0xE220] =	vst.add.f32.msk $0xffff, v3  }
0x610: {  	[tilespmem:s10+$0xE230] =	vst.add.f32.msk $0xffff, v4  }
0x611: {  	[tilespmem:s10+$0xE240] =	vst.add.f32.msk $0xffff, v5  }
0x612: {  	s3 =	sadd.s32 $0x1000, s3;
	[tilespmem:s10+$0xE250] =	vst.add.f32.msk $0xffff, v6  }
0x613: {  	[tilespmem:s10+$0xE260] =	vst.add.f32.msk $0xffff, v0;
	s10 =	simm.s32 $0x0  }
0x614: {  	v0 =	vld [tilespmem:s10+$0x22F0]  }
0x615: {  	v1 =	vld [tilespmem:s10+$0x2280]  }
0x616: {  	v2 =	vld [tilespmem:s10+$0x2290]  }
0x617: {  	v3 =	vld [tilespmem:s10+$0x22A0]  }
0x618: {  	v4 =	vld [tilespmem:s10+$0x22B0]  }
0x619: {  	v5 =	vld [tilespmem:s10+$0x22C0]  }
0x61a: {  	v6 =	vld [tilespmem:s10+$0x22D0]  }
0x61b: {  	[tilespmem:s10+$0xE2F0] =	vst.add.f32.msk $0xffff, v0  }
0x61c: {  	v0 =	vld [tilespmem:s10+$0x22E0]  }
0x61d: {  	[tilespmem:s10+$0xE280] =	vst.add.f32.msk $0xffff, v1  }
0x61e: {  	[tilespmem:s10+$0xE290] =	vst.add.f32.msk $0xffff, v2  }
0x61f: {  	[tilespmem:s10+$0xE2A0] =	vst.add.f32.msk $0xffff, v3  }
0x620: {  	[tilespmem:s10+$0xE2B0] =	vst.add.f32.msk $0xffff, v4  }
0x621: {  	[tilespmem:s10+$0xE2C0] =	vst.add.f32.msk $0xffff, v5  }
0x622: {  	s18 =	simm.s32 $0x0;
	s3 =	simm.s32 $0x1000;
	[tilespmem:s10+$0xE2D0] =	vst.add.f32.msk $0xffff, v6  }
.LBB2_93:
0x623: {  	s18 =	sadd.s32 $0x80, s18;
	[tilespmem:s10+$0xE2E0] =	vst.add.f32.msk $0xffff, v0;
	s10 =	sshra.s32 s3, $0x2  }
0x624: {  	v0 =	vld [tilespmem:s10+$0x22F0];
	p0 =	slt.u32 s18, $0x380  }
0x625: {  	v1 =	vld [tilespmem:s10+$0x2280]  }
0x626: {  	v2 =	vld [tilespmem:s10+$0x2290]  }
0x627: {  	v3 =	vld [tilespmem:s10+$0x22A0]  }
0x628: {  	v4 =	vld [tilespmem:s10+$0x22B0]  }
0x629: {  	[tilespmem:s10+$0xE2F0] =	vst.add.f32.msk $0xffff, v0  }
0x62a: {  	v5 =	vld [tilespmem:s10+$0x22C0]  }
0x62b: {  	v6 =	vld [tilespmem:s10+$0x22D0]  }
0x62c: {  	v0 =	vld [tilespmem:s10+$0x22E0]  }
0x62d: {  	[tilespmem:s10+$0xE280] =	vst.add.f32.msk $0xffff, v1  }
.Ltmp45:
0x62e: {  	[tilespmem:s10+$0xE290] =	vst.add.f32.msk $0xffff, v2;
	(pc) =	sbr.rel @p0 .LBB2_93-.Ltmp45, $4  }
0x62f: {  	[tilespmem:s10+$0xE2A0] =	vst.add.f32.msk $0xffff, v3  }
0x630: {  	[tilespmem:s10+$0xE2B0] =	vst.add.f32.msk $0xffff, v4  }
0x631: {  	[tilespmem:s10+$0xE2C0] =	vst.add.f32.msk $0xffff, v5  }
0x632: {  	s3 =	sadd.s32 $0x1000, s3;
	[tilespmem:s10+$0xE2D0] =	vst.add.f32.msk $0xffff, v6  }
0x633: {  	[tilespmem:s10+$0xE2E0] =	vst.add.f32.msk $0xffff, v0;
	s10 =	simm.s32 $0x0  }
0x634: {  	v0 =	vld [tilespmem:s10+$0x2370]  }
0x635: {  	v1 =	vld [tilespmem:s10+$0x2300]  }
0x636: {  	v2 =	vld [tilespmem:s10+$0x2310]  }
0x637: {  	v3 =	vld [tilespmem:s10+$0x2320]  }
0x638: {  	v4 =	vld [tilespmem:s10+$0x2330]  }
0x639: {  	v5 =	vld [tilespmem:s10+$0x2340]  }
0x63a: {  	v6 =	vld [tilespmem:s10+$0x2350]  }
0x63b: {  	[tilespmem:s10+$0xE370] =	vst.add.f32.msk $0xffff, v0  }
0x63c: {  	v0 =	vld [tilespmem:s10+$0x2360]  }
0x63d: {  	[tilespmem:s10+$0xE300] =	vst.add.f32.msk $0xffff, v1  }
0x63e: {  	[tilespmem:s10+$0xE310] =	vst.add.f32.msk $0xffff, v2  }
0x63f: {  	[tilespmem:s10+$0xE320] =	vst.add.f32.msk $0xffff, v3  }
0x640: {  	[tilespmem:s10+$0xE330] =	vst.add.f32.msk $0xffff, v4  }
0x641: {  	[tilespmem:s10+$0xE340] =	vst.add.f32.msk $0xffff, v5  }
0x642: {  	s18 =	simm.s32 $0x0;
	s3 =	simm.s32 $0x1000;
	[tilespmem:s10+$0xE350] =	vst.add.f32.msk $0xffff, v6  }
.LBB2_95:
0x643: {  	s18 =	sadd.s32 $0x80, s18;
	[tilespmem:s10+$0xE360] =	vst.add.f32.msk $0xffff, v0;
	s10 =	sshra.s32 s3, $0x2  }
0x644: {  	v0 =	vld [tilespmem:s10+$0x2370];
	p0 =	slt.u32 s18, $0x380  }
0x645: {  	v1 =	vld [tilespmem:s10+$0x2300]  }
0x646: {  	v2 =	vld [tilespmem:s10+$0x2310]  }
0x647: {  	v3 =	vld [tilespmem:s10+$0x2320]  }
0x648: {  	v4 =	vld [tilespmem:s10+$0x2330]  }
0x649: {  	[tilespmem:s10+$0xE370] =	vst.add.f32.msk $0xffff, v0  }
0x64a: {  	v5 =	vld [tilespmem:s10+$0x2340]  }
0x64b: {  	v6 =	vld [tilespmem:s10+$0x2350]  }
0x64c: {  	v0 =	vld [tilespmem:s10+$0x2360]  }
0x64d: {  	[tilespmem:s10+$0xE300] =	vst.add.f32.msk $0xffff, v1  }
.Ltmp46:
0x64e: {  	[tilespmem:s10+$0xE310] =	vst.add.f32.msk $0xffff, v2;
	(pc) =	sbr.rel @p0 .LBB2_95-.Ltmp46, $4  }
0x64f: {  	[tilespmem:s10+$0xE320] =	vst.add.f32.msk $0xffff, v3  }
0x650: {  	[tilespmem:s10+$0xE330] =	vst.add.f32.msk $0xffff, v4  }
0x651: {  	[tilespmem:s10+$0xE340] =	vst.add.f32.msk $0xffff, v5  }
0x652: {  	s3 =	sadd.s32 $0x1000, s3;
	[tilespmem:s10+$0xE350] =	vst.add.f32.msk $0xffff, v6  }
0x653: {  	[tilespmem:s10+$0xE360] =	vst.add.f32.msk $0xffff, v0;
	s10 =	simm.s32 $0x0  }
0x654: {  	v0 =	vld [tilespmem:s10+$0x23F0]  }
0x655: {  	v1 =	vld [tilespmem:s10+$0x2380]  }
0x656: {  	v2 =	vld [tilespmem:s10+$0x2390]  }
0x657: {  	v3 =	vld [tilespmem:s10+$0x23A0]  }
0x658: {  	v4 =	vld [tilespmem:s10+$0x23B0]  }
0x659: {  	v5 =	vld [tilespmem:s10+$0x23C0]  }
0x65a: {  	v6 =	vld [tilespmem:s10+$0x23D0]  }
0x65b: {  	[tilespmem:s10+$0xE3F0] =	vst.add.f32.msk $0xffff, v0  }
0x65c: {  	v0 =	vld [tilespmem:s10+$0x23E0]  }
0x65d: {  	[tilespmem:s10+$0xE380] =	vst.add.f32.msk $0xffff, v1  }
0x65e: {  	[tilespmem:s10+$0xE390] =	vst.add.f32.msk $0xffff, v2  }
0x65f: {  	[tilespmem:s10+$0xE3A0] =	vst.add.f32.msk $0xffff, v3  }
0x660: {  	[tilespmem:s10+$0xE3B0] =	vst.add.f32.msk $0xffff, v4  }
0x661: {  	[tilespmem:s10+$0xE3C0] =	vst.add.f32.msk $0xffff, v5  }
0x662: {  	s18 =	simm.s32 $0x0;
	s3 =	simm.s32 $0x1000;
	[tilespmem:s10+$0xE3D0] =	vst.add.f32.msk $0xffff, v6  }
.LBB2_97:
0x663: {  	s18 =	sadd.s32 $0x80, s18;
	[tilespmem:s10+$0xE3E0] =	vst.add.f32.msk $0xffff, v0;
	s10 =	sshra.s32 s3, $0x2  }
0x664: {  	v0 =	vld [tilespmem:s10+$0x23F0];
	p0 =	slt.u32 s18, $0x380  }
0x665: {  	v1 =	vld [tilespmem:s10+$0x2380]  }
0x666: {  	v2 =	vld [tilespmem:s10+$0x2390]  }
0x667: {  	v3 =	vld [tilespmem:s10+$0x23A0]  }
0x668: {  	v4 =	vld [tilespmem:s10+$0x23B0]  }
0x669: {  	[tilespmem:s10+$0xE3F0] =	vst.add.f32.msk $0xffff, v0  }
0x66a: {  	v5 =	vld [tilespmem:s10+$0x23C0]  }
0x66b: {  	v6 =	vld [tilespmem:s10+$0x23D0]  }
0x66c: {  	v0 =	vld [tilespmem:s10+$0x23E0]  }
0x66d: {  	[tilespmem:s10+$0xE380] =	vst.add.f32.msk $0xffff, v1  }
.Ltmp47:
0x66e: {  	[tilespmem:s10+$0xE390] =	vst.add.f32.msk $0xffff, v2;
	(pc) =	sbr.rel @p0 .LBB2_97-.Ltmp47, $4  }
0x66f: {  	[tilespmem:s10+$0xE3A0] =	vst.add.f32.msk $0xffff, v3  }
0x670: {  	[tilespmem:s10+$0xE3B0] =	vst.add.f32.msk $0xffff, v4  }
0x671: {  	[tilespmem:s10+$0xE3C0] =	vst.add.f32.msk $0xffff, v5  }
0x672: {  	s3 =	sadd.s32 $0x1000, s3;
	[tilespmem:s10+$0xE3D0] =	vst.add.f32.msk $0xffff, v6  }
0x673: {  	[tilespmem:s10+$0xE3E0] =	vst.add.f32.msk $0xffff, v0;
	s0 =	sadd.s32 s4, s0;
	s3 =	simm.s32 $0x0  }
0x674: {  	[hbm4b:s0+s3] =	stream.linear.scatter [tilespmem:s23], [sflag:$0x10], $0x2000, $0x38;
	[tilespmem:$0x14000] =	vst v63  }
0x675: {  	_ =	swait.ge [sflag:s9], $0x2000  }
0x676: {  	[sflag:s9] =	ssyncset.done $0x0  }
0x677: {  	s0 =	simm.s32 $0x0;
	[sflag:s9] =	ssyncadd.s32 $0xFFFFE000  }
0x678: {  	v0 =	vld [tilespmem:s0+$0x2070]  }
0x679: {  	v1 =	vld [tilespmem:s0+$0x2000]  }
0x67a: {  	v2 =	vld [tilespmem:s0+$0x2010]  }
0x67b: {  	v3 =	vld [tilespmem:s0+$0x2020]  }
0x67c: {  	v4 =	vld [tilespmem:s0+$0x2030]  }
0x67d: {  	v5 =	vld [tilespmem:s0+$0x2040]  }
0x67e: {  	v6 =	vld [tilespmem:s0+$0x2050]  }
0x67f: {  	[tilespmem:s0+$0x10070] =	vst.add.f32.msk $0xffff, v0  }
0x680: {  	v0 =	vld [tilespmem:s0+$0x2060]  }
0x681: {  	[tilespmem:s0+$0x10000] =	vst.add.f32.msk $0xffff, v1  }
0x682: {  	[tilespmem:s0+$0x10010] =	vst.add.f32.msk $0xffff, v2  }
0x683: {  	[tilespmem:s0+$0x10020] =	vst.add.f32.msk $0xffff, v3  }
0x684: {  	[tilespmem:s0+$0x10030] =	vst.add.f32.msk $0xffff, v4  }
0x685: {  	[tilespmem:s0+$0x10040] =	vst.add.f32.msk $0xffff, v5  }
0x686: {  	s10 =	simm.s32 $0x0;
	s3 =	simm.s32 $0x1000;
	[tilespmem:s0+$0x10050] =	vst.add.f32.msk $0xffff, v6  }
.LBB2_99:
0x687: {  	s10 =	sadd.s32 $0x80, s10;
	[tilespmem:s0+$0x10060] =	vst.add.f32.msk $0xffff, v0;
	s0 =	sshra.s32 s3, $0x2  }
0x688: {  	v0 =	vld [tilespmem:s0+$0x2070];
	p0 =	slt.u32 s10, $0x380  }
0x689: {  	v1 =	vld [tilespmem:s0+$0x2000]  }
0x68a: {  	v2 =	vld [tilespmem:s0+$0x2010]  }
0x68b: {  	v3 =	vld [tilespmem:s0+$0x2020]  }
0x68c: {  	v4 =	vld [tilespmem:s0+$0x2030]  }
0x68d: {  	[tilespmem:s0+$0x10070] =	vst.add.f32.msk $0xffff, v0  }
0x68e: {  	v5 =	vld [tilespmem:s0+$0x2040]  }
0x68f: {  	v6 =	vld [tilespmem:s0+$0x2050]  }
0x690: {  	v0 =	vld [tilespmem:s0+$0x2060]  }
0x691: {  	[tilespmem:s0+$0x10000] =	vst.add.f32.msk $0xffff, v1  }
.Ltmp48:
0x692: {  	[tilespmem:s0+$0x10010] =	vst.add.f32.msk $0xffff, v2;
	(pc) =	sbr.rel @p0 .LBB2_99-.Ltmp48, $4  }
0x693: {  	[tilespmem:s0+$0x10020] =	vst.add.f32.msk $0xffff, v3  }
0x694: {  	[tilespmem:s0+$0x10030] =	vst.add.f32.msk $0xffff, v4  }
0x695: {  	[tilespmem:s0+$0x10040] =	vst.add.f32.msk $0xffff, v5  }
0x696: {  	s3 =	sadd.s32 $0x1000, s3;
	[tilespmem:s0+$0x10050] =	vst.add.f32.msk $0xffff, v6  }
0x697: {  	[tilespmem:s0+$0x10060] =	vst.add.f32.msk $0xffff, v0;
	s0 =	simm.s32 $0x0  }
0x698: {  	v0 =	vld [tilespmem:s0+$0x20F0]  }
0x699: {  	v1 =	vld [tilespmem:s0+$0x2080]  }
0x69a: {  	v2 =	vld [tilespmem:s0+$0x2090]  }
0x69b: {  	v3 =	vld [tilespmem:s0+$0x20A0]  }
0x69c: {  	v4 =	vld [tilespmem:s0+$0x20B0]  }
0x69d: {  	v5 =	vld [tilespmem:s0+$0x20C0]  }
0x69e: {  	v6 =	vld [tilespmem:s0+$0x20D0]  }
0x69f: {  	[tilespmem:s0+$0x100F0] =	vst.add.f32.msk $0xffff, v0  }
0x6a0: {  	v0 =	vld [tilespmem:s0+$0x20E0]  }
0x6a1: {  	[tilespmem:s0+$0x10080] =	vst.add.f32.msk $0xffff, v1  }
0x6a2: {  	[tilespmem:s0+$0x10090] =	vst.add.f32.msk $0xffff, v2  }
0x6a3: {  	[tilespmem:s0+$0x100A0] =	vst.add.f32.msk $0xffff, v3  }
0x6a4: {  	[tilespmem:s0+$0x100B0] =	vst.add.f32.msk $0xffff, v4  }
0x6a5: {  	[tilespmem:s0+$0x100C0] =	vst.add.f32.msk $0xffff, v5  }
0x6a6: {  	s10 =	simm.s32 $0x0;
	s3 =	simm.s32 $0x1000;
	[tilespmem:s0+$0x100D0] =	vst.add.f32.msk $0xffff, v6  }
.LBB2_101:
0x6a7: {  	s10 =	sadd.s32 $0x80, s10;
	[tilespmem:s0+$0x100E0] =	vst.add.f32.msk $0xffff, v0;
	s0 =	sshra.s32 s3, $0x2  }
0x6a8: {  	v0 =	vld [tilespmem:s0+$0x20F0];
	p0 =	slt.u32 s10, $0x380  }
0x6a9: {  	v1 =	vld [tilespmem:s0+$0x2080]  }
0x6aa: {  	v2 =	vld [tilespmem:s0+$0x2090]  }
0x6ab: {  	v3 =	vld [tilespmem:s0+$0x20A0]  }
0x6ac: {  	v4 =	vld [tilespmem:s0+$0x20B0]  }
0x6ad: {  	[tilespmem:s0+$0x100F0] =	vst.add.f32.msk $0xffff, v0  }
0x6ae: {  	v5 =	vld [tilespmem:s0+$0x20C0]  }
0x6af: {  	v6 =	vld [tilespmem:s0+$0x20D0]  }
0x6b0: {  	v0 =	vld [tilespmem:s0+$0x20E0]  }
0x6b1: {  	[tilespmem:s0+$0x10080] =	vst.add.f32.msk $0xffff, v1  }
.Ltmp49:
0x6b2: {  	[tilespmem:s0+$0x10090] =	vst.add.f32.msk $0xffff, v2;
	(pc) =	sbr.rel @p0 .LBB2_101-.Ltmp49, $4  }
0x6b3: {  	[tilespmem:s0+$0x100A0] =	vst.add.f32.msk $0xffff, v3  }
0x6b4: {  	[tilespmem:s0+$0x100B0] =	vst.add.f32.msk $0xffff, v4  }
0x6b5: {  	[tilespmem:s0+$0x100C0] =	vst.add.f32.msk $0xffff, v5  }
0x6b6: {  	s3 =	sadd.s32 $0x1000, s3;
	[tilespmem:s0+$0x100D0] =	vst.add.f32.msk $0xffff, v6  }
0x6b7: {  	[tilespmem:s0+$0x100E0] =	vst.add.f32.msk $0xffff, v0;
	s0 =	simm.s32 $0x0  }
0x6b8: {  	v0 =	vld [tilespmem:s0+$0x2170]  }
0x6b9: {  	v1 =	vld [tilespmem:s0+$0x2100]  }
0x6ba: {  	v2 =	vld [tilespmem:s0+$0x2110]  }
0x6bb: {  	v3 =	vld [tilespmem:s0+$0x2120]  }
0x6bc: {  	v4 =	vld [tilespmem:s0+$0x2130]  }
0x6bd: {  	v5 =	vld [tilespmem:s0+$0x2140]  }
0x6be: {  	v6 =	vld [tilespmem:s0+$0x2150]  }
0x6bf: {  	[tilespmem:s0+$0x10170] =	vst.add.f32.msk $0xffff, v0  }
0x6c0: {  	v0 =	vld [tilespmem:s0+$0x2160]  }
0x6c1: {  	[tilespmem:s0+$0x10100] =	vst.add.f32.msk $0xffff, v1  }
0x6c2: {  	[tilespmem:s0+$0x10110] =	vst.add.f32.msk $0xffff, v2  }
0x6c3: {  	[tilespmem:s0+$0x10120] =	vst.add.f32.msk $0xffff, v3  }
0x6c4: {  	[tilespmem:s0+$0x10130] =	vst.add.f32.msk $0xffff, v4  }
0x6c5: {  	[tilespmem:s0+$0x10140] =	vst.add.f32.msk $0xffff, v5  }
0x6c6: {  	s10 =	simm.s32 $0x0;
	s3 =	simm.s32 $0x1000;
	[tilespmem:s0+$0x10150] =	vst.add.f32.msk $0xffff, v6  }
.LBB2_103:
0x6c7: {  	s10 =	sadd.s32 $0x80, s10;
	[tilespmem:s0+$0x10160] =	vst.add.f32.msk $0xffff, v0;
	s0 =	sshra.s32 s3, $0x2  }
0x6c8: {  	v0 =	vld [tilespmem:s0+$0x2170];
	p0 =	slt.u32 s10, $0x380  }
0x6c9: {  	v1 =	vld [tilespmem:s0+$0x2100]  }
0x6ca: {  	v2 =	vld [tilespmem:s0+$0x2110]  }
0x6cb: {  	v3 =	vld [tilespmem:s0+$0x2120]  }
0x6cc: {  	v4 =	vld [tilespmem:s0+$0x2130]  }
0x6cd: {  	[tilespmem:s0+$0x10170] =	vst.add.f32.msk $0xffff, v0  }
0x6ce: {  	v5 =	vld [tilespmem:s0+$0x2140]  }
0x6cf: {  	v6 =	vld [tilespmem:s0+$0x2150]  }
0x6d0: {  	v0 =	vld [tilespmem:s0+$0x2160]  }
0x6d1: {  	[tilespmem:s0+$0x10100] =	vst.add.f32.msk $0xffff, v1  }
.Ltmp50:
0x6d2: {  	[tilespmem:s0+$0x10110] =	vst.add.f32.msk $0xffff, v2;
	(pc) =	sbr.rel @p0 .LBB2_103-.Ltmp50, $4  }
0x6d3: {  	[tilespmem:s0+$0x10120] =	vst.add.f32.msk $0xffff, v3  }
0x6d4: {  	[tilespmem:s0+$0x10130] =	vst.add.f32.msk $0xffff, v4  }
0x6d5: {  	[tilespmem:s0+$0x10140] =	vst.add.f32.msk $0xffff, v5  }
0x6d6: {  	s3 =	sadd.s32 $0x1000, s3;
	[tilespmem:s0+$0x10150] =	vst.add.f32.msk $0xffff, v6  }
0x6d7: {  	[tilespmem:s0+$0x10160] =	vst.add.f32.msk $0xffff, v0;
	s0 =	simm.s32 $0x0  }
0x6d8: {  	v0 =	vld [tilespmem:s0+$0x21F0]  }
0x6d9: {  	v1 =	vld [tilespmem:s0+$0x2180]  }
0x6da: {  	v2 =	vld [tilespmem:s0+$0x2190]  }
0x6db: {  	v3 =	vld [tilespmem:s0+$0x21A0]  }
0x6dc: {  	v4 =	vld [tilespmem:s0+$0x21B0]  }
0x6dd: {  	v5 =	vld [tilespmem:s0+$0x21C0]  }
0x6de: {  	v6 =	vld [tilespmem:s0+$0x21D0]  }
0x6df: {  	[tilespmem:s0+$0x101F0] =	vst.add.f32.msk $0xffff, v0  }
0x6e0: {  	v0 =	vld [tilespmem:s0+$0x21E0]  }
0x6e1: {  	[tilespmem:s0+$0x10180] =	vst.add.f32.msk $0xffff, v1  }
0x6e2: {  	[tilespmem:s0+$0x10190] =	vst.add.f32.msk $0xffff, v2  }
0x6e3: {  	[tilespmem:s0+$0x101A0] =	vst.add.f32.msk $0xffff, v3  }
0x6e4: {  	[tilespmem:s0+$0x101B0] =	vst.add.f32.msk $0xffff, v4  }
0x6e5: {  	[tilespmem:s0+$0x101C0] =	vst.add.f32.msk $0xffff, v5  }
0x6e6: {  	s10 =	simm.s32 $0x0;
	s3 =	simm.s32 $0x1000;
	[tilespmem:s0+$0x101D0] =	vst.add.f32.msk $0xffff, v6  }
.LBB2_105:
0x6e7: {  	s10 =	sadd.s32 $0x80, s10;
	[tilespmem:s0+$0x101E0] =	vst.add.f32.msk $0xffff, v0;
	s0 =	sshra.s32 s3, $0x2  }
0x6e8: {  	v0 =	vld [tilespmem:s0+$0x21F0];
	p0 =	slt.u32 s10, $0x380  }
0x6e9: {  	v1 =	vld [tilespmem:s0+$0x2180]  }
0x6ea: {  	v2 =	vld [tilespmem:s0+$0x2190]  }
0x6eb: {  	v3 =	vld [tilespmem:s0+$0x21A0]  }
0x6ec: {  	v4 =	vld [tilespmem:s0+$0x21B0]  }
0x6ed: {  	[tilespmem:s0+$0x101F0] =	vst.add.f32.msk $0xffff, v0  }
0x6ee: {  	v5 =	vld [tilespmem:s0+$0x21C0]  }
0x6ef: {  	v6 =	vld [tilespmem:s0+$0x21D0]  }
0x6f0: {  	v0 =	vld [tilespmem:s0+$0x21E0]  }
0x6f1: {  	[tilespmem:s0+$0x10180] =	vst.add.f32.msk $0xffff, v1  }
.Ltmp51:
0x6f2: {  	[tilespmem:s0+$0x10190] =	vst.add.f32.msk $0xffff, v2;
	(pc) =	sbr.rel @p0 .LBB2_105-.Ltmp51, $4  }
0x6f3: {  	[tilespmem:s0+$0x101A0] =	vst.add.f32.msk $0xffff, v3  }
0x6f4: {  	[tilespmem:s0+$0x101B0] =	vst.add.f32.msk $0xffff, v4  }
0x6f5: {  	[tilespmem:s0+$0x101C0] =	vst.add.f32.msk $0xffff, v5  }
0x6f6: {  	s3 =	sadd.s32 $0x1000, s3;
	[tilespmem:s0+$0x101D0] =	vst.add.f32.msk $0xffff, v6  }
0x6f7: {  	[tilespmem:s0+$0x101E0] =	vst.add.f32.msk $0xffff, v0;
	s0 =	simm.s32 $0x0  }
0x6f8: {  	v0 =	vld [tilespmem:s0+$0x2270]  }
0x6f9: {  	v1 =	vld [tilespmem:s0+$0x2200]  }
0x6fa: {  	v2 =	vld [tilespmem:s0+$0x2210]  }
0x6fb: {  	v3 =	vld [tilespmem:s0+$0x2220]  }
0x6fc: {  	v4 =	vld [tilespmem:s0+$0x2230]  }
0x6fd: {  	v5 =	vld [tilespmem:s0+$0x2240]  }
0x6fe: {  	v6 =	vld [tilespmem:s0+$0x2250]  }
0x6ff: {  	[tilespmem:s0+$0x10270] =	vst.add.f32.msk $0xffff, v0  }
0x700: {  	v0 =	vld [tilespmem:s0+$0x2260]  }
0x701: {  	[tilespmem:s0+$0x10200] =	vst.add.f32.msk $0xffff, v1  }
0x702: {  	[tilespmem:s0+$0x10210] =	vst.add.f32.msk $0xffff, v2  }
0x703: {  	[tilespmem:s0+$0x10220] =	vst.add.f32.msk $0xffff, v3  }
0x704: {  	[tilespmem:s0+$0x10230] =	vst.add.f32.msk $0xffff, v4  }
0x705: {  	[tilespmem:s0+$0x10240] =	vst.add.f32.msk $0xffff, v5  }
0x706: {  	s10 =	simm.s32 $0x0;
	s3 =	simm.s32 $0x1000;
	[tilespmem:s0+$0x10250] =	vst.add.f32.msk $0xffff, v6  }
.LBB2_107:
0x707: {  	s10 =	sadd.s32 $0x80, s10;
	[tilespmem:s0+$0x10260] =	vst.add.f32.msk $0xffff, v0;
	s0 =	sshra.s32 s3, $0x2  }
0x708: {  	v0 =	vld [tilespmem:s0+$0x2270];
	p0 =	slt.u32 s10, $0x380  }
0x709: {  	v1 =	vld [tilespmem:s0+$0x2200]  }
0x70a: {  	v2 =	vld [tilespmem:s0+$0x2210]  }
0x70b: {  	v3 =	vld [tilespmem:s0+$0x2220]  }
0x70c: {  	v4 =	vld [tilespmem:s0+$0x2230]  }
0x70d: {  	[tilespmem:s0+$0x10270] =	vst.add.f32.msk $0xffff, v0  }
0x70e: {  	v5 =	vld [tilespmem:s0+$0x2240]  }
0x70f: {  	v6 =	vld [tilespmem:s0+$0x2250]  }
0x710: {  	v0 =	vld [tilespmem:s0+$0x2260]  }
0x711: {  	[tilespmem:s0+$0x10200] =	vst.add.f32.msk $0xffff, v1  }
.Ltmp52:
0x712: {  	[tilespmem:s0+$0x10210] =	vst.add.f32.msk $0xffff, v2;
	(pc) =	sbr.rel @p0 .LBB2_107-.Ltmp52, $4  }
0x713: {  	[tilespmem:s0+$0x10220] =	vst.add.f32.msk $0xffff, v3  }
0x714: {  	[tilespmem:s0+$0x10230] =	vst.add.f32.msk $0xffff, v4  }
0x715: {  	[tilespmem:s0+$0x10240] =	vst.add.f32.msk $0xffff, v5  }
0x716: {  	s3 =	sadd.s32 $0x1000, s3;
	[tilespmem:s0+$0x10250] =	vst.add.f32.msk $0xffff, v6  }
0x717: {  	[tilespmem:s0+$0x10260] =	vst.add.f32.msk $0xffff, v0;
	s0 =	simm.s32 $0x0  }
0x718: {  	v0 =	vld [tilespmem:s0+$0x22F0]  }
0x719: {  	v1 =	vld [tilespmem:s0+$0x2280]  }
0x71a: {  	v2 =	vld [tilespmem:s0+$0x2290]  }
0x71b: {  	v3 =	vld [tilespmem:s0+$0x22A0]  }
0x71c: {  	v4 =	vld [tilespmem:s0+$0x22B0]  }
0x71d: {  	v5 =	vld [tilespmem:s0+$0x22C0]  }
0x71e: {  	v6 =	vld [tilespmem:s0+$0x22D0]  }
0x71f: {  	[tilespmem:s0+$0x102F0] =	vst.add.f32.msk $0xffff, v0  }
0x720: {  	v0 =	vld [tilespmem:s0+$0x22E0]  }
0x721: {  	[tilespmem:s0+$0x10280] =	vst.add.f32.msk $0xffff, v1  }
0x722: {  	[tilespmem:s0+$0x10290] =	vst.add.f32.msk $0xffff, v2  }
0x723: {  	[tilespmem:s0+$0x102A0] =	vst.add.f32.msk $0xffff, v3  }
0x724: {  	[tilespmem:s0+$0x102B0] =	vst.add.f32.msk $0xffff, v4  }
0x725: {  	[tilespmem:s0+$0x102C0] =	vst.add.f32.msk $0xffff, v5  }
0x726: {  	s10 =	simm.s32 $0x0;
	s3 =	simm.s32 $0x1000;
	[tilespmem:s0+$0x102D0] =	vst.add.f32.msk $0xffff, v6  }
.LBB2_109:
0x727: {  	s10 =	sadd.s32 $0x80, s10;
	[tilespmem:s0+$0x102E0] =	vst.add.f32.msk $0xffff, v0;
	s0 =	sshra.s32 s3, $0x2  }
0x728: {  	v0 =	vld [tilespmem:s0+$0x22F0];
	p0 =	slt.u32 s10, $0x380  }
0x729: {  	v1 =	vld [tilespmem:s0+$0x2280]  }
0x72a: {  	v2 =	vld [tilespmem:s0+$0x2290]  }
0x72b: {  	v3 =	vld [tilespmem:s0+$0x22A0]  }
0x72c: {  	v4 =	vld [tilespmem:s0+$0x22B0]  }
0x72d: {  	[tilespmem:s0+$0x102F0] =	vst.add.f32.msk $0xffff, v0  }
0x72e: {  	v5 =	vld [tilespmem:s0+$0x22C0]  }
0x72f: {  	v6 =	vld [tilespmem:s0+$0x22D0]  }
0x730: {  	v0 =	vld [tilespmem:s0+$0x22E0]  }
0x731: {  	[tilespmem:s0+$0x10280] =	vst.add.f32.msk $0xffff, v1  }
.Ltmp53:
0x732: {  	[tilespmem:s0+$0x10290] =	vst.add.f32.msk $0xffff, v2;
	(pc) =	sbr.rel @p0 .LBB2_109-.Ltmp53, $4  }
0x733: {  	[tilespmem:s0+$0x102A0] =	vst.add.f32.msk $0xffff, v3  }
0x734: {  	[tilespmem:s0+$0x102B0] =	vst.add.f32.msk $0xffff, v4  }
0x735: {  	[tilespmem:s0+$0x102C0] =	vst.add.f32.msk $0xffff, v5  }
0x736: {  	s3 =	sadd.s32 $0x1000, s3;
	[tilespmem:s0+$0x102D0] =	vst.add.f32.msk $0xffff, v6  }
0x737: {  	[tilespmem:s0+$0x102E0] =	vst.add.f32.msk $0xffff, v0;
	s0 =	simm.s32 $0x0  }
0x738: {  	v0 =	vld [tilespmem:s0+$0x2370]  }
0x739: {  	v1 =	vld [tilespmem:s0+$0x2300]  }
0x73a: {  	v2 =	vld [tilespmem:s0+$0x2310]  }
0x73b: {  	v3 =	vld [tilespmem:s0+$0x2320]  }
0x73c: {  	v4 =	vld [tilespmem:s0+$0x2330]  }
0x73d: {  	v5 =	vld [tilespmem:s0+$0x2340]  }
0x73e: {  	v6 =	vld [tilespmem:s0+$0x2350]  }
0x73f: {  	[tilespmem:s0+$0x10370] =	vst.add.f32.msk $0xffff, v0  }
0x740: {  	v0 =	vld [tilespmem:s0+$0x2360]  }
0x741: {  	[tilespmem:s0+$0x10300] =	vst.add.f32.msk $0xffff, v1  }
0x742: {  	[tilespmem:s0+$0x10310] =	vst.add.f32.msk $0xffff, v2  }
0x743: {  	[tilespmem:s0+$0x10320] =	vst.add.f32.msk $0xffff, v3  }
0x744: {  	[tilespmem:s0+$0x10330] =	vst.add.f32.msk $0xffff, v4  }
0x745: {  	[tilespmem:s0+$0x10340] =	vst.add.f32.msk $0xffff, v5  }
0x746: {  	s10 =	simm.s32 $0x0;
	s3 =	simm.s32 $0x1000;
	[tilespmem:s0+$0x10350] =	vst.add.f32.msk $0xffff, v6  }
.LBB2_111:
0x747: {  	s10 =	sadd.s32 $0x80, s10;
	[tilespmem:s0+$0x10360] =	vst.add.f32.msk $0xffff, v0;
	s0 =	sshra.s32 s3, $0x2  }
0x748: {  	v0 =	vld [tilespmem:s0+$0x2370];
	p0 =	slt.u32 s10, $0x380  }
0x749: {  	v1 =	vld [tilespmem:s0+$0x2300]  }
0x74a: {  	v2 =	vld [tilespmem:s0+$0x2310]  }
0x74b: {  	v3 =	vld [tilespmem:s0+$0x2320]  }
0x74c: {  	v4 =	vld [tilespmem:s0+$0x2330]  }
0x74d: {  	[tilespmem:s0+$0x10370] =	vst.add.f32.msk $0xffff, v0  }
0x74e: {  	v5 =	vld [tilespmem:s0+$0x2340]  }
0x74f: {  	v6 =	vld [tilespmem:s0+$0x2350]  }
0x750: {  	v0 =	vld [tilespmem:s0+$0x2360]  }
0x751: {  	[tilespmem:s0+$0x10300] =	vst.add.f32.msk $0xffff, v1  }
.Ltmp54:
0x752: {  	[tilespmem:s0+$0x10310] =	vst.add.f32.msk $0xffff, v2;
	(pc) =	sbr.rel @p0 .LBB2_111-.Ltmp54, $4  }
0x753: {  	[tilespmem:s0+$0x10320] =	vst.add.f32.msk $0xffff, v3  }
0x754: {  	[tilespmem:s0+$0x10330] =	vst.add.f32.msk $0xffff, v4  }
0x755: {  	[tilespmem:s0+$0x10340] =	vst.add.f32.msk $0xffff, v5  }
0x756: {  	s3 =	sadd.s32 $0x1000, s3;
	[tilespmem:s0+$0x10350] =	vst.add.f32.msk $0xffff, v6  }
0x757: {  	[tilespmem:s0+$0x10360] =	vst.add.f32.msk $0xffff, v0;
	s0 =	simm.s32 $0x0  }
0x758: {  	v0 =	vld [tilespmem:s0+$0x23F0]  }
0x759: {  	v1 =	vld [tilespmem:s0+$0x2380]  }
0x75a: {  	v2 =	vld [tilespmem:s0+$0x2390]  }
0x75b: {  	v3 =	vld [tilespmem:s0+$0x23A0]  }
0x75c: {  	v4 =	vld [tilespmem:s0+$0x23B0]  }
0x75d: {  	v5 =	vld [tilespmem:s0+$0x23C0]  }
0x75e: {  	v6 =	vld [tilespmem:s0+$0x23D0]  }
0x75f: {  	[tilespmem:s0+$0x103F0] =	vst.add.f32.msk $0xffff, v0  }
0x760: {  	v0 =	vld [tilespmem:s0+$0x23E0]  }
0x761: {  	[tilespmem:s0+$0x10380] =	vst.add.f32.msk $0xffff, v1  }
0x762: {  	[tilespmem:s0+$0x10390] =	vst.add.f32.msk $0xffff, v2  }
0x763: {  	[tilespmem:s0+$0x103A0] =	vst.add.f32.msk $0xffff, v3  }
0x764: {  	[tilespmem:s0+$0x103B0] =	vst.add.f32.msk $0xffff, v4  }
0x765: {  	[tilespmem:s0+$0x103C0] =	vst.add.f32.msk $0xffff, v5  }
0x766: {  	s10 =	simm.s32 $0x0;
	s3 =	simm.s32 $0x1000;
	[tilespmem:s0+$0x103D0] =	vst.add.f32.msk $0xffff, v6  }
.LBB2_113:
0x767: {  	s10 =	sadd.s32 $0x80, s10;
	[tilespmem:s0+$0x103E0] =	vst.add.f32.msk $0xffff, v0;
	s0 =	sshra.s32 s3, $0x2  }
0x768: {  	v0 =	vld [tilespmem:s0+$0x23F0];
	p0 =	slt.u32 s10, $0x380  }
0x769: {  	v1 =	vld [tilespmem:s0+$0x2380]  }
0x76a: {  	v2 =	vld [tilespmem:s0+$0x2390]  }
0x76b: {  	v3 =	vld [tilespmem:s0+$0x23A0]  }
0x76c: {  	v4 =	vld [tilespmem:s0+$0x23B0]  }
0x76d: {  	[tilespmem:s0+$0x103F0] =	vst.add.f32.msk $0xffff, v0  }
0x76e: {  	v5 =	vld [tilespmem:s0+$0x23C0]  }
0x76f: {  	v6 =	vld [tilespmem:s0+$0x23D0]  }
0x770: {  	v0 =	vld [tilespmem:s0+$0x23E0]  }
0x771: {  	[tilespmem:s0+$0x10380] =	vst.add.f32.msk $0xffff, v1  }
.Ltmp55:
0x772: {  	[tilespmem:s0+$0x10390] =	vst.add.f32.msk $0xffff, v2;
	(pc) =	sbr.rel @p0 .LBB2_113-.Ltmp55, $4  }
0x773: {  	[tilespmem:s0+$0x103A0] =	vst.add.f32.msk $0xffff, v3  }
0x774: {  	[tilespmem:s0+$0x103B0] =	vst.add.f32.msk $0xffff, v4  }
0x775: {  	[tilespmem:s0+$0x103C0] =	vst.add.f32.msk $0xffff, v5  }
0x776: {  	s3 =	sadd.s32 $0x1000, s3;
	[tilespmem:s0+$0x103D0] =	vst.add.f32.msk $0xffff, v6  }
0x777: {  	s3 =	sor.u32 $0x200400, s22  }
0x778: {  	[tilespmem:s0+$0x103E0] =	vst.add.f32.msk $0xffff, v0;
	s22 =	simm.s32 $0x0;
	s10 =	simm.s32 $0x10000;
	s21 =	sadd.s32 s4, s3  }
0x779: {  	[hbm4b:s21+s22] =	stream.linear.scatter [tilespmem:s10], [sflag:$0x11], $0x2000, $0x38;
	[tilespmem:$0x14000] =	vst v63  }
0x77a: {  	_ =	swait.ge [sflag:s11], $0x2000  }
0x77b: {  	[sflag:s11] =	ssyncset.done $0x0  }
0x77c: {  	s0 =	simm.s32 $0x0;
	[sflag:s11] =	ssyncadd.s32 $0xFFFFE000  }
0x77d: {  	v0 =	vld [tilespmem:s0+$0x2070]  }
0x77e: {  	v1 =	vld [tilespmem:s0+$0x2000]  }
0x77f: {  	v2 =	vld [tilespmem:s0+$0x2010]  }
0x780: {  	v3 =	vld [tilespmem:s0+$0x2020]  }
0x781: {  	v4 =	vld [tilespmem:s0+$0x2030]  }
0x782: {  	v5 =	vld [tilespmem:s0+$0x2040]  }
0x783: {  	v6 =	vld [tilespmem:s0+$0x2050]  }
0x784: {  	[tilespmem:s0+$0x12070] =	vst.add.f32.msk $0xffff, v0  }
0x785: {  	v0 =	vld [tilespmem:s0+$0x2060]  }
0x786: {  	[tilespmem:s0+$0x12000] =	vst.add.f32.msk $0xffff, v1  }
0x787: {  	[tilespmem:s0+$0x12010] =	vst.add.f32.msk $0xffff, v2  }
0x788: {  	[tilespmem:s0+$0x12020] =	vst.add.f32.msk $0xffff, v3  }
0x789: {  	[tilespmem:s0+$0x12030] =	vst.add.f32.msk $0xffff, v4  }
0x78a: {  	[tilespmem:s0+$0x12040] =	vst.add.f32.msk $0xffff, v5  }
0x78b: {  	s3 =	simm.s32 $0x1000;
	s10 =	simm.s32 $0x0;
	[tilespmem:s0+$0x12050] =	vst.add.f32.msk $0xffff, v6  }
.LBB2_115:
0x78c: {  	s10 =	sadd.s32 $0x80, s10;
	[tilespmem:s0+$0x12060] =	vst.add.f32.msk $0xffff, v0;
	s0 =	sshra.s32 s3, $0x2  }
0x78d: {  	v0 =	vld [tilespmem:s0+$0x2070];
	p0 =	slt.u32 s10, $0x380  }
0x78e: {  	v1 =	vld [tilespmem:s0+$0x2000]  }
0x78f: {  	v2 =	vld [tilespmem:s0+$0x2010]  }
0x790: {  	v3 =	vld [tilespmem:s0+$0x2020]  }
0x791: {  	v4 =	vld [tilespmem:s0+$0x2030]  }
0x792: {  	[tilespmem:s0+$0x12070] =	vst.add.f32.msk $0xffff, v0  }
0x793: {  	v5 =	vld [tilespmem:s0+$0x2040]  }
0x794: {  	v6 =	vld [tilespmem:s0+$0x2050]  }
0x795: {  	v0 =	vld [tilespmem:s0+$0x2060]  }
0x796: {  	[tilespmem:s0+$0x12000] =	vst.add.f32.msk $0xffff, v1  }
.Ltmp56:
0x797: {  	[tilespmem:s0+$0x12010] =	vst.add.f32.msk $0xffff, v2;
	(pc) =	sbr.rel @p0 .LBB2_115-.Ltmp56, $4  }
0x798: {  	[tilespmem:s0+$0x12020] =	vst.add.f32.msk $0xffff, v3  }
0x799: {  	[tilespmem:s0+$0x12030] =	vst.add.f32.msk $0xffff, v4  }
0x79a: {  	[tilespmem:s0+$0x12040] =	vst.add.f32.msk $0xffff, v5  }
0x79b: {  	s3 =	sadd.s32 $0x1000, s3;
	[tilespmem:s0+$0x12050] =	vst.add.f32.msk $0xffff, v6  }
0x79c: {  	[tilespmem:s0+$0x12060] =	vst.add.f32.msk $0xffff, v0;
	s0 =	simm.s32 $0x0  }
0x79d: {  	v0 =	vld [tilespmem:s0+$0x20F0]  }
0x79e: {  	v1 =	vld [tilespmem:s0+$0x2080]  }
0x79f: {  	v2 =	vld [tilespmem:s0+$0x2090]  }
0x7a0: {  	v3 =	vld [tilespmem:s0+$0x20A0]  }
0x7a1: {  	v4 =	vld [tilespmem:s0+$0x20B0]  }
0x7a2: {  	v5 =	vld [tilespmem:s0+$0x20C0]  }
0x7a3: {  	v6 =	vld [tilespmem:s0+$0x20D0]  }
0x7a4: {  	[tilespmem:s0+$0x120F0] =	vst.add.f32.msk $0xffff, v0  }
0x7a5: {  	v0 =	vld [tilespmem:s0+$0x20E0]  }
0x7a6: {  	[tilespmem:s0+$0x12080] =	vst.add.f32.msk $0xffff, v1  }
0x7a7: {  	[tilespmem:s0+$0x12090] =	vst.add.f32.msk $0xffff, v2  }
0x7a8: {  	[tilespmem:s0+$0x120A0] =	vst.add.f32.msk $0xffff, v3  }
0x7a9: {  	[tilespmem:s0+$0x120B0] =	vst.add.f32.msk $0xffff, v4  }
0x7aa: {  	[tilespmem:s0+$0x120C0] =	vst.add.f32.msk $0xffff, v5  }
0x7ab: {  	s10 =	simm.s32 $0x0;
	s3 =	simm.s32 $0x1000;
	[tilespmem:s0+$0x120D0] =	vst.add.f32.msk $0xffff, v6  }
.LBB2_117:
0x7ac: {  	s10 =	sadd.s32 $0x80, s10;
	[tilespmem:s0+$0x120E0] =	vst.add.f32.msk $0xffff, v0;
	s0 =	sshra.s32 s3, $0x2  }
0x7ad: {  	v0 =	vld [tilespmem:s0+$0x20F0];
	p0 =	slt.u32 s10, $0x380  }
0x7ae: {  	v1 =	vld [tilespmem:s0+$0x2080]  }
0x7af: {  	v2 =	vld [tilespmem:s0+$0x2090]  }
0x7b0: {  	v3 =	vld [tilespmem:s0+$0x20A0]  }
0x7b1: {  	v4 =	vld [tilespmem:s0+$0x20B0]  }
0x7b2: {  	[tilespmem:s0+$0x120F0] =	vst.add.f32.msk $0xffff, v0  }
0x7b3: {  	v5 =	vld [tilespmem:s0+$0x20C0]  }
0x7b4: {  	v6 =	vld [tilespmem:s0+$0x20D0]  }
0x7b5: {  	v0 =	vld [tilespmem:s0+$0x20E0]  }
0x7b6: {  	[tilespmem:s0+$0x12080] =	vst.add.f32.msk $0xffff, v1  }
.Ltmp57:
0x7b7: {  	[tilespmem:s0+$0x12090] =	vst.add.f32.msk $0xffff, v2;
	(pc) =	sbr.rel @p0 .LBB2_117-.Ltmp57, $4  }
0x7b8: {  	[tilespmem:s0+$0x120A0] =	vst.add.f32.msk $0xffff, v3  }
0x7b9: {  	[tilespmem:s0+$0x120B0] =	vst.add.f32.msk $0xffff, v4  }
0x7ba: {  	[tilespmem:s0+$0x120C0] =	vst.add.f32.msk $0xffff, v5  }
0x7bb: {  	s3 =	sadd.s32 $0x1000, s3;
	[tilespmem:s0+$0x120D0] =	vst.add.f32.msk $0xffff, v6  }
0x7bc: {  	[tilespmem:s0+$0x120E0] =	vst.add.f32.msk $0xffff, v0;
	s0 =	simm.s32 $0x0  }
0x7bd: {  	v0 =	vld [tilespmem:s0+$0x2170]  }
0x7be: {  	v1 =	vld [tilespmem:s0+$0x2100]  }
0x7bf: {  	v2 =	vld [tilespmem:s0+$0x2110]  }
0x7c0: {  	v3 =	vld [tilespmem:s0+$0x2120]  }
0x7c1: {  	v4 =	vld [tilespmem:s0+$0x2130]  }
0x7c2: {  	v5 =	vld [tilespmem:s0+$0x2140]  }
0x7c3: {  	v6 =	vld [tilespmem:s0+$0x2150]  }
0x7c4: {  	[tilespmem:s0+$0x12170] =	vst.add.f32.msk $0xffff, v0  }
0x7c5: {  	v0 =	vld [tilespmem:s0+$0x2160]  }
0x7c6: {  	[tilespmem:s0+$0x12100] =	vst.add.f32.msk $0xffff, v1  }
0x7c7: {  	[tilespmem:s0+$0x12110] =	vst.add.f32.msk $0xffff, v2  }
0x7c8: {  	[tilespmem:s0+$0x12120] =	vst.add.f32.msk $0xffff, v3  }
0x7c9: {  	[tilespmem:s0+$0x12130] =	vst.add.f32.msk $0xffff, v4  }
0x7ca: {  	[tilespmem:s0+$0x12140] =	vst.add.f32.msk $0xffff, v5  }
0x7cb: {  	s10 =	simm.s32 $0x0;
	s3 =	simm.s32 $0x1000;
	[tilespmem:s0+$0x12150] =	vst.add.f32.msk $0xffff, v6  }
.LBB2_119:
0x7cc: {  	s10 =	sadd.s32 $0x80, s10;
	[tilespmem:s0+$0x12160] =	vst.add.f32.msk $0xffff, v0;
	s0 =	sshra.s32 s3, $0x2  }
0x7cd: {  	v0 =	vld [tilespmem:s0+$0x2170];
	p0 =	slt.u32 s10, $0x380  }
0x7ce: {  	v1 =	vld [tilespmem:s0+$0x2100]  }
0x7cf: {  	v2 =	vld [tilespmem:s0+$0x2110]  }
0x7d0: {  	v3 =	vld [tilespmem:s0+$0x2120]  }
0x7d1: {  	v4 =	vld [tilespmem:s0+$0x2130]  }
0x7d2: {  	[tilespmem:s0+$0x12170] =	vst.add.f32.msk $0xffff, v0  }
0x7d3: {  	v5 =	vld [tilespmem:s0+$0x2140]  }
0x7d4: {  	v6 =	vld [tilespmem:s0+$0x2150]  }
0x7d5: {  	v0 =	vld [tilespmem:s0+$0x2160]  }
0x7d6: {  	[tilespmem:s0+$0x12100] =	vst.add.f32.msk $0xffff, v1  }
.Ltmp58:
0x7d7: {  	[tilespmem:s0+$0x12110] =	vst.add.f32.msk $0xffff, v2;
	(pc) =	sbr.rel @p0 .LBB2_119-.Ltmp58, $4  }
0x7d8: {  	[tilespmem:s0+$0x12120] =	vst.add.f32.msk $0xffff, v3  }
0x7d9: {  	[tilespmem:s0+$0x12130] =	vst.add.f32.msk $0xffff, v4  }
0x7da: {  	[tilespmem:s0+$0x12140] =	vst.add.f32.msk $0xffff, v5  }
0x7db: {  	s3 =	sadd.s32 $0x1000, s3;
	[tilespmem:s0+$0x12150] =	vst.add.f32.msk $0xffff, v6  }
0x7dc: {  	[tilespmem:s0+$0x12160] =	vst.add.f32.msk $0xffff, v0;
	s0 =	simm.s32 $0x0  }
0x7dd: {  	v0 =	vld [tilespmem:s0+$0x21F0]  }
0x7de: {  	v1 =	vld [tilespmem:s0+$0x2180]  }
0x7df: {  	v2 =	vld [tilespmem:s0+$0x2190]  }
0x7e0: {  	v3 =	vld [tilespmem:s0+$0x21A0]  }
0x7e1: {  	v4 =	vld [tilespmem:s0+$0x21B0]  }
0x7e2: {  	v5 =	vld [tilespmem:s0+$0x21C0]  }
0x7e3: {  	v6 =	vld [tilespmem:s0+$0x21D0]  }
0x7e4: {  	[tilespmem:s0+$0x121F0] =	vst.add.f32.msk $0xffff, v0  }
0x7e5: {  	v0 =	vld [tilespmem:s0+$0x21E0]  }
0x7e6: {  	[tilespmem:s0+$0x12180] =	vst.add.f32.msk $0xffff, v1  }
0x7e7: {  	[tilespmem:s0+$0x12190] =	vst.add.f32.msk $0xffff, v2  }
0x7e8: {  	[tilespmem:s0+$0x121A0] =	vst.add.f32.msk $0xffff, v3  }
0x7e9: {  	[tilespmem:s0+$0x121B0] =	vst.add.f32.msk $0xffff, v4  }
0x7ea: {  	[tilespmem:s0+$0x121C0] =	vst.add.f32.msk $0xffff, v5  }
0x7eb: {  	s10 =	simm.s32 $0x0;
	s3 =	simm.s32 $0x1000;
	[tilespmem:s0+$0x121D0] =	vst.add.f32.msk $0xffff, v6  }
.LBB2_121:
0x7ec: {  	s10 =	sadd.s32 $0x80, s10;
	[tilespmem:s0+$0x121E0] =	vst.add.f32.msk $0xffff, v0;
	s0 =	sshra.s32 s3, $0x2  }
0x7ed: {  	v0 =	vld [tilespmem:s0+$0x21F0];
	p0 =	slt.u32 s10, $0x380  }
0x7ee: {  	v1 =	vld [tilespmem:s0+$0x2180]  }
0x7ef: {  	v2 =	vld [tilespmem:s0+$0x2190]  }
0x7f0: {  	v3 =	vld [tilespmem:s0+$0x21A0]  }
0x7f1: {  	v4 =	vld [tilespmem:s0+$0x21B0]  }
0x7f2: {  	[tilespmem:s0+$0x121F0] =	vst.add.f32.msk $0xffff, v0  }
0x7f3: {  	v5 =	vld [tilespmem:s0+$0x21C0]  }
0x7f4: {  	v6 =	vld [tilespmem:s0+$0x21D0]  }
0x7f5: {  	v0 =	vld [tilespmem:s0+$0x21E0]  }
0x7f6: {  	[tilespmem:s0+$0x12180] =	vst.add.f32.msk $0xffff, v1  }
.Ltmp59:
0x7f7: {  	[tilespmem:s0+$0x12190] =	vst.add.f32.msk $0xffff, v2;
	(pc) =	sbr.rel @p0 .LBB2_121-.Ltmp59, $4  }
0x7f8: {  	[tilespmem:s0+$0x121A0] =	vst.add.f32.msk $0xffff, v3  }
0x7f9: {  	[tilespmem:s0+$0x121B0] =	vst.add.f32.msk $0xffff, v4  }
0x7fa: {  	[tilespmem:s0+$0x121C0] =	vst.add.f32.msk $0xffff, v5  }
0x7fb: {  	s3 =	sadd.s32 $0x1000, s3;
	[tilespmem:s0+$0x121D0] =	vst.add.f32.msk $0xffff, v6  }
0x7fc: {  	[tilespmem:s0+$0x121E0] =	vst.add.f32.msk $0xffff, v0;
	s0 =	simm.s32 $0x0  }
0x7fd: {  	v0 =	vld [tilespmem:s0+$0x2270]  }
0x7fe: {  	v1 =	vld [tilespmem:s0+$0x2200]  }
0x7ff: {  	v2 =	vld [tilespmem:s0+$0x2210]  }
0x800: {  	v3 =	vld [tilespmem:s0+$0x2220]  }
0x801: {  	v4 =	vld [tilespmem:s0+$0x2230]  }
0x802: {  	v5 =	vld [tilespmem:s0+$0x2240]  }
0x803: {  	v6 =	vld [tilespmem:s0+$0x2250]  }
0x804: {  	[tilespmem:s0+$0x12270] =	vst.add.f32.msk $0xffff, v0  }
0x805: {  	v0 =	vld [tilespmem:s0+$0x2260]  }
0x806: {  	[tilespmem:s0+$0x12200] =	vst.add.f32.msk $0xffff, v1  }
0x807: {  	[tilespmem:s0+$0x12210] =	vst.add.f32.msk $0xffff, v2  }
0x808: {  	[tilespmem:s0+$0x12220] =	vst.add.f32.msk $0xffff, v3  }
0x809: {  	[tilespmem:s0+$0x12230] =	vst.add.f32.msk $0xffff, v4  }
0x80a: {  	[tilespmem:s0+$0x12240] =	vst.add.f32.msk $0xffff, v5  }
0x80b: {  	s10 =	simm.s32 $0x0;
	s3 =	simm.s32 $0x1000;
	[tilespmem:s0+$0x12250] =	vst.add.f32.msk $0xffff, v6  }
.LBB2_123:
0x80c: {  	s10 =	sadd.s32 $0x80, s10;
	[tilespmem:s0+$0x12260] =	vst.add.f32.msk $0xffff, v0;
	s0 =	sshra.s32 s3, $0x2  }
0x80d: {  	v0 =	vld [tilespmem:s0+$0x2270];
	p0 =	slt.u32 s10, $0x380  }
0x80e: {  	v1 =	vld [tilespmem:s0+$0x2200]  }
0x80f: {  	v2 =	vld [tilespmem:s0+$0x2210]  }
0x810: {  	v3 =	vld [tilespmem:s0+$0x2220]  }
0x811: {  	v4 =	vld [tilespmem:s0+$0x2230]  }
0x812: {  	[tilespmem:s0+$0x12270] =	vst.add.f32.msk $0xffff, v0  }
0x813: {  	v5 =	vld [tilespmem:s0+$0x2240]  }
0x814: {  	v6 =	vld [tilespmem:s0+$0x2250]  }
0x815: {  	v0 =	vld [tilespmem:s0+$0x2260]  }
0x816: {  	[tilespmem:s0+$0x12200] =	vst.add.f32.msk $0xffff, v1  }
.Ltmp60:
0x817: {  	[tilespmem:s0+$0x12210] =	vst.add.f32.msk $0xffff, v2;
	(pc) =	sbr.rel @p0 .LBB2_123-.Ltmp60, $4  }
0x818: {  	[tilespmem:s0+$0x12220] =	vst.add.f32.msk $0xffff, v3  }
0x819: {  	[tilespmem:s0+$0x12230] =	vst.add.f32.msk $0xffff, v4  }
0x81a: {  	[tilespmem:s0+$0x12240] =	vst.add.f32.msk $0xffff, v5  }
0x81b: {  	s3 =	sadd.s32 $0x1000, s3;
	[tilespmem:s0+$0x12250] =	vst.add.f32.msk $0xffff, v6  }
0x81c: {  	[tilespmem:s0+$0x12260] =	vst.add.f32.msk $0xffff, v0;
	s0 =	simm.s32 $0x0  }
0x81d: {  	v0 =	vld [tilespmem:s0+$0x22F0]  }
0x81e: {  	v1 =	vld [tilespmem:s0+$0x2280]  }
0x81f: {  	v2 =	vld [tilespmem:s0+$0x2290]  }
0x820: {  	v3 =	vld [tilespmem:s0+$0x22A0]  }
0x821: {  	v4 =	vld [tilespmem:s0+$0x22B0]  }
0x822: {  	v5 =	vld [tilespmem:s0+$0x22C0]  }
0x823: {  	v6 =	vld [tilespmem:s0+$0x22D0]  }
0x824: {  	[tilespmem:s0+$0x122F0] =	vst.add.f32.msk $0xffff, v0  }
0x825: {  	v0 =	vld [tilespmem:s0+$0x22E0]  }
0x826: {  	[tilespmem:s0+$0x12280] =	vst.add.f32.msk $0xffff, v1  }
0x827: {  	[tilespmem:s0+$0x12290] =	vst.add.f32.msk $0xffff, v2  }
0x828: {  	[tilespmem:s0+$0x122A0] =	vst.add.f32.msk $0xffff, v3  }
0x829: {  	[tilespmem:s0+$0x122B0] =	vst.add.f32.msk $0xffff, v4  }
0x82a: {  	[tilespmem:s0+$0x122C0] =	vst.add.f32.msk $0xffff, v5  }
0x82b: {  	s10 =	simm.s32 $0x0;
	s3 =	simm.s32 $0x1000;
	[tilespmem:s0+$0x122D0] =	vst.add.f32.msk $0xffff, v6  }
.LBB2_125:
0x82c: {  	s10 =	sadd.s32 $0x80, s10;
	[tilespmem:s0+$0x122E0] =	vst.add.f32.msk $0xffff, v0;
	s0 =	sshra.s32 s3, $0x2  }
0x82d: {  	v0 =	vld [tilespmem:s0+$0x22F0];
	p0 =	slt.u32 s10, $0x380  }
0x82e: {  	v1 =	vld [tilespmem:s0+$0x2280]  }
0x82f: {  	v2 =	vld [tilespmem:s0+$0x2290]  }
0x830: {  	v3 =	vld [tilespmem:s0+$0x22A0]  }
0x831: {  	v4 =	vld [tilespmem:s0+$0x22B0]  }
0x832: {  	[tilespmem:s0+$0x122F0] =	vst.add.f32.msk $0xffff, v0  }
0x833: {  	v5 =	vld [tilespmem:s0+$0x22C0]  }
0x834: {  	v6 =	vld [tilespmem:s0+$0x22D0]  }
0x835: {  	v0 =	vld [tilespmem:s0+$0x22E0]  }
0x836: {  	[tilespmem:s0+$0x12280] =	vst.add.f32.msk $0xffff, v1  }
.Ltmp61:
0x837: {  	[tilespmem:s0+$0x12290] =	vst.add.f32.msk $0xffff, v2;
	(pc) =	sbr.rel @p0 .LBB2_125-.Ltmp61, $4  }
0x838: {  	[tilespmem:s0+$0x122A0] =	vst.add.f32.msk $0xffff, v3  }
0x839: {  	[tilespmem:s0+$0x122B0] =	vst.add.f32.msk $0xffff, v4  }
0x83a: {  	[tilespmem:s0+$0x122C0] =	vst.add.f32.msk $0xffff, v5  }
0x83b: {  	s3 =	sadd.s32 $0x1000, s3;
	[tilespmem:s0+$0x122D0] =	vst.add.f32.msk $0xffff, v6  }
0x83c: {  	[tilespmem:s0+$0x122E0] =	vst.add.f32.msk $0xffff, v0;
	s0 =	simm.s32 $0x0  }
0x83d: {  	v0 =	vld [tilespmem:s0+$0x2370]  }
0x83e: {  	v1 =	vld [tilespmem:s0+$0x2300]  }
0x83f: {  	v2 =	vld [tilespmem:s0+$0x2310]  }
0x840: {  	v3 =	vld [tilespmem:s0+$0x2320]  }
0x841: {  	v4 =	vld [tilespmem:s0+$0x2330]  }
0x842: {  	v5 =	vld [tilespmem:s0+$0x2340]  }
0x843: {  	v6 =	vld [tilespmem:s0+$0x2350]  }
0x844: {  	[tilespmem:s0+$0x12370] =	vst.add.f32.msk $0xffff, v0  }
0x845: {  	v0 =	vld [tilespmem:s0+$0x2360]  }
0x846: {  	[tilespmem:s0+$0x12300] =	vst.add.f32.msk $0xffff, v1  }
0x847: {  	[tilespmem:s0+$0x12310] =	vst.add.f32.msk $0xffff, v2  }
0x848: {  	[tilespmem:s0+$0x12320] =	vst.add.f32.msk $0xffff, v3  }
0x849: {  	[tilespmem:s0+$0x12330] =	vst.add.f32.msk $0xffff, v4  }
0x84a: {  	[tilespmem:s0+$0x12340] =	vst.add.f32.msk $0xffff, v5  }
0x84b: {  	s10 =	simm.s32 $0x0;
	s3 =	simm.s32 $0x1000;
	[tilespmem:s0+$0x12350] =	vst.add.f32.msk $0xffff, v6  }
.LBB2_127:
0x84c: {  	s10 =	sadd.s32 $0x80, s10;
	[tilespmem:s0+$0x12360] =	vst.add.f32.msk $0xffff, v0;
	s0 =	sshra.s32 s3, $0x2  }
0x84d: {  	v0 =	vld [tilespmem:s0+$0x2370];
	p0 =	slt.u32 s10, $0x380  }
0x84e: {  	v1 =	vld [tilespmem:s0+$0x2300]  }
0x84f: {  	v2 =	vld [tilespmem:s0+$0x2310]  }
0x850: {  	v3 =	vld [tilespmem:s0+$0x2320]  }
0x851: {  	v4 =	vld [tilespmem:s0+$0x2330]  }
0x852: {  	[tilespmem:s0+$0x12370] =	vst.add.f32.msk $0xffff, v0  }
0x853: {  	v5 =	vld [tilespmem:s0+$0x2340]  }
0x854: {  	v6 =	vld [tilespmem:s0+$0x2350]  }
0x855: {  	v0 =	vld [tilespmem:s0+$0x2360]  }
0x856: {  	[tilespmem:s0+$0x12300] =	vst.add.f32.msk $0xffff, v1  }
.Ltmp62:
0x857: {  	[tilespmem:s0+$0x12310] =	vst.add.f32.msk $0xffff, v2;
	(pc) =	sbr.rel @p0 .LBB2_127-.Ltmp62, $4  }
0x858: {  	[tilespmem:s0+$0x12320] =	vst.add.f32.msk $0xffff, v3  }
0x859: {  	[tilespmem:s0+$0x12330] =	vst.add.f32.msk $0xffff, v4  }
0x85a: {  	[tilespmem:s0+$0x12340] =	vst.add.f32.msk $0xffff, v5  }
0x85b: {  	s3 =	sadd.s32 $0x1000, s3;
	[tilespmem:s0+$0x12350] =	vst.add.f32.msk $0xffff, v6  }
0x85c: {  	[tilespmem:s0+$0x12360] =	vst.add.f32.msk $0xffff, v0;
	s0 =	simm.s32 $0x0  }
0x85d: {  	v0 =	vld [tilespmem:s0+$0x23F0]  }
0x85e: {  	v1 =	vld [tilespmem:s0+$0x2380]  }
0x85f: {  	v2 =	vld [tilespmem:s0+$0x2390]  }
0x860: {  	v3 =	vld [tilespmem:s0+$0x23A0]  }
0x861: {  	v4 =	vld [tilespmem:s0+$0x23B0]  }
0x862: {  	v5 =	vld [tilespmem:s0+$0x23C0]  }
0x863: {  	v6 =	vld [tilespmem:s0+$0x23D0]  }
0x864: {  	[tilespmem:s0+$0x123F0] =	vst.add.f32.msk $0xffff, v0  }
0x865: {  	v0 =	vld [tilespmem:s0+$0x23E0]  }
0x866: {  	[tilespmem:s0+$0x12380] =	vst.add.f32.msk $0xffff, v1  }
0x867: {  	[tilespmem:s0+$0x12390] =	vst.add.f32.msk $0xffff, v2  }
0x868: {  	[tilespmem:s0+$0x123A0] =	vst.add.f32.msk $0xffff, v3  }
0x869: {  	[tilespmem:s0+$0x123B0] =	vst.add.f32.msk $0xffff, v4  }
0x86a: {  	[tilespmem:s0+$0x123C0] =	vst.add.f32.msk $0xffff, v5  }
0x86b: {  	s10 =	simm.s32 $0x0;
	s3 =	simm.s32 $0x1000;
	[tilespmem:s0+$0x123D0] =	vst.add.f32.msk $0xffff, v6  }
.LBB2_129:
0x86c: {  	s10 =	sadd.s32 $0x80, s10;
	[tilespmem:s0+$0x123E0] =	vst.add.f32.msk $0xffff, v0;
	s0 =	sshra.s32 s3, $0x2  }
0x86d: {  	v0 =	vld [tilespmem:s0+$0x23F0];
	p0 =	slt.u32 s10, $0x380  }
0x86e: {  	v1 =	vld [tilespmem:s0+$0x2380]  }
0x86f: {  	v2 =	vld [tilespmem:s0+$0x2390]  }
0x870: {  	v3 =	vld [tilespmem:s0+$0x23A0]  }
0x871: {  	v4 =	vld [tilespmem:s0+$0x23B0]  }
0x872: {  	[tilespmem:s0+$0x123F0] =	vst.add.f32.msk $0xffff, v0  }
0x873: {  	v5 =	vld [tilespmem:s0+$0x23C0]  }
0x874: {  	v6 =	vld [tilespmem:s0+$0x23D0]  }
0x875: {  	v0 =	vld [tilespmem:s0+$0x23E0]  }
0x876: {  	[tilespmem:s0+$0x12380] =	vst.add.f32.msk $0xffff, v1  }
.Ltmp63:
0x877: {  	[tilespmem:s0+$0x12390] =	vst.add.f32.msk $0xffff, v2;
	(pc) =	sbr.rel @p0 .LBB2_129-.Ltmp63, $4  }
0x878: {  	[tilespmem:s0+$0x123A0] =	vst.add.f32.msk $0xffff, v3  }
0x879: {  	[tilespmem:s0+$0x123B0] =	vst.add.f32.msk $0xffff, v4  }
0x87a: {  	[tilespmem:s0+$0x123C0] =	vst.add.f32.msk $0xffff, v5  }
0x87b: {  	s3 =	sadd.s32 $0x1000, s3;
	[tilespmem:s0+$0x123D0] =	vst.add.f32.msk $0xffff, v6  }
0x87c: {  	s7 =	sadd.s32 $0x1, s7  }
0x87d: {  	p0 =	sne.s32 s7, $0x10  }
.Ltmp64:
0x87e: {  	_ = 	snop;
	(pc) =	sbr.rel @p0 .LBB2_2-.Ltmp64, $3  }
0x87f: {  	_ =	sdelay $0x1  }
0x880: {  	[tilespmem:s0+$0x123E0] =	vst.add.f32.msk $0xffff, v0;
	s22 =	sadd.s32 s4, s17  }
0x881: {  	[hbm4b:s22+s5] =	stream.linear.scatter [tilespmem:s24], [sflag:$0x12], $0x2000, $0x38;
	[tilespmem:$0x14000] =	vst v63  }
0x882: {  	s0 =	simm.s32 $0xB  }
0x883: {  	_ =	swait.ge [sflag:s0], $0x2000  }
0x884: {  	[sflag:s0] =	ssyncset.done $0x0  }
0x885: {  	s10 =	simm.s32 $0xC;
	[sflag:s0] =	ssyncadd.s32 $0xFFFFE000  }
0x886: {  	_ =	swait.ge [sflag:s10], $0x2000  }
0x887: {  	[sflag:s10] =	ssyncset.done $0x0  }
0x888: {  	s17 =	simm.s32 $0xD;
	[sflag:s10] =	ssyncadd.s32 $0xFFFFE000  }
0x889: {  	_ =	swait.ge [sflag:s17], $0x2000  }
0x88a: {  	[sflag:s17] =	ssyncset.done $0x0  }
0x88b: {  	s18 =	simm.s32 $0xE;
	[sflag:s17] =	ssyncadd.s32 $0xFFFFE000  }
0x88c: {  	_ =	swait.ge [sflag:s18], $0x2000  }
0x88d: {  	[sflag:s18] =	ssyncset.done $0x0  }
0x88e: {  	s19 =	simm.s32 $0xF;
	[sflag:s18] =	ssyncadd.s32 $0xFFFFE000  }
0x88f: {  	_ =	swait.ge [sflag:s19], $0x2000  }
0x890: {  	[sflag:s19] =	ssyncset.done $0x0  }
0x891: {  	s20 =	simm.s32 $0x10;
	[sflag:s19] =	ssyncadd.s32 $0xFFFFE000  }
0x892: {  	_ =	swait.ge [sflag:s20], $0x2000  }
0x893: {  	[sflag:s20] =	ssyncset.done $0x0  }
0x894: {  	s21 =	simm.s32 $0x11;
	[sflag:s20] =	ssyncadd.s32 $0xFFFFE000  }
0x895: {  	_ =	swait.ge [sflag:s21], $0x2000  }
0x896: {  	[sflag:s21] =	ssyncset.done $0x0  }
0x897: {  	s3 =	simm.s32 $0x12;
	[sflag:s21] =	ssyncadd.s32 $0xFFFFE000  }
0x898: {  	_ =	swait.ge [sflag:s3], $0x2000  }
0x899: {  	s7 =	rddreg [dreg:$0xb]  }
0x89a: {  	s22 =	rddreg [dreg:$0xa];
	s7 =	sadd.s32 $0x1, s7  }
0x89b: {  	p0 =	sne.s32 s7, s22  }
.Ltmp65:
0x89c: {  	_ = 	snop;
	(pc) =	sbr.rel @p0 .LBB2_1-.Ltmp65, $3  }
0x89d: {  	_ =	sdelay $0x1  }
0x89e: {  	[sflag:s3] =	ssyncset.done $0x0  }
0x89f: {  	[sflag:s3] =	ssyncadd.s32 $0xFFFFE000  }
0x8a0: {  	_ =	sfence.sel $0x180000  }
0x8a1: {  	[bflag:$0x0] =	sbarrier.arrive $0xFFFF  }
0x8a2: {  	_ =	strace $0x90000047  }
0x8a3: {  	s0 =	stileid.u32;
	[bflag:$0x2] =	sbarrier.arrive $0xFFFF  }
0x8a4: {  	p0 =	sne.s32 s0, $0x0;
	s0 =	rddreg [dreg:$0x3]  }
0x8a5: {  	s0 =	sadd.s32 @!p0 $0x100000, s0  }
0x8a6: {  	[sflag:s0] =	ssyncadd.tile.s32 @!p0 $0x1;
	_ =	shalt  }
.Lfunc_end2:
_tile_overlayer_lowered:
.L_overlay_start_2:
0x8a7: {  	(tag) =	ssettag $0x2  }
0x8a8: {  	s0 =	rddreg [dreg:$0x0];
	s2 =	stileid.u32  }
0x8a9: {  	s1 =	rddreg [dreg:$0x1];
	p0 =	sne.s32 s2, $0x0  }
0x8aa: {  	s3 =	rddreg [dreg:$0x2];
	[bflag:$0x3] =	sbarrier.arrive $0xFFFF;
	s2 =	simm.s32 @!p0 $0x1C13  }
0x8ab: {  	[timem:s3], [sflag:s2] =	dma.local @!p0 [hbm:s0], s1  }
0x8ac: {  	s0 =	simm.s32 @!p0 $0x13  }
0x8ad: {  	_ =	swait.ge @!p0 [sflag:s0], s1  }
0x8ae: {  	s1 =	ssub.s32 @!p0 $0x0, s1;
	[sflag:s0] =	ssyncset.done @!p0 $0x0  }
0x8af: {  	[sflag:s0] =	ssyncadd.s32 @!p0 s1  }
0x8b0: {  	[bflag:$0x3] =	sbarrier.arrive $0xFFFF  }
0x8b1: {  	_ =	shalt  }

</sc_bundles>
